<compile_context>
chip_gen: v7x
topology: tpu7x:2x2x1
jax: 0.10.2.dev20260603
libtpu: 0.0.44.dev20260713+nightly
codegen_flags: <defaults>
</compile_context>

<pallas_src>
import functools

import jax
import jax.numpy as jnp
from jax import lax
from jax.experimental import pallas as pl
from jax.experimental.pallas import tpu as pltpu
from jax.experimental.pallas import tpu_sc as plsc

_N = 10000
_E = 320000
_F = 128
_H = 8
_C = 16
_G = 64
_HID = 16
_NCLS = 10

_CH = 64
_NW = 32
_ET = _E + _N
_K = 2 * (-(-_ET // (_NW * _CH * 2)))
_EPAD = _NW * _CH * _K
_ACC_ROWS = 10112
_RPT = _ACC_ROWS // 16
_ACC_W = 144
_PAD_DST = _N


def _edge_pass(src_idx, dst_idx, h, atab, btab, zacc):
    mesh = plsc.VectorSubcoreMesh(core_axis_name="c", subcore_axis_name="s")

    @functools.partial(
        pl.kernel,
        out_type=jax.ShapeDtypeStruct((2, _ACC_ROWS, _ACC_W), jnp.float32),
        mesh=mesh,
        scratch_types=[
            pltpu.VMEM((2, _CH), jnp.int32),
            pltpu.VMEM((4, _CH), jnp.int32),
            pltpu.VMEM((2, _CH, _F), jnp.float32),
            pltpu.VMEM((2, _CH, 16), jnp.float32),
            pltpu.VMEM((2, _CH, 16), jnp.float32),
            pltpu.VMEM((2, _CH, _ACC_W), jnp.float32),
            pltpu.VMEM_SHARED((_ACC_ROWS, _ACC_W), jnp.float32),
            pltpu.SemaphoreType.DMA((2,)),
            pltpu.SemaphoreType.DMA((2,)),
            pltpu.SemaphoreType.DMA((2,)),
            pltpu.SemaphoreType.DMA((2,)),
            pltpu.SemaphoreType.DMA((2,)),
        ],
        compiler_params=pltpu.CompilerParams(use_tc_tiling_on_sc=False),
    )
    def k(src_hbm, dst_hbm, h_hbm, a_hbm, b_hbm, z_hbm, out_hbm,
          idx_s, idx_d, hrows, arows, brows, stage, acc,
          isem, hsem, asem, bsem, ssem):
        c = lax.axis_index("c")
        s = lax.axis_index("s")
        wid = s * 2 + c
        pltpu.sync_copy(z_hbm.at[pl.ds(s * _RPT, _RPT)],
                        acc.at[pl.ds(s * _RPT, _RPT)])
        lane = lax.iota(jnp.int32, 16)

        def idx_start(kk, b, db):
            base = (wid * _K + kk) * _CH
            pltpu.async_copy(src_hbm.at[pl.ds(base, _CH)], idx_s.at[b],
                             isem.at[b])
            pltpu.async_copy(dst_hbm.at[pl.ds(base, _CH)], idx_d.at[db],
                             isem.at[b])

        def idx_wait(b, db):
            pltpu.make_async_copy(src_hbm.at[pl.ds(0, _CH)], idx_s.at[b],
                                  isem.at[b]).wait()
            pltpu.make_async_copy(dst_hbm.at[pl.ds(0, _CH)], idx_d.at[db],
                                  isem.at[b]).wait()

        def gather_start(b, db):
            pltpu.async_copy(h_hbm.at[idx_s.at[b]], hrows.at[b], hsem.at[b])
            pltpu.async_copy(a_hbm.at[idx_s.at[b]], arows.at[b], asem.at[b])
            pltpu.async_copy(b_hbm.at[idx_d.at[db]], brows.at[b], bsem.at[b])

        def gather_wait(b, db):
            pltpu.make_async_copy(h_hbm.at[idx_s.at[b]], hrows.at[b],
                                  hsem.at[b]).wait()
            pltpu.make_async_copy(a_hbm.at[idx_s.at[b]], arows.at[b],
                                  asem.at[b]).wait()
            pltpu.make_async_copy(b_hbm.at[idx_d.at[db]], brows.at[b],
                                  bsem.at[b]).wait()

        def scatter_wait(b, db):
            pltpu.make_async_copy(stage.at[b], acc.at[idx_d.at[db]],
                                  ssem.at[b]).wait()

        idx_start(0, 0, 0)
        idx_wait(0, 0)
        gather_start(0, 0)
        idx_start(1, 1, 1)
        plsc.subcore_barrier()

        def pair(i, carry):
            kk0 = 2 * i
            for b in range(2):
                kk = kk0 + b
                nb = 1 - b
                gather_wait(b, kk % 4)
                @pl.when(kk + 1 < _K)
                def _():
                    idx_wait(nb, (kk + 1) % 4)
                    gather_start(nb, (kk + 1) % 4)

                @pl.when(kk >= 2)
                def _():
                    scatter_wait(b, (kk + 2) % 4)

                @plsc.parallel_loop(0, _CH, 1, unroll=4)
                def edge(e):
                    logit = arows[b, e, :] + brows[b, e, :]
                    lr = jnp.where(logit >= 0.0, logit, 0.2 * logit)
                    lr = jnp.where(lane < 8, lr, 0.0)
                    w = jnp.exp(lr)
                    w = jnp.where(lane < 8, w, 0.0)
                    stage[b, e, pl.ds(_F, 16)] = w
                    hs = [hrows[b, e, pl.ds(j * 16, 16)] for j in range(_H)]
                    ws = [w.at[jnp.full((16,), j, jnp.int32)]
                          .get(mode="promise_in_bounds") for j in range(_H)]
                    for j in range(_H):
                        stage[b, e, pl.ds(j * 16, 16)] = hs[j] * ws[j]
                pltpu.async_copy(stage.at[b], acc.at[idx_d.at[kk % 4]],
                                 ssem.at[b], add=True)
                @pl.when(kk + 2 < _K)
                def _():
                    idx_start(kk + 2, b, (kk + 2) % 4)
            return carry

        lax.fori_loop(0, _K // 2, pair, 0)
        scatter_wait(0, (_K - 2) % 4)
        scatter_wait(1, (_K - 1) % 4)
        plsc.subcore_barrier()
        pltpu.sync_copy(acc.at[pl.ds(s * _RPT, _RPT)],
                        out_hbm.at[c, pl.ds(s * _RPT, _RPT)])

    return k(src_idx, dst_idx, h, atab, btab, zacc)


def _tc_prep(x, W, MA, MB):
    def body(x_ref, w_ref, ma_ref, mb_ref, h_ref, a_ref, b_ref):
        h = jnp.dot(x_ref[...], w_ref[...], preferred_element_type=jnp.float32)
        h_ref[...] = h
        a_ref[...] = jnp.dot(h, ma_ref[...], preferred_element_type=jnp.float32)
        b_ref[...] = jnp.dot(h, mb_ref[...], preferred_element_type=jnp.float32)

    return pl.pallas_call(
        body,
        out_shape=[jax.ShapeDtypeStruct((_N, _F), jnp.float32),
                   jax.ShapeDtypeStruct((_N, 16), jnp.float32),
                   jax.ShapeDtypeStruct((_N, 16), jnp.float32)],
    )(x, W, MA, MB)


def _normalize(acc_ref, b_ref, e16_ref):
    num = acc_ref[0, :_N, :_F] + acc_ref[1, :_N, :_F]
    den = acc_ref[0, :_N, _F:_F + _H] + acc_ref[1, :_N, _F:_F + _H]
    den_e = jnp.dot(den, e16_ref[...], preferred_element_type=jnp.float32)
    xn = num / (den_e + 1e-16) + b_ref[...]
    return jnp.where(xn > 0.0, xn, jnp.exp(jnp.minimum(xn, 0.0)) - 1.0)


def _tc_combine_prep(acc, bvec, E16, W, MA, MB):
    def body(acc_ref, b_ref, e16_ref, w_ref, ma_ref, mb_ref,
             h_ref, a_ref, b2_ref):
        xn = _normalize(acc_ref, b_ref, e16_ref)
        h = jnp.dot(xn, w_ref[...], preferred_element_type=jnp.float32)
        h_ref[...] = h
        a_ref[...] = jnp.dot(h, ma_ref[...], preferred_element_type=jnp.float32)
        b2_ref[...] = jnp.dot(h, mb_ref[...], preferred_element_type=jnp.float32)

    return pl.pallas_call(
        body,
        out_shape=[jax.ShapeDtypeStruct((_N, _F), jnp.float32),
                   jax.ShapeDtypeStruct((_N, 16), jnp.float32),
                   jax.ShapeDtypeStruct((_N, 16), jnp.float32)],
    )(acc, bvec, E16, W, MA, MB)


def _tc_final(acc, bvec, E16, batch2d, Wl1, bl1, Wl2, bl2):
    def body(acc_ref, b_ref, e16_ref, bt_ref, w1_ref, b1_ref, w2_ref, b2_ref,
             lsm_ref, log_ref):
        xn = _normalize(acc_ref, b_ref, e16_ref)
        gi = lax.broadcasted_iota(jnp.int32, (_N, _G), 1)
        oh = (gi == bt_ref[...]).astype(jnp.float32)
        sums = lax.dot_general(oh, xn, (((0,), (0,)), ((), ())),
                               preferred_element_type=jnp.float32)
        ones = jnp.ones((_N, 1), dtype=jnp.float32)
        counts = lax.dot_general(oh, ones, (((0,), (0,)), ((), ())),
                                 preferred_element_type=jnp.float32)
        pooled = sums / jnp.maximum(counts, 1.0)
        z = jnp.dot(pooled, w1_ref[...], preferred_element_type=jnp.float32)
        z = z + b1_ref[...]
        z = jnp.where(z > 0.0, z, jnp.exp(jnp.minimum(z, 0.0)) - 1.0)
        logits = jnp.dot(z, w2_ref[...], preferred_element_type=jnp.float32)
        logits = logits + b2_ref[...]
        m = jnp.max(logits, axis=-1, keepdims=True)
        sh = logits - m
        lsm = sh - jnp.log(jnp.sum(jnp.exp(sh), axis=-1, keepdims=True))
        lsm_ref[...] = lsm
        log_ref[...] = logits

    return pl.pallas_call(
        body,
        out_shape=[jax.ShapeDtypeStruct((_G, _NCLS), jnp.float32),
                   jax.ShapeDtypeStruct((_G, _NCLS), jnp.float32)],
    )(acc, bvec, E16, batch2d, Wl1, bl1, Wl2, bl2)


def _coef_mats(a_src, a_dst):
    rows = jnp.arange(_F)
    head = rows // _C
    MA = jnp.zeros((_F, 2 * _H), dtype=jnp.float32)
    MA = MA.at[rows, head].set(a_src.reshape(-1))
    MA = MA.at[rows, _H + head].set(a_dst.reshape(-1))
    MB = jnp.concatenate([MA[:, _H:], MA[:, :_H]], axis=1)
    return MA, MB


def kernel(x, edge_index, batch, W0, a_src0, a_dst0, b0,
           W1, a_src1, a_dst1, b1, W_lin1, b_lin1, W_lin2, b_lin2):
    loop = jnp.arange(_N, dtype=edge_index.dtype)
    pad = _EPAD - _ET
    src = jnp.concatenate([edge_index[0], loop,
                           jnp.zeros((pad,), dtype=edge_index.dtype)])
    dst = jnp.concatenate([edge_index[1], loop,
                           jnp.full((pad,), _PAD_DST, dtype=edge_index.dtype)])
    MA0, MB0 = _coef_mats(a_src0, a_dst0)
    MA1, MB1 = _coef_mats(a_src1, a_dst1)
    e16 = jnp.zeros((_H, _F), dtype=jnp.float32)
    e16 = e16.at[jnp.arange(_F) // _C, jnp.arange(_F)].set(1.0)
    zacc = jnp.zeros((_ACC_ROWS, _ACC_W), dtype=jnp.float32)
    bpad = jnp.zeros((_ACC_ROWS - _N, 16), dtype=jnp.float32)

    h0, A0, B0 = _tc_prep(x, W0, MA0, MB0)
    acc0 = _edge_pass(src, dst, h0, A0,
                      jnp.concatenate([B0, bpad], axis=0), zacc)
    h1, A1, B1 = _tc_combine_prep(acc0, b0.reshape(1, _F), e16, W1, MA1, MB1)
    acc1 = _edge_pass(src, dst, h1, A1,
                      jnp.concatenate([B1, bpad], axis=0), zacc)
    lsm, logits = _tc_final(acc1, b1.reshape(1, _F), e16,
                            batch.reshape(_N, 1).astype(jnp.int32),
                            W_lin1, b_lin1.reshape(1, _HID),
                            W_lin2, b_lin2.reshape(1, _NCLS))
    return (lsm, logits)

# --- scband reference (transcript-rebuilt; emitter-appended) ---
"""Pipeline reference for scband-gat-38585986187618 (READ-ONLY COPY).

The authoritative reference and input builder live on the scoring server;
editing this copy changes nothing except your own understanding.
"""

import jax, jax.numpy as jnp
import numpy as np

N = 10000
E = 320000
F_IN = 128
H = 8
C = 16
HID = 16
NCLS = 10
G = 64


def setup_inputs(seed: int = 0):
    key = jax.random.key(seed)
    ks = jax.random.split(key, 16)
    x = jax.random.normal(ks[0], (N, F_IN), dtype=jnp.float32)
    edge_index = jax.random.randint(ks[1], (2, E), 0, N, dtype=jnp.int32)
    batch = jnp.sort(jax.random.randint(ks[2], (N,), 0, G, dtype=jnp.int32))

    def lin(k, fan_in, shape):
        return jax.random.normal(k, shape, dtype=jnp.float32) * (1.0 / np.sqrt(fan_in))

    W0 = lin(ks[3], F_IN, (F_IN, H * C))
    a_src0 = lin(ks[4], C, (H, C))
    a_dst0 = lin(ks[5], C, (H, C))
    b0 = jnp.zeros((H * C,), dtype=jnp.float32)
    W1 = lin(ks[6], H * C, (H * C, H * C))
    a_src1 = lin(ks[7], C, (H, C))
    a_dst1 = lin(ks[8], C, (H, C))
    b1 = jnp.zeros((H * C,), dtype=jnp.float32)
    W_lin1 = lin(ks[9], H * C, (H * C, HID))
    b_lin1 = jnp.zeros((HID,), dtype=jnp.float32)
    W_lin2 = lin(ks[10], HID, (HID, NCLS))
    b_lin2 = jnp.zeros((NCLS,), dtype=jnp.float32)
    return {"x": x, "edge_index": edge_index, "batch": batch,
            "W0": W0, "a_src0": a_src0, "a_dst0": a_dst0, "b0": b0,
            "W1": W1, "a_src1": a_src1, "a_dst1": a_dst1, "b1": b1,
            "W_lin1": W_lin1, "b_lin1": b_lin1, "W_lin2": W_lin2, "b_lin2": b_lin2}


def _gat_conv(x, src, dst, W, a_src, a_dst, b):
    # PyG-style GATConv (concat heads, self-loops already appended to src/dst).
    n = x.shape[0]
    h = (x @ W).reshape(n, H, C)
    alpha_s = jnp.sum(h * a_src[None, :, :], axis=-1)  # [n, H]
    alpha_d = jnp.sum(h * a_dst[None, :, :], axis=-1)  # [n, H]
    e = jax.nn.leaky_relu(alpha_s[src] + alpha_d[dst], negative_slope=0.2)  # [E', H]
    m = jax.ops.segment_max(e, dst, num_segments=n)
    ex = jnp.exp(e - m[dst])
    denom = jax.ops.segment_sum(ex, dst, num_segments=n)
    alpha = ex / (denom[dst] + 1e-16)
    msg = h[src] * alpha[:, :, None]  # [E', H, C]
    out = jax.ops.segment_sum(msg, dst, num_segments=n)
    return out.reshape(n, H * C) + b


def reference(x, edge_index, batch, W0, a_src0, a_dst0, b0, W1, a_src1, a_dst1, b1, W_lin1, b_lin1, W_lin2, b_lin2):
    # Eval mode: dropout is identity. GATConv adds self-loops by default.
    loop = jnp.arange(N, dtype=edge_index.dtype)
    src = jnp.concatenate([edge_index[0], loop])
    dst = jnp.concatenate([edge_index[1], loop])
    h = jax.nn.elu(_gat_conv(x, src, dst, W0, a_src0, a_dst0, b0))
    h = jax.nn.elu(_gat_conv(h, src, dst, W1, a_src1, a_dst1, b1))
    # global_mean_pool
    sums = jax.ops.segment_sum(h, batch, num_segments=G)
    counts = jax.ops.segment_sum(jnp.ones((N, 1), dtype=jnp.float32), batch, num_segments=G)
    pooled = sums / jnp.maximum(counts, 1.0)
    z = jax.nn.elu(pooled @ W_lin1 + b_lin1)
    logits = z @ W_lin2 + b_lin2
    return (jax.nn.log_softmax(logits, axis=-1), logits)

if __name__ == "__main__":
    import jax
    _d = setup_inputs()
    print(jax.jit(kernel)(*tuple(_d.values())))

</pallas_src>

<mosaic_0001>
#map = affine_map<(d0, d1) -> (0)>
#map1 = affine_map<(d0, d1) -> (0, 0)>
#map2 = affine_map<(d0, d1) -> (0, 0, 0)>
module attributes {stable_mosaic.version = 14 : i64} {
  func.func @k(%arg0: i32, %arg1: i32, %arg2: memref<331776xi32, #tpu.memory_space<hbm>>, %arg3: memref<331776xi32, #tpu.memory_space<hbm>>, %arg4: memref<10000x128xf32, #tpu.memory_space<hbm>>, %arg5: memref<10000x16xf32, #tpu.memory_space<hbm>>, %arg6: memref<10112x16xf32, #tpu.memory_space<hbm>>, %arg7: memref<10112x144xf32, #tpu.memory_space<hbm>>, %arg8: memref<2x10112x144xf32, #tpu.memory_space<hbm>>, %arg9: memref<2x64xi32, #tpu.memory_space<vmem>>, %arg10: memref<4x64xi32, #tpu.memory_space<vmem>>, %arg11: memref<2x64x128xf32, #tpu.memory_space<vmem>>, %arg12: memref<2x64x16xf32, #tpu.memory_space<vmem>>, %arg13: memref<2x64x16xf32, #tpu.memory_space<vmem>>, %arg14: memref<2x64x144xf32, #tpu.memory_space<vmem>>, %arg15: memref<10112x144xf32, #tpu.memory_space<vmem_shared>>, %arg16: memref<2x!tpu.dma_semaphore, #tpu.memory_space<semaphore_mem>>, %arg17: memref<2x!tpu.dma_semaphore, #tpu.memory_space<semaphore_mem>>, %arg18: memref<2x!tpu.dma_semaphore, #tpu.memory_space<semaphore_mem>>, %arg19: memref<2x!tpu.dma_semaphore, #tpu.memory_space<semaphore_mem>>, %arg20: memref<2x!tpu.dma_semaphore, #tpu.memory_space<semaphore_mem>>) attributes {dimension_semantics = [#tpu.dimension_semantics<core_parallel>, #tpu.dimension_semantics<subcore_parallel>], iteration_bounds = array<i64: 2, 16>, scalar_prefetch = 0 : i64, scratch_operands = 12 : i64, tpu.core_type = #tpu.core_type<sc_vector_subcore>, window_params = [{transform_indices = #map}, {transform_indices = #map}, {transform_indices = #map1}, {transform_indices = #map1}, {transform_indices = #map1}, {transform_indices = #map1}, {transform_indices = #map2}]} {
    %mul3A = arith.constant 2 : i32
    %mul3A_0 = arith.muli %arg1, %mul3A : i32
    %add3A = arith.addi %mul3A_0, %arg0 : i32
    %mul3A_1 = arith.constant 632 : i32
    %mul3A_2 = arith.muli %arg1, %mul3A_1 : i32
    %mul3A_3 = arith.constant 632 : i32
    %mul3A_4 = arith.muli %arg1, %mul3A_3 : i32
    "tpu.region"() ({
      %run_scoped3A = tpu.sem_alloc : memref<!tpu.dma_semaphore, #tpu.memory_space<semaphore_mem>>
      %dma_start3A_176 = arith.constant 0 : i32
      %dma_start3A_177 = tpu.memref_slice %arg15[%mul3A_4, %dma_start3A_176] : memref<10112x144xf32, #tpu.memory_space<vmem_shared>> -> memref<632x144xf32, #tpu.memory_space<vmem_shared>>
      %dma_start3A_178 = arith.constant 0 : i32
      %dma_start3A_179 = tpu.memref_slice %arg7[%mul3A_2, %dma_start3A_178] : memref<10112x144xf32, #tpu.memory_space<hbm>> -> memref<632x144xf32, #tpu.memory_space<hbm>>
      tpu.enqueue_dma source(%dma_start3A_179 : memref<632x144xf32, #tpu.memory_space<hbm>>) target(%dma_start3A_177 : memref<632x144xf32, #tpu.memory_space<vmem_shared>>) target_semaphore(%run_scoped3A : memref<!tpu.dma_semaphore, #tpu.memory_space<semaphore_mem>>)
      %dma_wait3A_180 = arith.constant 0 : i32
      %dma_wait3A_181 = tpu.memref_slice %arg15[%mul3A_4, %dma_wait3A_180] : memref<10112x144xf32, #tpu.memory_space<vmem_shared>> -> memref<632x144xf32, #tpu.memory_space<vmem_shared>>
      %dma_wait3A_182 = arith.constant 0 : i32
      %dma_wait3A_183 = tpu.memref_slice %arg7[%mul3A_2, %dma_wait3A_182] : memref<10112x144xf32, #tpu.memory_space<hbm>> -> memref<632x144xf32, #tpu.memory_space<hbm>>
      tpu.wait_dma2 semaphore(%run_scoped3A : memref<!tpu.dma_semaphore, #tpu.memory_space<semaphore_mem>>) src(%dma_wait3A_183 : memref<632x144xf32, #tpu.memory_space<hbm>>) dst(%dma_wait3A_181 : memref<632x144xf32, #tpu.memory_space<vmem_shared>>)
      tpu.yield
    }) : () -> ()
    %iota3A = tpu.iota {dimensions = array<i32: 0>} : vector<16xi32>
    %mul3A_5 = arith.constant 162 : i32
    %mul3A_6 = arith.muli %add3A, %mul3A_5 : i32
    %add3A_7 = arith.constant 0 : i32
    %add3A_8 = arith.addi %mul3A_6, %add3A_7 : i32
    %mul3A_9 = arith.constant 64 : i32
    %mul3A_10 = arith.muli %add3A_8, %mul3A_9 : i32
    %dma_start3A = arith.constant 0 : i32
    %dma_start3A_11 = arith.constant 0 : i32
    %dma_start3A_12 = arith.constant 0 : i32
    %dma_start3A_13 = tpu.memref_slice %arg9[%dma_start3A, %dma_start3A_12] : memref<2x64xi32, #tpu.memory_space<vmem>> -> memref<1x64xi32, #tpu.memory_space<vmem>>
    %dma_start3A_14 = tpu.memref_squeeze %dma_start3A_13 : memref<1x64xi32, #tpu.memory_space<vmem>> -> memref<64xi32, #tpu.memory_space<vmem>>
    %dma_start3A_15 = tpu.memref_slice %arg2[%mul3A_10] : memref<331776xi32, #tpu.memory_space<hbm>> -> memref<64xi32, #tpu.memory_space<hbm>>
    %dma_start3A_16 = tpu.memref_slice %arg16[%dma_start3A_11] : memref<2x!tpu.dma_semaphore, #tpu.memory_space<semaphore_mem>> -> memref<1x!tpu.dma_semaphore, #tpu.memory_space<semaphore_mem>>
    %dma_start3A_17 = tpu.memref_squeeze %dma_start3A_16 : memref<1x!tpu.dma_semaphore, #tpu.memory_space<semaphore_mem>> -> memref<!tpu.dma_semaphore, #tpu.memory_space<semaphore_mem>>
    %dma_start3A_18 = arith.constant 0 : i32
    %dma_start3A_19 = tpu.memref_slice %arg9[%dma_start3A, %dma_start3A_18] : memref<2x64xi32, #tpu.memory_space<vmem>> -> memref<1x64xi32, #tpu.memory_space<vmem>>
    %dma_start3A_20 = tpu.memref_squeeze %dma_start3A_19 : memref<1x64xi32, #tpu.memory_space<vmem>> -> memref<64xi32, #tpu.memory_space<vmem>>
    %dma_start3A_21 = tpu.memref_slice %arg2[%mul3A_10] : memref<331776xi32, #tpu.memory_space<hbm>> -> memref<64xi32, #tpu.memory_space<hbm>>
    tpu.enqueue_dma source(%dma_start3A_21 : memref<64xi32, #tpu.memory_space<hbm>>) target(%dma_start3A_20 : memref<64xi32, #tpu.memory_space<vmem>>) target_semaphore(%dma_start3A_17 : memref<!tpu.dma_semaphore, #tpu.memory_space<semaphore_mem>>)
    %dma_start3A_22 = arith.constant 0 : i32
    %dma_start3A_23 = arith.constant 0 : i32
    %dma_start3A_24 = arith.constant 0 : i32
    %dma_start3A_25 = tpu.memref_slice %arg10[%dma_start3A_22, %dma_start3A_24] : memref<4x64xi32, #tpu.memory_space<vmem>> -> memref<1x64xi32, #tpu.memory_space<vmem>>
    %dma_start3A_26 = tpu.memref_squeeze %dma_start3A_25 : memref<1x64xi32, #tpu.memory_space<vmem>> -> memref<64xi32, #tpu.memory_space<vmem>>
    %dma_start3A_27 = tpu.memref_slice %arg3[%mul3A_10] : memref<331776xi32, #tpu.memory_space<hbm>> -> memref<64xi32, #tpu.memory_space<hbm>>
    %dma_start3A_28 = tpu.memref_slice %arg16[%dma_start3A_23] : memref<2x!tpu.dma_semaphore, #tpu.memory_space<semaphore_mem>> -> memref<1x!tpu.dma_semaphore, #tpu.memory_space<semaphore_mem>>
    %dma_start3A_29 = tpu.memref_squeeze %dma_start3A_28 : memref<1x!tpu.dma_semaphore, #tpu.memory_space<semaphore_mem>> -> memref<!tpu.dma_semaphore, #tpu.memory_space<semaphore_mem>>
    %dma_start3A_30 = arith.constant 0 : i32
    %dma_start3A_31 = tpu.memref_slice %arg10[%dma_start3A_22, %dma_start3A_30] : memref<4x64xi32, #tpu.memory_space<vmem>> -> memref<1x64xi32, #tpu.memory_space<vmem>>
    %dma_start3A_32 = tpu.memref_squeeze %dma_start3A_31 : memref<1x64xi32, #tpu.memory_space<vmem>> -> memref<64xi32, #tpu.memory_space<vmem>>
    %dma_start3A_33 = tpu.memref_slice %arg3[%mul3A_10] : memref<331776xi32, #tpu.memory_space<hbm>> -> memref<64xi32, #tpu.memory_space<hbm>>
    tpu.enqueue_dma source(%dma_start3A_33 : memref<64xi32, #tpu.memory_space<hbm>>) target(%dma_start3A_32 : memref<64xi32, #tpu.memory_space<vmem>>) target_semaphore(%dma_start3A_29 : memref<!tpu.dma_semaphore, #tpu.memory_space<semaphore_mem>>)
    %dma_wait3A = arith.constant 0 : i32
    %dma_wait3A_34 = arith.constant 0 : i32
    %dma_wait3A_35 = arith.constant 0 : i32
    %dma_wait3A_36 = tpu.memref_slice %arg9[%dma_wait3A, %dma_wait3A_35] : memref<2x64xi32, #tpu.memory_space<vmem>> -> memref<1x64xi32, #tpu.memory_space<vmem>>
    %dma_wait3A_37 = tpu.memref_squeeze %dma_wait3A_36 : memref<1x64xi32, #tpu.memory_space<vmem>> -> memref<64xi32, #tpu.memory_space<vmem>>
    %dma_wait3A_38 = arith.constant 0 : i32
    %dma_wait3A_39 = tpu.memref_slice %arg2[%dma_wait3A_38] : memref<331776xi32, #tpu.memory_space<hbm>> -> memref<64xi32, #tpu.memory_space<hbm>>
    %dma_wait3A_40 = tpu.memref_slice %arg16[%dma_wait3A_34] : memref<2x!tpu.dma_semaphore, #tpu.memory_space<semaphore_mem>> -> memref<1x!tpu.dma_semaphore, #tpu.memory_space<semaphore_mem>>
    %dma_wait3A_41 = tpu.memref_squeeze %dma_wait3A_40 : memref<1x!tpu.dma_semaphore, #tpu.memory_space<semaphore_mem>> -> memref<!tpu.dma_semaphore, #tpu.memory_space<semaphore_mem>>
    %dma_wait3A_42 = arith.constant 0 : i32
    %dma_wait3A_43 = tpu.memref_slice %arg9[%dma_wait3A, %dma_wait3A_42] : memref<2x64xi32, #tpu.memory_space<vmem>> -> memref<1x64xi32, #tpu.memory_space<vmem>>
    %dma_wait3A_44 = tpu.memref_squeeze %dma_wait3A_43 : memref<1x64xi32, #tpu.memory_space<vmem>> -> memref<64xi32, #tpu.memory_space<vmem>>
    %dma_wait3A_45 = arith.constant 0 : i32
    %dma_wait3A_46 = tpu.memref_slice %arg2[%dma_wait3A_45] : memref<331776xi32, #tpu.memory_space<hbm>> -> memref<64xi32, #tpu.memory_space<hbm>>
    tpu.wait_dma2 semaphore(%dma_wait3A_41 : memref<!tpu.dma_semaphore, #tpu.memory_space<semaphore_mem>>) src(%dma_wait3A_46 : memref<64xi32, #tpu.memory_space<hbm>>) dst(%dma_wait3A_44 : memref<64xi32, #tpu.memory_space<vmem>>)
    %dma_wait3A_47 = arith.constant 0 : i32
    %dma_wait3A_48 = arith.constant 0 : i32
    %dma_wait3A_49 = arith.constant 0 : i32
    %dma_wait3A_50 = tpu.memref_slice %arg10[%dma_wait3A_47, %dma_wait3A_49] : memref<4x64xi32, #tpu.memory_space<vmem>> -> memref<1x64xi32, #tpu.memory_space<vmem>>
    %dma_wait3A_51 = tpu.memref_squeeze %dma_wait3A_50 : memref<1x64xi32, #tpu.memory_space<vmem>> -> memref<64xi32, #tpu.memory_space<vmem>>
    %dma_wait3A_52 = arith.constant 0 : i32
    %dma_wait3A_53 = tpu.memref_slice %arg3[%dma_wait3A_52] : memref<331776xi32, #tpu.memory_space<hbm>> -> memref<64xi32, #tpu.memory_space<hbm>>
    %dma_wait3A_54 = tpu.memref_slice %arg16[%dma_wait3A_48] : memref<2x!tpu.dma_semaphore, #tpu.memory_space<semaphore_mem>> -> memref<1x!tpu.dma_semaphore, #tpu.memory_space<semaphore_mem>>
    %dma_wait3A_55 = tpu.memref_squeeze %dma_wait3A_54 : memref<1x!tpu.dma_semaphore, #tpu.memory_space<semaphore_mem>> -> memref<!tpu.dma_semaphore, #tpu.memory_space<semaphore_mem>>
    %dma_wait3A_56 = arith.constant 0 : i32
    %dma_wait3A_57 = tpu.memref_slice %arg10[%dma_wait3A_47, %dma_wait3A_56] : memref<4x64xi32, #tpu.memory_space<vmem>> -> memref<1x64xi32, #tpu.memory_space<vmem>>
    %dma_wait3A_58 = tpu.memref_squeeze %dma_wait3A_57 : memref<1x64xi32, #tpu.memory_space<vmem>> -> memref<64xi32, #tpu.memory_space<vmem>>
    %dma_wait3A_59 = arith.constant 0 : i32
    %dma_wait3A_60 = tpu.memref_slice %arg3[%dma_wait3A_59] : memref<331776xi32, #tpu.memory_space<hbm>> -> memref<64xi32, #tpu.memory_space<hbm>>
    tpu.wait_dma2 semaphore(%dma_wait3A_55 : memref<!tpu.dma_semaphore, #tpu.memory_space<semaphore_mem>>) src(%dma_wait3A_60 : memref<64xi32, #tpu.memory_space<hbm>>) dst(%dma_wait3A_58 : memref<64xi32, #tpu.memory_space<vmem>>)
    %dma_start3A_61 = arith.constant 0 : i32
    %dma_start3A_62 = arith.constant 0 : i32
    %dma_start3A_63 = arith.constant 0 : i32
    %dma_start3A_64 = arith.constant 0 : i32
    %dma_start3A_65 = arith.constant 0 : i32
    %dma_start3A_66 = tpu.memref_slice %arg11[%dma_start3A_62, %dma_start3A_64, %dma_start3A_65] : memref<2x64x128xf32, #tpu.memory_space<vmem>> -> memref<1x64x128xf32, #tpu.memory_space<vmem>>
    %dma_start3A_67 = tpu.memref_squeeze %dma_start3A_66 : memref<1x64x128xf32, #tpu.memory_space<vmem>> -> memref<64x128xf32, #tpu.memory_space<vmem>>
    %dma_start3A_68 = arith.constant 0 : i32
    %dma_start3A_69 = tpu.memref_slice %arg9[%dma_start3A_61, %dma_start3A_68] : memref<2x64xi32, #tpu.memory_space<vmem>> -> memref<1x64xi32, #tpu.memory_space<vmem>>
    %dma_start3A_70 = tpu.memref_squeeze %dma_start3A_69 : memref<1x64xi32, #tpu.memory_space<vmem>> -> memref<64xi32, #tpu.memory_space<vmem>>
    %dma_start3A_71 = arith.constant 0 : i32
    %dma_start3A_72 = arith.constant 0 : i32
    %dma_start3A_73 = tpu.memref_slice %arg4[%dma_start3A_71, %dma_start3A_72] : memref<10000x128xf32, #tpu.memory_space<hbm>> -> memref<10000x128xf32, #tpu.memory_space<hbm>>
    %dma_start3A_74 = tpu.memref_slice %arg17[%dma_start3A_63] : memref<2x!tpu.dma_semaphore, #tpu.memory_space<semaphore_mem>> -> memref<1x!tpu.dma_semaphore, #tpu.memory_space<semaphore_mem>>
    %dma_start3A_75 = tpu.memref_squeeze %dma_start3A_74 : memref<1x!tpu.dma_semaphore, #tpu.memory_space<semaphore_mem>> -> memref<!tpu.dma_semaphore, #tpu.memory_space<semaphore_mem>>
    tpu.enqueue_indirect_dma source(%dma_start3A_73 : memref<10000x128xf32, #tpu.memory_space<hbm>>) target(%dma_start3A_67 : memref<64x128xf32, #tpu.memory_space<vmem>>) offsets(%dma_start3A_70 : memref<64xi32, #tpu.memory_space<vmem>>) semaphore(%dma_start3A_75 : memref<!tpu.dma_semaphore, #tpu.memory_space<semaphore_mem>>)
    %dma_start3A_76 = arith.constant 0 : i32
    %dma_start3A_77 = arith.constant 0 : i32
    %dma_start3A_78 = arith.constant 0 : i32
    %dma_start3A_79 = arith.constant 0 : i32
    %dma_start3A_80 = arith.constant 0 : i32
    %dma_start3A_81 = tpu.memref_slice %arg12[%dma_start3A_77, %dma_start3A_79, %dma_start3A_80] : memref<2x64x16xf32, #tpu.memory_space<vmem>> -> memref<1x64x16xf32, #tpu.memory_space<vmem>>
    %dma_start3A_82 = tpu.memref_squeeze %dma_start3A_81 : memref<1x64x16xf32, #tpu.memory_space<vmem>> -> memref<64x16xf32, #tpu.memory_space<vmem>>
    %dma_start3A_83 = arith.constant 0 : i32
    %dma_start3A_84 = tpu.memref_slice %arg9[%dma_start3A_76, %dma_start3A_83] : memref<2x64xi32, #tpu.memory_space<vmem>> -> memref<1x64xi32, #tpu.memory_space<vmem>>
    %dma_start3A_85 = tpu.memref_squeeze %dma_start3A_84 : memref<1x64xi32, #tpu.memory_space<vmem>> -> memref<64xi32, #tpu.memory_space<vmem>>
    %dma_start3A_86 = arith.constant 0 : i32
    %dma_start3A_87 = arith.constant 0 : i32
    %dma_start3A_88 = tpu.memref_slice %arg5[%dma_start3A_86, %dma_start3A_87] : memref<10000x16xf32, #tpu.memory_space<hbm>> -> memref<10000x16xf32, #tpu.memory_space<hbm>>
    %dma_start3A_89 = tpu.memref_slice %arg18[%dma_start3A_78] : memref<2x!tpu.dma_semaphore, #tpu.memory_space<semaphore_mem>> -> memref<1x!tpu.dma_semaphore, #tpu.memory_space<semaphore_mem>>
    %dma_start3A_90 = tpu.memref_squeeze %dma_start3A_89 : memref<1x!tpu.dma_semaphore, #tpu.memory_space<semaphore_mem>> -> memref<!tpu.dma_semaphore, #tpu.memory_space<semaphore_mem>>
    tpu.enqueue_indirect_dma source(%dma_start3A_88 : memref<10000x16xf32, #tpu.memory_space<hbm>>) target(%dma_start3A_82 : memref<64x16xf32, #tpu.memory_space<vmem>>) offsets(%dma_start3A_85 : memref<64xi32, #tpu.memory_space<vmem>>) semaphore(%dma_start3A_90 : memref<!tpu.dma_semaphore, #tpu.memory_space<semaphore_mem>>)
    %dma_start3A_91 = arith.constant 0 : i32
    %dma_start3A_92 = arith.constant 0 : i32
    %dma_start3A_93 = arith.constant 0 : i32
    %dma_start3A_94 = arith.constant 0 : i32
    %dma_start3A_95 = arith.constant 0 : i32
    %dma_start3A_96 = tpu.memref_slice %arg13[%dma_start3A_92, %dma_start3A_94, %dma_start3A_95] : memref<2x64x16xf32, #tpu.memory_space<vmem>> -> memref<1x64x16xf32, #tpu.memory_space<vmem>>
    %dma_start3A_97 = tpu.memref_squeeze %dma_start3A_96 : memref<1x64x16xf32, #tpu.memory_space<vmem>> -> memref<64x16xf32, #tpu.memory_space<vmem>>
    %dma_start3A_98 = arith.constant 0 : i32
    %dma_start3A_99 = tpu.memref_slice %arg10[%dma_start3A_91, %dma_start3A_98] : memref<4x64xi32, #tpu.memory_space<vmem>> -> memref<1x64xi32, #tpu.memory_space<vmem>>
    %dma_start3A_100 = tpu.memref_squeeze %dma_start3A_99 : memref<1x64xi32, #tpu.memory_space<vmem>> -> memref<64xi32, #tpu.memory_space<vmem>>
    %dma_start3A_101 = arith.constant 0 : i32
    %dma_start3A_102 = arith.constant 0 : i32
    %dma_start3A_103 = tpu.memref_slice %arg6[%dma_start3A_101, %dma_start3A_102] : memref<10112x16xf32, #tpu.memory_space<hbm>> -> memref<10112x16xf32, #tpu.memory_space<hbm>>
    %dma_start3A_104 = tpu.memref_slice %arg19[%dma_start3A_93] : memref<2x!tpu.dma_semaphore, #tpu.memory_space<semaphore_mem>> -> memref<1x!tpu.dma_semaphore, #tpu.memory_space<semaphore_mem>>
    %dma_start3A_105 = tpu.memref_squeeze %dma_start3A_104 : memref<1x!tpu.dma_semaphore, #tpu.memory_space<semaphore_mem>> -> memref<!tpu.dma_semaphore, #tpu.memory_space<semaphore_mem>>
    tpu.enqueue_indirect_dma source(%dma_start3A_103 : memref<10112x16xf32, #tpu.memory_space<hbm>>) target(%dma_start3A_97 : memref<64x16xf32, #tpu.memory_space<vmem>>) offsets(%dma_start3A_100 : memref<64xi32, #tpu.memory_space<vmem>>) semaphore(%dma_start3A_105 : memref<!tpu.dma_semaphore, #tpu.memory_space<semaphore_mem>>)
    %mul3A_106 = arith.constant 162 : i32
    %mul3A_107 = arith.muli %add3A, %mul3A_106 : i32
    %add3A_108 = arith.constant 1 : i32
    %add3A_109 = arith.addi %mul3A_107, %add3A_108 : i32
    %mul3A_110 = arith.constant 64 : i32
    %mul3A_111 = arith.muli %add3A_109, %mul3A_110 : i32
    %dma_start3A_112 = arith.constant 1 : i32
    %dma_start3A_113 = arith.constant 1 : i32
    %dma_start3A_114 = arith.constant 0 : i32
    %dma_start3A_115 = tpu.memref_slice %arg9[%dma_start3A_112, %dma_start3A_114] : memref<2x64xi32, #tpu.memory_space<vmem>> -> memref<1x64xi32, #tpu.memory_space<vmem>>
    %dma_start3A_116 = tpu.memref_squeeze %dma_start3A_115 : memref<1x64xi32, #tpu.memory_space<vmem>> -> memref<64xi32, #tpu.memory_space<vmem>>
    %dma_start3A_117 = tpu.memref_slice %arg2[%mul3A_111] : memref<331776xi32, #tpu.memory_space<hbm>> -> memref<64xi32, #tpu.memory_space<hbm>>
    %dma_start3A_118 = tpu.memref_slice %arg16[%dma_start3A_113] : memref<2x!tpu.dma_semaphore, #tpu.memory_space<semaphore_mem>> -> memref<1x!tpu.dma_semaphore, #tpu.memory_space<semaphore_mem>>
    %dma_start3A_119 = tpu.memref_squeeze %dma_start3A_118 : memref<1x!tpu.dma_semaphore, #tpu.memory_space<semaphore_mem>> -> memref<!tpu.dma_semaphore, #tpu.memory_space<semaphore_mem>>
    %dma_start3A_120 = arith.constant 0 : i32
    %dma_start3A_121 = tpu.memref_slice %arg9[%dma_start3A_112, %dma_start3A_120] : memref<2x64xi32, #tpu.memory_space<vmem>> -> memref<1x64xi32, #tpu.memory_space<vmem>>
    %dma_start3A_122 = tpu.memref_squeeze %dma_start3A_121 : memref<1x64xi32, #tpu.memory_space<vmem>> -> memref<64xi32, #tpu.memory_space<vmem>>
    %dma_start3A_123 = tpu.memref_slice %arg2[%mul3A_111] : memref<331776xi32, #tpu.memory_space<hbm>> -> memref<64xi32, #tpu.memory_space<hbm>>
    tpu.enqueue_dma source(%dma_start3A_123 : memref<64xi32, #tpu.memory_space<hbm>>) target(%dma_start3A_122 : memref<64xi32, #tpu.memory_space<vmem>>) target_semaphore(%dma_start3A_119 : memref<!tpu.dma_semaphore, #tpu.memory_space<semaphore_mem>>)
    %dma_start3A_124 = arith.constant 1 : i32
    %dma_start3A_125 = arith.constant 1 : i32
    %dma_start3A_126 = arith.constant 0 : i32
    %dma_start3A_127 = tpu.memref_slice %arg10[%dma_start3A_124, %dma_start3A_126] : memref<4x64xi32, #tpu.memory_space<vmem>> -> memref<1x64xi32, #tpu.memory_space<vmem>>
    %dma_start3A_128 = tpu.memref_squeeze %dma_start3A_127 : memref<1x64xi32, #tpu.memory_space<vmem>> -> memref<64xi32, #tpu.memory_space<vmem>>
    %dma_start3A_129 = tpu.memref_slice %arg3[%mul3A_111] : memref<331776xi32, #tpu.memory_space<hbm>> -> memref<64xi32, #tpu.memory_space<hbm>>
    %dma_start3A_130 = tpu.memref_slice %arg16[%dma_start3A_125] : memref<2x!tpu.dma_semaphore, #tpu.memory_space<semaphore_mem>> -> memref<1x!tpu.dma_semaphore, #tpu.memory_space<semaphore_mem>>
    %dma_start3A_131 = tpu.memref_squeeze %dma_start3A_130 : memref<1x!tpu.dma_semaphore, #tpu.memory_space<semaphore_mem>> -> memref<!tpu.dma_semaphore, #tpu.memory_space<semaphore_mem>>
    %dma_start3A_132 = arith.constant 0 : i32
    %dma_start3A_133 = tpu.memref_slice %arg10[%dma_start3A_124, %dma_start3A_132] : memref<4x64xi32, #tpu.memory_space<vmem>> -> memref<1x64xi32, #tpu.memory_space<vmem>>
    %dma_start3A_134 = tpu.memref_squeeze %dma_start3A_133 : memref<1x64xi32, #tpu.memory_space<vmem>> -> memref<64xi32, #tpu.memory_space<vmem>>
    %dma_start3A_135 = tpu.memref_slice %arg3[%mul3A_111] : memref<331776xi32, #tpu.memory_space<hbm>> -> memref<64xi32, #tpu.memory_space<hbm>>
    tpu.enqueue_dma source(%dma_start3A_135 : memref<64xi32, #tpu.memory_space<hbm>>) target(%dma_start3A_134 : memref<64xi32, #tpu.memory_space<vmem>>) target_semaphore(%dma_start3A_131 : memref<!tpu.dma_semaphore, #tpu.memory_space<semaphore_mem>>)
    %barrier3A = arith.constant 0 : index
    tpu.barrier barrier_id(%barrier3A)
    %scan3A = arith.constant 0 : i32
    %scan3A_136 = arith.constant 0 : i32
    %scan3A_137 = arith.constant 81 : i32
    %scan3A_138 = arith.addi %scan3A_136, %scan3A_137 : i32
    %scan3A_139 = arith.constant 1 : i32
    scf.for %scan3A_176 = %scan3A_136 to %scan3A_138 step %scan3A_139  : i32 {
      %mul3A_177 = arith.constant 2 : i32
      %mul3A_178 = arith.muli %mul3A_177, %scan3A_176 : i32
      %add3A_179 = arith.constant 0 : i32
      %add3A_180 = arith.addi %mul3A_178, %add3A_179 : i32
      %jit3A = arith.constant 4 : i32
      %eq3A = arith.constant 0 : i32
      %eq3A_181 = arith.cmpi eq, %jit3A, %eq3A : i32
      %jit3A_182 = arith.constant 1 : i32
      %select_n3A = arith.select %eq3A_181, %jit3A_182, %jit3A : i32
      %rem3A = arith.remsi %add3A_180, %select_n3A : i32
      %ne3A = arith.constant 0 : i32
      %ne3A_183 = arith.cmpi ne, %rem3A, %ne3A : i32
      %lt3A = arith.constant 0 : i32
      %lt3A_184 = arith.cmpi slt, %rem3A, %lt3A : i32
      %lt3A_185 = arith.constant 0 : i32
      %lt3A_186 = arith.cmpi slt, %select_n3A, %lt3A_185 : i32
      %ne3A_187 = arith.xori %lt3A_184, %lt3A_186 : i1
      %and3A = arith.andi %ne3A_187, %ne3A_183 : i1
      %add3A_188 = arith.addi %rem3A, %select_n3A : i32
      %select_n3A_189 = arith.select %and3A, %add3A_188, %rem3A : i32
      %dma_wait3A_190 = arith.constant 0 : i32
      %dma_wait3A_191 = arith.constant 0 : i32
      %dma_wait3A_192 = arith.constant 0 : i32
      %dma_wait3A_193 = arith.constant 0 : i32
      %dma_wait3A_194 = arith.constant 0 : i32
      %dma_wait3A_195 = tpu.memref_slice %arg11[%dma_wait3A_191, %dma_wait3A_193, %dma_wait3A_194] : memref<2x64x128xf32, #tpu.memory_space<vmem>> -> memref<1x64x128xf32, #tpu.memory_space<vmem>>
      %dma_wait3A_196 = tpu.memref_squeeze %dma_wait3A_195 : memref<1x64x128xf32, #tpu.memory_space<vmem>> -> memref<64x128xf32, #tpu.memory_space<vmem>>
      %dma_wait3A_197 = arith.constant 0 : i32
      %dma_wait3A_198 = tpu.memref_slice %arg9[%dma_wait3A_190, %dma_wait3A_197] : memref<2x64xi32, #tpu.memory_space<vmem>> -> memref<1x64xi32, #tpu.memory_space<vmem>>
      %dma_wait3A_199 = tpu.memref_squeeze %dma_wait3A_198 : memref<1x64xi32, #tpu.memory_space<vmem>> -> memref<64xi32, #tpu.memory_space<vmem>>
      %dma_wait3A_200 = arith.constant 0 : i32
      %dma_wait3A_201 = arith.constant 0 : i32
      %dma_wait3A_202 = tpu.memref_slice %arg4[%dma_wait3A_200, %dma_wait3A_201] : memref<10000x128xf32, #tpu.memory_space<hbm>> -> memref<10000x128xf32, #tpu.memory_space<hbm>>
      %dma_wait3A_203 = tpu.memref_slice %arg17[%dma_wait3A_192] : memref<2x!tpu.dma_semaphore, #tpu.memory_space<semaphore_mem>> -> memref<1x!tpu.dma_semaphore, #tpu.memory_space<semaphore_mem>>
      %dma_wait3A_204 = tpu.memref_squeeze %dma_wait3A_203 : memref<1x!tpu.dma_semaphore, #tpu.memory_space<semaphore_mem>> -> memref<!tpu.dma_semaphore, #tpu.memory_space<semaphore_mem>>
      tpu.wait_indirect_dma semaphore(%dma_wait3A_204 : memref<!tpu.dma_semaphore, #tpu.memory_space<semaphore_mem>>) src(%dma_wait3A_202 : memref<10000x128xf32, #tpu.memory_space<hbm>>) dst(%dma_wait3A_196 : memref<64x128xf32, #tpu.memory_space<vmem>>)
      %dma_wait3A_205 = arith.constant 0 : i32
      %dma_wait3A_206 = arith.constant 0 : i32
      %dma_wait3A_207 = arith.constant 0 : i32
      %dma_wait3A_208 = arith.constant 0 : i32
      %dma_wait3A_209 = arith.constant 0 : i32
      %dma_wait3A_210 = tpu.memref_slice %arg12[%dma_wait3A_206, %dma_wait3A_208, %dma_wait3A_209] : memref<2x64x16xf32, #tpu.memory_space<vmem>> -> memref<1x64x16xf32, #tpu.memory_space<vmem>>
      %dma_wait3A_211 = tpu.memref_squeeze %dma_wait3A_210 : memref<1x64x16xf32, #tpu.memory_space<vmem>> -> memref<64x16xf32, #tpu.memory_space<vmem>>
      %dma_wait3A_212 = arith.constant 0 : i32
      %dma_wait3A_213 = tpu.memref_slice %arg9[%dma_wait3A_205, %dma_wait3A_212] : memref<2x64xi32, #tpu.memory_space<vmem>> -> memref<1x64xi32, #tpu.memory_space<vmem>>
      %dma_wait3A_214 = tpu.memref_squeeze %dma_wait3A_213 : memref<1x64xi32, #tpu.memory_space<vmem>> -> memref<64xi32, #tpu.memory_space<vmem>>
      %dma_wait3A_215 = arith.constant 0 : i32
      %dma_wait3A_216 = arith.constant 0 : i32
      %dma_wait3A_217 = tpu.memref_slice %arg5[%dma_wait3A_215, %dma_wait3A_216] : memref<10000x16xf32, #tpu.memory_space<hbm>> -> memref<10000x16xf32, #tpu.memory_space<hbm>>
      %dma_wait3A_218 = tpu.memref_slice %arg18[%dma_wait3A_207] : memref<2x!tpu.dma_semaphore, #tpu.memory_space<semaphore_mem>> -> memref<1x!tpu.dma_semaphore, #tpu.memory_space<semaphore_mem>>
      %dma_wait3A_219 = tpu.memref_squeeze %dma_wait3A_218 : memref<1x!tpu.dma_semaphore, #tpu.memory_space<semaphore_mem>> -> memref<!tpu.dma_semaphore, #tpu.memory_space<semaphore_mem>>
      tpu.wait_indirect_dma semaphore(%dma_wait3A_219 : memref<!tpu.dma_semaphore, #tpu.memory_space<semaphore_mem>>) src(%dma_wait3A_217 : memref<10000x16xf32, #tpu.memory_space<hbm>>) dst(%dma_wait3A_211 : memref<64x16xf32, #tpu.memory_space<vmem>>)
      %dma_wait3A_220 = arith.constant 0 : i32
      %dma_wait3A_221 = arith.constant 0 : i32
      %dma_wait3A_222 = arith.constant 0 : i32
      %dma_wait3A_223 = arith.constant 0 : i32
      %dma_wait3A_224 = tpu.memref_slice %arg13[%dma_wait3A_220, %dma_wait3A_222, %dma_wait3A_223] : memref<2x64x16xf32, #tpu.memory_space<vmem>> -> memref<1x64x16xf32, #tpu.memory_space<vmem>>
      %dma_wait3A_225 = tpu.memref_squeeze %dma_wait3A_224 : memref<1x64x16xf32, #tpu.memory_space<vmem>> -> memref<64x16xf32, #tpu.memory_space<vmem>>
      %dma_wait3A_226 = arith.constant 0 : i32
      %dma_wait3A_227 = tpu.memref_slice %arg10[%select_n3A_189, %dma_wait3A_226] : memref<4x64xi32, #tpu.memory_space<vmem>> -> memref<1x64xi32, #tpu.memory_space<vmem>>
      %dma_wait3A_228 = tpu.memref_squeeze %dma_wait3A_227 : memref<1x64xi32, #tpu.memory_space<vmem>> -> memref<64xi32, #tpu.memory_space<vmem>>
      %dma_wait3A_229 = arith.constant 0 : i32
      %dma_wait3A_230 = arith.constant 0 : i32
      %dma_wait3A_231 = tpu.memref_slice %arg6[%dma_wait3A_229, %dma_wait3A_230] : memref<10112x16xf32, #tpu.memory_space<hbm>> -> memref<10112x16xf32, #tpu.memory_space<hbm>>
      %dma_wait3A_232 = tpu.memref_slice %arg19[%dma_wait3A_221] : memref<2x!tpu.dma_semaphore, #tpu.memory_space<semaphore_mem>> -> memref<1x!tpu.dma_semaphore, #tpu.memory_space<semaphore_mem>>
      %dma_wait3A_233 = tpu.memref_squeeze %dma_wait3A_232 : memref<1x!tpu.dma_semaphore, #tpu.memory_space<semaphore_mem>> -> memref<!tpu.dma_semaphore, #tpu.memory_space<semaphore_mem>>
      tpu.wait_indirect_dma semaphore(%dma_wait3A_233 : memref<!tpu.dma_semaphore, #tpu.memory_space<semaphore_mem>>) src(%dma_wait3A_231 : memref<10112x16xf32, #tpu.memory_space<hbm>>) dst(%dma_wait3A_225 : memref<64x16xf32, #tpu.memory_space<vmem>>)
      %add3A_234 = arith.constant 1 : i32
      %add3A_235 = arith.addi %add3A_180, %add3A_234 : i32
      %lt3A_236 = arith.constant 162 : i32
      %lt3A_237 = arith.cmpi slt, %add3A_235, %lt3A_236 : i32
      %convert_element_type3A = arith.extui %lt3A_237 : i1 to i32
      %cond3A = arith.constant 0 : i32
      %cond3A_238 = arith.cmpi ne, %convert_element_type3A, %cond3A : i32
      scf.if %cond3A_238 {
        %add3A_396 = arith.constant 1 : i32
        %add3A_397 = arith.addi %add3A_180, %add3A_396 : i32
        %jit3A_398 = arith.constant 4 : i32
        %eq3A_399 = arith.constant 0 : i32
        %eq3A_400 = arith.cmpi eq, %jit3A_398, %eq3A_399 : i32
        %jit3A_401 = arith.constant 1 : i32
        %select_n3A_402 = arith.select %eq3A_400, %jit3A_401, %jit3A_398 : i32
        %rem3A_403 = arith.remsi %add3A_397, %select_n3A_402 : i32
        %ne3A_404 = arith.constant 0 : i32
        %ne3A_405 = arith.cmpi ne, %rem3A_403, %ne3A_404 : i32
        %lt3A_406 = arith.constant 0 : i32
        %lt3A_407 = arith.cmpi slt, %rem3A_403, %lt3A_406 : i32
        %lt3A_408 = arith.constant 0 : i32
        %lt3A_409 = arith.cmpi slt, %select_n3A_402, %lt3A_408 : i32
        %ne3A_410 = arith.xori %lt3A_407, %lt3A_409 : i1
        %and3A_411 = arith.andi %ne3A_410, %ne3A_405 : i1
        %add3A_412 = arith.addi %rem3A_403, %select_n3A_402 : i32
        %select_n3A_413 = arith.select %and3A_411, %add3A_412, %rem3A_403 : i32
        %dma_wait3A_414 = arith.constant 1 : i32
        %dma_wait3A_415 = arith.constant 1 : i32
        %dma_wait3A_416 = arith.constant 0 : i32
        %dma_wait3A_417 = tpu.memref_slice %arg9[%dma_wait3A_414, %dma_wait3A_416] : memref<2x64xi32, #tpu.memory_space<vmem>> -> memref<1x64xi32, #tpu.memory_space<vmem>>
        %dma_wait3A_418 = tpu.memref_squeeze %dma_wait3A_417 : memref<1x64xi32, #tpu.memory_space<vmem>> -> memref<64xi32, #tpu.memory_space<vmem>>
        %dma_wait3A_419 = arith.constant 0 : i32
        %dma_wait3A_420 = tpu.memref_slice %arg2[%dma_wait3A_419] : memref<331776xi32, #tpu.memory_space<hbm>> -> memref<64xi32, #tpu.memory_space<hbm>>
        %dma_wait3A_421 = tpu.memref_slice %arg16[%dma_wait3A_415] : memref<2x!tpu.dma_semaphore, #tpu.memory_space<semaphore_mem>> -> memref<1x!tpu.dma_semaphore, #tpu.memory_space<semaphore_mem>>
        %dma_wait3A_422 = tpu.memref_squeeze %dma_wait3A_421 : memref<1x!tpu.dma_semaphore, #tpu.memory_space<semaphore_mem>> -> memref<!tpu.dma_semaphore, #tpu.memory_space<semaphore_mem>>
        %dma_wait3A_423 = arith.constant 0 : i32
        %dma_wait3A_424 = tpu.memref_slice %arg9[%dma_wait3A_414, %dma_wait3A_423] : memref<2x64xi32, #tpu.memory_space<vmem>> -> memref<1x64xi32, #tpu.memory_space<vmem>>
        %dma_wait3A_425 = tpu.memref_squeeze %dma_wait3A_424 : memref<1x64xi32, #tpu.memory_space<vmem>> -> memref<64xi32, #tpu.memory_space<vmem>>
        %dma_wait3A_426 = arith.constant 0 : i32
        %dma_wait3A_427 = tpu.memref_slice %arg2[%dma_wait3A_426] : memref<331776xi32, #tpu.memory_space<hbm>> -> memref<64xi32, #tpu.memory_space<hbm>>
        tpu.wait_dma2 semaphore(%dma_wait3A_422 : memref<!tpu.dma_semaphore, #tpu.memory_space<semaphore_mem>>) src(%dma_wait3A_427 : memref<64xi32, #tpu.memory_space<hbm>>) dst(%dma_wait3A_425 : memref<64xi32, #tpu.memory_space<vmem>>)
        %dma_wait3A_428 = arith.constant 1 : i32
        %dma_wait3A_429 = arith.constant 0 : i32
        %dma_wait3A_430 = tpu.memref_slice %arg10[%select_n3A_413, %dma_wait3A_429] : memref<4x64xi32, #tpu.memory_space<vmem>> -> memref<1x64xi32, #tpu.memory_space<vmem>>
        %dma_wait3A_431 = tpu.memref_squeeze %dma_wait3A_430 : memref<1x64xi32, #tpu.memory_space<vmem>> -> memref<64xi32, #tpu.memory_space<vmem>>
        %dma_wait3A_432 = arith.constant 0 : i32
        %dma_wait3A_433 = tpu.memref_slice %arg3[%dma_wait3A_432] : memref<331776xi32, #tpu.memory_space<hbm>> -> memref<64xi32, #tpu.memory_space<hbm>>
        %dma_wait3A_434 = tpu.memref_slice %arg16[%dma_wait3A_428] : memref<2x!tpu.dma_semaphore, #tpu.memory_space<semaphore_mem>> -> memref<1x!tpu.dma_semaphore, #tpu.memory_space<semaphore_mem>>
        %dma_wait3A_435 = tpu.memref_squeeze %dma_wait3A_434 : memref<1x!tpu.dma_semaphore, #tpu.memory_space<semaphore_mem>> -> memref<!tpu.dma_semaphore, #tpu.memory_space<semaphore_mem>>
        %dma_wait3A_436 = arith.constant 0 : i32
        %dma_wait3A_437 = tpu.memref_slice %arg10[%select_n3A_413, %dma_wait3A_436] : memref<4x64xi32, #tpu.memory_space<vmem>> -> memref<1x64xi32, #tpu.memory_space<vmem>>
        %dma_wait3A_438 = tpu.memref_squeeze %dma_wait3A_437 : memref<1x64xi32, #tpu.memory_space<vmem>> -> memref<64xi32, #tpu.memory_space<vmem>>
        %dma_wait3A_439 = arith.constant 0 : i32
        %dma_wait3A_440 = tpu.memref_slice %arg3[%dma_wait3A_439] : memref<331776xi32, #tpu.memory_space<hbm>> -> memref<64xi32, #tpu.memory_space<hbm>>
        tpu.wait_dma2 semaphore(%dma_wait3A_435 : memref<!tpu.dma_semaphore, #tpu.memory_space<semaphore_mem>>) src(%dma_wait3A_440 : memref<64xi32, #tpu.memory_space<hbm>>) dst(%dma_wait3A_438 : memref<64xi32, #tpu.memory_space<vmem>>)
        %add3A_441 = arith.constant 1 : i32
        %add3A_442 = arith.addi %add3A_180, %add3A_441 : i32
        %jit3A_443 = arith.constant 4 : i32
        %eq3A_444 = arith.constant 0 : i32
        %eq3A_445 = arith.cmpi eq, %jit3A_443, %eq3A_444 : i32
        %jit3A_446 = arith.constant 1 : i32
        %select_n3A_447 = arith.select %eq3A_445, %jit3A_446, %jit3A_443 : i32
        %rem3A_448 = arith.remsi %add3A_442, %select_n3A_447 : i32
        %ne3A_449 = arith.constant 0 : i32
        %ne3A_450 = arith.cmpi ne, %rem3A_448, %ne3A_449 : i32
        %lt3A_451 = arith.constant 0 : i32
        %lt3A_452 = arith.cmpi slt, %rem3A_448, %lt3A_451 : i32
        %lt3A_453 = arith.constant 0 : i32
        %lt3A_454 = arith.cmpi slt, %select_n3A_447, %lt3A_453 : i32
        %ne3A_455 = arith.xori %lt3A_452, %lt3A_454 : i1
        %and3A_456 = arith.andi %ne3A_455, %ne3A_450 : i1
        %add3A_457 = arith.addi %rem3A_448, %select_n3A_447 : i32
        %select_n3A_458 = arith.select %and3A_456, %add3A_457, %rem3A_448 : i32
        %dma_start3A_459 = arith.constant 1 : i32
        %dma_start3A_460 = arith.constant 1 : i32
        %dma_start3A_461 = arith.constant 1 : i32
        %dma_start3A_462 = arith.constant 0 : i32
        %dma_start3A_463 = arith.constant 0 : i32
        %dma_start3A_464 = tpu.memref_slice %arg11[%dma_start3A_460, %dma_start3A_462, %dma_start3A_463] : memref<2x64x128xf32, #tpu.memory_space<vmem>> -> memref<1x64x128xf32, #tpu.memory_space<vmem>>
        %dma_start3A_465 = tpu.memref_squeeze %dma_start3A_464 : memref<1x64x128xf32, #tpu.memory_space<vmem>> -> memref<64x128xf32, #tpu.memory_space<vmem>>
        %dma_start3A_466 = arith.constant 0 : i32
        %dma_start3A_467 = tpu.memref_slice %arg9[%dma_start3A_459, %dma_start3A_466] : memref<2x64xi32, #tpu.memory_space<vmem>> -> memref<1x64xi32, #tpu.memory_space<vmem>>
        %dma_start3A_468 = tpu.memref_squeeze %dma_start3A_467 : memref<1x64xi32, #tpu.memory_space<vmem>> -> memref<64xi32, #tpu.memory_space<vmem>>
        %dma_start3A_469 = arith.constant 0 : i32
        %dma_start3A_470 = arith.constant 0 : i32
        %dma_start3A_471 = tpu.memref_slice %arg4[%dma_start3A_469, %dma_start3A_470] : memref<10000x128xf32, #tpu.memory_space<hbm>> -> memref<10000x128xf32, #tpu.memory_space<hbm>>
        %dma_start3A_472 = tpu.memref_slice %arg17[%dma_start3A_461] : memref<2x!tpu.dma_semaphore, #tpu.memory_space<semaphore_mem>> -> memref<1x!tpu.dma_semaphore, #tpu.memory_space<semaphore_mem>>
        %dma_start3A_473 = tpu.memref_squeeze %dma_start3A_472 : memref<1x!tpu.dma_semaphore, #tpu.memory_space<semaphore_mem>> -> memref<!tpu.dma_semaphore, #tpu.memory_space<semaphore_mem>>
        tpu.enqueue_indirect_dma source(%dma_start3A_471 : memref<10000x128xf32, #tpu.memory_space<hbm>>) target(%dma_start3A_465 : memref<64x128xf32, #tpu.memory_space<vmem>>) offsets(%dma_start3A_468 : memref<64xi32, #tpu.memory_space<vmem>>) semaphore(%dma_start3A_473 : memref<!tpu.dma_semaphore, #tpu.memory_space<semaphore_mem>>)
        %dma_start3A_474 = arith.constant 1 : i32
        %dma_start3A_475 = arith.constant 1 : i32
        %dma_start3A_476 = arith.constant 1 : i32
        %dma_start3A_477 = arith.constant 0 : i32
        %dma_start3A_478 = arith.constant 0 : i32
        %dma_start3A_479 = tpu.memref_slice %arg12[%dma_start3A_475, %dma_start3A_477, %dma_start3A_478] : memref<2x64x16xf32, #tpu.memory_space<vmem>> -> memref<1x64x16xf32, #tpu.memory_space<vmem>>
        %dma_start3A_480 = tpu.memref_squeeze %dma_start3A_479 : memref<1x64x16xf32, #tpu.memory_space<vmem>> -> memref<64x16xf32, #tpu.memory_space<vmem>>
        %dma_start3A_481 = arith.constant 0 : i32
        %dma_start3A_482 = tpu.memref_slice %arg9[%dma_start3A_474, %dma_start3A_481] : memref<2x64xi32, #tpu.memory_space<vmem>> -> memref<1x64xi32, #tpu.memory_space<vmem>>
        %dma_start3A_483 = tpu.memref_squeeze %dma_start3A_482 : memref<1x64xi32, #tpu.memory_space<vmem>> -> memref<64xi32, #tpu.memory_space<vmem>>
        %dma_start3A_484 = arith.constant 0 : i32
        %dma_start3A_485 = arith.constant 0 : i32
        %dma_start3A_486 = tpu.memref_slice %arg5[%dma_start3A_484, %dma_start3A_485] : memref<10000x16xf32, #tpu.memory_space<hbm>> -> memref<10000x16xf32, #tpu.memory_space<hbm>>
        %dma_start3A_487 = tpu.memref_slice %arg18[%dma_start3A_476] : memref<2x!tpu.dma_semaphore, #tpu.memory_space<semaphore_mem>> -> memref<1x!tpu.dma_semaphore, #tpu.memory_space<semaphore_mem>>
        %dma_start3A_488 = tpu.memref_squeeze %dma_start3A_487 : memref<1x!tpu.dma_semaphore, #tpu.memory_space<semaphore_mem>> -> memref<!tpu.dma_semaphore, #tpu.memory_space<semaphore_mem>>
        tpu.enqueue_indirect_dma source(%dma_start3A_486 : memref<10000x16xf32, #tpu.memory_space<hbm>>) target(%dma_start3A_480 : memref<64x16xf32, #tpu.memory_space<vmem>>) offsets(%dma_start3A_483 : memref<64xi32, #tpu.memory_space<vmem>>) semaphore(%dma_start3A_488 : memref<!tpu.dma_semaphore, #tpu.memory_space<semaphore_mem>>)
        %dma_start3A_489 = arith.constant 1 : i32
        %dma_start3A_490 = arith.constant 1 : i32
        %dma_start3A_491 = arith.constant 0 : i32
        %dma_start3A_492 = arith.constant 0 : i32
        %dma_start3A_493 = tpu.memref_slice %arg13[%dma_start3A_489, %dma_start3A_491, %dma_start3A_492] : memref<2x64x16xf32, #tpu.memory_space<vmem>> -> memref<1x64x16xf32, #tpu.memory_space<vmem>>
        %dma_start3A_494 = tpu.memref_squeeze %dma_start3A_493 : memref<1x64x16xf32, #tpu.memory_space<vmem>> -> memref<64x16xf32, #tpu.memory_space<vmem>>
        %dma_start3A_495 = arith.constant 0 : i32
        %dma_start3A_496 = tpu.memref_slice %arg10[%select_n3A_458, %dma_start3A_495] : memref<4x64xi32, #tpu.memory_space<vmem>> -> memref<1x64xi32, #tpu.memory_space<vmem>>
        %dma_start3A_497 = tpu.memref_squeeze %dma_start3A_496 : memref<1x64xi32, #tpu.memory_space<vmem>> -> memref<64xi32, #tpu.memory_space<vmem>>
        %dma_start3A_498 = arith.constant 0 : i32
        %dma_start3A_499 = arith.constant 0 : i32
        %dma_start3A_500 = tpu.memref_slice %arg6[%dma_start3A_498, %dma_start3A_499] : memref<10112x16xf32, #tpu.memory_space<hbm>> -> memref<10112x16xf32, #tpu.memory_space<hbm>>
        %dma_start3A_501 = tpu.memref_slice %arg19[%dma_start3A_490] : memref<2x!tpu.dma_semaphore, #tpu.memory_space<semaphore_mem>> -> memref<1x!tpu.dma_semaphore, #tpu.memory_space<semaphore_mem>>
        %dma_start3A_502 = tpu.memref_squeeze %dma_start3A_501 : memref<1x!tpu.dma_semaphore, #tpu.memory_space<semaphore_mem>> -> memref<!tpu.dma_semaphore, #tpu.memory_space<semaphore_mem>>
        tpu.enqueue_indirect_dma source(%dma_start3A_500 : memref<10112x16xf32, #tpu.memory_space<hbm>>) target(%dma_start3A_494 : memref<64x16xf32, #tpu.memory_space<vmem>>) offsets(%dma_start3A_497 : memref<64xi32, #tpu.memory_space<vmem>>) semaphore(%dma_start3A_502 : memref<!tpu.dma_semaphore, #tpu.memory_space<semaphore_mem>>)
      } else {
      }
      %ge3A = arith.constant 2 : i32
      %ge3A_239 = arith.cmpi sge, %add3A_180, %ge3A : i32
      %convert_element_type3A_240 = arith.extui %ge3A_239 : i1 to i32
      %cond3A_241 = arith.constant 0 : i32
      %cond3A_242 = arith.cmpi ne, %convert_element_type3A_240, %cond3A_241 : i32
      scf.if %cond3A_242 {
        %add3A_396 = arith.constant 2 : i32
        %add3A_397 = arith.addi %add3A_180, %add3A_396 : i32
        %jit3A_398 = arith.constant 4 : i32
        %eq3A_399 = arith.constant 0 : i32
        %eq3A_400 = arith.cmpi eq, %jit3A_398, %eq3A_399 : i32
        %jit3A_401 = arith.constant 1 : i32
        %select_n3A_402 = arith.select %eq3A_400, %jit3A_401, %jit3A_398 : i32
        %rem3A_403 = arith.remsi %add3A_397, %select_n3A_402 : i32
        %ne3A_404 = arith.constant 0 : i32
        %ne3A_405 = arith.cmpi ne, %rem3A_403, %ne3A_404 : i32
        %lt3A_406 = arith.constant 0 : i32
        %lt3A_407 = arith.cmpi slt, %rem3A_403, %lt3A_406 : i32
        %lt3A_408 = arith.constant 0 : i32
        %lt3A_409 = arith.cmpi slt, %select_n3A_402, %lt3A_408 : i32
        %ne3A_410 = arith.xori %lt3A_407, %lt3A_409 : i1
        %and3A_411 = arith.andi %ne3A_410, %ne3A_405 : i1
        %add3A_412 = arith.addi %rem3A_403, %select_n3A_402 : i32
        %select_n3A_413 = arith.select %and3A_411, %add3A_412, %rem3A_403 : i32
        %dma_wait3A_414 = arith.constant 0 : i32
        %dma_wait3A_415 = arith.constant 0 : i32
        %dma_wait3A_416 = arith.constant 0 : i32
        %dma_wait3A_417 = arith.constant 0 : i32
        %dma_wait3A_418 = tpu.memref_slice %arg14[%dma_wait3A_414, %dma_wait3A_416, %dma_wait3A_417] : memref<2x64x144xf32, #tpu.memory_space<vmem>> -> memref<1x64x144xf32, #tpu.memory_space<vmem>>
        %dma_wait3A_419 = tpu.memref_squeeze %dma_wait3A_418 : memref<1x64x144xf32, #tpu.memory_space<vmem>> -> memref<64x144xf32, #tpu.memory_space<vmem>>
        %dma_wait3A_420 = arith.constant 0 : i32
        %dma_wait3A_421 = tpu.memref_slice %arg10[%select_n3A_413, %dma_wait3A_420] : memref<4x64xi32, #tpu.memory_space<vmem>> -> memref<1x64xi32, #tpu.memory_space<vmem>>
        %dma_wait3A_422 = tpu.memref_squeeze %dma_wait3A_421 : memref<1x64xi32, #tpu.memory_space<vmem>> -> memref<64xi32, #tpu.memory_space<vmem>>
        %dma_wait3A_423 = arith.constant 0 : i32
        %dma_wait3A_424 = arith.constant 0 : i32
        %dma_wait3A_425 = tpu.memref_slice %arg15[%dma_wait3A_423, %dma_wait3A_424] : memref<10112x144xf32, #tpu.memory_space<vmem_shared>> -> memref<10112x144xf32, #tpu.memory_space<vmem_shared>>
        %dma_wait3A_426 = tpu.memref_slice %arg20[%dma_wait3A_415] : memref<2x!tpu.dma_semaphore, #tpu.memory_space<semaphore_mem>> -> memref<1x!tpu.dma_semaphore, #tpu.memory_space<semaphore_mem>>
        %dma_wait3A_427 = tpu.memref_squeeze %dma_wait3A_426 : memref<1x!tpu.dma_semaphore, #tpu.memory_space<semaphore_mem>> -> memref<!tpu.dma_semaphore, #tpu.memory_space<semaphore_mem>>
        tpu.wait_indirect_dma semaphore(%dma_wait3A_427 : memref<!tpu.dma_semaphore, #tpu.memory_space<semaphore_mem>>) src(%dma_wait3A_419 : memref<64x144xf32, #tpu.memory_space<vmem>>) dst(%dma_wait3A_425 : memref<10112x144xf32, #tpu.memory_space<vmem_shared>>)
      } else {
      }
      %parallel_loop3A = arith.constant 0 : i32
      %parallel_loop3A_243 = arith.constant 64 : i32
      %parallel_loop3A_244 = arith.constant 1 : i32
      scf.for %parallel_loop3A_396 = %parallel_loop3A to %parallel_loop3A_243 step %parallel_loop3A_244  : i32 {
        %parallel_loop3A_397 = arith.constant 0 : i32
        %parallel_loop3A_398 = arith.index_cast %parallel_loop3A_397 : i32 to index
        %parallel_loop3A_399 = arith.index_cast %parallel_loop3A_396 : i32 to index
        %parallel_loop3A_400 = arith.constant 0 : index
        %parallel_loop3A_401 = tpu.vector_load %arg12[%parallel_loop3A_398, %parallel_loop3A_399, %parallel_loop3A_400] {strides = array<i32>} : memref<2x64x16xf32, #tpu.memory_space<vmem>>, vector<1x1x16xf32>,
        %parallel_loop3A_402 = vector.shape_cast %parallel_loop3A_401 : vector<1x1x16xf32> to vector<16xf32>
        %parallel_loop3A_403 = arith.constant 0 : i32
        %parallel_loop3A_404 = arith.index_cast %parallel_loop3A_403 : i32 to index
        %parallel_loop3A_405 = arith.index_cast %parallel_loop3A_396 : i32 to index
        %parallel_loop3A_406 = arith.constant 0 : index
        %parallel_loop3A_407 = tpu.vector_load %arg13[%parallel_loop3A_404, %parallel_loop3A_405, %parallel_loop3A_406] {strides = array<i32>} : memref<2x64x16xf32, #tpu.memory_space<vmem>>, vector<1x1x16xf32>,
        %parallel_loop3A_408 = vector.shape_cast %parallel_loop3A_407 : vector<1x1x16xf32> to vector<16xf32>
        %parallel_loop3A_409 = arith.addf %parallel_loop3A_402, %parallel_loop3A_408 : vector<16xf32>
        %parallel_loop3A_410 = arith.constant 0.000000e+00 : f32
        %parallel_loop3A_411 = vector.broadcast %parallel_loop3A_410 : f32 to vector<16xf32>
        %parallel_loop3A_412 = arith.cmpf oge, %parallel_loop3A_409, %parallel_loop3A_411 : vector<16xf32>
        %parallel_loop3A_413 = arith.constant 2.000000e-01 : f32
        %parallel_loop3A_414 = vector.broadcast %parallel_loop3A_413 : f32 to vector<16xf32>
        %parallel_loop3A_415 = arith.mulf %parallel_loop3A_414, %parallel_loop3A_409 : vector<16xf32>
        %parallel_loop3A_416 = arith.select %parallel_loop3A_412, %parallel_loop3A_409, %parallel_loop3A_415 : vector<16xi1>, vector<16xf32>
        %parallel_loop3A_417 = arith.constant 8 : i32
        %parallel_loop3A_418 = vector.broadcast %parallel_loop3A_417 : i32 to vector<16xi32>
        %parallel_loop3A_419 = arith.cmpi slt, %iota3A, %parallel_loop3A_418 : vector<16xi32>
        %parallel_loop3A_420 = arith.constant 0.000000e+00 : f32
        %parallel_loop3A_421 = vector.broadcast %parallel_loop3A_420 : f32 to vector<16xf32>
        %parallel_loop3A_422 = arith.select %parallel_loop3A_419, %parallel_loop3A_416, %parallel_loop3A_421 : vector<16xi1>, vector<16xf32>
        %parallel_loop3A_423 = math.exp %parallel_loop3A_422 : vector<16xf32>
        %parallel_loop3A_424 = arith.constant 8 : i32
        %parallel_loop3A_425 = vector.broadcast %parallel_loop3A_424 : i32 to vector<16xi32>
        %parallel_loop3A_426 = arith.cmpi slt, %iota3A, %parallel_loop3A_425 : vector<16xi32>
        %parallel_loop3A_427 = arith.constant 0.000000e+00 : f32
        %parallel_loop3A_428 = vector.broadcast %parallel_loop3A_427 : f32 to vector<16xf32>
        %parallel_loop3A_429 = arith.select %parallel_loop3A_426, %parallel_loop3A_423, %parallel_loop3A_428 : vector<16xi1>, vector<16xf32>
        %parallel_loop3A_430 = arith.constant 0 : i32
        %parallel_loop3A_431 = arith.index_cast %parallel_loop3A_430 : i32 to index
        %parallel_loop3A_432 = arith.index_cast %parallel_loop3A_396 : i32 to index
        %parallel_loop3A_433 = arith.constant 128 : index
        %parallel_loop3A_434 = tpu.vector_load %arg14[%parallel_loop3A_431, %parallel_loop3A_432, %parallel_loop3A_433] {strides = array<i32>} : memref<2x64x144xf32, #tpu.memory_space<vmem>>, vector<1x1x16xf32>,
        %parallel_loop3A_435 = vector.shape_cast %parallel_loop3A_434 : vector<1x1x16xf32> to vector<16xf32>
        %parallel_loop3A_436 = vector.shape_cast %parallel_loop3A_429 : vector<16xf32> to vector<1x1x16xf32>
        tpu.vector_store %arg14[%parallel_loop3A_431, %parallel_loop3A_432, %parallel_loop3A_433], %parallel_loop3A_436 {strides = array<i32>} : memref<2x64x144xf32, #tpu.memory_space<vmem>>, vector<1x1x16xf32>,
        %parallel_loop3A_437 = arith.constant 0 : i32
        %parallel_loop3A_438 = arith.index_cast %parallel_loop3A_437 : i32 to index
        %parallel_loop3A_439 = arith.index_cast %parallel_loop3A_396 : i32 to index
        %parallel_loop3A_440 = arith.constant 0 : index
        %parallel_loop3A_441 = tpu.vector_load %arg11[%parallel_loop3A_438, %parallel_loop3A_439, %parallel_loop3A_440] {strides = array<i32>} : memref<2x64x128xf32, #tpu.memory_space<vmem>>, vector<1x1x16xf32>,
        %parallel_loop3A_442 = vector.shape_cast %parallel_loop3A_441 : vector<1x1x16xf32> to vector<16xf32>
        %parallel_loop3A_443 = arith.constant 0 : i32
        %parallel_loop3A_444 = arith.index_cast %parallel_loop3A_443 : i32 to index
        %parallel_loop3A_445 = arith.index_cast %parallel_loop3A_396 : i32 to index
        %parallel_loop3A_446 = arith.constant 16 : index
        %parallel_loop3A_447 = tpu.vector_load %arg11[%parallel_loop3A_444, %parallel_loop3A_445, %parallel_loop3A_446] {strides = array<i32>} : memref<2x64x128xf32, #tpu.memory_space<vmem>>, vector<1x1x16xf32>,
        %parallel_loop3A_448 = vector.shape_cast %parallel_loop3A_447 : vector<1x1x16xf32> to vector<16xf32>
        %parallel_loop3A_449 = arith.constant 0 : i32
        %parallel_loop3A_450 = arith.index_cast %parallel_loop3A_449 : i32 to index
        %parallel_loop3A_451 = arith.index_cast %parallel_loop3A_396 : i32 to index
        %parallel_loop3A_452 = arith.constant 32 : index
        %parallel_loop3A_453 = tpu.vector_load %arg11[%parallel_loop3A_450, %parallel_loop3A_451, %parallel_loop3A_452] {strides = array<i32>} : memref<2x64x128xf32, #tpu.memory_space<vmem>>, vector<1x1x16xf32>,
        %parallel_loop3A_454 = vector.shape_cast %parallel_loop3A_453 : vector<1x1x16xf32> to vector<16xf32>
        %parallel_loop3A_455 = arith.constant 0 : i32
        %parallel_loop3A_456 = arith.index_cast %parallel_loop3A_455 : i32 to index
        %parallel_loop3A_457 = arith.index_cast %parallel_loop3A_396 : i32 to index
        %parallel_loop3A_458 = arith.constant 48 : index
        %parallel_loop3A_459 = tpu.vector_load %arg11[%parallel_loop3A_456, %parallel_loop3A_457, %parallel_loop3A_458] {strides = array<i32>} : memref<2x64x128xf32, #tpu.memory_space<vmem>>, vector<1x1x16xf32>,
        %parallel_loop3A_460 = vector.shape_cast %parallel_loop3A_459 : vector<1x1x16xf32> to vector<16xf32>
        %parallel_loop3A_461 = arith.constant 0 : i32
        %parallel_loop3A_462 = arith.index_cast %parallel_loop3A_461 : i32 to index
        %parallel_loop3A_463 = arith.index_cast %parallel_loop3A_396 : i32 to index
        %parallel_loop3A_464 = arith.constant 64 : index
        %parallel_loop3A_465 = tpu.vector_load %arg11[%parallel_loop3A_462, %parallel_loop3A_463, %parallel_loop3A_464] {strides = array<i32>} : memref<2x64x128xf32, #tpu.memory_space<vmem>>, vector<1x1x16xf32>,
        %parallel_loop3A_466 = vector.shape_cast %parallel_loop3A_465 : vector<1x1x16xf32> to vector<16xf32>
        %parallel_loop3A_467 = arith.constant 0 : i32
        %parallel_loop3A_468 = arith.index_cast %parallel_loop3A_467 : i32 to index
        %parallel_loop3A_469 = arith.index_cast %parallel_loop3A_396 : i32 to index
        %parallel_loop3A_470 = arith.constant 80 : index
        %parallel_loop3A_471 = tpu.vector_load %arg11[%parallel_loop3A_468, %parallel_loop3A_469, %parallel_loop3A_470] {strides = array<i32>} : memref<2x64x128xf32, #tpu.memory_space<vmem>>, vector<1x1x16xf32>,
        %parallel_loop3A_472 = vector.shape_cast %parallel_loop3A_471 : vector<1x1x16xf32> to vector<16xf32>
        %parallel_loop3A_473 = arith.constant 0 : i32
        %parallel_loop3A_474 = arith.index_cast %parallel_loop3A_473 : i32 to index
        %parallel_loop3A_475 = arith.index_cast %parallel_loop3A_396 : i32 to index
        %parallel_loop3A_476 = arith.constant 96 : index
        %parallel_loop3A_477 = tpu.vector_load %arg11[%parallel_loop3A_474, %parallel_loop3A_475, %parallel_loop3A_476] {strides = array<i32>} : memref<2x64x128xf32, #tpu.memory_space<vmem>>, vector<1x1x16xf32>,
        %parallel_loop3A_478 = vector.shape_cast %parallel_loop3A_477 : vector<1x1x16xf32> to vector<16xf32>
        %parallel_loop3A_479 = arith.constant 0 : i32
        %parallel_loop3A_480 = arith.index_cast %parallel_loop3A_479 : i32 to index
        %parallel_loop3A_481 = arith.index_cast %parallel_loop3A_396 : i32 to index
        %parallel_loop3A_482 = arith.constant 112 : index
        %parallel_loop3A_483 = tpu.vector_load %arg11[%parallel_loop3A_480, %parallel_loop3A_481, %parallel_loop3A_482] {strides = array<i32>} : memref<2x64x128xf32, #tpu.memory_space<vmem>>, vector<1x1x16xf32>,
        %parallel_loop3A_484 = vector.shape_cast %parallel_loop3A_483 : vector<1x1x16xf32> to vector<16xf32>
        %parallel_loop3A_485 = arith.constant 0 : i32
        %parallel_loop3A_486 = vector.broadcast %parallel_loop3A_485 : i32 to vector<16xi32>
        %parallel_loop3A_487 = arith.constant 0 : i32
        %parallel_loop3A_488 = vector.broadcast %parallel_loop3A_487 : i32 to vector<16xi32>
        %parallel_loop3A_489 = arith.cmpi slt, %parallel_loop3A_486, %parallel_loop3A_488 : vector<16xi32>
        %parallel_loop3A_490 = arith.constant 16 : i32
        %parallel_loop3A_491 = vector.broadcast %parallel_loop3A_490 : i32 to vector<16xi32>
        %parallel_loop3A_492 = arith.addi %parallel_loop3A_486, %parallel_loop3A_491 : vector<16xi32>
        %parallel_loop3A_493 = arith.select %parallel_loop3A_489, %parallel_loop3A_492, %parallel_loop3A_486 : vector<16xi1>, vector<16xi32>
        %parallel_loop3A_494 = vector.shape_cast %parallel_loop3A_493 : vector<16xi32> to vector<16x1xi32>
        %parallel_loop3A_495 = vector.shape_cast %parallel_loop3A_494 : vector<16x1xi32> to vector<16xi32>
        %parallel_loop3A_496 = tpu.dynamic_gather %parallel_loop3A_429[%parallel_loop3A_495] in [0] : vector<16xf32>, vector<16xi32> -> vector<16xf32>
        %parallel_loop3A_497 = arith.constant 1 : i32
        %parallel_loop3A_498 = vector.broadcast %parallel_loop3A_497 : i32 to vector<16xi32>
        %parallel_loop3A_499 = arith.constant 0 : i32
        %parallel_loop3A_500 = vector.broadcast %parallel_loop3A_499 : i32 to vector<16xi32>
        %parallel_loop3A_501 = arith.cmpi slt, %parallel_loop3A_498, %parallel_loop3A_500 : vector<16xi32>
        %parallel_loop3A_502 = arith.constant 16 : i32
        %parallel_loop3A_503 = vector.broadcast %parallel_loop3A_502 : i32 to vector<16xi32>
        %parallel_loop3A_504 = arith.addi %parallel_loop3A_498, %parallel_loop3A_503 : vector<16xi32>
        %parallel_loop3A_505 = arith.select %parallel_loop3A_501, %parallel_loop3A_504, %parallel_loop3A_498 : vector<16xi1>, vector<16xi32>
        %parallel_loop3A_506 = vector.shape_cast %parallel_loop3A_505 : vector<16xi32> to vector<16x1xi32>
        %parallel_loop3A_507 = vector.shape_cast %parallel_loop3A_506 : vector<16x1xi32> to vector<16xi32>
        %parallel_loop3A_508 = tpu.dynamic_gather %parallel_loop3A_429[%parallel_loop3A_507] in [0] : vector<16xf32>, vector<16xi32> -> vector<16xf32>
        %parallel_loop3A_509 = arith.constant 2 : i32
        %parallel_loop3A_510 = vector.broadcast %parallel_loop3A_509 : i32 to vector<16xi32>
        %parallel_loop3A_511 = arith.constant 0 : i32
        %parallel_loop3A_512 = vector.broadcast %parallel_loop3A_511 : i32 to vector<16xi32>
        %parallel_loop3A_513 = arith.cmpi slt, %parallel_loop3A_510, %parallel_loop3A_512 : vector<16xi32>
        %parallel_loop3A_514 = arith.constant 16 : i32
        %parallel_loop3A_515 = vector.broadcast %parallel_loop3A_514 : i32 to vector<16xi32>
        %parallel_loop3A_516 = arith.addi %parallel_loop3A_510, %parallel_loop3A_515 : vector<16xi32>
        %parallel_loop3A_517 = arith.select %parallel_loop3A_513, %parallel_loop3A_516, %parallel_loop3A_510 : vector<16xi1>, vector<16xi32>
        %parallel_loop3A_518 = vector.shape_cast %parallel_loop3A_517 : vector<16xi32> to vector<16x1xi32>
        %parallel_loop3A_519 = vector.shape_cast %parallel_loop3A_518 : vector<16x1xi32> to vector<16xi32>
        %parallel_loop3A_520 = tpu.dynamic_gather %parallel_loop3A_429[%parallel_loop3A_519] in [0] : vector<16xf32>, vector<16xi32> -> vector<16xf32>
        %parallel_loop3A_521 = arith.constant 3 : i32
        %parallel_loop3A_522 = vector.broadcast %parallel_loop3A_521 : i32 to vector<16xi32>
        %parallel_loop3A_523 = arith.constant 0 : i32
        %parallel_loop3A_524 = vector.broadcast %parallel_loop3A_523 : i32 to vector<16xi32>
        %parallel_loop3A_525 = arith.cmpi slt, %parallel_loop3A_522, %parallel_loop3A_524 : vector<16xi32>
        %parallel_loop3A_526 = arith.constant 16 : i32
        %parallel_loop3A_527 = vector.broadcast %parallel_loop3A_526 : i32 to vector<16xi32>
        %parallel_loop3A_528 = arith.addi %parallel_loop3A_522, %parallel_loop3A_527 : vector<16xi32>
        %parallel_loop3A_529 = arith.select %parallel_loop3A_525, %parallel_loop3A_528, %parallel_loop3A_522 : vector<16xi1>, vector<16xi32>
        %parallel_loop3A_530 = vector.shape_cast %parallel_loop3A_529 : vector<16xi32> to vector<16x1xi32>
        %parallel_loop3A_531 = vector.shape_cast %parallel_loop3A_530 : vector<16x1xi32> to vector<16xi32>
        %parallel_loop3A_532 = tpu.dynamic_gather %parallel_loop3A_429[%parallel_loop3A_531] in [0] : vector<16xf32>, vector<16xi32> -> vector<16xf32>
        %parallel_loop3A_533 = arith.constant 4 : i32
        %parallel_loop3A_534 = vector.broadcast %parallel_loop3A_533 : i32 to vector<16xi32>
        %parallel_loop3A_535 = arith.constant 0 : i32
        %parallel_loop3A_536 = vector.broadcast %parallel_loop3A_535 : i32 to vector<16xi32>
        %parallel_loop3A_537 = arith.cmpi slt, %parallel_loop3A_534, %parallel_loop3A_536 : vector<16xi32>
        %parallel_loop3A_538 = arith.constant 16 : i32
        %parallel_loop3A_539 = vector.broadcast %parallel_loop3A_538 : i32 to vector<16xi32>
        %parallel_loop3A_540 = arith.addi %parallel_loop3A_534, %parallel_loop3A_539 : vector<16xi32>
        %parallel_loop3A_541 = arith.select %parallel_loop3A_537, %parallel_loop3A_540, %parallel_loop3A_534 : vector<16xi1>, vector<16xi32>
        %parallel_loop3A_542 = vector.shape_cast %parallel_loop3A_541 : vector<16xi32> to vector<16x1xi32>
        %parallel_loop3A_543 = vector.shape_cast %parallel_loop3A_542 : vector<16x1xi32> to vector<16xi32>
        %parallel_loop3A_544 = tpu.dynamic_gather %parallel_loop3A_429[%parallel_loop3A_543] in [0] : vector<16xf32>, vector<16xi32> -> vector<16xf32>
        %parallel_loop3A_545 = arith.constant 5 : i32
        %parallel_loop3A_546 = vector.broadcast %parallel_loop3A_545 : i32 to vector<16xi32>
        %parallel_loop3A_547 = arith.constant 0 : i32
        %parallel_loop3A_548 = vector.broadcast %parallel_loop3A_547 : i32 to vector<16xi32>
        %parallel_loop3A_549 = arith.cmpi slt, %parallel_loop3A_546, %parallel_loop3A_548 : vector<16xi32>
        %parallel_loop3A_550 = arith.constant 16 : i32
        %parallel_loop3A_551 = vector.broadcast %parallel_loop3A_550 : i32 to vector<16xi32>
        %parallel_loop3A_552 = arith.addi %parallel_loop3A_546, %parallel_loop3A_551 : vector<16xi32>
        %parallel_loop3A_553 = arith.select %parallel_loop3A_549, %parallel_loop3A_552, %parallel_loop3A_546 : vector<16xi1>, vector<16xi32>
        %parallel_loop3A_554 = vector.shape_cast %parallel_loop3A_553 : vector<16xi32> to vector<16x1xi32>
        %parallel_loop3A_555 = vector.shape_cast %parallel_loop3A_554 : vector<16x1xi32> to vector<16xi32>
        %parallel_loop3A_556 = tpu.dynamic_gather %parallel_loop3A_429[%parallel_loop3A_555] in [0] : vector<16xf32>, vector<16xi32> -> vector<16xf32>
        %parallel_loop3A_557 = arith.constant 6 : i32
        %parallel_loop3A_558 = vector.broadcast %parallel_loop3A_557 : i32 to vector<16xi32>
        %parallel_loop3A_559 = arith.constant 0 : i32
        %parallel_loop3A_560 = vector.broadcast %parallel_loop3A_559 : i32 to vector<16xi32>
        %parallel_loop3A_561 = arith.cmpi slt, %parallel_loop3A_558, %parallel_loop3A_560 : vector<16xi32>
        %parallel_loop3A_562 = arith.constant 16 : i32
        %parallel_loop3A_563 = vector.broadcast %parallel_loop3A_562 : i32 to vector<16xi32>
        %parallel_loop3A_564 = arith.addi %parallel_loop3A_558, %parallel_loop3A_563 : vector<16xi32>
        %parallel_loop3A_565 = arith.select %parallel_loop3A_561, %parallel_loop3A_564, %parallel_loop3A_558 : vector<16xi1>, vector<16xi32>
        %parallel_loop3A_566 = vector.shape_cast %parallel_loop3A_565 : vector<16xi32> to vector<16x1xi32>
        %parallel_loop3A_567 = vector.shape_cast %parallel_loop3A_566 : vector<16x1xi32> to vector<16xi32>
        %parallel_loop3A_568 = tpu.dynamic_gather %parallel_loop3A_429[%parallel_loop3A_567] in [0] : vector<16xf32>, vector<16xi32> -> vector<16xf32>
        %parallel_loop3A_569 = arith.constant 7 : i32
        %parallel_loop3A_570 = vector.broadcast %parallel_loop3A_569 : i32 to vector<16xi32>
        %parallel_loop3A_571 = arith.constant 0 : i32
        %parallel_loop3A_572 = vector.broadcast %parallel_loop3A_571 : i32 to vector<16xi32>
        %parallel_loop3A_573 = arith.cmpi slt, %parallel_loop3A_570, %parallel_loop3A_572 : vector<16xi32>
        %parallel_loop3A_574 = arith.constant 16 : i32
        %parallel_loop3A_575 = vector.broadcast %parallel_loop3A_574 : i32 to vector<16xi32>
        %parallel_loop3A_576 = arith.addi %parallel_loop3A_570, %parallel_loop3A_575 : vector<16xi32>
        %parallel_loop3A_577 = arith.select %parallel_loop3A_573, %parallel_loop3A_576, %parallel_loop3A_570 : vector<16xi1>, vector<16xi32>
        %parallel_loop3A_578 = vector.shape_cast %parallel_loop3A_577 : vector<16xi32> to vector<16x1xi32>
        %parallel_loop3A_579 = vector.shape_cast %parallel_loop3A_578 : vector<16x1xi32> to vector<16xi32>
        %parallel_loop3A_580 = tpu.dynamic_gather %parallel_loop3A_429[%parallel_loop3A_579] in [0] : vector<16xf32>, vector<16xi32> -> vector<16xf32>
        %parallel_loop3A_581 = arith.mulf %parallel_loop3A_442, %parallel_loop3A_496 : vector<16xf32>
        %parallel_loop3A_582 = arith.constant 0 : i32
        %parallel_loop3A_583 = arith.index_cast %parallel_loop3A_582 : i32 to index
        %parallel_loop3A_584 = arith.index_cast %parallel_loop3A_396 : i32 to index
        %parallel_loop3A_585 = arith.constant 0 : index
        %parallel_loop3A_586 = tpu.vector_load %arg14[%parallel_loop3A_583, %parallel_loop3A_584, %parallel_loop3A_585] {strides = array<i32>} : memref<2x64x144xf32, #tpu.memory_space<vmem>>, vector<1x1x16xf32>,
        %parallel_loop3A_587 = vector.shape_cast %parallel_loop3A_586 : vector<1x1x16xf32> to vector<16xf32>
        %parallel_loop3A_588 = vector.shape_cast %parallel_loop3A_581 : vector<16xf32> to vector<1x1x16xf32>
        tpu.vector_store %arg14[%parallel_loop3A_583, %parallel_loop3A_584, %parallel_loop3A_585], %parallel_loop3A_588 {strides = array<i32>} : memref<2x64x144xf32, #tpu.memory_space<vmem>>, vector<1x1x16xf32>,
        %parallel_loop3A_589 = arith.mulf %parallel_loop3A_448, %parallel_loop3A_508 : vector<16xf32>
        %parallel_loop3A_590 = arith.constant 0 : i32
        %parallel_loop3A_591 = arith.index_cast %parallel_loop3A_590 : i32 to index
        %parallel_loop3A_592 = arith.index_cast %parallel_loop3A_396 : i32 to index
        %parallel_loop3A_593 = arith.constant 16 : index
        %parallel_loop3A_594 = tpu.vector_load %arg14[%parallel_loop3A_591, %parallel_loop3A_592, %parallel_loop3A_593] {strides = array<i32>} : memref<2x64x144xf32, #tpu.memory_space<vmem>>, vector<1x1x16xf32>,
        %parallel_loop3A_595 = vector.shape_cast %parallel_loop3A_594 : vector<1x1x16xf32> to vector<16xf32>
        %parallel_loop3A_596 = vector.shape_cast %parallel_loop3A_589 : vector<16xf32> to vector<1x1x16xf32>
        tpu.vector_store %arg14[%parallel_loop3A_591, %parallel_loop3A_592, %parallel_loop3A_593], %parallel_loop3A_596 {strides = array<i32>} : memref<2x64x144xf32, #tpu.memory_space<vmem>>, vector<1x1x16xf32>,
        %parallel_loop3A_597 = arith.mulf %parallel_loop3A_454, %parallel_loop3A_520 : vector<16xf32>
        %parallel_loop3A_598 = arith.constant 0 : i32
        %parallel_loop3A_599 = arith.index_cast %parallel_loop3A_598 : i32 to index
        %parallel_loop3A_600 = arith.index_cast %parallel_loop3A_396 : i32 to index
        %parallel_loop3A_601 = arith.constant 32 : index
        %parallel_loop3A_602 = tpu.vector_load %arg14[%parallel_loop3A_599, %parallel_loop3A_600, %parallel_loop3A_601] {strides = array<i32>} : memref<2x64x144xf32, #tpu.memory_space<vmem>>, vector<1x1x16xf32>,
        %parallel_loop3A_603 = vector.shape_cast %parallel_loop3A_602 : vector<1x1x16xf32> to vector<16xf32>
        %parallel_loop3A_604 = vector.shape_cast %parallel_loop3A_597 : vector<16xf32> to vector<1x1x16xf32>
        tpu.vector_store %arg14[%parallel_loop3A_599, %parallel_loop3A_600, %parallel_loop3A_601], %parallel_loop3A_604 {strides = array<i32>} : memref<2x64x144xf32, #tpu.memory_space<vmem>>, vector<1x1x16xf32>,
        %parallel_loop3A_605 = arith.mulf %parallel_loop3A_460, %parallel_loop3A_532 : vector<16xf32>
        %parallel_loop3A_606 = arith.constant 0 : i32
        %parallel_loop3A_607 = arith.index_cast %parallel_loop3A_606 : i32 to index
        %parallel_loop3A_608 = arith.index_cast %parallel_loop3A_396 : i32 to index
        %parallel_loop3A_609 = arith.constant 48 : index
        %parallel_loop3A_610 = tpu.vector_load %arg14[%parallel_loop3A_607, %parallel_loop3A_608, %parallel_loop3A_609] {strides = array<i32>} : memref<2x64x144xf32, #tpu.memory_space<vmem>>, vector<1x1x16xf32>,
        %parallel_loop3A_611 = vector.shape_cast %parallel_loop3A_610 : vector<1x1x16xf32> to vector<16xf32>
        %parallel_loop3A_612 = vector.shape_cast %parallel_loop3A_605 : vector<16xf32> to vector<1x1x16xf32>
        tpu.vector_store %arg14[%parallel_loop3A_607, %parallel_loop3A_608, %parallel_loop3A_609], %parallel_loop3A_612 {strides = array<i32>} : memref<2x64x144xf32, #tpu.memory_space<vmem>>, vector<1x1x16xf32>,
        %parallel_loop3A_613 = arith.mulf %parallel_loop3A_466, %parallel_loop3A_544 : vector<16xf32>
        %parallel_loop3A_614 = arith.constant 0 : i32
        %parallel_loop3A_615 = arith.index_cast %parallel_loop3A_614 : i32 to index
        %parallel_loop3A_616 = arith.index_cast %parallel_loop3A_396 : i32 to index
        %parallel_loop3A_617 = arith.constant 64 : index
        %parallel_loop3A_618 = tpu.vector_load %arg14[%parallel_loop3A_615, %parallel_loop3A_616, %parallel_loop3A_617] {strides = array<i32>} : memref<2x64x144xf32, #tpu.memory_space<vmem>>, vector<1x1x16xf32>,
        %parallel_loop3A_619 = vector.shape_cast %parallel_loop3A_618 : vector<1x1x16xf32> to vector<16xf32>
        %parallel_loop3A_620 = vector.shape_cast %parallel_loop3A_613 : vector<16xf32> to vector<1x1x16xf32>
        tpu.vector_store %arg14[%parallel_loop3A_615, %parallel_loop3A_616, %parallel_loop3A_617], %parallel_loop3A_620 {strides = array<i32>} : memref<2x64x144xf32, #tpu.memory_space<vmem>>, vector<1x1x16xf32>,
        %parallel_loop3A_621 = arith.mulf %parallel_loop3A_472, %parallel_loop3A_556 : vector<16xf32>
        %parallel_loop3A_622 = arith.constant 0 : i32
        %parallel_loop3A_623 = arith.index_cast %parallel_loop3A_622 : i32 to index
        %parallel_loop3A_624 = arith.index_cast %parallel_loop3A_396 : i32 to index
        %parallel_loop3A_625 = arith.constant 80 : index
        %parallel_loop3A_626 = tpu.vector_load %arg14[%parallel_loop3A_623, %parallel_loop3A_624, %parallel_loop3A_625] {strides = array<i32>} : memref<2x64x144xf32, #tpu.memory_space<vmem>>, vector<1x1x16xf32>,
        %parallel_loop3A_627 = vector.shape_cast %parallel_loop3A_626 : vector<1x1x16xf32> to vector<16xf32>
        %parallel_loop3A_628 = vector.shape_cast %parallel_loop3A_621 : vector<16xf32> to vector<1x1x16xf32>
        tpu.vector_store %arg14[%parallel_loop3A_623, %parallel_loop3A_624, %parallel_loop3A_625], %parallel_loop3A_628 {strides = array<i32>} : memref<2x64x144xf32, #tpu.memory_space<vmem>>, vector<1x1x16xf32>,
        %parallel_loop3A_629 = arith.mulf %parallel_loop3A_478, %parallel_loop3A_568 : vector<16xf32>
        %parallel_loop3A_630 = arith.constant 0 : i32
        %parallel_loop3A_631 = arith.index_cast %parallel_loop3A_630 : i32 to index
        %parallel_loop3A_632 = arith.index_cast %parallel_loop3A_396 : i32 to index
        %parallel_loop3A_633 = arith.constant 96 : index
        %parallel_loop3A_634 = tpu.vector_load %arg14[%parallel_loop3A_631, %parallel_loop3A_632, %parallel_loop3A_633] {strides = array<i32>} : memref<2x64x144xf32, #tpu.memory_space<vmem>>, vector<1x1x16xf32>,
        %parallel_loop3A_635 = vector.shape_cast %parallel_loop3A_634 : vector<1x1x16xf32> to vector<16xf32>
        %parallel_loop3A_636 = vector.shape_cast %parallel_loop3A_629 : vector<16xf32> to vector<1x1x16xf32>
        tpu.vector_store %arg14[%parallel_loop3A_631, %parallel_loop3A_632, %parallel_loop3A_633], %parallel_loop3A_636 {strides = array<i32>} : memref<2x64x144xf32, #tpu.memory_space<vmem>>, vector<1x1x16xf32>,
        %parallel_loop3A_637 = arith.mulf %parallel_loop3A_484, %parallel_loop3A_580 : vector<16xf32>
        %parallel_loop3A_638 = arith.constant 0 : i32
        %parallel_loop3A_639 = arith.index_cast %parallel_loop3A_638 : i32 to index
        %parallel_loop3A_640 = arith.index_cast %parallel_loop3A_396 : i32 to index
        %parallel_loop3A_641 = arith.constant 112 : index
        %parallel_loop3A_642 = tpu.vector_load %arg14[%parallel_loop3A_639, %parallel_loop3A_640, %parallel_loop3A_641] {strides = array<i32>} : memref<2x64x144xf32, #tpu.memory_space<vmem>>, vector<1x1x16xf32>,
        %parallel_loop3A_643 = vector.shape_cast %parallel_loop3A_642 : vector<1x1x16xf32> to vector<16xf32>
        %parallel_loop3A_644 = vector.shape_cast %parallel_loop3A_637 : vector<16xf32> to vector<1x1x16xf32>
        tpu.vector_store %arg14[%parallel_loop3A_639, %parallel_loop3A_640, %parallel_loop3A_641], %parallel_loop3A_644 {strides = array<i32>} : memref<2x64x144xf32, #tpu.memory_space<vmem>>, vector<1x1x16xf32>,
      } {sc.loop_unroll_factor = 4 : i64, sc.parallel_access}
      %jit3A_245 = arith.constant 4 : i32
      %eq3A_246 = arith.constant 0 : i32
      %eq3A_247 = arith.cmpi eq, %jit3A_245, %eq3A_246 : i32
      %jit3A_248 = arith.constant 1 : i32
      %select_n3A_249 = arith.select %eq3A_247, %jit3A_248, %jit3A_245 : i32
      %rem3A_250 = arith.remsi %add3A_180, %select_n3A_249 : i32
      %ne3A_251 = arith.constant 0 : i32
      %ne3A_252 = arith.cmpi ne, %rem3A_250, %ne3A_251 : i32
      %lt3A_253 = arith.constant 0 : i32
      %lt3A_254 = arith.cmpi slt, %rem3A_250, %lt3A_253 : i32
      %lt3A_255 = arith.constant 0 : i32
      %lt3A_256 = arith.cmpi slt, %select_n3A_249, %lt3A_255 : i32
      %ne3A_257 = arith.xori %lt3A_254, %lt3A_256 : i1
      %and3A_258 = arith.andi %ne3A_257, %ne3A_252 : i1
      %add3A_259 = arith.addi %rem3A_250, %select_n3A_249 : i32
      %select_n3A_260 = arith.select %and3A_258, %add3A_259, %rem3A_250 : i32
      %dma_start3A_261 = arith.constant 0 : i32
      %dma_start3A_262 = arith.constant 0 : i32
      %dma_start3A_263 = arith.constant 0 : i32
      %dma_start3A_264 = arith.constant 0 : i32
      %dma_start3A_265 = tpu.memref_slice %arg14[%dma_start3A_261, %dma_start3A_263, %dma_start3A_264] : memref<2x64x144xf32, #tpu.memory_space<vmem>> -> memref<1x64x144xf32, #tpu.memory_space<vmem>>
      %dma_start3A_266 = tpu.memref_squeeze %dma_start3A_265 : memref<1x64x144xf32, #tpu.memory_space<vmem>> -> memref<64x144xf32, #tpu.memory_space<vmem>>
      %dma_start3A_267 = arith.constant 0 : i32
      %dma_start3A_268 = tpu.memref_slice %arg10[%select_n3A_260, %dma_start3A_267] : memref<4x64xi32, #tpu.memory_space<vmem>> -> memref<1x64xi32, #tpu.memory_space<vmem>>
      %dma_start3A_269 = tpu.memref_squeeze %dma_start3A_268 : memref<1x64xi32, #tpu.memory_space<vmem>> -> memref<64xi32, #tpu.memory_space<vmem>>
      %dma_start3A_270 = arith.constant 0 : i32
      %dma_start3A_271 = arith.constant 0 : i32
      %dma_start3A_272 = tpu.memref_slice %arg15[%dma_start3A_270, %dma_start3A_271] : memref<10112x144xf32, #tpu.memory_space<vmem_shared>> -> memref<10112x144xf32, #tpu.memory_space<vmem_shared>>
      %dma_start3A_273 = tpu.memref_slice %arg20[%dma_start3A_262] : memref<2x!tpu.dma_semaphore, #tpu.memory_space<semaphore_mem>> -> memref<1x!tpu.dma_semaphore, #tpu.memory_space<semaphore_mem>>
      %dma_start3A_274 = tpu.memref_squeeze %dma_start3A_273 : memref<1x!tpu.dma_semaphore, #tpu.memory_space<semaphore_mem>> -> memref<!tpu.dma_semaphore, #tpu.memory_space<semaphore_mem>>
      tpu.enqueue_indirect_dma source(%dma_start3A_266 : memref<64x144xf32, #tpu.memory_space<vmem>>) target(%dma_start3A_272 : memref<10112x144xf32, #tpu.memory_space<vmem_shared>>) offsets(%dma_start3A_269 : memref<64xi32, #tpu.memory_space<vmem>>) semaphore(%dma_start3A_274 : memref<!tpu.dma_semaphore, #tpu.memory_space<semaphore_mem>>) {add = true}
      %add3A_275 = arith.constant 2 : i32
      %add3A_276 = arith.addi %add3A_180, %add3A_275 : i32
      %lt3A_277 = arith.constant 162 : i32
      %lt3A_278 = arith.cmpi slt, %add3A_276, %lt3A_277 : i32
      %convert_element_type3A_279 = arith.extui %lt3A_278 : i1 to i32
      %cond3A_280 = arith.constant 0 : i32
      %cond3A_281 = arith.cmpi ne, %convert_element_type3A_279, %cond3A_280 : i32
      scf.if %cond3A_281 {
        %add3A_396 = arith.constant 2 : i32
        %add3A_397 = arith.addi %add3A_180, %add3A_396 : i32
        %add3A_398 = arith.constant 2 : i32
        %add3A_399 = arith.addi %add3A_180, %add3A_398 : i32
        %jit3A_400 = arith.constant 4 : i32
        %eq3A_401 = arith.constant 0 : i32
        %eq3A_402 = arith.cmpi eq, %jit3A_400, %eq3A_401 : i32
        %jit3A_403 = arith.constant 1 : i32
        %select_n3A_404 = arith.select %eq3A_402, %jit3A_403, %jit3A_400 : i32
        %rem3A_405 = arith.remsi %add3A_399, %select_n3A_404 : i32
        %ne3A_406 = arith.constant 0 : i32
        %ne3A_407 = arith.cmpi ne, %rem3A_405, %ne3A_406 : i32
        %lt3A_408 = arith.constant 0 : i32
        %lt3A_409 = arith.cmpi slt, %rem3A_405, %lt3A_408 : i32
        %lt3A_410 = arith.constant 0 : i32
        %lt3A_411 = arith.cmpi slt, %select_n3A_404, %lt3A_410 : i32
        %ne3A_412 = arith.xori %lt3A_409, %lt3A_411 : i1
        %and3A_413 = arith.andi %ne3A_412, %ne3A_407 : i1
        %add3A_414 = arith.addi %rem3A_405, %select_n3A_404 : i32
        %select_n3A_415 = arith.select %and3A_413, %add3A_414, %rem3A_405 : i32
        %mul3A_416 = arith.constant 162 : i32
        %mul3A_417 = arith.muli %add3A, %mul3A_416 : i32
        %add3A_418 = arith.addi %mul3A_417, %add3A_397 : i32
        %mul3A_419 = arith.constant 64 : i32
        %mul3A_420 = arith.muli %add3A_418, %mul3A_419 : i32
        %dma_start3A_421 = arith.constant 0 : i32
        %dma_start3A_422 = arith.constant 0 : i32
        %dma_start3A_423 = arith.constant 0 : i32
        %dma_start3A_424 = tpu.memref_slice %arg9[%dma_start3A_421, %dma_start3A_423] : memref<2x64xi32, #tpu.memory_space<vmem>> -> memref<1x64xi32, #tpu.memory_space<vmem>>
        %dma_start3A_425 = tpu.memref_squeeze %dma_start3A_424 : memref<1x64xi32, #tpu.memory_space<vmem>> -> memref<64xi32, #tpu.memory_space<vmem>>
        %dma_start3A_426 = tpu.memref_slice %arg2[%mul3A_420] : memref<331776xi32, #tpu.memory_space<hbm>> -> memref<64xi32, #tpu.memory_space<hbm>>
        %dma_start3A_427 = tpu.memref_slice %arg16[%dma_start3A_422] : memref<2x!tpu.dma_semaphore, #tpu.memory_space<semaphore_mem>> -> memref<1x!tpu.dma_semaphore, #tpu.memory_space<semaphore_mem>>
        %dma_start3A_428 = tpu.memref_squeeze %dma_start3A_427 : memref<1x!tpu.dma_semaphore, #tpu.memory_space<semaphore_mem>> -> memref<!tpu.dma_semaphore, #tpu.memory_space<semaphore_mem>>
        %dma_start3A_429 = arith.constant 0 : i32
        %dma_start3A_430 = tpu.memref_slice %arg9[%dma_start3A_421, %dma_start3A_429] : memref<2x64xi32, #tpu.memory_space<vmem>> -> memref<1x64xi32, #tpu.memory_space<vmem>>
        %dma_start3A_431 = tpu.memref_squeeze %dma_start3A_430 : memref<1x64xi32, #tpu.memory_space<vmem>> -> memref<64xi32, #tpu.memory_space<vmem>>
        %dma_start3A_432 = tpu.memref_slice %arg2[%mul3A_420] : memref<331776xi32, #tpu.memory_space<hbm>> -> memref<64xi32, #tpu.memory_space<hbm>>
        tpu.enqueue_dma source(%dma_start3A_432 : memref<64xi32, #tpu.memory_space<hbm>>) target(%dma_start3A_431 : memref<64xi32, #tpu.memory_space<vmem>>) target_semaphore(%dma_start3A_428 : memref<!tpu.dma_semaphore, #tpu.memory_space<semaphore_mem>>)
        %dma_start3A_433 = arith.constant 0 : i32
        %dma_start3A_434 = arith.constant 0 : i32
        %dma_start3A_435 = tpu.memref_slice %arg10[%select_n3A_415, %dma_start3A_434] : memref<4x64xi32, #tpu.memory_space<vmem>> -> memref<1x64xi32, #tpu.memory_space<vmem>>
        %dma_start3A_436 = tpu.memref_squeeze %dma_start3A_435 : memref<1x64xi32, #tpu.memory_space<vmem>> -> memref<64xi32, #tpu.memory_space<vmem>>
        %dma_start3A_437 = tpu.memref_slice %arg3[%mul3A_420] : memref<331776xi32, #tpu.memory_space<hbm>> -> memref<64xi32, #tpu.memory_space<hbm>>
        %dma_start3A_438 = tpu.memref_slice %arg16[%dma_start3A_433] : memref<2x!tpu.dma_semaphore, #tpu.memory_space<semaphore_mem>> -> memref<1x!tpu.dma_semaphore, #tpu.memory_space<semaphore_mem>>
        %dma_start3A_439 = tpu.memref_squeeze %dma_start3A_438 : memref<1x!tpu.dma_semaphore, #tpu.memory_space<semaphore_mem>> -> memref<!tpu.dma_semaphore, #tpu.memory_space<semaphore_mem>>
        %dma_start3A_440 = arith.constant 0 : i32
        %dma_start3A_441 = tpu.memref_slice %arg10[%select_n3A_415, %dma_start3A_440] : memref<4x64xi32, #tpu.memory_space<vmem>> -> memref<1x64xi32, #tpu.memory_space<vmem>>
        %dma_start3A_442 = tpu.memref_squeeze %dma_start3A_441 : memref<1x64xi32, #tpu.memory_space<vmem>> -> memref<64xi32, #tpu.memory_space<vmem>>
        %dma_start3A_443 = tpu.memref_slice %arg3[%mul3A_420] : memref<331776xi32, #tpu.memory_space<hbm>> -> memref<64xi32, #tpu.memory_space<hbm>>
        tpu.enqueue_dma source(%dma_start3A_443 : memref<64xi32, #tpu.memory_space<hbm>>) target(%dma_start3A_442 : memref<64xi32, #tpu.memory_space<vmem>>) target_semaphore(%dma_start3A_439 : memref<!tpu.dma_semaphore, #tpu.memory_space<semaphore_mem>>)
      } else {
      }
      %add3A_282 = arith.constant 1 : i32
      %add3A_283 = arith.addi %mul3A_178, %add3A_282 : i32
      %jit3A_284 = arith.constant 4 : i32
      %eq3A_285 = arith.constant 0 : i32
      %eq3A_286 = arith.cmpi eq, %jit3A_284, %eq3A_285 : i32
      %jit3A_287 = arith.constant 1 : i32
      %select_n3A_288 = arith.select %eq3A_286, %jit3A_287, %jit3A_284 : i32
      %rem3A_289 = arith.remsi %add3A_283, %select_n3A_288 : i32
      %ne3A_290 = arith.constant 0 : i32
      %ne3A_291 = arith.cmpi ne, %rem3A_289, %ne3A_290 : i32
      %lt3A_292 = arith.constant 0 : i32
      %lt3A_293 = arith.cmpi slt, %rem3A_289, %lt3A_292 : i32
      %lt3A_294 = arith.constant 0 : i32
      %lt3A_295 = arith.cmpi slt, %select_n3A_288, %lt3A_294 : i32
      %ne3A_296 = arith.xori %lt3A_293, %lt3A_295 : i1
      %and3A_297 = arith.andi %ne3A_296, %ne3A_291 : i1
      %add3A_298 = arith.addi %rem3A_289, %select_n3A_288 : i32
      %select_n3A_299 = arith.select %and3A_297, %add3A_298, %rem3A_289 : i32
      %dma_wait3A_300 = arith.constant 1 : i32
      %dma_wait3A_301 = arith.constant 1 : i32
      %dma_wait3A_302 = arith.constant 1 : i32
      %dma_wait3A_303 = arith.constant 0 : i32
      %dma_wait3A_304 = arith.constant 0 : i32
      %dma_wait3A_305 = tpu.memref_slice %arg11[%dma_wait3A_301, %dma_wait3A_303, %dma_wait3A_304] : memref<2x64x128xf32, #tpu.memory_space<vmem>> -> memref<1x64x128xf32, #tpu.memory_space<vmem>>
      %dma_wait3A_306 = tpu.memref_squeeze %dma_wait3A_305 : memref<1x64x128xf32, #tpu.memory_space<vmem>> -> memref<64x128xf32, #tpu.memory_space<vmem>>
      %dma_wait3A_307 = arith.constant 0 : i32
      %dma_wait3A_308 = tpu.memref_slice %arg9[%dma_wait3A_300, %dma_wait3A_307] : memref<2x64xi32, #tpu.memory_space<vmem>> -> memref<1x64xi32, #tpu.memory_space<vmem>>
      %dma_wait3A_309 = tpu.memref_squeeze %dma_wait3A_308 : memref<1x64xi32, #tpu.memory_space<vmem>> -> memref<64xi32, #tpu.memory_space<vmem>>
      %dma_wait3A_310 = arith.constant 0 : i32
      %dma_wait3A_311 = arith.constant 0 : i32
      %dma_wait3A_312 = tpu.memref_slice %arg4[%dma_wait3A_310, %dma_wait3A_311] : memref<10000x128xf32, #tpu.memory_space<hbm>> -> memref<10000x128xf32, #tpu.memory_space<hbm>>
      %dma_wait3A_313 = tpu.memref_slice %arg17[%dma_wait3A_302] : memref<2x!tpu.dma_semaphore, #tpu.memory_space<semaphore_mem>> -> memref<1x!tpu.dma_semaphore, #tpu.memory_space<semaphore_mem>>
      %dma_wait3A_314 = tpu.memref_squeeze %dma_wait3A_313 : memref<1x!tpu.dma_semaphore, #tpu.memory_space<semaphore_mem>> -> memref<!tpu.dma_semaphore, #tpu.memory_space<semaphore_mem>>
      tpu.wait_indirect_dma semaphore(%dma_wait3A_314 : memref<!tpu.dma_semaphore, #tpu.memory_space<semaphore_mem>>) src(%dma_wait3A_312 : memref<10000x128xf32, #tpu.memory_space<hbm>>) dst(%dma_wait3A_306 : memref<64x128xf32, #tpu.memory_space<vmem>>)
      %dma_wait3A_315 = arith.constant 1 : i32
      %dma_wait3A_316 = arith.constant 1 : i32
      %dma_wait3A_317 = arith.constant 1 : i32
      %dma_wait3A_318 = arith.constant 0 : i32
      %dma_wait3A_319 = arith.constant 0 : i32
      %dma_wait3A_320 = tpu.memref_slice %arg12[%dma_wait3A_316, %dma_wait3A_318, %dma_wait3A_319] : memref<2x64x16xf32, #tpu.memory_space<vmem>> -> memref<1x64x16xf32, #tpu.memory_space<vmem>>
      %dma_wait3A_321 = tpu.memref_squeeze %dma_wait3A_320 : memref<1x64x16xf32, #tpu.memory_space<vmem>> -> memref<64x16xf32, #tpu.memory_space<vmem>>
      %dma_wait3A_322 = arith.constant 0 : i32
      %dma_wait3A_323 = tpu.memref_slice %arg9[%dma_wait3A_315, %dma_wait3A_322] : memref<2x64xi32, #tpu.memory_space<vmem>> -> memref<1x64xi32, #tpu.memory_space<vmem>>
      %dma_wait3A_324 = tpu.memref_squeeze %dma_wait3A_323 : memref<1x64xi32, #tpu.memory_space<vmem>> -> memref<64xi32, #tpu.memory_space<vmem>>
      %dma_wait3A_325 = arith.constant 0 : i32
      %dma_wait3A_326 = arith.constant 0 : i32
      %dma_wait3A_327 = tpu.memref_slice %arg5[%dma_wait3A_325, %dma_wait3A_326] : memref<10000x16xf32, #tpu.memory_space<hbm>> -> memref<10000x16xf32, #tpu.memory_space<hbm>>
      %dma_wait3A_328 = tpu.memref_slice %arg18[%dma_wait3A_317] : memref<2x!tpu.dma_semaphore, #tpu.memory_space<semaphore_mem>> -> memref<1x!tpu.dma_semaphore, #tpu.memory_space<semaphore_mem>>
      %dma_wait3A_329 = tpu.memref_squeeze %dma_wait3A_328 : memref<1x!tpu.dma_semaphore, #tpu.memory_space<semaphore_mem>> -> memref<!tpu.dma_semaphore, #tpu.memory_space<semaphore_mem>>
      tpu.wait_indirect_dma semaphore(%dma_wait3A_329 : memref<!tpu.dma_semaphore, #tpu.memory_space<semaphore_mem>>) src(%dma_wait3A_327 : memref<10000x16xf32, #tpu.memory_space<hbm>>) dst(%dma_wait3A_321 : memref<64x16xf32, #tpu.memory_space<vmem>>)
      %dma_wait3A_330 = arith.constant 1 : i32
      %dma_wait3A_331 = arith.constant 1 : i32
      %dma_wait3A_332 = arith.constant 0 : i32
      %dma_wait3A_333 = arith.constant 0 : i32
      %dma_wait3A_334 = tpu.memref_slice %arg13[%dma_wait3A_330, %dma_wait3A_332, %dma_wait3A_333] : memref<2x64x16xf32, #tpu.memory_space<vmem>> -> memref<1x64x16xf32, #tpu.memory_space<vmem>>
      %dma_wait3A_335 = tpu.memref_squeeze %dma_wait3A_334 : memref<1x64x16xf32, #tpu.memory_space<vmem>> -> memref<64x16xf32, #tpu.memory_space<vmem>>
      %dma_wait3A_336 = arith.constant 0 : i32
      %dma_wait3A_337 = tpu.memref_slice %arg10[%select_n3A_299, %dma_wait3A_336] : memref<4x64xi32, #tpu.memory_space<vmem>> -> memref<1x64xi32, #tpu.memory_space<vmem>>
      %dma_wait3A_338 = tpu.memref_squeeze %dma_wait3A_337 : memref<1x64xi32, #tpu.memory_space<vmem>> -> memref<64xi32, #tpu.memory_space<vmem>>
      %dma_wait3A_339 = arith.constant 0 : i32
      %dma_wait3A_340 = arith.constant 0 : i32
      %dma_wait3A_341 = tpu.memref_slice %arg6[%dma_wait3A_339, %dma_wait3A_340] : memref<10112x16xf32, #tpu.memory_space<hbm>> -> memref<10112x16xf32, #tpu.memory_space<hbm>>
      %dma_wait3A_342 = tpu.memref_slice %arg19[%dma_wait3A_331] : memref<2x!tpu.dma_semaphore, #tpu.memory_space<semaphore_mem>> -> memref<1x!tpu.dma_semaphore, #tpu.memory_space<semaphore_mem>>
      %dma_wait3A_343 = tpu.memref_squeeze %dma_wait3A_342 : memref<1x!tpu.dma_semaphore, #tpu.memory_space<semaphore_mem>> -> memref<!tpu.dma_semaphore, #tpu.memory_space<semaphore_mem>>
      tpu.wait_indirect_dma semaphore(%dma_wait3A_343 : memref<!tpu.dma_semaphore, #tpu.memory_space<semaphore_mem>>) src(%dma_wait3A_341 : memref<10112x16xf32, #tpu.memory_space<hbm>>) dst(%dma_wait3A_335 : memref<64x16xf32, #tpu.memory_space<vmem>>)
      %add3A_344 = arith.constant 1 : i32
      %add3A_345 = arith.addi %add3A_283, %add3A_344 : i32
      %lt3A_346 = arith.constant 162 : i32
      %lt3A_347 = arith.cmpi slt, %add3A_345, %lt3A_346 : i32
      %convert_element_type3A_348 = arith.extui %lt3A_347 : i1 to i32
      %cond3A_349 = arith.constant 0 : i32
      %cond3A_350 = arith.cmpi ne, %convert_element_type3A_348, %cond3A_349 : i32
      scf.if %cond3A_350 {
        %add3A_396 = arith.constant 1 : i32
        %add3A_397 = arith.addi %add3A_283, %add3A_396 : i32
        %jit3A_398 = arith.constant 4 : i32
        %eq3A_399 = arith.constant 0 : i32
        %eq3A_400 = arith.cmpi eq, %jit3A_398, %eq3A_399 : i32
        %jit3A_401 = arith.constant 1 : i32
        %select_n3A_402 = arith.select %eq3A_400, %jit3A_401, %jit3A_398 : i32
        %rem3A_403 = arith.remsi %add3A_397, %select_n3A_402 : i32
        %ne3A_404 = arith.constant 0 : i32
        %ne3A_405 = arith.cmpi ne, %rem3A_403, %ne3A_404 : i32
        %lt3A_406 = arith.constant 0 : i32
        %lt3A_407 = arith.cmpi slt, %rem3A_403, %lt3A_406 : i32
        %lt3A_408 = arith.constant 0 : i32
        %lt3A_409 = arith.cmpi slt, %select_n3A_402, %lt3A_408 : i32
        %ne3A_410 = arith.xori %lt3A_407, %lt3A_409 : i1
        %and3A_411 = arith.andi %ne3A_410, %ne3A_405 : i1
        %add3A_412 = arith.addi %rem3A_403, %select_n3A_402 : i32
        %select_n3A_413 = arith.select %and3A_411, %add3A_412, %rem3A_403 : i32
        %dma_wait3A_414 = arith.constant 0 : i32
        %dma_wait3A_415 = arith.constant 0 : i32
        %dma_wait3A_416 = arith.constant 0 : i32
        %dma_wait3A_417 = tpu.memref_slice %arg9[%dma_wait3A_414, %dma_wait3A_416] : memref<2x64xi32, #tpu.memory_space<vmem>> -> memref<1x64xi32, #tpu.memory_space<vmem>>
        %dma_wait3A_418 = tpu.memref_squeeze %dma_wait3A_417 : memref<1x64xi32, #tpu.memory_space<vmem>> -> memref<64xi32, #tpu.memory_space<vmem>>
        %dma_wait3A_419 = arith.constant 0 : i32
        %dma_wait3A_420 = tpu.memref_slice %arg2[%dma_wait3A_419] : memref<331776xi32, #tpu.memory_space<hbm>> -> memref<64xi32, #tpu.memory_space<hbm>>
        %dma_wait3A_421 = tpu.memref_slice %arg16[%dma_wait3A_415] : memref<2x!tpu.dma_semaphore, #tpu.memory_space<semaphore_mem>> -> memref<1x!tpu.dma_semaphore, #tpu.memory_space<semaphore_mem>>
        %dma_wait3A_422 = tpu.memref_squeeze %dma_wait3A_421 : memref<1x!tpu.dma_semaphore, #tpu.memory_space<semaphore_mem>> -> memref<!tpu.dma_semaphore, #tpu.memory_space<semaphore_mem>>
        %dma_wait3A_423 = arith.constant 0 : i32
        %dma_wait3A_424 = tpu.memref_slice %arg9[%dma_wait3A_414, %dma_wait3A_423] : memref<2x64xi32, #tpu.memory_space<vmem>> -> memref<1x64xi32, #tpu.memory_space<vmem>>
        %dma_wait3A_425 = tpu.memref_squeeze %dma_wait3A_424 : memref<1x64xi32, #tpu.memory_space<vmem>> -> memref<64xi32, #tpu.memory_space<vmem>>
        %dma_wait3A_426 = arith.constant 0 : i32
        %dma_wait3A_427 = tpu.memref_slice %arg2[%dma_wait3A_426] : memref<331776xi32, #tpu.memory_space<hbm>> -> memref<64xi32, #tpu.memory_space<hbm>>
        tpu.wait_dma2 semaphore(%dma_wait3A_422 : memref<!tpu.dma_semaphore, #tpu.memory_space<semaphore_mem>>) src(%dma_wait3A_427 : memref<64xi32, #tpu.memory_space<hbm>>) dst(%dma_wait3A_425 : memref<64xi32, #tpu.memory_space<vmem>>)
        %dma_wait3A_428 = arith.constant 0 : i32
        %dma_wait3A_429 = arith.constant 0 : i32
        %dma_wait3A_430 = tpu.memref_slice %arg10[%select_n3A_413, %dma_wait3A_429] : memref<4x64xi32, #tpu.memory_space<vmem>> -> memref<1x64xi32, #tpu.memory_space<vmem>>
        %dma_wait3A_431 = tpu.memref_squeeze %dma_wait3A_430 : memref<1x64xi32, #tpu.memory_space<vmem>> -> memref<64xi32, #tpu.memory_space<vmem>>
        %dma_wait3A_432 = arith.constant 0 : i32
        %dma_wait3A_433 = tpu.memref_slice %arg3[%dma_wait3A_432] : memref<331776xi32, #tpu.memory_space<hbm>> -> memref<64xi32, #tpu.memory_space<hbm>>
        %dma_wait3A_434 = tpu.memref_slice %arg16[%dma_wait3A_428] : memref<2x!tpu.dma_semaphore, #tpu.memory_space<semaphore_mem>> -> memref<1x!tpu.dma_semaphore, #tpu.memory_space<semaphore_mem>>
        %dma_wait3A_435 = tpu.memref_squeeze %dma_wait3A_434 : memref<1x!tpu.dma_semaphore, #tpu.memory_space<semaphore_mem>> -> memref<!tpu.dma_semaphore, #tpu.memory_space<semaphore_mem>>
        %dma_wait3A_436 = arith.constant 0 : i32
        %dma_wait3A_437 = tpu.memref_slice %arg10[%select_n3A_413, %dma_wait3A_436] : memref<4x64xi32, #tpu.memory_space<vmem>> -> memref<1x64xi32, #tpu.memory_space<vmem>>
        %dma_wait3A_438 = tpu.memref_squeeze %dma_wait3A_437 : memref<1x64xi32, #tpu.memory_space<vmem>> -> memref<64xi32, #tpu.memory_space<vmem>>
        %dma_wait3A_439 = arith.constant 0 : i32
        %dma_wait3A_440 = tpu.memref_slice %arg3[%dma_wait3A_439] : memref<331776xi32, #tpu.memory_space<hbm>> -> memref<64xi32, #tpu.memory_space<hbm>>
        tpu.wait_dma2 semaphore(%dma_wait3A_435 : memref<!tpu.dma_semaphore, #tpu.memory_space<semaphore_mem>>) src(%dma_wait3A_440 : memref<64xi32, #tpu.memory_space<hbm>>) dst(%dma_wait3A_438 : memref<64xi32, #tpu.memory_space<vmem>>)
        %add3A_441 = arith.constant 1 : i32
        %add3A_442 = arith.addi %add3A_283, %add3A_441 : i32
        %jit3A_443 = arith.constant 4 : i32
        %eq3A_444 = arith.constant 0 : i32
        %eq3A_445 = arith.cmpi eq, %jit3A_443, %eq3A_444 : i32
        %jit3A_446 = arith.constant 1 : i32
        %select_n3A_447 = arith.select %eq3A_445, %jit3A_446, %jit3A_443 : i32
        %rem3A_448 = arith.remsi %add3A_442, %select_n3A_447 : i32
        %ne3A_449 = arith.constant 0 : i32
        %ne3A_450 = arith.cmpi ne, %rem3A_448, %ne3A_449 : i32
        %lt3A_451 = arith.constant 0 : i32
        %lt3A_452 = arith.cmpi slt, %rem3A_448, %lt3A_451 : i32
        %lt3A_453 = arith.constant 0 : i32
        %lt3A_454 = arith.cmpi slt, %select_n3A_447, %lt3A_453 : i32
        %ne3A_455 = arith.xori %lt3A_452, %lt3A_454 : i1
        %and3A_456 = arith.andi %ne3A_455, %ne3A_450 : i1
        %add3A_457 = arith.addi %rem3A_448, %select_n3A_447 : i32
        %select_n3A_458 = arith.select %and3A_456, %add3A_457, %rem3A_448 : i32
        %dma_start3A_459 = arith.constant 0 : i32
        %dma_start3A_460 = arith.constant 0 : i32
        %dma_start3A_461 = arith.constant 0 : i32
        %dma_start3A_462 = arith.constant 0 : i32
        %dma_start3A_463 = arith.constant 0 : i32
        %dma_start3A_464 = tpu.memref_slice %arg11[%dma_start3A_460, %dma_start3A_462, %dma_start3A_463] : memref<2x64x128xf32, #tpu.memory_space<vmem>> -> memref<1x64x128xf32, #tpu.memory_space<vmem>>
        %dma_start3A_465 = tpu.memref_squeeze %dma_start3A_464 : memref<1x64x128xf32, #tpu.memory_space<vmem>> -> memref<64x128xf32, #tpu.memory_space<vmem>>
        %dma_start3A_466 = arith.constant 0 : i32
        %dma_start3A_467 = tpu.memref_slice %arg9[%dma_start3A_459, %dma_start3A_466] : memref<2x64xi32, #tpu.memory_space<vmem>> -> memref<1x64xi32, #tpu.memory_space<vmem>>
        %dma_start3A_468 = tpu.memref_squeeze %dma_start3A_467 : memref<1x64xi32, #tpu.memory_space<vmem>> -> memref<64xi32, #tpu.memory_space<vmem>>
        %dma_start3A_469 = arith.constant 0 : i32
        %dma_start3A_470 = arith.constant 0 : i32
        %dma_start3A_471 = tpu.memref_slice %arg4[%dma_start3A_469, %dma_start3A_470] : memref<10000x128xf32, #tpu.memory_space<hbm>> -> memref<10000x128xf32, #tpu.memory_space<hbm>>
        %dma_start3A_472 = tpu.memref_slice %arg17[%dma_start3A_461] : memref<2x!tpu.dma_semaphore, #tpu.memory_space<semaphore_mem>> -> memref<1x!tpu.dma_semaphore, #tpu.memory_space<semaphore_mem>>
        %dma_start3A_473 = tpu.memref_squeeze %dma_start3A_472 : memref<1x!tpu.dma_semaphore, #tpu.memory_space<semaphore_mem>> -> memref<!tpu.dma_semaphore, #tpu.memory_space<semaphore_mem>>
        tpu.enqueue_indirect_dma source(%dma_start3A_471 : memref<10000x128xf32, #tpu.memory_space<hbm>>) target(%dma_start3A_465 : memref<64x128xf32, #tpu.memory_space<vmem>>) offsets(%dma_start3A_468 : memref<64xi32, #tpu.memory_space<vmem>>) semaphore(%dma_start3A_473 : memref<!tpu.dma_semaphore, #tpu.memory_space<semaphore_mem>>)
        %dma_start3A_474 = arith.constant 0 : i32
        %dma_start3A_475 = arith.constant 0 : i32
        %dma_start3A_476 = arith.constant 0 : i32
        %dma_start3A_477 = arith.constant 0 : i32
        %dma_start3A_478 = arith.constant 0 : i32
        %dma_start3A_479 = tpu.memref_slice %arg12[%dma_start3A_475, %dma_start3A_477, %dma_start3A_478] : memref<2x64x16xf32, #tpu.memory_space<vmem>> -> memref<1x64x16xf32, #tpu.memory_space<vmem>>
        %dma_start3A_480 = tpu.memref_squeeze %dma_start3A_479 : memref<1x64x16xf32, #tpu.memory_space<vmem>> -> memref<64x16xf32, #tpu.memory_space<vmem>>
        %dma_start3A_481 = arith.constant 0 : i32
        %dma_start3A_482 = tpu.memref_slice %arg9[%dma_start3A_474, %dma_start3A_481] : memref<2x64xi32, #tpu.memory_space<vmem>> -> memref<1x64xi32, #tpu.memory_space<vmem>>
        %dma_start3A_483 = tpu.memref_squeeze %dma_start3A_482 : memref<1x64xi32, #tpu.memory_space<vmem>> -> memref<64xi32, #tpu.memory_space<vmem>>
        %dma_start3A_484 = arith.constant 0 : i32
        %dma_start3A_485 = arith.constant 0 : i32
        %dma_start3A_486 = tpu.memref_slice %arg5[%dma_start3A_484, %dma_start3A_485] : memref<10000x16xf32, #tpu.memory_space<hbm>> -> memref<10000x16xf32, #tpu.memory_space<hbm>>
        %dma_start3A_487 = tpu.memref_slice %arg18[%dma_start3A_476] : memref<2x!tpu.dma_semaphore, #tpu.memory_space<semaphore_mem>> -> memref<1x!tpu.dma_semaphore, #tpu.memory_space<semaphore_mem>>
        %dma_start3A_488 = tpu.memref_squeeze %dma_start3A_487 : memref<1x!tpu.dma_semaphore, #tpu.memory_space<semaphore_mem>> -> memref<!tpu.dma_semaphore, #tpu.memory_space<semaphore_mem>>
        tpu.enqueue_indirect_dma source(%dma_start3A_486 : memref<10000x16xf32, #tpu.memory_space<hbm>>) target(%dma_start3A_480 : memref<64x16xf32, #tpu.memory_space<vmem>>) offsets(%dma_start3A_483 : memref<64xi32, #tpu.memory_space<vmem>>) semaphore(%dma_start3A_488 : memref<!tpu.dma_semaphore, #tpu.memory_space<semaphore_mem>>)
        %dma_start3A_489 = arith.constant 0 : i32
        %dma_start3A_490 = arith.constant 0 : i32
        %dma_start3A_491 = arith.constant 0 : i32
        %dma_start3A_492 = arith.constant 0 : i32
        %dma_start3A_493 = tpu.memref_slice %arg13[%dma_start3A_489, %dma_start3A_491, %dma_start3A_492] : memref<2x64x16xf32, #tpu.memory_space<vmem>> -> memref<1x64x16xf32, #tpu.memory_space<vmem>>
        %dma_start3A_494 = tpu.memref_squeeze %dma_start3A_493 : memref<1x64x16xf32, #tpu.memory_space<vmem>> -> memref<64x16xf32, #tpu.memory_space<vmem>>
        %dma_start3A_495 = arith.constant 0 : i32
        %dma_start3A_496 = tpu.memref_slice %arg10[%select_n3A_458, %dma_start3A_495] : memref<4x64xi32, #tpu.memory_space<vmem>> -> memref<1x64xi32, #tpu.memory_space<vmem>>
        %dma_start3A_497 = tpu.memref_squeeze %dma_start3A_496 : memref<1x64xi32, #tpu.memory_space<vmem>> -> memref<64xi32, #tpu.memory_space<vmem>>
        %dma_start3A_498 = arith.constant 0 : i32
        %dma_start3A_499 = arith.constant 0 : i32
        %dma_start3A_500 = tpu.memref_slice %arg6[%dma_start3A_498, %dma_start3A_499] : memref<10112x16xf32, #tpu.memory_space<hbm>> -> memref<10112x16xf32, #tpu.memory_space<hbm>>
        %dma_start3A_501 = tpu.memref_slice %arg19[%dma_start3A_490] : memref<2x!tpu.dma_semaphore, #tpu.memory_space<semaphore_mem>> -> memref<1x!tpu.dma_semaphore, #tpu.memory_space<semaphore_mem>>
        %dma_start3A_502 = tpu.memref_squeeze %dma_start3A_501 : memref<1x!tpu.dma_semaphore, #tpu.memory_space<semaphore_mem>> -> memref<!tpu.dma_semaphore, #tpu.memory_space<semaphore_mem>>
        tpu.enqueue_indirect_dma source(%dma_start3A_500 : memref<10112x16xf32, #tpu.memory_space<hbm>>) target(%dma_start3A_494 : memref<64x16xf32, #tpu.memory_space<vmem>>) offsets(%dma_start3A_497 : memref<64xi32, #tpu.memory_space<vmem>>) semaphore(%dma_start3A_502 : memref<!tpu.dma_semaphore, #tpu.memory_space<semaphore_mem>>)
      } else {
      }
      %ge3A_351 = arith.constant 2 : i32
      %ge3A_352 = arith.cmpi sge, %add3A_283, %ge3A_351 : i32
      %convert_element_type3A_353 = arith.extui %ge3A_352 : i1 to i32
      %cond3A_354 = arith.constant 0 : i32
      %cond3A_355 = arith.cmpi ne, %convert_element_type3A_353, %cond3A_354 : i32
      scf.if %cond3A_355 {
        %add3A_396 = arith.constant 2 : i32
        %add3A_397 = arith.addi %add3A_283, %add3A_396 : i32
        %jit3A_398 = arith.constant 4 : i32
        %eq3A_399 = arith.constant 0 : i32
        %eq3A_400 = arith.cmpi eq, %jit3A_398, %eq3A_399 : i32
        %jit3A_401 = arith.constant 1 : i32
        %select_n3A_402 = arith.select %eq3A_400, %jit3A_401, %jit3A_398 : i32
        %rem3A_403 = arith.remsi %add3A_397, %select_n3A_402 : i32
        %ne3A_404 = arith.constant 0 : i32
        %ne3A_405 = arith.cmpi ne, %rem3A_403, %ne3A_404 : i32
        %lt3A_406 = arith.constant 0 : i32
        %lt3A_407 = arith.cmpi slt, %rem3A_403, %lt3A_406 : i32
        %lt3A_408 = arith.constant 0 : i32
        %lt3A_409 = arith.cmpi slt, %select_n3A_402, %lt3A_408 : i32
        %ne3A_410 = arith.xori %lt3A_407, %lt3A_409 : i1
        %and3A_411 = arith.andi %ne3A_410, %ne3A_405 : i1
        %add3A_412 = arith.addi %rem3A_403, %select_n3A_402 : i32
        %select_n3A_413 = arith.select %and3A_411, %add3A_412, %rem3A_403 : i32
        %dma_wait3A_414 = arith.constant 1 : i32
        %dma_wait3A_415 = arith.constant 1 : i32
        %dma_wait3A_416 = arith.constant 0 : i32
        %dma_wait3A_417 = arith.constant 0 : i32
        %dma_wait3A_418 = tpu.memref_slice %arg14[%dma_wait3A_414, %dma_wait3A_416, %dma_wait3A_417] : memref<2x64x144xf32, #tpu.memory_space<vmem>> -> memref<1x64x144xf32, #tpu.memory_space<vmem>>
        %dma_wait3A_419 = tpu.memref_squeeze %dma_wait3A_418 : memref<1x64x144xf32, #tpu.memory_space<vmem>> -> memref<64x144xf32, #tpu.memory_space<vmem>>
        %dma_wait3A_420 = arith.constant 0 : i32
        %dma_wait3A_421 = tpu.memref_slice %arg10[%select_n3A_413, %dma_wait3A_420] : memref<4x64xi32, #tpu.memory_space<vmem>> -> memref<1x64xi32, #tpu.memory_space<vmem>>
        %dma_wait3A_422 = tpu.memref_squeeze %dma_wait3A_421 : memref<1x64xi32, #tpu.memory_space<vmem>> -> memref<64xi32, #tpu.memory_space<vmem>>
        %dma_wait3A_423 = arith.constant 0 : i32
        %dma_wait3A_424 = arith.constant 0 : i32
        %dma_wait3A_425 = tpu.memref_slice %arg15[%dma_wait3A_423, %dma_wait3A_424] : memref<10112x144xf32, #tpu.memory_space<vmem_shared>> -> memref<10112x144xf32, #tpu.memory_space<vmem_shared>>
        %dma_wait3A_426 = tpu.memref_slice %arg20[%dma_wait3A_415] : memref<2x!tpu.dma_semaphore, #tpu.memory_space<semaphore_mem>> -> memref<1x!tpu.dma_semaphore, #tpu.memory_space<semaphore_mem>>
        %dma_wait3A_427 = tpu.memref_squeeze %dma_wait3A_426 : memref<1x!tpu.dma_semaphore, #tpu.memory_space<semaphore_mem>> -> memref<!tpu.dma_semaphore, #tpu.memory_space<semaphore_mem>>
        tpu.wait_indirect_dma semaphore(%dma_wait3A_427 : memref<!tpu.dma_semaphore, #tpu.memory_space<semaphore_mem>>) src(%dma_wait3A_419 : memref<64x144xf32, #tpu.memory_space<vmem>>) dst(%dma_wait3A_425 : memref<10112x144xf32, #tpu.memory_space<vmem_shared>>)
      } else {
      }
      %parallel_loop3A_356 = arith.constant 0 : i32
      %parallel_loop3A_357 = arith.constant 64 : i32
      %parallel_loop3A_358 = arith.constant 1 : i32
      scf.for %parallel_loop3A_396 = %parallel_loop3A_356 to %parallel_loop3A_357 step %parallel_loop3A_358  : i32 {
        %parallel_loop3A_397 = arith.constant 1 : i32
        %parallel_loop3A_398 = arith.index_cast %parallel_loop3A_397 : i32 to index
        %parallel_loop3A_399 = arith.index_cast %parallel_loop3A_396 : i32 to index
        %parallel_loop3A_400 = arith.constant 0 : index
        %parallel_loop3A_401 = tpu.vector_load %arg12[%parallel_loop3A_398, %parallel_loop3A_399, %parallel_loop3A_400] {strides = array<i32>} : memref<2x64x16xf32, #tpu.memory_space<vmem>>, vector<1x1x16xf32>,
        %parallel_loop3A_402 = vector.shape_cast %parallel_loop3A_401 : vector<1x1x16xf32> to vector<16xf32>
        %parallel_loop3A_403 = arith.constant 1 : i32
        %parallel_loop3A_404 = arith.index_cast %parallel_loop3A_403 : i32 to index
        %parallel_loop3A_405 = arith.index_cast %parallel_loop3A_396 : i32 to index
        %parallel_loop3A_406 = arith.constant 0 : index
        %parallel_loop3A_407 = tpu.vector_load %arg13[%parallel_loop3A_404, %parallel_loop3A_405, %parallel_loop3A_406] {strides = array<i32>} : memref<2x64x16xf32, #tpu.memory_space<vmem>>, vector<1x1x16xf32>,
        %parallel_loop3A_408 = vector.shape_cast %parallel_loop3A_407 : vector<1x1x16xf32> to vector<16xf32>
        %parallel_loop3A_409 = arith.addf %parallel_loop3A_402, %parallel_loop3A_408 : vector<16xf32>
        %parallel_loop3A_410 = arith.constant 0.000000e+00 : f32
        %parallel_loop3A_411 = vector.broadcast %parallel_loop3A_410 : f32 to vector<16xf32>
        %parallel_loop3A_412 = arith.cmpf oge, %parallel_loop3A_409, %parallel_loop3A_411 : vector<16xf32>
        %parallel_loop3A_413 = arith.constant 2.000000e-01 : f32
        %parallel_loop3A_414 = vector.broadcast %parallel_loop3A_413 : f32 to vector<16xf32>
        %parallel_loop3A_415 = arith.mulf %parallel_loop3A_414, %parallel_loop3A_409 : vector<16xf32>
        %parallel_loop3A_416 = arith.select %parallel_loop3A_412, %parallel_loop3A_409, %parallel_loop3A_415 : vector<16xi1>, vector<16xf32>
        %parallel_loop3A_417 = arith.constant 8 : i32
        %parallel_loop3A_418 = vector.broadcast %parallel_loop3A_417 : i32 to vector<16xi32>
        %parallel_loop3A_419 = arith.cmpi slt, %iota3A, %parallel_loop3A_418 : vector<16xi32>
        %parallel_loop3A_420 = arith.constant 0.000000e+00 : f32
        %parallel_loop3A_421 = vector.broadcast %parallel_loop3A_420 : f32 to vector<16xf32>
        %parallel_loop3A_422 = arith.select %parallel_loop3A_419, %parallel_loop3A_416, %parallel_loop3A_421 : vector<16xi1>, vector<16xf32>
        %parallel_loop3A_423 = math.exp %parallel_loop3A_422 : vector<16xf32>
        %parallel_loop3A_424 = arith.constant 8 : i32
        %parallel_loop3A_425 = vector.broadcast %parallel_loop3A_424 : i32 to vector<16xi32>
        %parallel_loop3A_426 = arith.cmpi slt, %iota3A, %parallel_loop3A_425 : vector<16xi32>
        %parallel_loop3A_427 = arith.constant 0.000000e+00 : f32
        %parallel_loop3A_428 = vector.broadcast %parallel_loop3A_427 : f32 to vector<16xf32>
        %parallel_loop3A_429 = arith.select %parallel_loop3A_426, %parallel_loop3A_423, %parallel_loop3A_428 : vector<16xi1>, vector<16xf32>
        %parallel_loop3A_430 = arith.constant 1 : i32
        %parallel_loop3A_431 = arith.index_cast %parallel_loop3A_430 : i32 to index
        %parallel_loop3A_432 = arith.index_cast %parallel_loop3A_396 : i32 to index
        %parallel_loop3A_433 = arith.constant 128 : index
        %parallel_loop3A_434 = tpu.vector_load %arg14[%parallel_loop3A_431, %parallel_loop3A_432, %parallel_loop3A_433] {strides = array<i32>} : memref<2x64x144xf32, #tpu.memory_space<vmem>>, vector<1x1x16xf32>,
        %parallel_loop3A_435 = vector.shape_cast %parallel_loop3A_434 : vector<1x1x16xf32> to vector<16xf32>
        %parallel_loop3A_436 = vector.shape_cast %parallel_loop3A_429 : vector<16xf32> to vector<1x1x16xf32>
        tpu.vector_store %arg14[%parallel_loop3A_431, %parallel_loop3A_432, %parallel_loop3A_433], %parallel_loop3A_436 {strides = array<i32>} : memref<2x64x144xf32, #tpu.memory_space<vmem>>, vector<1x1x16xf32>,
        %parallel_loop3A_437 = arith.constant 1 : i32
        %parallel_loop3A_438 = arith.index_cast %parallel_loop3A_437 : i32 to index
        %parallel_loop3A_439 = arith.index_cast %parallel_loop3A_396 : i32 to index
        %parallel_loop3A_440 = arith.constant 0 : index
        %parallel_loop3A_441 = tpu.vector_load %arg11[%parallel_loop3A_438, %parallel_loop3A_439, %parallel_loop3A_440] {strides = array<i32>} : memref<2x64x128xf32, #tpu.memory_space<vmem>>, vector<1x1x16xf32>,
        %parallel_loop3A_442 = vector.shape_cast %parallel_loop3A_441 : vector<1x1x16xf32> to vector<16xf32>
        %parallel_loop3A_443 = arith.constant 1 : i32
        %parallel_loop3A_444 = arith.index_cast %parallel_loop3A_443 : i32 to index
        %parallel_loop3A_445 = arith.index_cast %parallel_loop3A_396 : i32 to index
        %parallel_loop3A_446 = arith.constant 16 : index
        %parallel_loop3A_447 = tpu.vector_load %arg11[%parallel_loop3A_444, %parallel_loop3A_445, %parallel_loop3A_446] {strides = array<i32>} : memref<2x64x128xf32, #tpu.memory_space<vmem>>, vector<1x1x16xf32>,
        %parallel_loop3A_448 = vector.shape_cast %parallel_loop3A_447 : vector<1x1x16xf32> to vector<16xf32>
        %parallel_loop3A_449 = arith.constant 1 : i32
        %parallel_loop3A_450 = arith.index_cast %parallel_loop3A_449 : i32 to index
        %parallel_loop3A_451 = arith.index_cast %parallel_loop3A_396 : i32 to index
        %parallel_loop3A_452 = arith.constant 32 : index
        %parallel_loop3A_453 = tpu.vector_load %arg11[%parallel_loop3A_450, %parallel_loop3A_451, %parallel_loop3A_452] {strides = array<i32>} : memref<2x64x128xf32, #tpu.memory_space<vmem>>, vector<1x1x16xf32>,
        %parallel_loop3A_454 = vector.shape_cast %parallel_loop3A_453 : vector<1x1x16xf32> to vector<16xf32>
        %parallel_loop3A_455 = arith.constant 1 : i32
        %parallel_loop3A_456 = arith.index_cast %parallel_loop3A_455 : i32 to index
        %parallel_loop3A_457 = arith.index_cast %parallel_loop3A_396 : i32 to index
        %parallel_loop3A_458 = arith.constant 48 : index
        %parallel_loop3A_459 = tpu.vector_load %arg11[%parallel_loop3A_456, %parallel_loop3A_457, %parallel_loop3A_458] {strides = array<i32>} : memref<2x64x128xf32, #tpu.memory_space<vmem>>, vector<1x1x16xf32>,
        %parallel_loop3A_460 = vector.shape_cast %parallel_loop3A_459 : vector<1x1x16xf32> to vector<16xf32>
        %parallel_loop3A_461 = arith.constant 1 : i32
        %parallel_loop3A_462 = arith.index_cast %parallel_loop3A_461 : i32 to index
        %parallel_loop3A_463 = arith.index_cast %parallel_loop3A_396 : i32 to index
        %parallel_loop3A_464 = arith.constant 64 : index
        %parallel_loop3A_465 = tpu.vector_load %arg11[%parallel_loop3A_462, %parallel_loop3A_463, %parallel_loop3A_464] {strides = array<i32>} : memref<2x64x128xf32, #tpu.memory_space<vmem>>, vector<1x1x16xf32>,
        %parallel_loop3A_466 = vector.shape_cast %parallel_loop3A_465 : vector<1x1x16xf32> to vector<16xf32>
        %parallel_loop3A_467 = arith.constant 1 : i32
        %parallel_loop3A_468 = arith.index_cast %parallel_loop3A_467 : i32 to index
        %parallel_loop3A_469 = arith.index_cast %parallel_loop3A_396 : i32 to index
        %parallel_loop3A_470 = arith.constant 80 : index
        %parallel_loop3A_471 = tpu.vector_load %arg11[%parallel_loop3A_468, %parallel_loop3A_469, %parallel_loop3A_470] {strides = array<i32>} : memref<2x64x128xf32, #tpu.memory_space<vmem>>, vector<1x1x16xf32>,
        %parallel_loop3A_472 = vector.shape_cast %parallel_loop3A_471 : vector<1x1x16xf32> to vector<16xf32>
        %parallel_loop3A_473 = arith.constant 1 : i32
        %parallel_loop3A_474 = arith.index_cast %parallel_loop3A_473 : i32 to index
        %parallel_loop3A_475 = arith.index_cast %parallel_loop3A_396 : i32 to index
        %parallel_loop3A_476 = arith.constant 96 : index
        %parallel_loop3A_477 = tpu.vector_load %arg11[%parallel_loop3A_474, %parallel_loop3A_475, %parallel_loop3A_476] {strides = array<i32>} : memref<2x64x128xf32, #tpu.memory_space<vmem>>, vector<1x1x16xf32>,
        %parallel_loop3A_478 = vector.shape_cast %parallel_loop3A_477 : vector<1x1x16xf32> to vector<16xf32>
        %parallel_loop3A_479 = arith.constant 1 : i32
        %parallel_loop3A_480 = arith.index_cast %parallel_loop3A_479 : i32 to index
        %parallel_loop3A_481 = arith.index_cast %parallel_loop3A_396 : i32 to index
        %parallel_loop3A_482 = arith.constant 112 : index
        %parallel_loop3A_483 = tpu.vector_load %arg11[%parallel_loop3A_480, %parallel_loop3A_481, %parallel_loop3A_482] {strides = array<i32>} : memref<2x64x128xf32, #tpu.memory_space<vmem>>, vector<1x1x16xf32>,
        %parallel_loop3A_484 = vector.shape_cast %parallel_loop3A_483 : vector<1x1x16xf32> to vector<16xf32>
        %parallel_loop3A_485 = arith.constant 0 : i32
        %parallel_loop3A_486 = vector.broadcast %parallel_loop3A_485 : i32 to vector<16xi32>
        %parallel_loop3A_487 = arith.constant 0 : i32
        %parallel_loop3A_488 = vector.broadcast %parallel_loop3A_487 : i32 to vector<16xi32>
        %parallel_loop3A_489 = arith.cmpi slt, %parallel_loop3A_486, %parallel_loop3A_488 : vector<16xi32>
        %parallel_loop3A_490 = arith.constant 16 : i32
        %parallel_loop3A_491 = vector.broadcast %parallel_loop3A_490 : i32 to vector<16xi32>
        %parallel_loop3A_492 = arith.addi %parallel_loop3A_486, %parallel_loop3A_491 : vector<16xi32>
        %parallel_loop3A_493 = arith.select %parallel_loop3A_489, %parallel_loop3A_492, %parallel_loop3A_486 : vector<16xi1>, vector<16xi32>
        %parallel_loop3A_494 = vector.shape_cast %parallel_loop3A_493 : vector<16xi32> to vector<16x1xi32>
        %parallel_loop3A_495 = vector.shape_cast %parallel_loop3A_494 : vector<16x1xi32> to vector<16xi32>
        %parallel_loop3A_496 = tpu.dynamic_gather %parallel_loop3A_429[%parallel_loop3A_495] in [0] : vector<16xf32>, vector<16xi32> -> vector<16xf32>
        %parallel_loop3A_497 = arith.constant 1 : i32
        %parallel_loop3A_498 = vector.broadcast %parallel_loop3A_497 : i32 to vector<16xi32>
        %parallel_loop3A_499 = arith.constant 0 : i32
        %parallel_loop3A_500 = vector.broadcast %parallel_loop3A_499 : i32 to vector<16xi32>
        %parallel_loop3A_501 = arith.cmpi slt, %parallel_loop3A_498, %parallel_loop3A_500 : vector<16xi32>
        %parallel_loop3A_502 = arith.constant 16 : i32
        %parallel_loop3A_503 = vector.broadcast %parallel_loop3A_502 : i32 to vector<16xi32>
        %parallel_loop3A_504 = arith.addi %parallel_loop3A_498, %parallel_loop3A_503 : vector<16xi32>
        %parallel_loop3A_505 = arith.select %parallel_loop3A_501, %parallel_loop3A_504, %parallel_loop3A_498 : vector<16xi1>, vector<16xi32>
        %parallel_loop3A_506 = vector.shape_cast %parallel_loop3A_505 : vector<16xi32> to vector<16x1xi32>
        %parallel_loop3A_507 = vector.shape_cast %parallel_loop3A_506 : vector<16x1xi32> to vector<16xi32>
        %parallel_loop3A_508 = tpu.dynamic_gather %parallel_loop3A_429[%parallel_loop3A_507] in [0] : vector<16xf32>, vector<16xi32> -> vector<16xf32>
        %parallel_loop3A_509 = arith.constant 2 : i32
        %parallel_loop3A_510 = vector.broadcast %parallel_loop3A_509 : i32 to vector<16xi32>
        %parallel_loop3A_511 = arith.constant 0 : i32
        %parallel_loop3A_512 = vector.broadcast %parallel_loop3A_511 : i32 to vector<16xi32>
        %parallel_loop3A_513 = arith.cmpi slt, %parallel_loop3A_510, %parallel_loop3A_512 : vector<16xi32>
        %parallel_loop3A_514 = arith.constant 16 : i32
        %parallel_loop3A_515 = vector.broadcast %parallel_loop3A_514 : i32 to vector<16xi32>
        %parallel_loop3A_516 = arith.addi %parallel_loop3A_510, %parallel_loop3A_515 : vector<16xi32>
        %parallel_loop3A_517 = arith.select %parallel_loop3A_513, %parallel_loop3A_516, %parallel_loop3A_510 : vector<16xi1>, vector<16xi32>
        %parallel_loop3A_518 = vector.shape_cast %parallel_loop3A_517 : vector<16xi32> to vector<16x1xi32>
        %parallel_loop3A_519 = vector.shape_cast %parallel_loop3A_518 : vector<16x1xi32> to vector<16xi32>
        %parallel_loop3A_520 = tpu.dynamic_gather %parallel_loop3A_429[%parallel_loop3A_519] in [0] : vector<16xf32>, vector<16xi32> -> vector<16xf32>
        %parallel_loop3A_521 = arith.constant 3 : i32
        %parallel_loop3A_522 = vector.broadcast %parallel_loop3A_521 : i32 to vector<16xi32>
        %parallel_loop3A_523 = arith.constant 0 : i32
        %parallel_loop3A_524 = vector.broadcast %parallel_loop3A_523 : i32 to vector<16xi32>
        %parallel_loop3A_525 = arith.cmpi slt, %parallel_loop3A_522, %parallel_loop3A_524 : vector<16xi32>
        %parallel_loop3A_526 = arith.constant 16 : i32
        %parallel_loop3A_527 = vector.broadcast %parallel_loop3A_526 : i32 to vector<16xi32>
        %parallel_loop3A_528 = arith.addi %parallel_loop3A_522, %parallel_loop3A_527 : vector<16xi32>
        %parallel_loop3A_529 = arith.select %parallel_loop3A_525, %parallel_loop3A_528, %parallel_loop3A_522 : vector<16xi1>, vector<16xi32>
        %parallel_loop3A_530 = vector.shape_cast %parallel_loop3A_529 : vector<16xi32> to vector<16x1xi32>
        %parallel_loop3A_531 = vector.shape_cast %parallel_loop3A_530 : vector<16x1xi32> to vector<16xi32>
        %parallel_loop3A_532 = tpu.dynamic_gather %parallel_loop3A_429[%parallel_loop3A_531] in [0] : vector<16xf32>, vector<16xi32> -> vector<16xf32>
        %parallel_loop3A_533 = arith.constant 4 : i32
        %parallel_loop3A_534 = vector.broadcast %parallel_loop3A_533 : i32 to vector<16xi32>
        %parallel_loop3A_535 = arith.constant 0 : i32
        %parallel_loop3A_536 = vector.broadcast %parallel_loop3A_535 : i32 to vector<16xi32>
        %parallel_loop3A_537 = arith.cmpi slt, %parallel_loop3A_534, %parallel_loop3A_536 : vector<16xi32>
        %parallel_loop3A_538 = arith.constant 16 : i32
        %parallel_loop3A_539 = vector.broadcast %parallel_loop3A_538 : i32 to vector<16xi32>
        %parallel_loop3A_540 = arith.addi %parallel_loop3A_534, %parallel_loop3A_539 : vector<16xi32>
        %parallel_loop3A_541 = arith.select %parallel_loop3A_537, %parallel_loop3A_540, %parallel_loop3A_534 : vector<16xi1>, vector<16xi32>
        %parallel_loop3A_542 = vector.shape_cast %parallel_loop3A_541 : vector<16xi32> to vector<16x1xi32>
        %parallel_loop3A_543 = vector.shape_cast %parallel_loop3A_542 : vector<16x1xi32> to vector<16xi32>
        %parallel_loop3A_544 = tpu.dynamic_gather %parallel_loop3A_429[%parallel_loop3A_543] in [0] : vector<16xf32>, vector<16xi32> -> vector<16xf32>
        %parallel_loop3A_545 = arith.constant 5 : i32
        %parallel_loop3A_546 = vector.broadcast %parallel_loop3A_545 : i32 to vector<16xi32>
        %parallel_loop3A_547 = arith.constant 0 : i32
        %parallel_loop3A_548 = vector.broadcast %parallel_loop3A_547 : i32 to vector<16xi32>
        %parallel_loop3A_549 = arith.cmpi slt, %parallel_loop3A_546, %parallel_loop3A_548 : vector<16xi32>
        %parallel_loop3A_550 = arith.constant 16 : i32
        %parallel_loop3A_551 = vector.broadcast %parallel_loop3A_550 : i32 to vector<16xi32>
        %parallel_loop3A_552 = arith.addi %parallel_loop3A_546, %parallel_loop3A_551 : vector<16xi32>
        %parallel_loop3A_553 = arith.select %parallel_loop3A_549, %parallel_loop3A_552, %parallel_loop3A_546 : vector<16xi1>, vector<16xi32>
        %parallel_loop3A_554 = vector.shape_cast %parallel_loop3A_553 : vector<16xi32> to vector<16x1xi32>
        %parallel_loop3A_555 = vector.shape_cast %parallel_loop3A_554 : vector<16x1xi32> to vector<16xi32>
        %parallel_loop3A_556 = tpu.dynamic_gather %parallel_loop3A_429[%parallel_loop3A_555] in [0] : vector<16xf32>, vector<16xi32> -> vector<16xf32>
        %parallel_loop3A_557 = arith.constant 6 : i32
        %parallel_loop3A_558 = vector.broadcast %parallel_loop3A_557 : i32 to vector<16xi32>
        %parallel_loop3A_559 = arith.constant 0 : i32
        %parallel_loop3A_560 = vector.broadcast %parallel_loop3A_559 : i32 to vector<16xi32>
        %parallel_loop3A_561 = arith.cmpi slt, %parallel_loop3A_558, %parallel_loop3A_560 : vector<16xi32>
        %parallel_loop3A_562 = arith.constant 16 : i32
        %parallel_loop3A_563 = vector.broadcast %parallel_loop3A_562 : i32 to vector<16xi32>
        %parallel_loop3A_564 = arith.addi %parallel_loop3A_558, %parallel_loop3A_563 : vector<16xi32>
        %parallel_loop3A_565 = arith.select %parallel_loop3A_561, %parallel_loop3A_564, %parallel_loop3A_558 : vector<16xi1>, vector<16xi32>
        %parallel_loop3A_566 = vector.shape_cast %parallel_loop3A_565 : vector<16xi32> to vector<16x1xi32>
        %parallel_loop3A_567 = vector.shape_cast %parallel_loop3A_566 : vector<16x1xi32> to vector<16xi32>
        %parallel_loop3A_568 = tpu.dynamic_gather %parallel_loop3A_429[%parallel_loop3A_567] in [0] : vector<16xf32>, vector<16xi32> -> vector<16xf32>
        %parallel_loop3A_569 = arith.constant 7 : i32
        %parallel_loop3A_570 = vector.broadcast %parallel_loop3A_569 : i32 to vector<16xi32>
        %parallel_loop3A_571 = arith.constant 0 : i32
        %parallel_loop3A_572 = vector.broadcast %parallel_loop3A_571 : i32 to vector<16xi32>
        %parallel_loop3A_573 = arith.cmpi slt, %parallel_loop3A_570, %parallel_loop3A_572 : vector<16xi32>
        %parallel_loop3A_574 = arith.constant 16 : i32
        %parallel_loop3A_575 = vector.broadcast %parallel_loop3A_574 : i32 to vector<16xi32>
        %parallel_loop3A_576 = arith.addi %parallel_loop3A_570, %parallel_loop3A_575 : vector<16xi32>
        %parallel_loop3A_577 = arith.select %parallel_loop3A_573, %parallel_loop3A_576, %parallel_loop3A_570 : vector<16xi1>, vector<16xi32>
        %parallel_loop3A_578 = vector.shape_cast %parallel_loop3A_577 : vector<16xi32> to vector<16x1xi32>
        %parallel_loop3A_579 = vector.shape_cast %parallel_loop3A_578 : vector<16x1xi32> to vector<16xi32>
        %parallel_loop3A_580 = tpu.dynamic_gather %parallel_loop3A_429[%parallel_loop3A_579] in [0] : vector<16xf32>, vector<16xi32> -> vector<16xf32>
        %parallel_loop3A_581 = arith.mulf %parallel_loop3A_442, %parallel_loop3A_496 : vector<16xf32>
        %parallel_loop3A_582 = arith.constant 1 : i32
        %parallel_loop3A_583 = arith.index_cast %parallel_loop3A_582 : i32 to index
        %parallel_loop3A_584 = arith.index_cast %parallel_loop3A_396 : i32 to index
        %parallel_loop3A_585 = arith.constant 0 : index
        %parallel_loop3A_586 = tpu.vector_load %arg14[%parallel_loop3A_583, %parallel_loop3A_584, %parallel_loop3A_585] {strides = array<i32>} : memref<2x64x144xf32, #tpu.memory_space<vmem>>, vector<1x1x16xf32>,
        %parallel_loop3A_587 = vector.shape_cast %parallel_loop3A_586 : vector<1x1x16xf32> to vector<16xf32>
        %parallel_loop3A_588 = vector.shape_cast %parallel_loop3A_581 : vector<16xf32> to vector<1x1x16xf32>
        tpu.vector_store %arg14[%parallel_loop3A_583, %parallel_loop3A_584, %parallel_loop3A_585], %parallel_loop3A_588 {strides = array<i32>} : memref<2x64x144xf32, #tpu.memory_space<vmem>>, vector<1x1x16xf32>,
        %parallel_loop3A_589 = arith.mulf %parallel_loop3A_448, %parallel_loop3A_508 : vector<16xf32>
        %parallel_loop3A_590 = arith.constant 1 : i32
        %parallel_loop3A_591 = arith.index_cast %parallel_loop3A_590 : i32 to index
        %parallel_loop3A_592 = arith.index_cast %parallel_loop3A_396 : i32 to index
        %parallel_loop3A_593 = arith.constant 16 : index
        %parallel_loop3A_594 = tpu.vector_load %arg14[%parallel_loop3A_591, %parallel_loop3A_592, %parallel_loop3A_593] {strides = array<i32>} : memref<2x64x144xf32, #tpu.memory_space<vmem>>, vector<1x1x16xf32>,
        %parallel_loop3A_595 = vector.shape_cast %parallel_loop3A_594 : vector<1x1x16xf32> to vector<16xf32>
        %parallel_loop3A_596 = vector.shape_cast %parallel_loop3A_589 : vector<16xf32> to vector<1x1x16xf32>
        tpu.vector_store %arg14[%parallel_loop3A_591, %parallel_loop3A_592, %parallel_loop3A_593], %parallel_loop3A_596 {strides = array<i32>} : memref<2x64x144xf32, #tpu.memory_space<vmem>>, vector<1x1x16xf32>,
        %parallel_loop3A_597 = arith.mulf %parallel_loop3A_454, %parallel_loop3A_520 : vector<16xf32>
        %parallel_loop3A_598 = arith.constant 1 : i32
        %parallel_loop3A_599 = arith.index_cast %parallel_loop3A_598 : i32 to index
        %parallel_loop3A_600 = arith.index_cast %parallel_loop3A_396 : i32 to index
        %parallel_loop3A_601 = arith.constant 32 : index
        %parallel_loop3A_602 = tpu.vector_load %arg14[%parallel_loop3A_599, %parallel_loop3A_600, %parallel_loop3A_601] {strides = array<i32>} : memref<2x64x144xf32, #tpu.memory_space<vmem>>, vector<1x1x16xf32>,
        %parallel_loop3A_603 = vector.shape_cast %parallel_loop3A_602 : vector<1x1x16xf32> to vector<16xf32>
        %parallel_loop3A_604 = vector.shape_cast %parallel_loop3A_597 : vector<16xf32> to vector<1x1x16xf32>
        tpu.vector_store %arg14[%parallel_loop3A_599, %parallel_loop3A_600, %parallel_loop3A_601], %parallel_loop3A_604 {strides = array<i32>} : memref<2x64x144xf32, #tpu.memory_space<vmem>>, vector<1x1x16xf32>,
        %parallel_loop3A_605 = arith.mulf %parallel_loop3A_460, %parallel_loop3A_532 : vector<16xf32>
        %parallel_loop3A_606 = arith.constant 1 : i32
        %parallel_loop3A_607 = arith.index_cast %parallel_loop3A_606 : i32 to index
        %parallel_loop3A_608 = arith.index_cast %parallel_loop3A_396 : i32 to index
        %parallel_loop3A_609 = arith.constant 48 : index
        %parallel_loop3A_610 = tpu.vector_load %arg14[%parallel_loop3A_607, %parallel_loop3A_608, %parallel_loop3A_609] {strides = array<i32>} : memref<2x64x144xf32, #tpu.memory_space<vmem>>, vector<1x1x16xf32>,
        %parallel_loop3A_611 = vector.shape_cast %parallel_loop3A_610 : vector<1x1x16xf32> to vector<16xf32>
        %parallel_loop3A_612 = vector.shape_cast %parallel_loop3A_605 : vector<16xf32> to vector<1x1x16xf32>
        tpu.vector_store %arg14[%parallel_loop3A_607, %parallel_loop3A_608, %parallel_loop3A_609], %parallel_loop3A_612 {strides = array<i32>} : memref<2x64x144xf32, #tpu.memory_space<vmem>>, vector<1x1x16xf32>,
        %parallel_loop3A_613 = arith.mulf %parallel_loop3A_466, %parallel_loop3A_544 : vector<16xf32>
        %parallel_loop3A_614 = arith.constant 1 : i32
        %parallel_loop3A_615 = arith.index_cast %parallel_loop3A_614 : i32 to index
        %parallel_loop3A_616 = arith.index_cast %parallel_loop3A_396 : i32 to index
        %parallel_loop3A_617 = arith.constant 64 : index
        %parallel_loop3A_618 = tpu.vector_load %arg14[%parallel_loop3A_615, %parallel_loop3A_616, %parallel_loop3A_617] {strides = array<i32>} : memref<2x64x144xf32, #tpu.memory_space<vmem>>, vector<1x1x16xf32>,
        %parallel_loop3A_619 = vector.shape_cast %parallel_loop3A_618 : vector<1x1x16xf32> to vector<16xf32>
        %parallel_loop3A_620 = vector.shape_cast %parallel_loop3A_613 : vector<16xf32> to vector<1x1x16xf32>
        tpu.vector_store %arg14[%parallel_loop3A_615, %parallel_loop3A_616, %parallel_loop3A_617], %parallel_loop3A_620 {strides = array<i32>} : memref<2x64x144xf32, #tpu.memory_space<vmem>>, vector<1x1x16xf32>,
        %parallel_loop3A_621 = arith.mulf %parallel_loop3A_472, %parallel_loop3A_556 : vector<16xf32>
        %parallel_loop3A_622 = arith.constant 1 : i32
        %parallel_loop3A_623 = arith.index_cast %parallel_loop3A_622 : i32 to index
        %parallel_loop3A_624 = arith.index_cast %parallel_loop3A_396 : i32 to index
        %parallel_loop3A_625 = arith.constant 80 : index
        %parallel_loop3A_626 = tpu.vector_load %arg14[%parallel_loop3A_623, %parallel_loop3A_624, %parallel_loop3A_625] {strides = array<i32>} : memref<2x64x144xf32, #tpu.memory_space<vmem>>, vector<1x1x16xf32>,
        %parallel_loop3A_627 = vector.shape_cast %parallel_loop3A_626 : vector<1x1x16xf32> to vector<16xf32>
        %parallel_loop3A_628 = vector.shape_cast %parallel_loop3A_621 : vector<16xf32> to vector<1x1x16xf32>
        tpu.vector_store %arg14[%parallel_loop3A_623, %parallel_loop3A_624, %parallel_loop3A_625], %parallel_loop3A_628 {strides = array<i32>} : memref<2x64x144xf32, #tpu.memory_space<vmem>>, vector<1x1x16xf32>,
        %parallel_loop3A_629 = arith.mulf %parallel_loop3A_478, %parallel_loop3A_568 : vector<16xf32>
        %parallel_loop3A_630 = arith.constant 1 : i32
        %parallel_loop3A_631 = arith.index_cast %parallel_loop3A_630 : i32 to index
        %parallel_loop3A_632 = arith.index_cast %parallel_loop3A_396 : i32 to index
        %parallel_loop3A_633 = arith.constant 96 : index
        %parallel_loop3A_634 = tpu.vector_load %arg14[%parallel_loop3A_631, %parallel_loop3A_632, %parallel_loop3A_633] {strides = array<i32>} : memref<2x64x144xf32, #tpu.memory_space<vmem>>, vector<1x1x16xf32>,
        %parallel_loop3A_635 = vector.shape_cast %parallel_loop3A_634 : vector<1x1x16xf32> to vector<16xf32>
        %parallel_loop3A_636 = vector.shape_cast %parallel_loop3A_629 : vector<16xf32> to vector<1x1x16xf32>
        tpu.vector_store %arg14[%parallel_loop3A_631, %parallel_loop3A_632, %parallel_loop3A_633], %parallel_loop3A_636 {strides = array<i32>} : memref<2x64x144xf32, #tpu.memory_space<vmem>>, vector<1x1x16xf32>,
        %parallel_loop3A_637 = arith.mulf %parallel_loop3A_484, %parallel_loop3A_580 : vector<16xf32>
        %parallel_loop3A_638 = arith.constant 1 : i32
        %parallel_loop3A_639 = arith.index_cast %parallel_loop3A_638 : i32 to index
        %parallel_loop3A_640 = arith.index_cast %parallel_loop3A_396 : i32 to index
        %parallel_loop3A_641 = arith.constant 112 : index
        %parallel_loop3A_642 = tpu.vector_load %arg14[%parallel_loop3A_639, %parallel_loop3A_640, %parallel_loop3A_641] {strides = array<i32>} : memref<2x64x144xf32, #tpu.memory_space<vmem>>, vector<1x1x16xf32>,
        %parallel_loop3A_643 = vector.shape_cast %parallel_loop3A_642 : vector<1x1x16xf32> to vector<16xf32>
        %parallel_loop3A_644 = vector.shape_cast %parallel_loop3A_637 : vector<16xf32> to vector<1x1x16xf32>
        tpu.vector_store %arg14[%parallel_loop3A_639, %parallel_loop3A_640, %parallel_loop3A_641], %parallel_loop3A_644 {strides = array<i32>} : memref<2x64x144xf32, #tpu.memory_space<vmem>>, vector<1x1x16xf32>,
      } {sc.loop_unroll_factor = 4 : i64, sc.parallel_access}
      %jit3A_359 = arith.constant 4 : i32
      %eq3A_360 = arith.constant 0 : i32
      %eq3A_361 = arith.cmpi eq, %jit3A_359, %eq3A_360 : i32
      %jit3A_362 = arith.constant 1 : i32
      %select_n3A_363 = arith.select %eq3A_361, %jit3A_362, %jit3A_359 : i32
      %rem3A_364 = arith.remsi %add3A_283, %select_n3A_363 : i32
      %ne3A_365 = arith.constant 0 : i32
      %ne3A_366 = arith.cmpi ne, %rem3A_364, %ne3A_365 : i32
      %lt3A_367 = arith.constant 0 : i32
      %lt3A_368 = arith.cmpi slt, %rem3A_364, %lt3A_367 : i32
      %lt3A_369 = arith.constant 0 : i32
      %lt3A_370 = arith.cmpi slt, %select_n3A_363, %lt3A_369 : i32
      %ne3A_371 = arith.xori %lt3A_368, %lt3A_370 : i1
      %and3A_372 = arith.andi %ne3A_371, %ne3A_366 : i1
      %add3A_373 = arith.addi %rem3A_364, %select_n3A_363 : i32
      %select_n3A_374 = arith.select %and3A_372, %add3A_373, %rem3A_364 : i32
      %dma_start3A_375 = arith.constant 1 : i32
      %dma_start3A_376 = arith.constant 1 : i32
      %dma_start3A_377 = arith.constant 0 : i32
      %dma_start3A_378 = arith.constant 0 : i32
      %dma_start3A_379 = tpu.memref_slice %arg14[%dma_start3A_375, %dma_start3A_377, %dma_start3A_378] : memref<2x64x144xf32, #tpu.memory_space<vmem>> -> memref<1x64x144xf32, #tpu.memory_space<vmem>>
      %dma_start3A_380 = tpu.memref_squeeze %dma_start3A_379 : memref<1x64x144xf32, #tpu.memory_space<vmem>> -> memref<64x144xf32, #tpu.memory_space<vmem>>
      %dma_start3A_381 = arith.constant 0 : i32
      %dma_start3A_382 = tpu.memref_slice %arg10[%select_n3A_374, %dma_start3A_381] : memref<4x64xi32, #tpu.memory_space<vmem>> -> memref<1x64xi32, #tpu.memory_space<vmem>>
      %dma_start3A_383 = tpu.memref_squeeze %dma_start3A_382 : memref<1x64xi32, #tpu.memory_space<vmem>> -> memref<64xi32, #tpu.memory_space<vmem>>
      %dma_start3A_384 = arith.constant 0 : i32
      %dma_start3A_385 = arith.constant 0 : i32
      %dma_start3A_386 = tpu.memref_slice %arg15[%dma_start3A_384, %dma_start3A_385] : memref<10112x144xf32, #tpu.memory_space<vmem_shared>> -> memref<10112x144xf32, #tpu.memory_space<vmem_shared>>
      %dma_start3A_387 = tpu.memref_slice %arg20[%dma_start3A_376] : memref<2x!tpu.dma_semaphore, #tpu.memory_space<semaphore_mem>> -> memref<1x!tpu.dma_semaphore, #tpu.memory_space<semaphore_mem>>
      %dma_start3A_388 = tpu.memref_squeeze %dma_start3A_387 : memref<1x!tpu.dma_semaphore, #tpu.memory_space<semaphore_mem>> -> memref<!tpu.dma_semaphore, #tpu.memory_space<semaphore_mem>>
      tpu.enqueue_indirect_dma source(%dma_start3A_380 : memref<64x144xf32, #tpu.memory_space<vmem>>) target(%dma_start3A_386 : memref<10112x144xf32, #tpu.memory_space<vmem_shared>>) offsets(%dma_start3A_383 : memref<64xi32, #tpu.memory_space<vmem>>) semaphore(%dma_start3A_388 : memref<!tpu.dma_semaphore, #tpu.memory_space<semaphore_mem>>) {add = true}
      %add3A_389 = arith.constant 2 : i32
      %add3A_390 = arith.addi %add3A_283, %add3A_389 : i32
      %lt3A_391 = arith.constant 162 : i32
      %lt3A_392 = arith.cmpi slt, %add3A_390, %lt3A_391 : i32
      %convert_element_type3A_393 = arith.extui %lt3A_392 : i1 to i32
      %cond3A_394 = arith.constant 0 : i32
      %cond3A_395 = arith.cmpi ne, %convert_element_type3A_393, %cond3A_394 : i32
      scf.if %cond3A_395 {
        %add3A_396 = arith.constant 2 : i32
        %add3A_397 = arith.addi %add3A_283, %add3A_396 : i32
        %add3A_398 = arith.constant 2 : i32
        %add3A_399 = arith.addi %add3A_283, %add3A_398 : i32
        %jit3A_400 = arith.constant 4 : i32
        %eq3A_401 = arith.constant 0 : i32
        %eq3A_402 = arith.cmpi eq, %jit3A_400, %eq3A_401 : i32
        %jit3A_403 = arith.constant 1 : i32
        %select_n3A_404 = arith.select %eq3A_402, %jit3A_403, %jit3A_400 : i32
        %rem3A_405 = arith.remsi %add3A_399, %select_n3A_404 : i32
        %ne3A_406 = arith.constant 0 : i32
        %ne3A_407 = arith.cmpi ne, %rem3A_405, %ne3A_406 : i32
        %lt3A_408 = arith.constant 0 : i32
        %lt3A_409 = arith.cmpi slt, %rem3A_405, %lt3A_408 : i32
        %lt3A_410 = arith.constant 0 : i32
        %lt3A_411 = arith.cmpi slt, %select_n3A_404, %lt3A_410 : i32
        %ne3A_412 = arith.xori %lt3A_409, %lt3A_411 : i1
        %and3A_413 = arith.andi %ne3A_412, %ne3A_407 : i1
        %add3A_414 = arith.addi %rem3A_405, %select_n3A_404 : i32
        %select_n3A_415 = arith.select %and3A_413, %add3A_414, %rem3A_405 : i32
        %mul3A_416 = arith.constant 162 : i32
        %mul3A_417 = arith.muli %add3A, %mul3A_416 : i32
        %add3A_418 = arith.addi %mul3A_417, %add3A_397 : i32
        %mul3A_419 = arith.constant 64 : i32
        %mul3A_420 = arith.muli %add3A_418, %mul3A_419 : i32
        %dma_start3A_421 = arith.constant 1 : i32
        %dma_start3A_422 = arith.constant 1 : i32
        %dma_start3A_423 = arith.constant 0 : i32
        %dma_start3A_424 = tpu.memref_slice %arg9[%dma_start3A_421, %dma_start3A_423] : memref<2x64xi32, #tpu.memory_space<vmem>> -> memref<1x64xi32, #tpu.memory_space<vmem>>
        %dma_start3A_425 = tpu.memref_squeeze %dma_start3A_424 : memref<1x64xi32, #tpu.memory_space<vmem>> -> memref<64xi32, #tpu.memory_space<vmem>>
        %dma_start3A_426 = tpu.memref_slice %arg2[%mul3A_420] : memref<331776xi32, #tpu.memory_space<hbm>> -> memref<64xi32, #tpu.memory_space<hbm>>
        %dma_start3A_427 = tpu.memref_slice %arg16[%dma_start3A_422] : memref<2x!tpu.dma_semaphore, #tpu.memory_space<semaphore_mem>> -> memref<1x!tpu.dma_semaphore, #tpu.memory_space<semaphore_mem>>
        %dma_start3A_428 = tpu.memref_squeeze %dma_start3A_427 : memref<1x!tpu.dma_semaphore, #tpu.memory_space<semaphore_mem>> -> memref<!tpu.dma_semaphore, #tpu.memory_space<semaphore_mem>>
        %dma_start3A_429 = arith.constant 0 : i32
        %dma_start3A_430 = tpu.memref_slice %arg9[%dma_start3A_421, %dma_start3A_429] : memref<2x64xi32, #tpu.memory_space<vmem>> -> memref<1x64xi32, #tpu.memory_space<vmem>>
        %dma_start3A_431 = tpu.memref_squeeze %dma_start3A_430 : memref<1x64xi32, #tpu.memory_space<vmem>> -> memref<64xi32, #tpu.memory_space<vmem>>
        %dma_start3A_432 = tpu.memref_slice %arg2[%mul3A_420] : memref<331776xi32, #tpu.memory_space<hbm>> -> memref<64xi32, #tpu.memory_space<hbm>>
        tpu.enqueue_dma source(%dma_start3A_432 : memref<64xi32, #tpu.memory_space<hbm>>) target(%dma_start3A_431 : memref<64xi32, #tpu.memory_space<vmem>>) target_semaphore(%dma_start3A_428 : memref<!tpu.dma_semaphore, #tpu.memory_space<semaphore_mem>>)
        %dma_start3A_433 = arith.constant 1 : i32
        %dma_start3A_434 = arith.constant 0 : i32
        %dma_start3A_435 = tpu.memref_slice %arg10[%select_n3A_415, %dma_start3A_434] : memref<4x64xi32, #tpu.memory_space<vmem>> -> memref<1x64xi32, #tpu.memory_space<vmem>>
        %dma_start3A_436 = tpu.memref_squeeze %dma_start3A_435 : memref<1x64xi32, #tpu.memory_space<vmem>> -> memref<64xi32, #tpu.memory_space<vmem>>
        %dma_start3A_437 = tpu.memref_slice %arg3[%mul3A_420] : memref<331776xi32, #tpu.memory_space<hbm>> -> memref<64xi32, #tpu.memory_space<hbm>>
        %dma_start3A_438 = tpu.memref_slice %arg16[%dma_start3A_433] : memref<2x!tpu.dma_semaphore, #tpu.memory_space<semaphore_mem>> -> memref<1x!tpu.dma_semaphore, #tpu.memory_space<semaphore_mem>>
        %dma_start3A_439 = tpu.memref_squeeze %dma_start3A_438 : memref<1x!tpu.dma_semaphore, #tpu.memory_space<semaphore_mem>> -> memref<!tpu.dma_semaphore, #tpu.memory_space<semaphore_mem>>
        %dma_start3A_440 = arith.constant 0 : i32
        %dma_start3A_441 = tpu.memref_slice %arg10[%select_n3A_415, %dma_start3A_440] : memref<4x64xi32, #tpu.memory_space<vmem>> -> memref<1x64xi32, #tpu.memory_space<vmem>>
        %dma_start3A_442 = tpu.memref_squeeze %dma_start3A_441 : memref<1x64xi32, #tpu.memory_space<vmem>> -> memref<64xi32, #tpu.memory_space<vmem>>
        %dma_start3A_443 = tpu.memref_slice %arg3[%mul3A_420] : memref<331776xi32, #tpu.memory_space<hbm>> -> memref<64xi32, #tpu.memory_space<hbm>>
        tpu.enqueue_dma source(%dma_start3A_443 : memref<64xi32, #tpu.memory_space<hbm>>) target(%dma_start3A_442 : memref<64xi32, #tpu.memory_space<vmem>>) target_semaphore(%dma_start3A_439 : memref<!tpu.dma_semaphore, #tpu.memory_space<semaphore_mem>>)
      } else {
      }
    }
    %scan3A_140 = arith.constant 81 : i32
    %dma_wait3A_141 = arith.constant 0 : i32
    %dma_wait3A_142 = arith.constant 0 : i32
    %dma_wait3A_143 = arith.constant 0 : i32
    %dma_wait3A_144 = arith.constant 0 : i32
    %dma_wait3A_145 = arith.constant 0 : i32
    %dma_wait3A_146 = tpu.memref_slice %arg14[%dma_wait3A_141, %dma_wait3A_144, %dma_wait3A_145] : memref<2x64x144xf32, #tpu.memory_space<vmem>> -> memref<1x64x144xf32, #tpu.memory_space<vmem>>
    %dma_wait3A_147 = tpu.memref_squeeze %dma_wait3A_146 : memref<1x64x144xf32, #tpu.memory_space<vmem>> -> memref<64x144xf32, #tpu.memory_space<vmem>>
    %dma_wait3A_148 = arith.constant 0 : i32
    %dma_wait3A_149 = tpu.memref_slice %arg10[%dma_wait3A_142, %dma_wait3A_148] : memref<4x64xi32, #tpu.memory_space<vmem>> -> memref<1x64xi32, #tpu.memory_space<vmem>>
    %dma_wait3A_150 = tpu.memref_squeeze %dma_wait3A_149 : memref<1x64xi32, #tpu.memory_space<vmem>> -> memref<64xi32, #tpu.memory_space<vmem>>
    %dma_wait3A_151 = arith.constant 0 : i32
    %dma_wait3A_152 = arith.constant 0 : i32
    %dma_wait3A_153 = tpu.memref_slice %arg15[%dma_wait3A_151, %dma_wait3A_152] : memref<10112x144xf32, #tpu.memory_space<vmem_shared>> -> memref<10112x144xf32, #tpu.memory_space<vmem_shared>>
    %dma_wait3A_154 = tpu.memref_slice %arg20[%dma_wait3A_143] : memref<2x!tpu.dma_semaphore, #tpu.memory_space<semaphore_mem>> -> memref<1x!tpu.dma_semaphore, #tpu.memory_space<semaphore_mem>>
    %dma_wait3A_155 = tpu.memref_squeeze %dma_wait3A_154 : memref<1x!tpu.dma_semaphore, #tpu.memory_space<semaphore_mem>> -> memref<!tpu.dma_semaphore, #tpu.memory_space<semaphore_mem>>
    tpu.wait_indirect_dma semaphore(%dma_wait3A_155 : memref<!tpu.dma_semaphore, #tpu.memory_space<semaphore_mem>>) src(%dma_wait3A_147 : memref<64x144xf32, #tpu.memory_space<vmem>>) dst(%dma_wait3A_153 : memref<10112x144xf32, #tpu.memory_space<vmem_shared>>)
    %dma_wait3A_156 = arith.constant 1 : i32
    %dma_wait3A_157 = arith.constant 1 : i32
    %dma_wait3A_158 = arith.constant 1 : i32
    %dma_wait3A_159 = arith.constant 0 : i32
    %dma_wait3A_160 = arith.constant 0 : i32
    %dma_wait3A_161 = tpu.memref_slice %arg14[%dma_wait3A_156, %dma_wait3A_159, %dma_wait3A_160] : memref<2x64x144xf32, #tpu.memory_space<vmem>> -> memref<1x64x144xf32, #tpu.memory_space<vmem>>
    %dma_wait3A_162 = tpu.memref_squeeze %dma_wait3A_161 : memref<1x64x144xf32, #tpu.memory_space<vmem>> -> memref<64x144xf32, #tpu.memory_space<vmem>>
    %dma_wait3A_163 = arith.constant 0 : i32
    %dma_wait3A_164 = tpu.memref_slice %arg10[%dma_wait3A_157, %dma_wait3A_163] : memref<4x64xi32, #tpu.memory_space<vmem>> -> memref<1x64xi32, #tpu.memory_space<vmem>>
    %dma_wait3A_165 = tpu.memref_squeeze %dma_wait3A_164 : memref<1x64xi32, #tpu.memory_space<vmem>> -> memref<64xi32, #tpu.memory_space<vmem>>
    %dma_wait3A_166 = arith.constant 0 : i32
    %dma_wait3A_167 = arith.constant 0 : i32
    %dma_wait3A_168 = tpu.memref_slice %arg15[%dma_wait3A_166, %dma_wait3A_167] : memref<10112x144xf32, #tpu.memory_space<vmem_shared>> -> memref<10112x144xf32, #tpu.memory_space<vmem_shared>>
    %dma_wait3A_169 = tpu.memref_slice %arg20[%dma_wait3A_158] : memref<2x!tpu.dma_semaphore, #tpu.memory_space<semaphore_mem>> -> memref<1x!tpu.dma_semaphore, #tpu.memory_space<semaphore_mem>>
    %dma_wait3A_170 = tpu.memref_squeeze %dma_wait3A_169 : memref<1x!tpu.dma_semaphore, #tpu.memory_space<semaphore_mem>> -> memref<!tpu.dma_semaphore, #tpu.memory_space<semaphore_mem>>
    tpu.wait_indirect_dma semaphore(%dma_wait3A_170 : memref<!tpu.dma_semaphore, #tpu.memory_space<semaphore_mem>>) src(%dma_wait3A_162 : memref<64x144xf32, #tpu.memory_space<vmem>>) dst(%dma_wait3A_168 : memref<10112x144xf32, #tpu.memory_space<vmem_shared>>)
    %barrier3A_171 = arith.constant 0 : index
    tpu.barrier barrier_id(%barrier3A_171)
    %mul3A_172 = arith.constant 632 : i32
    %mul3A_173 = arith.muli %arg1, %mul3A_172 : i32
    %mul3A_174 = arith.constant 632 : i32
    %mul3A_175 = arith.muli %arg1, %mul3A_174 : i32
    "tpu.region"() ({
      %run_scoped3A = tpu.sem_alloc : memref<!tpu.dma_semaphore, #tpu.memory_space<semaphore_mem>>
      %dma_start3A_176 = arith.constant 0 : i32
      %dma_start3A_177 = tpu.memref_slice %arg8[%arg0, %mul3A_175, %dma_start3A_176] : memref<2x10112x144xf32, #tpu.memory_space<hbm>> -> memref<1x632x144xf32, #tpu.memory_space<hbm>>
      %dma_start3A_178 = tpu.memref_squeeze %dma_start3A_177 : memref<1x632x144xf32, #tpu.memory_space<hbm>> -> memref<632x144xf32, #tpu.memory_space<hbm>>
      %dma_start3A_179 = arith.constant 0 : i32
      %dma_start3A_180 = tpu.memref_slice %arg15[%mul3A_173, %dma_start3A_179] : memref<10112x144xf32, #tpu.memory_space<vmem_shared>> -> memref<632x144xf32, #tpu.memory_space<vmem_shared>>
      tpu.enqueue_dma source(%dma_start3A_180 : memref<632x144xf32, #tpu.memory_space<vmem_shared>>) target(%dma_start3A_178 : memref<632x144xf32, #tpu.memory_space<hbm>>) target_semaphore(%run_scoped3A : memref<!tpu.dma_semaphore, #tpu.memory_space<semaphore_mem>>)
      %dma_wait3A_181 = arith.constant 0 : i32
      %dma_wait3A_182 = tpu.memref_slice %arg8[%arg0, %mul3A_175, %dma_wait3A_181] : memref<2x10112x144xf32, #tpu.memory_space<hbm>> -> memref<1x632x144xf32, #tpu.memory_space<hbm>>
      %dma_wait3A_183 = tpu.memref_squeeze %dma_wait3A_182 : memref<1x632x144xf32, #tpu.memory_space<hbm>> -> memref<632x144xf32, #tpu.memory_space<hbm>>
      %dma_wait3A_184 = arith.constant 0 : i32
      %dma_wait3A_185 = tpu.memref_slice %arg15[%mul3A_173, %dma_wait3A_184] : memref<10112x144xf32, #tpu.memory_space<vmem_shared>> -> memref<632x144xf32, #tpu.memory_space<vmem_shared>>
      tpu.wait_dma2 semaphore(%run_scoped3A : memref<!tpu.dma_semaphore, #tpu.memory_space<semaphore_mem>>) src(%dma_wait3A_185 : memref<632x144xf32, #tpu.memory_space<vmem_shared>>) dst(%dma_wait3A_183 : memref<632x144xf32, #tpu.memory_space<hbm>>)
      tpu.yield
    }) : () -> ()
    return
  }
}

#map = affine_map<(d0, d1) -> (0)>
#map1 = affine_map<(d0, d1) -> (0, 0)>
#map2 = affine_map<(d0, d1) -> (0, 0, 0)>
module attributes {stable_mosaic.version = 14 : i64} {
  func.func @k(%arg0: i32, %arg1: i32, %arg2: memref<331776xi32, #tpu.memory_space<hbm>>, %arg3: memref<331776xi32, #tpu.memory_space<hbm>>, %arg4: memref<10000x128xf32, #tpu.memory_space<hbm>>, %arg5: memref<10000x16xf32, #tpu.memory_space<hbm>>, %arg6: memref<10112x16xf32, #tpu.memory_space<hbm>>, %arg7: memref<10112x144xf32, #tpu.memory_space<hbm>>, %arg8: memref<2x10112x144xf32, #tpu.memory_space<hbm>>, %arg9: memref<2x64xi32, #tpu.memory_space<vmem>>, %arg10: memref<4x64xi32, #tpu.memory_space<vmem>>, %arg11: memref<2x64x128xf32, #tpu.memory_space<vmem>>, %arg12: memref<2x64x16xf32, #tpu.memory_space<vmem>>, %arg13: memref<2x64x16xf32, #tpu.memory_space<vmem>>, %arg14: memref<2x64x144xf32, #tpu.memory_space<vmem>>, %arg15: memref<10112x144xf32, #tpu.memory_space<vmem_shared>>, %arg16: memref<2x!tpu.dma_semaphore, #tpu.memory_space<semaphore_mem>>, %arg17: memref<2x!tpu.dma_semaphore, #tpu.memory_space<semaphore_mem>>, %arg18: memref<2x!tpu.dma_semaphore, #tpu.memory_space<semaphore_mem>>, %arg19: memref<2x!tpu.dma_semaphore, #tpu.memory_space<semaphore_mem>>, %arg20: memref<2x!tpu.dma_semaphore, #tpu.memory_space<semaphore_mem>>) attributes {dimension_semantics = [#tpu.dimension_semantics<core_parallel>, #tpu.dimension_semantics<subcore_parallel>], iteration_bounds = array<i64: 2, 16>, scalar_prefetch = 0 : i64, scratch_operands = 12 : i64, tpu.core_type = #tpu.core_type<sc_vector_subcore>, window_params = [{transform_indices = #map}, {transform_indices = #map}, {transform_indices = #map1}, {transform_indices = #map1}, {transform_indices = #map1}, {transform_indices = #map1}, {transform_indices = #map2}]} {
    %mul3A = arith.constant 2 : i32
    %mul3A_0 = arith.muli %arg1, %mul3A : i32
    %add3A = arith.addi %mul3A_0, %arg0 : i32
    %mul3A_1 = arith.constant 632 : i32
    %mul3A_2 = arith.muli %arg1, %mul3A_1 : i32
    %mul3A_3 = arith.constant 632 : i32
    %mul3A_4 = arith.muli %arg1, %mul3A_3 : i32
    "tpu.region"() ({
      %run_scoped3A = tpu.sem_alloc : memref<!tpu.dma_semaphore, #tpu.memory_space<semaphore_mem>>
      %dma_start3A_176 = arith.constant 0 : i32
      %dma_start3A_177 = tpu.memref_slice %arg15[%mul3A_4, %dma_start3A_176] : memref<10112x144xf32, #tpu.memory_space<vmem_shared>> -> memref<632x144xf32, #tpu.memory_space<vmem_shared>>
      %dma_start3A_178 = arith.constant 0 : i32
      %dma_start3A_179 = tpu.memref_slice %arg7[%mul3A_2, %dma_start3A_178] : memref<10112x144xf32, #tpu.memory_space<hbm>> -> memref<632x144xf32, #tpu.memory_space<hbm>>
      tpu.enqueue_dma source(%dma_start3A_179 : memref<632x144xf32, #tpu.memory_space<hbm>>) target(%dma_start3A_177 : memref<632x144xf32, #tpu.memory_space<vmem_shared>>) target_semaphore(%run_scoped3A : memref<!tpu.dma_semaphore, #tpu.memory_space<semaphore_mem>>)
      %dma_wait3A_180 = arith.constant 0 : i32
      %dma_wait3A_181 = tpu.memref_slice %arg15[%mul3A_4, %dma_wait3A_180] : memref<10112x144xf32, #tpu.memory_space<vmem_shared>> -> memref<632x144xf32, #tpu.memory_space<vmem_shared>>
      %dma_wait3A_182 = arith.constant 0 : i32
      %dma_wait3A_183 = tpu.memref_slice %arg7[%mul3A_2, %dma_wait3A_182] : memref<10112x144xf32, #tpu.memory_space<hbm>> -> memref<632x144xf32, #tpu.memory_space<hbm>>
      tpu.wait_dma2 semaphore(%run_scoped3A : memref<!tpu.dma_semaphore, #tpu.memory_space<semaphore_mem>>) src(%dma_wait3A_183 : memref<632x144xf32, #tpu.memory_space<hbm>>) dst(%dma_wait3A_181 : memref<632x144xf32, #tpu.memory_space<vmem_shared>>)
      tpu.yield
    }) : () -> ()
    %iota3A = tpu.iota {dimensions = array<i32: 0>} : vector<16xi32>
    %mul3A_5 = arith.constant 162 : i32
    %mul3A_6 = arith.muli %add3A, %mul3A_5 : i32
    %add3A_7 = arith.constant 0 : i32
    %add3A_8 = arith.addi %mul3A_6, %add3A_7 : i32
    %mul3A_9 = arith.constant 64 : i32
    %mul3A_10 = arith.muli %add3A_8, %mul3A_9 : i32
    %dma_start3A = arith.constant 0 : i32
    %dma_start3A_11 = arith.constant 0 : i32
    %dma_start3A_12 = arith.constant 0 : i32
    %dma_start3A_13 = tpu.memref_slice %arg9[%dma_start3A, %dma_start3A_12] : memref<2x64xi32, #tpu.memory_space<vmem>> -> memref<1x64xi32, #tpu.memory_space<vmem>>
    %dma_start3A_14 = tpu.memref_squeeze %dma_start3A_13 : memref<1x64xi32, #tpu.memory_space<vmem>> -> memref<64xi32, #tpu.memory_space<vmem>>
    %dma_start3A_15 = tpu.memref_slice %arg2[%mul3A_10] : memref<331776xi32, #tpu.memory_space<hbm>> -> memref<64xi32, #tpu.memory_space<hbm>>
    %dma_start3A_16 = tpu.memref_slice %arg16[%dma_start3A_11] : memref<2x!tpu.dma_semaphore, #tpu.memory_space<semaphore_mem>> -> memref<1x!tpu.dma_semaphore, #tpu.memory_space<semaphore_mem>>
    %dma_start3A_17 = tpu.memref_squeeze %dma_start3A_16 : memref<1x!tpu.dma_semaphore, #tpu.memory_space<semaphore_mem>> -> memref<!tpu.dma_semaphore, #tpu.memory_space<semaphore_mem>>
    %dma_start3A_18 = arith.constant 0 : i32
    %dma_start3A_19 = tpu.memref_slice %arg9[%dma_start3A, %dma_start3A_18] : memref<2x64xi32, #tpu.memory_space<vmem>> -> memref<1x64xi32, #tpu.memory_space<vmem>>
    %dma_start3A_20 = tpu.memref_squeeze %dma_start3A_19 : memref<1x64xi32, #tpu.memory_space<vmem>> -> memref<64xi32, #tpu.memory_space<vmem>>
    %dma_start3A_21 = tpu.memref_slice %arg2[%mul3A_10] : memref<331776xi32, #tpu.memory_space<hbm>> -> memref<64xi32, #tpu.memory_space<hbm>>
    tpu.enqueue_dma source(%dma_start3A_21 : memref<64xi32, #tpu.memory_space<hbm>>) target(%dma_start3A_20 : memref<64xi32, #tpu.memory_space<vmem>>) target_semaphore(%dma_start3A_17 : memref<!tpu.dma_semaphore, #tpu.memory_space<semaphore_mem>>)
    %dma_start3A_22 = arith.constant 0 : i32
    %dma_start3A_23 = arith.constant 0 : i32
    %dma_start3A_24 = arith.constant 0 : i32
    %dma_start3A_25 = tpu.memref_slice %arg10[%dma_start3A_22, %dma_start3A_24] : memref<4x64xi32, #tpu.memory_space<vmem>> -> memref<1x64xi32, #tpu.memory_space<vmem>>
    %dma_start3A_26 = tpu.memref_squeeze %dma_start3A_25 : memref<1x64xi32, #tpu.memory_space<vmem>> -> memref<64xi32, #tpu.memory_space<vmem>>
    %dma_start3A_27 = tpu.memref_slice %arg3[%mul3A_10] : memref<331776xi32, #tpu.memory_space<hbm>> -> memref<64xi32, #tpu.memory_space<hbm>>
    %dma_start3A_28 = tpu.memref_slice %arg16[%dma_start3A_23] : memref<2x!tpu.dma_semaphore, #tpu.memory_space<semaphore_mem>> -> memref<1x!tpu.dma_semaphore, #tpu.memory_space<semaphore_mem>>
    %dma_start3A_29 = tpu.memref_squeeze %dma_start3A_28 : memref<1x!tpu.dma_semaphore, #tpu.memory_space<semaphore_mem>> -> memref<!tpu.dma_semaphore, #tpu.memory_space<semaphore_mem>>
    %dma_start3A_30 = arith.constant 0 : i32
    %dma_start3A_31 = tpu.memref_slice %arg10[%dma_start3A_22, %dma_start3A_30] : memref<4x64xi32, #tpu.memory_space<vmem>> -> memref<1x64xi32, #tpu.memory_space<vmem>>
    %dma_start3A_32 = tpu.memref_squeeze %dma_start3A_31 : memref<1x64xi32, #tpu.memory_space<vmem>> -> memref<64xi32, #tpu.memory_space<vmem>>
    %dma_start3A_33 = tpu.memref_slice %arg3[%mul3A_10] : memref<331776xi32, #tpu.memory_space<hbm>> -> memref<64xi32, #tpu.memory_space<hbm>>
    tpu.enqueue_dma source(%dma_start3A_33 : memref<64xi32, #tpu.memory_space<hbm>>) target(%dma_start3A_32 : memref<64xi32, #tpu.memory_space<vmem>>) target_semaphore(%dma_start3A_29 : memref<!tpu.dma_semaphore, #tpu.memory_space<semaphore_mem>>)
    %dma_wait3A = arith.constant 0 : i32
    %dma_wait3A_34 = arith.constant 0 : i32
    %dma_wait3A_35 = arith.constant 0 : i32
    %dma_wait3A_36 = tpu.memref_slice %arg9[%dma_wait3A, %dma_wait3A_35] : memref<2x64xi32, #tpu.memory_space<vmem>> -> memref<1x64xi32, #tpu.memory_space<vmem>>
    %dma_wait3A_37 = tpu.memref_squeeze %dma_wait3A_36 : memref<1x64xi32, #tpu.memory_space<vmem>> -> memref<64xi32, #tpu.memory_space<vmem>>
    %dma_wait3A_38 = arith.constant 0 : i32
    %dma_wait3A_39 = tpu.memref_slice %arg2[%dma_wait3A_38] : memref<331776xi32, #tpu.memory_space<hbm>> -> memref<64xi32, #tpu.memory_space<hbm>>
    %dma_wait3A_40 = tpu.memref_slice %arg16[%dma_wait3A_34] : memref<2x!tpu.dma_semaphore, #tpu.memory_space<semaphore_mem>> -> memref<1x!tpu.dma_semaphore, #tpu.memory_space<semaphore_mem>>
    %dma_wait3A_41 = tpu.memref_squeeze %dma_wait3A_40 : memref<1x!tpu.dma_semaphore, #tpu.memory_space<semaphore_mem>> -> memref<!tpu.dma_semaphore, #tpu.memory_space<semaphore_mem>>
    %dma_wait3A_42 = arith.constant 0 : i32
    %dma_wait3A_43 = tpu.memref_slice %arg9[%dma_wait3A, %dma_wait3A_42] : memref<2x64xi32, #tpu.memory_space<vmem>> -> memref<1x64xi32, #tpu.memory_space<vmem>>
    %dma_wait3A_44 = tpu.memref_squeeze %dma_wait3A_43 : memref<1x64xi32, #tpu.memory_space<vmem>> -> memref<64xi32, #tpu.memory_space<vmem>>
    %dma_wait3A_45 = arith.constant 0 : i32
    %dma_wait3A_46 = tpu.memref_slice %arg2[%dma_wait3A_45] : memref<331776xi32, #tpu.memory_space<hbm>> -> memref<64xi32, #tpu.memory_space<hbm>>
    tpu.wait_dma2 semaphore(%dma_wait3A_41 : memref<!tpu.dma_semaphore, #tpu.memory_space<semaphore_mem>>) src(%dma_wait3A_46 : memref<64xi32, #tpu.memory_space<hbm>>) dst(%dma_wait3A_44 : memref<64xi32, #tpu.memory_space<vmem>>)
    %dma_wait3A_47 = arith.constant 0 : i32
    %dma_wait3A_48 = arith.constant 0 : i32
    %dma_wait3A_49 = arith.constant 0 : i32
    %dma_wait3A_50 = tpu.memref_slice %arg10[%dma_wait3A_47, %dma_wait3A_49] : memref<4x64xi32, #tpu.memory_space<vmem>> -> memref<1x64xi32, #tpu.memory_space<vmem>>
    %dma_wait3A_51 = tpu.memref_squeeze %dma_wait3A_50 : memref<1x64xi32, #tpu.memory_space<vmem>> -> memref<64xi32, #tpu.memory_space<vmem>>
    %dma_wait3A_52 = arith.constant 0 : i32
    %dma_wait3A_53 = tpu.memref_slice %arg3[%dma_wait3A_52] : memref<331776xi32, #tpu.memory_space<hbm>> -> memref<64xi32, #tpu.memory_space<hbm>>
    %dma_wait3A_54 = tpu.memref_slice %arg16[%dma_wait3A_48] : memref<2x!tpu.dma_semaphore, #tpu.memory_space<semaphore_mem>> -> memref<1x!tpu.dma_semaphore, #tpu.memory_space<semaphore_mem>>
    %dma_wait3A_55 = tpu.memref_squeeze %dma_wait3A_54 : memref<1x!tpu.dma_semaphore, #tpu.memory_space<semaphore_mem>> -> memref<!tpu.dma_semaphore, #tpu.memory_space<semaphore_mem>>
    %dma_wait3A_56 = arith.constant 0 : i32
    %dma_wait3A_57 = tpu.memref_slice %arg10[%dma_wait3A_47, %dma_wait3A_56] : memref<4x64xi32, #tpu.memory_space<vmem>> -> memref<1x64xi32, #tpu.memory_space<vmem>>
    %dma_wait3A_58 = tpu.memref_squeeze %dma_wait3A_57 : memref<1x64xi32, #tpu.memory_space<vmem>> -> memref<64xi32, #tpu.memory_space<vmem>>
    %dma_wait3A_59 = arith.constant 0 : i32
    %dma_wait3A_60 = tpu.memref_slice %arg3[%dma_wait3A_59] : memref<331776xi32, #tpu.memory_space<hbm>> -> memref<64xi32, #tpu.memory_space<hbm>>
    tpu.wait_dma2 semaphore(%dma_wait3A_55 : memref<!tpu.dma_semaphore, #tpu.memory_space<semaphore_mem>>) src(%dma_wait3A_60 : memref<64xi32, #tpu.memory_space<hbm>>) dst(%dma_wait3A_58 : memref<64xi32, #tpu.memory_space<vmem>>)
    %dma_start3A_61 = arith.constant 0 : i32
    %dma_start3A_62 = arith.constant 0 : i32
    %dma_start3A_63 = arith.constant 0 : i32
    %dma_start3A_64 = arith.constant 0 : i32
    %dma_start3A_65 = arith.constant 0 : i32
    %dma_start3A_66 = tpu.memref_slice %arg11[%dma_start3A_62, %dma_start3A_64, %dma_start3A_65] : memref<2x64x128xf32, #tpu.memory_space<vmem>> -> memref<1x64x128xf32, #tpu.memory_space<vmem>>
    %dma_start3A_67 = tpu.memref_squeeze %dma_start3A_66 : memref<1x64x128xf32, #tpu.memory_space<vmem>> -> memref<64x128xf32, #tpu.memory_space<vmem>>
    %dma_start3A_68 = arith.constant 0 : i32
    %dma_start3A_69 = tpu.memref_slice %arg9[%dma_start3A_61, %dma_start3A_68] : memref<2x64xi32, #tpu.memory_space<vmem>> -> memref<1x64xi32, #tpu.memory_space<vmem>>
    %dma_start3A_70 = tpu.memref_squeeze %dma_start3A_69 : memref<1x64xi32, #tpu.memory_space<vmem>> -> memref<64xi32, #tpu.memory_space<vmem>>
    %dma_start3A_71 = arith.constant 0 : i32
    %dma_start3A_72 = arith.constant 0 : i32
    %dma_start3A_73 = tpu.memref_slice %arg4[%dma_start3A_71, %dma_start3A_72] : memref<10000x128xf32, #tpu.memory_space<hbm>> -> memref<10000x128xf32, #tpu.memory_space<hbm>>
    %dma_start3A_74 = tpu.memref_slice %arg17[%dma_start3A_63] : memref<2x!tpu.dma_semaphore, #tpu.memory_space<semaphore_mem>> -> memref<1x!tpu.dma_semaphore, #tpu.memory_space<semaphore_mem>>
    %dma_start3A_75 = tpu.memref_squeeze %dma_start3A_74 : memref<1x!tpu.dma_semaphore, #tpu.memory_space<semaphore_mem>> -> memref<!tpu.dma_semaphore, #tpu.memory_space<semaphore_mem>>
    tpu.enqueue_indirect_dma source(%dma_start3A_73 : memref<10000x128xf32, #tpu.memory_space<hbm>>) target(%dma_start3A_67 : memref<64x128xf32, #tpu.memory_space<vmem>>) offsets(%dma_start3A_70 : memref<64xi32, #tpu.memory_space<vmem>>) semaphore(%dma_start3A_75 : memref<!tpu.dma_semaphore, #tpu.memory_space<semaphore_mem>>)
    %dma_start3A_76 = arith.constant 0 : i32
    %dma_start3A_77 = arith.constant 0 : i32
    %dma_start3A_78 = arith.constant 0 : i32
    %dma_start3A_79 = arith.constant 0 : i32
    %dma_start3A_80 = arith.constant 0 : i32
    %dma_start3A_81 = tpu.memref_slice %arg12[%dma_start3A_77, %dma_start3A_79, %dma_start3A_80] : memref<2x64x16xf32, #tpu.memory_space<vmem>> -> memref<1x64x16xf32, #tpu.memory_space<vmem>>
    %dma_start3A_82 = tpu.memref_squeeze %dma_start3A_81 : memref<1x64x16xf32, #tpu.memory_space<vmem>> -> memref<64x16xf32, #tpu.memory_space<vmem>>
    %dma_start3A_83 = arith.constant 0 : i32
    %dma_start3A_84 = tpu.memref_slice %arg9[%dma_start3A_76, %dma_start3A_83] : memref<2x64xi32, #tpu.memory_space<vmem>> -> memref<1x64xi32, #tpu.memory_space<vmem>>
    %dma_start3A_85 = tpu.memref_squeeze %dma_start3A_84 : memref<1x64xi32, #tpu.memory_space<vmem>> -> memref<64xi32, #tpu.memory_space<vmem>>
    %dma_start3A_86 = arith.constant 0 : i32
    %dma_start3A_87 = arith.constant 0 : i32
    %dma_start3A_88 = tpu.memref_slice %arg5[%dma_start3A_86, %dma_start3A_87] : memref<10000x16xf32, #tpu.memory_space<hbm>> -> memref<10000x16xf32, #tpu.memory_space<hbm>>
    %dma_start3A_89 = tpu.memref_slice %arg18[%dma_start3A_78] : memref<2x!tpu.dma_semaphore, #tpu.memory_space<semaphore_mem>> -> memref<1x!tpu.dma_semaphore, #tpu.memory_space<semaphore_mem>>
    %dma_start3A_90 = tpu.memref_squeeze %dma_start3A_89 : memref<1x!tpu.dma_semaphore, #tpu.memory_space<semaphore_mem>> -> memref<!tpu.dma_semaphore, #tpu.memory_space<semaphore_mem>>
    tpu.enqueue_indirect_dma source(%dma_start3A_88 : memref<10000x16xf32, #tpu.memory_space<hbm>>) target(%dma_start3A_82 : memref<64x16xf32, #tpu.memory_space<vmem>>) offsets(%dma_start3A_85 : memref<64xi32, #tpu.memory_space<vmem>>) semaphore(%dma_start3A_90 : memref<!tpu.dma_semaphore, #tpu.memory_space<semaphore_mem>>)
    %dma_start3A_91 = arith.constant 0 : i32
    %dma_start3A_92 = arith.constant 0 : i32
    %dma_start3A_93 = arith.constant 0 : i32
    %dma_start3A_94 = arith.constant 0 : i32
    %dma_start3A_95 = arith.constant 0 : i32
    %dma_start3A_96 = tpu.memref_slice %arg13[%dma_start3A_92, %dma_start3A_94, %dma_start3A_95] : memref<2x64x16xf32, #tpu.memory_space<vmem>> -> memref<1x64x16xf32, #tpu.memory_space<vmem>>
    %dma_start3A_97 = tpu.memref_squeeze %dma_start3A_96 : memref<1x64x16xf32, #tpu.memory_space<vmem>> -> memref<64x16xf32, #tpu.memory_space<vmem>>
    %dma_start3A_98 = arith.constant 0 : i32
    %dma_start3A_99 = tpu.memref_slice %arg10[%dma_start3A_91, %dma_start3A_98] : memref<4x64xi32, #tpu.memory_space<vmem>> -> memref<1x64xi32, #tpu.memory_space<vmem>>
    %dma_start3A_100 = tpu.memref_squeeze %dma_start3A_99 : memref<1x64xi32, #tpu.memory_space<vmem>> -> memref<64xi32, #tpu.memory_space<vmem>>
    %dma_start3A_101 = arith.constant 0 : i32
    %dma_start3A_102 = arith.constant 0 : i32
    %dma_start3A_103 = tpu.memref_slice %arg6[%dma_start3A_101, %dma_start3A_102] : memref<10112x16xf32, #tpu.memory_space<hbm>> -> memref<10112x16xf32, #tpu.memory_space<hbm>>
    %dma_start3A_104 = tpu.memref_slice %arg19[%dma_start3A_93] : memref<2x!tpu.dma_semaphore, #tpu.memory_space<semaphore_mem>> -> memref<1x!tpu.dma_semaphore, #tpu.memory_space<semaphore_mem>>
    %dma_start3A_105 = tpu.memref_squeeze %dma_start3A_104 : memref<1x!tpu.dma_semaphore, #tpu.memory_space<semaphore_mem>> -> memref<!tpu.dma_semaphore, #tpu.memory_space<semaphore_mem>>
    tpu.enqueue_indirect_dma source(%dma_start3A_103 : memref<10112x16xf32, #tpu.memory_space<hbm>>) target(%dma_start3A_97 : memref<64x16xf32, #tpu.memory_space<vmem>>) offsets(%dma_start3A_100 : memref<64xi32, #tpu.memory_space<vmem>>) semaphore(%dma_start3A_105 : memref<!tpu.dma_semaphore, #tpu.memory_space<semaphore_mem>>)
    %mul3A_106 = arith.constant 162 : i32
    %mul3A_107 = arith.muli %add3A, %mul3A_106 : i32
    %add3A_108 = arith.constant 1 : i32
    %add3A_109 = arith.addi %mul3A_107, %add3A_108 : i32
    %mul3A_110 = arith.constant 64 : i32
    %mul3A_111 = arith.muli %add3A_109, %mul3A_110 : i32
    %dma_start3A_112 = arith.constant 1 : i32
    %dma_start3A_113 = arith.constant 1 : i32
    %dma_start3A_114 = arith.constant 0 : i32
    %dma_start3A_115 = tpu.memref_slice %arg9[%dma_start3A_112, %dma_start3A_114] : memref<2x64xi32, #tpu.memory_space<vmem>> -> memref<1x64xi32, #tpu.memory_space<vmem>>
    %dma_start3A_116 = tpu.memref_squeeze %dma_start3A_115 : memref<1x64xi32, #tpu.memory_space<vmem>> -> memref<64xi32, #tpu.memory_space<vmem>>
    %dma_start3A_117 = tpu.memref_slice %arg2[%mul3A_111] : memref<331776xi32, #tpu.memory_space<hbm>> -> memref<64xi32, #tpu.memory_space<hbm>>
    %dma_start3A_118 = tpu.memref_slice %arg16[%dma_start3A_113] : memref<2x!tpu.dma_semaphore, #tpu.memory_space<semaphore_mem>> -> memref<1x!tpu.dma_semaphore, #tpu.memory_space<semaphore_mem>>
    %dma_start3A_119 = tpu.memref_squeeze %dma_start3A_118 : memref<1x!tpu.dma_semaphore, #tpu.memory_space<semaphore_mem>> -> memref<!tpu.dma_semaphore, #tpu.memory_space<semaphore_mem>>
    %dma_start3A_120 = arith.constant 0 : i32
    %dma_start3A_121 = tpu.memref_slice %arg9[%dma_start3A_112, %dma_start3A_120] : memref<2x64xi32, #tpu.memory_space<vmem>> -> memref<1x64xi32, #tpu.memory_space<vmem>>
    %dma_start3A_122 = tpu.memref_squeeze %dma_start3A_121 : memref<1x64xi32, #tpu.memory_space<vmem>> -> memref<64xi32, #tpu.memory_space<vmem>>
    %dma_start3A_123 = tpu.memref_slice %arg2[%mul3A_111] : memref<331776xi32, #tpu.memory_space<hbm>> -> memref<64xi32, #tpu.memory_space<hbm>>
    tpu.enqueue_dma source(%dma_start3A_123 : memref<64xi32, #tpu.memory_space<hbm>>) target(%dma_start3A_122 : memref<64xi32, #tpu.memory_space<vmem>>) target_semaphore(%dma_start3A_119 : memref<!tpu.dma_semaphore, #tpu.memory_space<semaphore_mem>>)
    %dma_start3A_124 = arith.constant 1 : i32
    %dma_start3A_125 = arith.constant 1 : i32
    %dma_start3A_126 = arith.constant 0 : i32
    %dma_start3A_127 = tpu.memref_slice %arg10[%dma_start3A_124, %dma_start3A_126] : memref<4x64xi32, #tpu.memory_space<vmem>> -> memref<1x64xi32, #tpu.memory_space<vmem>>
    %dma_start3A_128 = tpu.memref_squeeze %dma_start3A_127 : memref<1x64xi32, #tpu.memory_space<vmem>> -> memref<64xi32, #tpu.memory_space<vmem>>
    %dma_start3A_129 = tpu.memref_slice %arg3[%mul3A_111] : memref<331776xi32, #tpu.memory_space<hbm>> -> memref<64xi32, #tpu.memory_space<hbm>>
    %dma_start3A_130 = tpu.memref_slice %arg16[%dma_start3A_125] : memref<2x!tpu.dma_semaphore, #tpu.memory_space<semaphore_mem>> -> memref<1x!tpu.dma_semaphore, #tpu.memory_space<semaphore_mem>>
    %dma_start3A_131 = tpu.memref_squeeze %dma_start3A_130 : memref<1x!tpu.dma_semaphore, #tpu.memory_space<semaphore_mem>> -> memref<!tpu.dma_semaphore, #tpu.memory_space<semaphore_mem>>
    %dma_start3A_132 = arith.constant 0 : i32
    %dma_start3A_133 = tpu.memref_slice %arg10[%dma_start3A_124, %dma_start3A_132] : memref<4x64xi32, #tpu.memory_space<vmem>> -> memref<1x64xi32, #tpu.memory_space<vmem>>
    %dma_start3A_134 = tpu.memref_squeeze %dma_start3A_133 : memref<1x64xi32, #tpu.memory_space<vmem>> -> memref<64xi32, #tpu.memory_space<vmem>>
    %dma_start3A_135 = tpu.memref_slice %arg3[%mul3A_111] : memref<331776xi32, #tpu.memory_space<hbm>> -> memref<64xi32, #tpu.memory_space<hbm>>
    tpu.enqueue_dma source(%dma_start3A_135 : memref<64xi32, #tpu.memory_space<hbm>>) target(%dma_start3A_134 : memref<64xi32, #tpu.memory_space<vmem>>) target_semaphore(%dma_start3A_131 : memref<!tpu.dma_semaphore, #tpu.memory_space<semaphore_mem>>)
    %barrier3A = arith.constant 0 : index
    tpu.barrier barrier_id(%barrier3A)
    %scan3A = arith.constant 0 : i32
    %scan3A_136 = arith.constant 0 : i32
    %scan3A_137 = arith.constant 81 : i32
    %scan3A_138 = arith.addi %scan3A_136, %scan3A_137 : i32
    %scan3A_139 = arith.constant 1 : i32
    scf.for %scan3A_176 = %scan3A_136 to %scan3A_138 step %scan3A_139  : i32 {
      %mul3A_177 = arith.constant 2 : i32
      %mul3A_178 = arith.muli %mul3A_177, %scan3A_176 : i32
      %add3A_179 = arith.constant 0 : i32
      %add3A_180 = arith.addi %mul3A_178, %add3A_179 : i32
      %jit3A = arith.constant 4 : i32
      %eq3A = arith.constant 0 : i32
      %eq3A_181 = arith.cmpi eq, %jit3A, %eq3A : i32
      %jit3A_182 = arith.constant 1 : i32
      %select_n3A = arith.select %eq3A_181, %jit3A_182, %jit3A : i32
      %rem3A = arith.remsi %add3A_180, %select_n3A : i32
      %ne3A = arith.constant 0 : i32
      %ne3A_183 = arith.cmpi ne, %rem3A, %ne3A : i32
      %lt3A = arith.constant 0 : i32
      %lt3A_184 = arith.cmpi slt, %rem3A, %lt3A : i32
      %lt3A_185 = arith.constant 0 : i32
      %lt3A_186 = arith.cmpi slt, %select_n3A, %lt3A_185 : i32
      %ne3A_187 = arith.xori %lt3A_184, %lt3A_186 : i1
      %and3A = arith.andi %ne3A_187, %ne3A_183 : i1
      %add3A_188 = arith.addi %rem3A, %select_n3A : i32
      %select_n3A_189 = arith.select %and3A, %add3A_188, %rem3A : i32
      %dma_wait3A_190 = arith.constant 0 : i32
      %dma_wait3A_191 = arith.constant 0 : i32
      %dma_wait3A_192 = arith.constant 0 : i32
      %dma_wait3A_193 = arith.constant 0 : i32
      %dma_wait3A_194 = arith.constant 0 : i32
      %dma_wait3A_195 = tpu.memref_slice %arg11[%dma_wait3A_191, %dma_wait3A_193, %dma_wait3A_194] : memref<2x64x128xf32, #tpu.memory_space<vmem>> -> memref<1x64x128xf32, #tpu.memory_space<vmem>>
      %dma_wait3A_196 = tpu.memref_squeeze %dma_wait3A_195 : memref<1x64x128xf32, #tpu.memory_space<vmem>> -> memref<64x128xf32, #tpu.memory_space<vmem>>
      %dma_wait3A_197 = arith.constant 0 : i32
      %dma_wait3A_198 = tpu.memref_slice %arg9[%dma_wait3A_190, %dma_wait3A_197] : memref<2x64xi32, #tpu.memory_space<vmem>> -> memref<1x64xi32, #tpu.memory_space<vmem>>
      %dma_wait3A_199 = tpu.memref_squeeze %dma_wait3A_198 : memref<1x64xi32, #tpu.memory_space<vmem>> -> memref<64xi32, #tpu.memory_space<vmem>>
      %dma_wait3A_200 = arith.constant 0 : i32
      %dma_wait3A_201 = arith.constant 0 : i32
      %dma_wait3A_202 = tpu.memref_slice %arg4[%dma_wait3A_200, %dma_wait3A_201] : memref<10000x128xf32, #tpu.memory_space<hbm>> -> memref<10000x128xf32, #tpu.memory_space<hbm>>
      %dma_wait3A_203 = tpu.memref_slice %arg17[%dma_wait3A_192] : memref<2x!tpu.dma_semaphore, #tpu.memory_space<semaphore_mem>> -> memref<1x!tpu.dma_semaphore, #tpu.memory_space<semaphore_mem>>
      %dma_wait3A_204 = tpu.memref_squeeze %dma_wait3A_203 : memref<1x!tpu.dma_semaphore, #tpu.memory_space<semaphore_mem>> -> memref<!tpu.dma_semaphore, #tpu.memory_space<semaphore_mem>>
      tpu.wait_indirect_dma semaphore(%dma_wait3A_204 : memref<!tpu.dma_semaphore, #tpu.memory_space<semaphore_mem>>) src(%dma_wait3A_202 : memref<10000x128xf32, #tpu.memory_space<hbm>>) dst(%dma_wait3A_196 : memref<64x128xf32, #tpu.memory_space<vmem>>)
      %dma_wait3A_205 = arith.constant 0 : i32
      %dma_wait3A_206 = arith.constant 0 : i32
      %dma_wait3A_207 = arith.constant 0 : i32
      %dma_wait3A_208 = arith.constant 0 : i32
      %dma_wait3A_209 = arith.constant 0 : i32
      %dma_wait3A_210 = tpu.memref_slice %arg12[%dma_wait3A_206, %dma_wait3A_208, %dma_wait3A_209] : memref<2x64x16xf32, #tpu.memory_space<vmem>> -> memref<1x64x16xf32, #tpu.memory_space<vmem>>
      %dma_wait3A_211 = tpu.memref_squeeze %dma_wait3A_210 : memref<1x64x16xf32, #tpu.memory_space<vmem>> -> memref<64x16xf32, #tpu.memory_space<vmem>>
      %dma_wait3A_212 = arith.constant 0 : i32
      %dma_wait3A_213 = tpu.memref_slice %arg9[%dma_wait3A_205, %dma_wait3A_212] : memref<2x64xi32, #tpu.memory_space<vmem>> -> memref<1x64xi32, #tpu.memory_space<vmem>>
      %dma_wait3A_214 = tpu.memref_squeeze %dma_wait3A_213 : memref<1x64xi32, #tpu.memory_space<vmem>> -> memref<64xi32, #tpu.memory_space<vmem>>
      %dma_wait3A_215 = arith.constant 0 : i32
      %dma_wait3A_216 = arith.constant 0 : i32
      %dma_wait3A_217 = tpu.memref_slice %arg5[%dma_wait3A_215, %dma_wait3A_216] : memref<10000x16xf32, #tpu.memory_space<hbm>> -> memref<10000x16xf32, #tpu.memory_space<hbm>>
      %dma_wait3A_218 = tpu.memref_slice %arg18[%dma_wait3A_207] : memref<2x!tpu.dma_semaphore, #tpu.memory_space<semaphore_mem>> -> memref<1x!tpu.dma_semaphore, #tpu.memory_space<semaphore_mem>>
      %dma_wait3A_219 = tpu.memref_squeeze %dma_wait3A_218 : memref<1x!tpu.dma_semaphore, #tpu.memory_space<semaphore_mem>> -> memref<!tpu.dma_semaphore, #tpu.memory_space<semaphore_mem>>
      tpu.wait_indirect_dma semaphore(%dma_wait3A_219 : memref<!tpu.dma_semaphore, #tpu.memory_space<semaphore_mem>>) src(%dma_wait3A_217 : memref<10000x16xf32, #tpu.memory_space<hbm>>) dst(%dma_wait3A_211 : memref<64x16xf32, #tpu.memory_space<vmem>>)
      %dma_wait3A_220 = arith.constant 0 : i32
      %dma_wait3A_221 = arith.constant 0 : i32
      %dma_wait3A_222 = arith.constant 0 : i32
      %dma_wait3A_223 = arith.constant 0 : i32
      %dma_wait3A_224 = tpu.memref_slice %arg13[%dma_wait3A_220, %dma_wait3A_222, %dma_wait3A_223] : memref<2x64x16xf32, #tpu.memory_space<vmem>> -> memref<1x64x16xf32, #tpu.memory_space<vmem>>
      %dma_wait3A_225 = tpu.memref_squeeze %dma_wait3A_224 : memref<1x64x16xf32, #tpu.memory_space<vmem>> -> memref<64x16xf32, #tpu.memory_space<vmem>>
      %dma_wait3A_226 = arith.constant 0 : i32
      %dma_wait3A_227 = tpu.memref_slice %arg10[%select_n3A_189, %dma_wait3A_226] : memref<4x64xi32, #tpu.memory_space<vmem>> -> memref<1x64xi32, #tpu.memory_space<vmem>>
      %dma_wait3A_228 = tpu.memref_squeeze %dma_wait3A_227 : memref<1x64xi32, #tpu.memory_space<vmem>> -> memref<64xi32, #tpu.memory_space<vmem>>
      %dma_wait3A_229 = arith.constant 0 : i32
      %dma_wait3A_230 = arith.constant 0 : i32
      %dma_wait3A_231 = tpu.memref_slice %arg6[%dma_wait3A_229, %dma_wait3A_230] : memref<10112x16xf32, #tpu.memory_space<hbm>> -> memref<10112x16xf32, #tpu.memory_space<hbm>>
      %dma_wait3A_232 = tpu.memref_slice %arg19[%dma_wait3A_221] : memref<2x!tpu.dma_semaphore, #tpu.memory_space<semaphore_mem>> -> memref<1x!tpu.dma_semaphore, #tpu.memory_space<semaphore_mem>>
      %dma_wait3A_233 = tpu.memref_squeeze %dma_wait3A_232 : memref<1x!tpu.dma_semaphore, #tpu.memory_space<semaphore_mem>> -> memref<!tpu.dma_semaphore, #tpu.memory_space<semaphore_mem>>
      tpu.wait_indirect_dma semaphore(%dma_wait3A_233 : memref<!tpu.dma_semaphore, #tpu.memory_space<semaphore_mem>>) src(%dma_wait3A_231 : memref<10112x16xf32, #tpu.memory_space<hbm>>) dst(%dma_wait3A_225 : memref<64x16xf32, #tpu.memory_space<vmem>>)
      %add3A_234 = arith.constant 1 : i32
      %add3A_235 = arith.addi %add3A_180, %add3A_234 : i32
      %lt3A_236 = arith.constant 162 : i32
      %lt3A_237 = arith.cmpi slt, %add3A_235, %lt3A_236 : i32
      %convert_element_type3A = arith.extui %lt3A_237 : i1 to i32
      %cond3A = arith.constant 0 : i32
      %cond3A_238 = arith.cmpi ne, %convert_element_type3A, %cond3A : i32
      scf.if %cond3A_238 {
        %add3A_396 = arith.constant 1 : i32
        %add3A_397 = arith.addi %add3A_180, %add3A_396 : i32
        %jit3A_398 = arith.constant 4 : i32
        %eq3A_399 = arith.constant 0 : i32
        %eq3A_400 = arith.cmpi eq, %jit3A_398, %eq3A_399 : i32
        %jit3A_401 = arith.constant 1 : i32
        %select_n3A_402 = arith.select %eq3A_400, %jit3A_401, %jit3A_398 : i32
        %rem3A_403 = arith.remsi %add3A_397, %select_n3A_402 : i32
        %ne3A_404 = arith.constant 0 : i32
        %ne3A_405 = arith.cmpi ne, %rem3A_403, %ne3A_404 : i32
        %lt3A_406 = arith.constant 0 : i32
        %lt3A_407 = arith.cmpi slt, %rem3A_403, %lt3A_406 : i32
        %lt3A_408 = arith.constant 0 : i32
        %lt3A_409 = arith.cmpi slt, %select_n3A_402, %lt3A_408 : i32
        %ne3A_410 = arith.xori %lt3A_407, %lt3A_409 : i1
        %and3A_411 = arith.andi %ne3A_410, %ne3A_405 : i1
        %add3A_412 = arith.addi %rem3A_403, %select_n3A_402 : i32
        %select_n3A_413 = arith.select %and3A_411, %add3A_412, %rem3A_403 : i32
        %dma_wait3A_414 = arith.constant 1 : i32
        %dma_wait3A_415 = arith.constant 1 : i32
        %dma_wait3A_416 = arith.constant 0 : i32
        %dma_wait3A_417 = tpu.memref_slice %arg9[%dma_wait3A_414, %dma_wait3A_416] : memref<2x64xi32, #tpu.memory_space<vmem>> -> memref<1x64xi32, #tpu.memory_space<vmem>>
        %dma_wait3A_418 = tpu.memref_squeeze %dma_wait3A_417 : memref<1x64xi32, #tpu.memory_space<vmem>> -> memref<64xi32, #tpu.memory_space<vmem>>
        %dma_wait3A_419 = arith.constant 0 : i32
        %dma_wait3A_420 = tpu.memref_slice %arg2[%dma_wait3A_419] : memref<331776xi32, #tpu.memory_space<hbm>> -> memref<64xi32, #tpu.memory_space<hbm>>
        %dma_wait3A_421 = tpu.memref_slice %arg16[%dma_wait3A_415] : memref<2x!tpu.dma_semaphore, #tpu.memory_space<semaphore_mem>> -> memref<1x!tpu.dma_semaphore, #tpu.memory_space<semaphore_mem>>
        %dma_wait3A_422 = tpu.memref_squeeze %dma_wait3A_421 : memref<1x!tpu.dma_semaphore, #tpu.memory_space<semaphore_mem>> -> memref<!tpu.dma_semaphore, #tpu.memory_space<semaphore_mem>>
        %dma_wait3A_423 = arith.constant 0 : i32
        %dma_wait3A_424 = tpu.memref_slice %arg9[%dma_wait3A_414, %dma_wait3A_423] : memref<2x64xi32, #tpu.memory_space<vmem>> -> memref<1x64xi32, #tpu.memory_space<vmem>>
        %dma_wait3A_425 = tpu.memref_squeeze %dma_wait3A_424 : memref<1x64xi32, #tpu.memory_space<vmem>> -> memref<64xi32, #tpu.memory_space<vmem>>
        %dma_wait3A_426 = arith.constant 0 : i32
        %dma_wait3A_427 = tpu.memref_slice %arg2[%dma_wait3A_426] : memref<331776xi32, #tpu.memory_space<hbm>> -> memref<64xi32, #tpu.memory_space<hbm>>
        tpu.wait_dma2 semaphore(%dma_wait3A_422 : memref<!tpu.dma_semaphore, #tpu.memory_space<semaphore_mem>>) src(%dma_wait3A_427 : memref<64xi32, #tpu.memory_space<hbm>>) dst(%dma_wait3A_425 : memref<64xi32, #tpu.memory_space<vmem>>)
        %dma_wait3A_428 = arith.constant 1 : i32
        %dma_wait3A_429 = arith.constant 0 : i32
        %dma_wait3A_430 = tpu.memref_slice %arg10[%select_n3A_413, %dma_wait3A_429] : memref<4x64xi32, #tpu.memory_space<vmem>> -> memref<1x64xi32, #tpu.memory_space<vmem>>
        %dma_wait3A_431 = tpu.memref_squeeze %dma_wait3A_430 : memref<1x64xi32, #tpu.memory_space<vmem>> -> memref<64xi32, #tpu.memory_space<vmem>>
        %dma_wait3A_432 = arith.constant 0 : i32
        %dma_wait3A_433 = tpu.memref_slice %arg3[%dma_wait3A_432] : memref<331776xi32, #tpu.memory_space<hbm>> -> memref<64xi32, #tpu.memory_space<hbm>>
        %dma_wait3A_434 = tpu.memref_slice %arg16[%dma_wait3A_428] : memref<2x!tpu.dma_semaphore, #tpu.memory_space<semaphore_mem>> -> memref<1x!tpu.dma_semaphore, #tpu.memory_space<semaphore_mem>>
        %dma_wait3A_435 = tpu.memref_squeeze %dma_wait3A_434 : memref<1x!tpu.dma_semaphore, #tpu.memory_space<semaphore_mem>> -> memref<!tpu.dma_semaphore, #tpu.memory_space<semaphore_mem>>
        %dma_wait3A_436 = arith.constant 0 : i32
        %dma_wait3A_437 = tpu.memref_slice %arg10[%select_n3A_413, %dma_wait3A_436] : memref<4x64xi32, #tpu.memory_space<vmem>> -> memref<1x64xi32, #tpu.memory_space<vmem>>
        %dma_wait3A_438 = tpu.memref_squeeze %dma_wait3A_437 : memref<1x64xi32, #tpu.memory_space<vmem>> -> memref<64xi32, #tpu.memory_space<vmem>>
        %dma_wait3A_439 = arith.constant 0 : i32
        %dma_wait3A_440 = tpu.memref_slice %arg3[%dma_wait3A_439] : memref<331776xi32, #tpu.memory_space<hbm>> -> memref<64xi32, #tpu.memory_space<hbm>>
        tpu.wait_dma2 semaphore(%dma_wait3A_435 : memref<!tpu.dma_semaphore, #tpu.memory_space<semaphore_mem>>) src(%dma_wait3A_440 : memref<64xi32, #tpu.memory_space<hbm>>) dst(%dma_wait3A_438 : memref<64xi32, #tpu.memory_space<vmem>>)
        %add3A_441 = arith.constant 1 : i32
        %add3A_442 = arith.addi %add3A_180, %add3A_441 : i32
        %jit3A_443 = arith.constant 4 : i32
        %eq3A_444 = arith.constant 0 : i32
        %eq3A_445 = arith.cmpi eq, %jit3A_443, %eq3A_444 : i32
        %jit3A_446 = arith.constant 1 : i32
        %select_n3A_447 = arith.select %eq3A_445, %jit3A_446, %jit3A_443 : i32
        %rem3A_448 = arith.remsi %add3A_442, %select_n3A_447 : i32
        %ne3A_449 = arith.constant 0 : i32
        %ne3A_450 = arith.cmpi ne, %rem3A_448, %ne3A_449 : i32
        %lt3A_451 = arith.constant 0 : i32
        %lt3A_452 = arith.cmpi slt, %rem3A_448, %lt3A_451 : i32
        %lt3A_453 = arith.constant 0 : i32
        %lt3A_454 = arith.cmpi slt, %select_n3A_447, %lt3A_453 : i32
        %ne3A_455 = arith.xori %lt3A_452, %lt3A_454 : i1
        %and3A_456 = arith.andi %ne3A_455, %ne3A_450 : i1
        %add3A_457 = arith.addi %rem3A_448, %select_n3A_447 : i32
        %select_n3A_458 = arith.select %and3A_456, %add3A_457, %rem3A_448 : i32
        %dma_start3A_459 = arith.constant 1 : i32
        %dma_start3A_460 = arith.constant 1 : i32
        %dma_start3A_461 = arith.constant 1 : i32
        %dma_start3A_462 = arith.constant 0 : i32
        %dma_start3A_463 = arith.constant 0 : i32
        %dma_start3A_464 = tpu.memref_slice %arg11[%dma_start3A_460, %dma_start3A_462, %dma_start3A_463] : memref<2x64x128xf32, #tpu.memory_space<vmem>> -> memref<1x64x128xf32, #tpu.memory_space<vmem>>
        %dma_start3A_465 = tpu.memref_squeeze %dma_start3A_464 : memref<1x64x128xf32, #tpu.memory_space<vmem>> -> memref<64x128xf32, #tpu.memory_space<vmem>>
        %dma_start3A_466 = arith.constant 0 : i32
        %dma_start3A_467 = tpu.memref_slice %arg9[%dma_start3A_459, %dma_start3A_466] : memref<2x64xi32, #tpu.memory_space<vmem>> -> memref<1x64xi32, #tpu.memory_space<vmem>>
        %dma_start3A_468 = tpu.memref_squeeze %dma_start3A_467 : memref<1x64xi32, #tpu.memory_space<vmem>> -> memref<64xi32, #tpu.memory_space<vmem>>
        %dma_start3A_469 = arith.constant 0 : i32
        %dma_start3A_470 = arith.constant 0 : i32
        %dma_start3A_471 = tpu.memref_slice %arg4[%dma_start3A_469, %dma_start3A_470] : memref<10000x128xf32, #tpu.memory_space<hbm>> -> memref<10000x128xf32, #tpu.memory_space<hbm>>
        %dma_start3A_472 = tpu.memref_slice %arg17[%dma_start3A_461] : memref<2x!tpu.dma_semaphore, #tpu.memory_space<semaphore_mem>> -> memref<1x!tpu.dma_semaphore, #tpu.memory_space<semaphore_mem>>
        %dma_start3A_473 = tpu.memref_squeeze %dma_start3A_472 : memref<1x!tpu.dma_semaphore, #tpu.memory_space<semaphore_mem>> -> memref<!tpu.dma_semaphore, #tpu.memory_space<semaphore_mem>>
        tpu.enqueue_indirect_dma source(%dma_start3A_471 : memref<10000x128xf32, #tpu.memory_space<hbm>>) target(%dma_start3A_465 : memref<64x128xf32, #tpu.memory_space<vmem>>) offsets(%dma_start3A_468 : memref<64xi32, #tpu.memory_space<vmem>>) semaphore(%dma_start3A_473 : memref<!tpu.dma_semaphore, #tpu.memory_space<semaphore_mem>>)
        %dma_start3A_474 = arith.constant 1 : i32
        %dma_start3A_475 = arith.constant 1 : i32
        %dma_start3A_476 = arith.constant 1 : i32
        %dma_start3A_477 = arith.constant 0 : i32
        %dma_start3A_478 = arith.constant 0 : i32
        %dma_start3A_479 = tpu.memref_slice %arg12[%dma_start3A_475, %dma_start3A_477, %dma_start3A_478] : memref<2x64x16xf32, #tpu.memory_space<vmem>> -> memref<1x64x16xf32, #tpu.memory_space<vmem>>
        %dma_start3A_480 = tpu.memref_squeeze %dma_start3A_479 : memref<1x64x16xf32, #tpu.memory_space<vmem>> -> memref<64x16xf32, #tpu.memory_space<vmem>>
        %dma_start3A_481 = arith.constant 0 : i32
        %dma_start3A_482 = tpu.memref_slice %arg9[%dma_start3A_474, %dma_start3A_481] : memref<2x64xi32, #tpu.memory_space<vmem>> -> memref<1x64xi32, #tpu.memory_space<vmem>>
        %dma_start3A_483 = tpu.memref_squeeze %dma_start3A_482 : memref<1x64xi32, #tpu.memory_space<vmem>> -> memref<64xi32, #tpu.memory_space<vmem>>
        %dma_start3A_484 = arith.constant 0 : i32
        %dma_start3A_485 = arith.constant 0 : i32
        %dma_start3A_486 = tpu.memref_slice %arg5[%dma_start3A_484, %dma_start3A_485] : memref<10000x16xf32, #tpu.memory_space<hbm>> -> memref<10000x16xf32, #tpu.memory_space<hbm>>
        %dma_start3A_487 = tpu.memref_slice %arg18[%dma_start3A_476] : memref<2x!tpu.dma_semaphore, #tpu.memory_space<semaphore_mem>> -> memref<1x!tpu.dma_semaphore, #tpu.memory_space<semaphore_mem>>
        %dma_start3A_488 = tpu.memref_squeeze %dma_start3A_487 : memref<1x!tpu.dma_semaphore, #tpu.memory_space<semaphore_mem>> -> memref<!tpu.dma_semaphore, #tpu.memory_space<semaphore_mem>>
        tpu.enqueue_indirect_dma source(%dma_start3A_486 : memref<10000x16xf32, #tpu.memory_space<hbm>>) target(%dma_start3A_480 : memref<64x16xf32, #tpu.memory_space<vmem>>) offsets(%dma_start3A_483 : memref<64xi32, #tpu.memory_space<vmem>>) semaphore(%dma_start3A_488 : memref<!tpu.dma_semaphore, #tpu.memory_space<semaphore_mem>>)
        %dma_start3A_489 = arith.constant 1 : i32
        %dma_start3A_490 = arith.constant 1 : i32
        %dma_start3A_491 = arith.constant 0 : i32
        %dma_start3A_492 = arith.constant 0 : i32
        %dma_start3A_493 = tpu.memref_slice %arg13[%dma_start3A_489, %dma_start3A_491, %dma_start3A_492] : memref<2x64x16xf32, #tpu.memory_space<vmem>> -> memref<1x64x16xf32, #tpu.memory_space<vmem>>
        %dma_start3A_494 = tpu.memref_squeeze %dma_start3A_493 : memref<1x64x16xf32, #tpu.memory_space<vmem>> -> memref<64x16xf32, #tpu.memory_space<vmem>>
        %dma_start3A_495 = arith.constant 0 : i32
        %dma_start3A_496 = tpu.memref_slice %arg10[%select_n3A_458, %dma_start3A_495] : memref<4x64xi32, #tpu.memory_space<vmem>> -> memref<1x64xi32, #tpu.memory_space<vmem>>
        %dma_start3A_497 = tpu.memref_squeeze %dma_start3A_496 : memref<1x64xi32, #tpu.memory_space<vmem>> -> memref<64xi32, #tpu.memory_space<vmem>>
        %dma_start3A_498 = arith.constant 0 : i32
        %dma_start3A_499 = arith.constant 0 : i32
        %dma_start3A_500 = tpu.memref_slice %arg6[%dma_start3A_498, %dma_start3A_499] : memref<10112x16xf32, #tpu.memory_space<hbm>> -> memref<10112x16xf32, #tpu.memory_space<hbm>>
        %dma_start3A_501 = tpu.memref_slice %arg19[%dma_start3A_490] : memref<2x!tpu.dma_semaphore, #tpu.memory_space<semaphore_mem>> -> memref<1x!tpu.dma_semaphore, #tpu.memory_space<semaphore_mem>>
        %dma_start3A_502 = tpu.memref_squeeze %dma_start3A_501 : memref<1x!tpu.dma_semaphore, #tpu.memory_space<semaphore_mem>> -> memref<!tpu.dma_semaphore, #tpu.memory_space<semaphore_mem>>
        tpu.enqueue_indirect_dma source(%dma_start3A_500 : memref<10112x16xf32, #tpu.memory_space<hbm>>) target(%dma_start3A_494 : memref<64x16xf32, #tpu.memory_space<vmem>>) offsets(%dma_start3A_497 : memref<64xi32, #tpu.memory_space<vmem>>) semaphore(%dma_start3A_502 : memref<!tpu.dma_semaphore, #tpu.memory_space<semaphore_mem>>)
      } else {
      }
      %ge3A = arith.constant 2 : i32
      %ge3A_239 = arith.cmpi sge, %add3A_180, %ge3A : i32
      %convert_element_type3A_240 = arith.extui %ge3A_239 : i1 to i32
      %cond3A_241 = arith.constant 0 : i32
      %cond3A_242 = arith.cmpi ne, %convert_element_type3A_240, %cond3A_241 : i32
      scf.if %cond3A_242 {
        %add3A_396 = arith.constant 2 : i32
        %add3A_397 = arith.addi %add3A_180, %add3A_396 : i32
        %jit3A_398 = arith.constant 4 : i32
        %eq3A_399 = arith.constant 0 : i32
        %eq3A_400 = arith.cmpi eq, %jit3A_398, %eq3A_399 : i32
        %jit3A_401 = arith.constant 1 : i32
        %select_n3A_402 = arith.select %eq3A_400, %jit3A_401, %jit3A_398 : i32
        %rem3A_403 = arith.remsi %add3A_397, %select_n3A_402 : i32
        %ne3A_404 = arith.constant 0 : i32
        %ne3A_405 = arith.cmpi ne, %rem3A_403, %ne3A_404 : i32
        %lt3A_406 = arith.constant 0 : i32
        %lt3A_407 = arith.cmpi slt, %rem3A_403, %lt3A_406 : i32
        %lt3A_408 = arith.constant 0 : i32
        %lt3A_409 = arith.cmpi slt, %select_n3A_402, %lt3A_408 : i32
        %ne3A_410 = arith.xori %lt3A_407, %lt3A_409 : i1
        %and3A_411 = arith.andi %ne3A_410, %ne3A_405 : i1
        %add3A_412 = arith.addi %rem3A_403, %select_n3A_402 : i32
        %select_n3A_413 = arith.select %and3A_411, %add3A_412, %rem3A_403 : i32
        %dma_wait3A_414 = arith.constant 0 : i32
        %dma_wait3A_415 = arith.constant 0 : i32
        %dma_wait3A_416 = arith.constant 0 : i32
        %dma_wait3A_417 = arith.constant 0 : i32
        %dma_wait3A_418 = tpu.memref_slice %arg14[%dma_wait3A_414, %dma_wait3A_416, %dma_wait3A_417] : memref<2x64x144xf32, #tpu.memory_space<vmem>> -> memref<1x64x144xf32, #tpu.memory_space<vmem>>
        %dma_wait3A_419 = tpu.memref_squeeze %dma_wait3A_418 : memref<1x64x144xf32, #tpu.memory_space<vmem>> -> memref<64x144xf32, #tpu.memory_space<vmem>>
        %dma_wait3A_420 = arith.constant 0 : i32
        %dma_wait3A_421 = tpu.memref_slice %arg10[%select_n3A_413, %dma_wait3A_420] : memref<4x64xi32, #tpu.memory_space<vmem>> -> memref<1x64xi32, #tpu.memory_space<vmem>>
        %dma_wait3A_422 = tpu.memref_squeeze %dma_wait3A_421 : memref<1x64xi32, #tpu.memory_space<vmem>> -> memref<64xi32, #tpu.memory_space<vmem>>
        %dma_wait3A_423 = arith.constant 0 : i32
        %dma_wait3A_424 = arith.constant 0 : i32
        %dma_wait3A_425 = tpu.memref_slice %arg15[%dma_wait3A_423, %dma_wait3A_424] : memref<10112x144xf32, #tpu.memory_space<vmem_shared>> -> memref<10112x144xf32, #tpu.memory_space<vmem_shared>>
        %dma_wait3A_426 = tpu.memref_slice %arg20[%dma_wait3A_415] : memref<2x!tpu.dma_semaphore, #tpu.memory_space<semaphore_mem>> -> memref<1x!tpu.dma_semaphore, #tpu.memory_space<semaphore_mem>>
        %dma_wait3A_427 = tpu.memref_squeeze %dma_wait3A_426 : memref<1x!tpu.dma_semaphore, #tpu.memory_space<semaphore_mem>> -> memref<!tpu.dma_semaphore, #tpu.memory_space<semaphore_mem>>
        tpu.wait_indirect_dma semaphore(%dma_wait3A_427 : memref<!tpu.dma_semaphore, #tpu.memory_space<semaphore_mem>>) src(%dma_wait3A_419 : memref<64x144xf32, #tpu.memory_space<vmem>>) dst(%dma_wait3A_425 : memref<10112x144xf32, #tpu.memory_space<vmem_shared>>)
      } else {
      }
      %parallel_loop3A = arith.constant 0 : i32
      %parallel_loop3A_243 = arith.constant 64 : i32
      %parallel_loop3A_244 = arith.constant 1 : i32
      scf.for %parallel_loop3A_396 = %parallel_loop3A to %parallel_loop3A_243 step %parallel_loop3A_244  : i32 {
        %parallel_loop3A_397 = arith.constant 0 : i32
        %parallel_loop3A_398 = arith.index_cast %parallel_loop3A_397 : i32 to index
        %parallel_loop3A_399 = arith.index_cast %parallel_loop3A_396 : i32 to index
        %parallel_loop3A_400 = arith.constant 0 : index
        %parallel_loop3A_401 = tpu.vector_load %arg12[%parallel_loop3A_398, %parallel_loop3A_399, %parallel_loop3A_400] {strides = array<i32>} : memref<2x64x16xf32, #tpu.memory_space<vmem>>, vector<1x1x16xf32>,
        %parallel_loop3A_402 = vector.shape_cast %parallel_loop3A_401 : vector<1x1x16xf32> to vector<16xf32>
        %parallel_loop3A_403 = arith.constant 0 : i32
        %parallel_loop3A_404 = arith.index_cast %parallel_loop3A_403 : i32 to index
        %parallel_loop3A_405 = arith.index_cast %parallel_loop3A_396 : i32 to index
        %parallel_loop3A_406 = arith.constant 0 : index
        %parallel_loop3A_407 = tpu.vector_load %arg13[%parallel_loop3A_404, %parallel_loop3A_405, %parallel_loop3A_406] {strides = array<i32>} : memref<2x64x16xf32, #tpu.memory_space<vmem>>, vector<1x1x16xf32>,
        %parallel_loop3A_408 = vector.shape_cast %parallel_loop3A_407 : vector<1x1x16xf32> to vector<16xf32>
        %parallel_loop3A_409 = arith.addf %parallel_loop3A_402, %parallel_loop3A_408 : vector<16xf32>
        %parallel_loop3A_410 = arith.constant 0.000000e+00 : f32
        %parallel_loop3A_411 = vector.broadcast %parallel_loop3A_410 : f32 to vector<16xf32>
        %parallel_loop3A_412 = arith.cmpf oge, %parallel_loop3A_409, %parallel_loop3A_411 : vector<16xf32>
        %parallel_loop3A_413 = arith.constant 2.000000e-01 : f32
        %parallel_loop3A_414 = vector.broadcast %parallel_loop3A_413 : f32 to vector<16xf32>
        %parallel_loop3A_415 = arith.mulf %parallel_loop3A_414, %parallel_loop3A_409 : vector<16xf32>
        %parallel_loop3A_416 = arith.select %parallel_loop3A_412, %parallel_loop3A_409, %parallel_loop3A_415 : vector<16xi1>, vector<16xf32>
        %parallel_loop3A_417 = arith.constant 8 : i32
        %parallel_loop3A_418 = vector.broadcast %parallel_loop3A_417 : i32 to vector<16xi32>
        %parallel_loop3A_419 = arith.cmpi slt, %iota3A, %parallel_loop3A_418 : vector<16xi32>
        %parallel_loop3A_420 = arith.constant 0.000000e+00 : f32
        %parallel_loop3A_421 = vector.broadcast %parallel_loop3A_420 : f32 to vector<16xf32>
        %parallel_loop3A_422 = arith.select %parallel_loop3A_419, %parallel_loop3A_416, %parallel_loop3A_421 : vector<16xi1>, vector<16xf32>
        %parallel_loop3A_423 = math.exp %parallel_loop3A_422 : vector<16xf32>
        %parallel_loop3A_424 = arith.constant 8 : i32
        %parallel_loop3A_425 = vector.broadcast %parallel_loop3A_424 : i32 to vector<16xi32>
        %parallel_loop3A_426 = arith.cmpi slt, %iota3A, %parallel_loop3A_425 : vector<16xi32>
        %parallel_loop3A_427 = arith.constant 0.000000e+00 : f32
        %parallel_loop3A_428 = vector.broadcast %parallel_loop3A_427 : f32 to vector<16xf32>
        %parallel_loop3A_429 = arith.select %parallel_loop3A_426, %parallel_loop3A_423, %parallel_loop3A_428 : vector<16xi1>, vector<16xf32>
        %parallel_loop3A_430 = arith.constant 0 : i32
        %parallel_loop3A_431 = arith.index_cast %parallel_loop3A_430 : i32 to index
        %parallel_loop3A_432 = arith.index_cast %parallel_loop3A_396 : i32 to index
        %parallel_loop3A_433 = arith.constant 128 : index
        %parallel_loop3A_434 = tpu.vector_load %arg14[%parallel_loop3A_431, %parallel_loop3A_432, %parallel_loop3A_433] {strides = array<i32>} : memref<2x64x144xf32, #tpu.memory_space<vmem>>, vector<1x1x16xf32>,
        %parallel_loop3A_435 = vector.shape_cast %parallel_loop3A_434 : vector<1x1x16xf32> to vector<16xf32>
        %parallel_loop3A_436 = vector.shape_cast %parallel_loop3A_429 : vector<16xf32> to vector<1x1x16xf32>
        tpu.vector_store %arg14[%parallel_loop3A_431, %parallel_loop3A_432, %parallel_loop3A_433], %parallel_loop3A_436 {strides = array<i32>} : memref<2x64x144xf32, #tpu.memory_space<vmem>>, vector<1x1x16xf32>,
        %parallel_loop3A_437 = arith.constant 0 : i32
        %parallel_loop3A_438 = arith.index_cast %parallel_loop3A_437 : i32 to index
        %parallel_loop3A_439 = arith.index_cast %parallel_loop3A_396 : i32 to index
        %parallel_loop3A_440 = arith.constant 0 : index
        %parallel_loop3A_441 = tpu.vector_load %arg11[%parallel_loop3A_438, %parallel_loop3A_439, %parallel_loop3A_440] {strides = array<i32>} : memref<2x64x128xf32, #tpu.memory_space<vmem>>, vector<1x1x16xf32>,
        %parallel_loop3A_442 = vector.shape_cast %parallel_loop3A_441 : vector<1x1x16xf32> to vector<16xf32>
        %parallel_loop3A_443 = arith.constant 0 : i32
        %parallel_loop3A_444 = arith.index_cast %parallel_loop3A_443 : i32 to index
        %parallel_loop3A_445 = arith.index_cast %parallel_loop3A_396 : i32 to index
        %parallel_loop3A_446 = arith.constant 16 : index
        %parallel_loop3A_447 = tpu.vector_load %arg11[%parallel_loop3A_444, %parallel_loop3A_445, %parallel_loop3A_446] {strides = array<i32>} : memref<2x64x128xf32, #tpu.memory_space<vmem>>, vector<1x1x16xf32>,
        %parallel_loop3A_448 = vector.shape_cast %parallel_loop3A_447 : vector<1x1x16xf32> to vector<16xf32>
        %parallel_loop3A_449 = arith.constant 0 : i32
        %parallel_loop3A_450 = arith.index_cast %parallel_loop3A_449 : i32 to index
        %parallel_loop3A_451 = arith.index_cast %parallel_loop3A_396 : i32 to index
        %parallel_loop3A_452 = arith.constant 32 : index
        %parallel_loop3A_453 = tpu.vector_load %arg11[%parallel_loop3A_450, %parallel_loop3A_451, %parallel_loop3A_452] {strides = array<i32>} : memref<2x64x128xf32, #tpu.memory_space<vmem>>, vector<1x1x16xf32>,
        %parallel_loop3A_454 = vector.shape_cast %parallel_loop3A_453 : vector<1x1x16xf32> to vector<16xf32>
        %parallel_loop3A_455 = arith.constant 0 : i32
        %parallel_loop3A_456 = arith.index_cast %parallel_loop3A_455 : i32 to index
        %parallel_loop3A_457 = arith.index_cast %parallel_loop3A_396 : i32 to index
        %parallel_loop3A_458 = arith.constant 48 : index
        %parallel_loop3A_459 = tpu.vector_load %arg11[%parallel_loop3A_456, %parallel_loop3A_457, %parallel_loop3A_458] {strides = array<i32>} : memref<2x64x128xf32, #tpu.memory_space<vmem>>, vector<1x1x16xf32>,
        %parallel_loop3A_460 = vector.shape_cast %parallel_loop3A_459 : vector<1x1x16xf32> to vector<16xf32>
        %parallel_loop3A_461 = arith.constant 0 : i32
        %parallel_loop3A_462 = arith.index_cast %parallel_loop3A_461 : i32 to index
        %parallel_loop3A_463 = arith.index_cast %parallel_loop3A_396 : i32 to index
        %parallel_loop3A_464 = arith.constant 64 : index
        %parallel_loop3A_465 = tpu.vector_load %arg11[%parallel_loop3A_462, %parallel_loop3A_463, %parallel_loop3A_464] {strides = array<i32>} : memref<2x64x128xf32, #tpu.memory_space<vmem>>, vector<1x1x16xf32>,
        %parallel_loop3A_466 = vector.shape_cast %parallel_loop3A_465 : vector<1x1x16xf32> to vector<16xf32>
        %parallel_loop3A_467 = arith.constant 0 : i32
        %parallel_loop3A_468 = arith.index_cast %parallel_loop3A_467 : i32 to index
        %parallel_loop3A_469 = arith.index_cast %parallel_loop3A_396 : i32 to index
        %parallel_loop3A_470 = arith.constant 80 : index
        %parallel_loop3A_471 = tpu.vector_load %arg11[%parallel_loop3A_468, %parallel_loop3A_469, %parallel_loop3A_470] {strides = array<i32>} : memref<2x64x128xf32, #tpu.memory_space<vmem>>, vector<1x1x16xf32>,
        %parallel_loop3A_472 = vector.shape_cast %parallel_loop3A_471 : vector<1x1x16xf32> to vector<16xf32>
        %parallel_loop3A_473 = arith.constant 0 : i32
        %parallel_loop3A_474 = arith.index_cast %parallel_loop3A_473 : i32 to index
        %parallel_loop3A_475 = arith.index_cast %parallel_loop3A_396 : i32 to index
        %parallel_loop3A_476 = arith.constant 96 : index
        %parallel_loop3A_477 = tpu.vector_load %arg11[%parallel_loop3A_474, %parallel_loop3A_475, %parallel_loop3A_476] {strides = array<i32>} : memref<2x64x128xf32, #tpu.memory_space<vmem>>, vector<1x1x16xf32>,
        %parallel_loop3A_478 = vector.shape_cast %parallel_loop3A_477 : vector<1x1x16xf32> to vector<16xf32>
        %parallel_loop3A_479 = arith.constant 0 : i32
        %parallel_loop3A_480 = arith.index_cast %parallel_loop3A_479 : i32 to index
        %parallel_loop3A_481 = arith.index_cast %parallel_loop3A_396 : i32 to index
        %parallel_loop3A_482 = arith.constant 112 : index
        %parallel_loop3A_483 = tpu.vector_load %arg11[%parallel_loop3A_480, %parallel_loop3A_481, %parallel_loop3A_482] {strides = array<i32>} : memref<2x64x128xf32, #tpu.memory_space<vmem>>, vector<1x1x16xf32>,
        %parallel_loop3A_484 = vector.shape_cast %parallel_loop3A_483 : vector<1x1x16xf32> to vector<16xf32>
        %parallel_loop3A_485 = arith.constant 0 : i32
        %parallel_loop3A_486 = vector.broadcast %parallel_loop3A_485 : i32 to vector<16xi32>
        %parallel_loop3A_487 = arith.constant 0 : i32
        %parallel_loop3A_488 = vector.broadcast %parallel_loop3A_487 : i32 to vector<16xi32>
        %parallel_loop3A_489 = arith.cmpi slt, %parallel_loop3A_486, %parallel_loop3A_488 : vector<16xi32>
        %parallel_loop3A_490 = arith.constant 16 : i32
        %parallel_loop3A_491 = vector.broadcast %parallel_loop3A_490 : i32 to vector<16xi32>
        %parallel_loop3A_492 = arith.addi %parallel_loop3A_486, %parallel_loop3A_491 : vector<16xi32>
        %parallel_loop3A_493 = arith.select %parallel_loop3A_489, %parallel_loop3A_492, %parallel_loop3A_486 : vector<16xi1>, vector<16xi32>
        %parallel_loop3A_494 = vector.shape_cast %parallel_loop3A_493 : vector<16xi32> to vector<16x1xi32>
        %parallel_loop3A_495 = vector.shape_cast %parallel_loop3A_494 : vector<16x1xi32> to vector<16xi32>
        %parallel_loop3A_496 = tpu.dynamic_gather %parallel_loop3A_429[%parallel_loop3A_495] in [0] : vector<16xf32>, vector<16xi32> -> vector<16xf32>
        %parallel_loop3A_497 = arith.constant 1 : i32
        %parallel_loop3A_498 = vector.broadcast %parallel_loop3A_497 : i32 to vector<16xi32>
        %parallel_loop3A_499 = arith.constant 0 : i32
        %parallel_loop3A_500 = vector.broadcast %parallel_loop3A_499 : i32 to vector<16xi32>
        %parallel_loop3A_501 = arith.cmpi slt, %parallel_loop3A_498, %parallel_loop3A_500 : vector<16xi32>
        %parallel_loop3A_502 = arith.constant 16 : i32
        %parallel_loop3A_503 = vector.broadcast %parallel_loop3A_502 : i32 to vector<16xi32>
        %parallel_loop3A_504 = arith.addi %parallel_loop3A_498, %parallel_loop3A_503 : vector<16xi32>
        %parallel_loop3A_505 = arith.select %parallel_loop3A_501, %parallel_loop3A_504, %parallel_loop3A_498 : vector<16xi1>, vector<16xi32>
        %parallel_loop3A_506 = vector.shape_cast %parallel_loop3A_505 : vector<16xi32> to vector<16x1xi32>
        %parallel_loop3A_507 = vector.shape_cast %parallel_loop3A_506 : vector<16x1xi32> to vector<16xi32>
        %parallel_loop3A_508 = tpu.dynamic_gather %parallel_loop3A_429[%parallel_loop3A_507] in [0] : vector<16xf32>, vector<16xi32> -> vector<16xf32>
        %parallel_loop3A_509 = arith.constant 2 : i32
        %parallel_loop3A_510 = vector.broadcast %parallel_loop3A_509 : i32 to vector<16xi32>
        %parallel_loop3A_511 = arith.constant 0 : i32
        %parallel_loop3A_512 = vector.broadcast %parallel_loop3A_511 : i32 to vector<16xi32>
        %parallel_loop3A_513 = arith.cmpi slt, %parallel_loop3A_510, %parallel_loop3A_512 : vector<16xi32>
        %parallel_loop3A_514 = arith.constant 16 : i32
        %parallel_loop3A_515 = vector.broadcast %parallel_loop3A_514 : i32 to vector<16xi32>
        %parallel_loop3A_516 = arith.addi %parallel_loop3A_510, %parallel_loop3A_515 : vector<16xi32>
        %parallel_loop3A_517 = arith.select %parallel_loop3A_513, %parallel_loop3A_516, %parallel_loop3A_510 : vector<16xi1>, vector<16xi32>
        %parallel_loop3A_518 = vector.shape_cast %parallel_loop3A_517 : vector<16xi32> to vector<16x1xi32>
        %parallel_loop3A_519 = vector.shape_cast %parallel_loop3A_518 : vector<16x1xi32> to vector<16xi32>
        %parallel_loop3A_520 = tpu.dynamic_gather %parallel_loop3A_429[%parallel_loop3A_519] in [0] : vector<16xf32>, vector<16xi32> -> vector<16xf32>
        %parallel_loop3A_521 = arith.constant 3 : i32
        %parallel_loop3A_522 = vector.broadcast %parallel_loop3A_521 : i32 to vector<16xi32>
        %parallel_loop3A_523 = arith.constant 0 : i32
        %parallel_loop3A_524 = vector.broadcast %parallel_loop3A_523 : i32 to vector<16xi32>
        %parallel_loop3A_525 = arith.cmpi slt, %parallel_loop3A_522, %parallel_loop3A_524 : vector<16xi32>
        %parallel_loop3A_526 = arith.constant 16 : i32
        %parallel_loop3A_527 = vector.broadcast %parallel_loop3A_526 : i32 to vector<16xi32>
        %parallel_loop3A_528 = arith.addi %parallel_loop3A_522, %parallel_loop3A_527 : vector<16xi32>
        %parallel_loop3A_529 = arith.select %parallel_loop3A_525, %parallel_loop3A_528, %parallel_loop3A_522 : vector<16xi1>, vector<16xi32>
        %parallel_loop3A_530 = vector.shape_cast %parallel_loop3A_529 : vector<16xi32> to vector<16x1xi32>
        %parallel_loop3A_531 = vector.shape_cast %parallel_loop3A_530 : vector<16x1xi32> to vector<16xi32>
        %parallel_loop3A_532 = tpu.dynamic_gather %parallel_loop3A_429[%parallel_loop3A_531] in [0] : vector<16xf32>, vector<16xi32> -> vector<16xf32>
        %parallel_loop3A_533 = arith.constant 4 : i32
        %parallel_loop3A_534 = vector.broadcast %parallel_loop3A_533 : i32 to vector<16xi32>
        %parallel_loop3A_535 = arith.constant 0 : i32
        %parallel_loop3A_536 = vector.broadcast %parallel_loop3A_535 : i32 to vector<16xi32>
        %parallel_loop3A_537 = arith.cmpi slt, %parallel_loop3A_534, %parallel_loop3A_536 : vector<16xi32>
        %parallel_loop3A_538 = arith.constant 16 : i32
        %parallel_loop3A_539 = vector.broadcast %parallel_loop3A_538 : i32 to vector<16xi32>
        %parallel_loop3A_540 = arith.addi %parallel_loop3A_534, %parallel_loop3A_539 : vector<16xi32>
        %parallel_loop3A_541 = arith.select %parallel_loop3A_537, %parallel_loop3A_540, %parallel_loop3A_534 : vector<16xi1>, vector<16xi32>
        %parallel_loop3A_542 = vector.shape_cast %parallel_loop3A_541 : vector<16xi32> to vector<16x1xi32>
        %parallel_loop3A_543 = vector.shape_cast %parallel_loop3A_542 : vector<16x1xi32> to vector<16xi32>
        %parallel_loop3A_544 = tpu.dynamic_gather %parallel_loop3A_429[%parallel_loop3A_543] in [0] : vector<16xf32>, vector<16xi32> -> vector<16xf32>
        %parallel_loop3A_545 = arith.constant 5 : i32
        %parallel_loop3A_546 = vector.broadcast %parallel_loop3A_545 : i32 to vector<16xi32>
        %parallel_loop3A_547 = arith.constant 0 : i32
        %parallel_loop3A_548 = vector.broadcast %parallel_loop3A_547 : i32 to vector<16xi32>
        %parallel_loop3A_549 = arith.cmpi slt, %parallel_loop3A_546, %parallel_loop3A_548 : vector<16xi32>
        %parallel_loop3A_550 = arith.constant 16 : i32
        %parallel_loop3A_551 = vector.broadcast %parallel_loop3A_550 : i32 to vector<16xi32>
        %parallel_loop3A_552 = arith.addi %parallel_loop3A_546, %parallel_loop3A_551 : vector<16xi32>
        %parallel_loop3A_553 = arith.select %parallel_loop3A_549, %parallel_loop3A_552, %parallel_loop3A_546 : vector<16xi1>, vector<16xi32>
        %parallel_loop3A_554 = vector.shape_cast %parallel_loop3A_553 : vector<16xi32> to vector<16x1xi32>
        %parallel_loop3A_555 = vector.shape_cast %parallel_loop3A_554 : vector<16x1xi32> to vector<16xi32>
        %parallel_loop3A_556 = tpu.dynamic_gather %parallel_loop3A_429[%parallel_loop3A_555] in [0] : vector<16xf32>, vector<16xi32> -> vector<16xf32>
        %parallel_loop3A_557 = arith.constant 6 : i32
        %parallel_loop3A_558 = vector.broadcast %parallel_loop3A_557 : i32 to vector<16xi32>
        %parallel_loop3A_559 = arith.constant 0 : i32
        %parallel_loop3A_560 = vector.broadcast %parallel_loop3A_559 : i32 to vector<16xi32>
        %parallel_loop3A_561 = arith.cmpi slt, %parallel_loop3A_558, %parallel_loop3A_560 : vector<16xi32>
        %parallel_loop3A_562 = arith.constant 16 : i32
        %parallel_loop3A_563 = vector.broadcast %parallel_loop3A_562 : i32 to vector<16xi32>
        %parallel_loop3A_564 = arith.addi %parallel_loop3A_558, %parallel_loop3A_563 : vector<16xi32>
        %parallel_loop3A_565 = arith.select %parallel_loop3A_561, %parallel_loop3A_564, %parallel_loop3A_558 : vector<16xi1>, vector<16xi32>
        %parallel_loop3A_566 = vector.shape_cast %parallel_loop3A_565 : vector<16xi32> to vector<16x1xi32>
        %parallel_loop3A_567 = vector.shape_cast %parallel_loop3A_566 : vector<16x1xi32> to vector<16xi32>
        %parallel_loop3A_568 = tpu.dynamic_gather %parallel_loop3A_429[%parallel_loop3A_567] in [0] : vector<16xf32>, vector<16xi32> -> vector<16xf32>
        %parallel_loop3A_569 = arith.constant 7 : i32
        %parallel_loop3A_570 = vector.broadcast %parallel_loop3A_569 : i32 to vector<16xi32>
        %parallel_loop3A_571 = arith.constant 0 : i32
        %parallel_loop3A_572 = vector.broadcast %parallel_loop3A_571 : i32 to vector<16xi32>
        %parallel_loop3A_573 = arith.cmpi slt, %parallel_loop3A_570, %parallel_loop3A_572 : vector<16xi32>
        %parallel_loop3A_574 = arith.constant 16 : i32
        %parallel_loop3A_575 = vector.broadcast %parallel_loop3A_574 : i32 to vector<16xi32>
        %parallel_loop3A_576 = arith.addi %parallel_loop3A_570, %parallel_loop3A_575 : vector<16xi32>
        %parallel_loop3A_577 = arith.select %parallel_loop3A_573, %parallel_loop3A_576, %parallel_loop3A_570 : vector<16xi1>, vector<16xi32>
        %parallel_loop3A_578 = vector.shape_cast %parallel_loop3A_577 : vector<16xi32> to vector<16x1xi32>
        %parallel_loop3A_579 = vector.shape_cast %parallel_loop3A_578 : vector<16x1xi32> to vector<16xi32>
        %parallel_loop3A_580 = tpu.dynamic_gather %parallel_loop3A_429[%parallel_loop3A_579] in [0] : vector<16xf32>, vector<16xi32> -> vector<16xf32>
        %parallel_loop3A_581 = arith.mulf %parallel_loop3A_442, %parallel_loop3A_496 : vector<16xf32>
        %parallel_loop3A_582 = arith.constant 0 : i32
        %parallel_loop3A_583 = arith.index_cast %parallel_loop3A_582 : i32 to index
        %parallel_loop3A_584 = arith.index_cast %parallel_loop3A_396 : i32 to index
        %parallel_loop3A_585 = arith.constant 0 : index
        %parallel_loop3A_586 = tpu.vector_load %arg14[%parallel_loop3A_583, %parallel_loop3A_584, %parallel_loop3A_585] {strides = array<i32>} : memref<2x64x144xf32, #tpu.memory_space<vmem>>, vector<1x1x16xf32>,
        %parallel_loop3A_587 = vector.shape_cast %parallel_loop3A_586 : vector<1x1x16xf32> to vector<16xf32>
        %parallel_loop3A_588 = vector.shape_cast %parallel_loop3A_581 : vector<16xf32> to vector<1x1x16xf32>
        tpu.vector_store %arg14[%parallel_loop3A_583, %parallel_loop3A_584, %parallel_loop3A_585], %parallel_loop3A_588 {strides = array<i32>} : memref<2x64x144xf32, #tpu.memory_space<vmem>>, vector<1x1x16xf32>,
        %parallel_loop3A_589 = arith.mulf %parallel_loop3A_448, %parallel_loop3A_508 : vector<16xf32>
        %parallel_loop3A_590 = arith.constant 0 : i32
        %parallel_loop3A_591 = arith.index_cast %parallel_loop3A_590 : i32 to index
        %parallel_loop3A_592 = arith.index_cast %parallel_loop3A_396 : i32 to index
        %parallel_loop3A_593 = arith.constant 16 : index
        %parallel_loop3A_594 = tpu.vector_load %arg14[%parallel_loop3A_591, %parallel_loop3A_592, %parallel_loop3A_593] {strides = array<i32>} : memref<2x64x144xf32, #tpu.memory_space<vmem>>, vector<1x1x16xf32>,
        %parallel_loop3A_595 = vector.shape_cast %parallel_loop3A_594 : vector<1x1x16xf32> to vector<16xf32>
        %parallel_loop3A_596 = vector.shape_cast %parallel_loop3A_589 : vector<16xf32> to vector<1x1x16xf32>
        tpu.vector_store %arg14[%parallel_loop3A_591, %parallel_loop3A_592, %parallel_loop3A_593], %parallel_loop3A_596 {strides = array<i32>} : memref<2x64x144xf32, #tpu.memory_space<vmem>>, vector<1x1x16xf32>,
        %parallel_loop3A_597 = arith.mulf %parallel_loop3A_454, %parallel_loop3A_520 : vector<16xf32>
        %parallel_loop3A_598 = arith.constant 0 : i32
        %parallel_loop3A_599 = arith.index_cast %parallel_loop3A_598 : i32 to index
        %parallel_loop3A_600 = arith.index_cast %parallel_loop3A_396 : i32 to index
        %parallel_loop3A_601 = arith.constant 32 : index
        %parallel_loop3A_602 = tpu.vector_load %arg14[%parallel_loop3A_599, %parallel_loop3A_600, %parallel_loop3A_601] {strides = array<i32>} : memref<2x64x144xf32, #tpu.memory_space<vmem>>, vector<1x1x16xf32>,
        %parallel_loop3A_603 = vector.shape_cast %parallel_loop3A_602 : vector<1x1x16xf32> to vector<16xf32>
        %parallel_loop3A_604 = vector.shape_cast %parallel_loop3A_597 : vector<16xf32> to vector<1x1x16xf32>
        tpu.vector_store %arg14[%parallel_loop3A_599, %parallel_loop3A_600, %parallel_loop3A_601], %parallel_loop3A_604 {strides = array<i32>} : memref<2x64x144xf32, #tpu.memory_space<vmem>>, vector<1x1x16xf32>,
        %parallel_loop3A_605 = arith.mulf %parallel_loop3A_460, %parallel_loop3A_532 : vector<16xf32>
        %parallel_loop3A_606 = arith.constant 0 : i32
        %parallel_loop3A_607 = arith.index_cast %parallel_loop3A_606 : i32 to index
        %parallel_loop3A_608 = arith.index_cast %parallel_loop3A_396 : i32 to index
        %parallel_loop3A_609 = arith.constant 48 : index
        %parallel_loop3A_610 = tpu.vector_load %arg14[%parallel_loop3A_607, %parallel_loop3A_608, %parallel_loop3A_609] {strides = array<i32>} : memref<2x64x144xf32, #tpu.memory_space<vmem>>, vector<1x1x16xf32>,
        %parallel_loop3A_611 = vector.shape_cast %parallel_loop3A_610 : vector<1x1x16xf32> to vector<16xf32>
        %parallel_loop3A_612 = vector.shape_cast %parallel_loop3A_605 : vector<16xf32> to vector<1x1x16xf32>
        tpu.vector_store %arg14[%parallel_loop3A_607, %parallel_loop3A_608, %parallel_loop3A_609], %parallel_loop3A_612 {strides = array<i32>} : memref<2x64x144xf32, #tpu.memory_space<vmem>>, vector<1x1x16xf32>,
        %parallel_loop3A_613 = arith.mulf %parallel_loop3A_466, %parallel_loop3A_544 : vector<16xf32>
        %parallel_loop3A_614 = arith.constant 0 : i32
        %parallel_loop3A_615 = arith.index_cast %parallel_loop3A_614 : i32 to index
        %parallel_loop3A_616 = arith.index_cast %parallel_loop3A_396 : i32 to index
        %parallel_loop3A_617 = arith.constant 64 : index
        %parallel_loop3A_618 = tpu.vector_load %arg14[%parallel_loop3A_615, %parallel_loop3A_616, %parallel_loop3A_617] {strides = array<i32>} : memref<2x64x144xf32, #tpu.memory_space<vmem>>, vector<1x1x16xf32>,
        %parallel_loop3A_619 = vector.shape_cast %parallel_loop3A_618 : vector<1x1x16xf32> to vector<16xf32>
        %parallel_loop3A_620 = vector.shape_cast %parallel_loop3A_613 : vector<16xf32> to vector<1x1x16xf32>
        tpu.vector_store %arg14[%parallel_loop3A_615, %parallel_loop3A_616, %parallel_loop3A_617], %parallel_loop3A_620 {strides = array<i32>} : memref<2x64x144xf32, #tpu.memory_space<vmem>>, vector<1x1x16xf32>,
        %parallel_loop3A_621 = arith.mulf %parallel_loop3A_472, %parallel_loop3A_556 : vector<16xf32>
        %parallel_loop3A_622 = arith.constant 0 : i32
        %parallel_loop3A_623 = arith.index_cast %parallel_loop3A_622 : i32 to index
        %parallel_loop3A_624 = arith.index_cast %parallel_loop3A_396 : i32 to index
        %parallel_loop3A_625 = arith.constant 80 : index
        %parallel_loop3A_626 = tpu.vector_load %arg14[%parallel_loop3A_623, %parallel_loop3A_624, %parallel_loop3A_625] {strides = array<i32>} : memref<2x64x144xf32, #tpu.memory_space<vmem>>, vector<1x1x16xf32>,
        %parallel_loop3A_627 = vector.shape_cast %parallel_loop3A_626 : vector<1x1x16xf32> to vector<16xf32>
        %parallel_loop3A_628 = vector.shape_cast %parallel_loop3A_621 : vector<16xf32> to vector<1x1x16xf32>
        tpu.vector_store %arg14[%parallel_loop3A_623, %parallel_loop3A_624, %parallel_loop3A_625], %parallel_loop3A_628 {strides = array<i32>} : memref<2x64x144xf32, #tpu.memory_space<vmem>>, vector<1x1x16xf32>,
        %parallel_loop3A_629 = arith.mulf %parallel_loop3A_478, %parallel_loop3A_568 : vector<16xf32>
        %parallel_loop3A_630 = arith.constant 0 : i32
        %parallel_loop3A_631 = arith.index_cast %parallel_loop3A_630 : i32 to index
        %parallel_loop3A_632 = arith.index_cast %parallel_loop3A_396 : i32 to index
        %parallel_loop3A_633 = arith.constant 96 : index
        %parallel_loop3A_634 = tpu.vector_load %arg14[%parallel_loop3A_631, %parallel_loop3A_632, %parallel_loop3A_633] {strides = array<i32>} : memref<2x64x144xf32, #tpu.memory_space<vmem>>, vector<1x1x16xf32>,
        %parallel_loop3A_635 = vector.shape_cast %parallel_loop3A_634 : vector<1x1x16xf32> to vector<16xf32>
        %parallel_loop3A_636 = vector.shape_cast %parallel_loop3A_629 : vector<16xf32> to vector<1x1x16xf32>
        tpu.vector_store %arg14[%parallel_loop3A_631, %parallel_loop3A_632, %parallel_loop3A_633], %parallel_loop3A_636 {strides = array<i32>} : memref<2x64x144xf32, #tpu.memory_space<vmem>>, vector<1x1x16xf32>,
        %parallel_loop3A_637 = arith.mulf %parallel_loop3A_484, %parallel_loop3A_580 : vector<16xf32>
        %parallel_loop3A_638 = arith.constant 0 : i32
        %parallel_loop3A_639 = arith.index_cast %parallel_loop3A_638 : i32 to index
        %parallel_loop3A_640 = arith.index_cast %parallel_loop3A_396 : i32 to index
        %parallel_loop3A_641 = arith.constant 112 : index
        %parallel_loop3A_642 = tpu.vector_load %arg14[%parallel_loop3A_639, %parallel_loop3A_640, %parallel_loop3A_641] {strides = array<i32>} : memref<2x64x144xf32, #tpu.memory_space<vmem>>, vector<1x1x16xf32>,
        %parallel_loop3A_643 = vector.shape_cast %parallel_loop3A_642 : vector<1x1x16xf32> to vector<16xf32>
        %parallel_loop3A_644 = vector.shape_cast %parallel_loop3A_637 : vector<16xf32> to vector<1x1x16xf32>
        tpu.vector_store %arg14[%parallel_loop3A_639, %parallel_loop3A_640, %parallel_loop3A_641], %parallel_loop3A_644 {strides = array<i32>} : memref<2x64x144xf32, #tpu.memory_space<vmem>>, vector<1x1x16xf32>,
      } {sc.loop_unroll_factor = 4 : i64, sc.parallel_access}
      %jit3A_245 = arith.constant 4 : i32
      %eq3A_246 = arith.constant 0 : i32
      %eq3A_247 = arith.cmpi eq, %jit3A_245, %eq3A_246 : i32
      %jit3A_248 = arith.constant 1 : i32
      %select_n3A_249 = arith.select %eq3A_247, %jit3A_248, %jit3A_245 : i32
      %rem3A_250 = arith.remsi %add3A_180, %select_n3A_249 : i32
      %ne3A_251 = arith.constant 0 : i32
      %ne3A_252 = arith.cmpi ne, %rem3A_250, %ne3A_251 : i32
      %lt3A_253 = arith.constant 0 : i32
      %lt3A_254 = arith.cmpi slt, %rem3A_250, %lt3A_253 : i32
      %lt3A_255 = arith.constant 0 : i32
      %lt3A_256 = arith.cmpi slt, %select_n3A_249, %lt3A_255 : i32
      %ne3A_257 = arith.xori %lt3A_254, %lt3A_256 : i1
      %and3A_258 = arith.andi %ne3A_257, %ne3A_252 : i1
      %add3A_259 = arith.addi %rem3A_250, %select_n3A_249 : i32
      %select_n3A_260 = arith.select %and3A_258, %add3A_259, %rem3A_250 : i32
      %dma_start3A_261 = arith.constant 0 : i32
      %dma_start3A_262 = arith.constant 0 : i32
      %dma_start3A_263 = arith.constant 0 : i32
      %dma_start3A_264 = arith.constant 0 : i32
      %dma_start3A_265 = tpu.memref_slice %arg14[%dma_start3A_261, %dma_start3A_263, %dma_start3A_264] : memref<2x64x144xf32, #tpu.memory_space<vmem>> -> memref<1x64x144xf32, #tpu.memory_space<vmem>>
      %dma_start3A_266 = tpu.memref_squeeze %dma_start3A_265 : memref<1x64x144xf32, #tpu.memory_space<vmem>> -> memref<64x144xf32, #tpu.memory_space<vmem>>
      %dma_start3A_267 = arith.constant 0 : i32
      %dma_start3A_268 = tpu.memref_slice %arg10[%select_n3A_260, %dma_start3A_267] : memref<4x64xi32, #tpu.memory_space<vmem>> -> memref<1x64xi32, #tpu.memory_space<vmem>>
      %dma_start3A_269 = tpu.memref_squeeze %dma_start3A_268 : memref<1x64xi32, #tpu.memory_space<vmem>> -> memref<64xi32, #tpu.memory_space<vmem>>
      %dma_start3A_270 = arith.constant 0 : i32
      %dma_start3A_271 = arith.constant 0 : i32
      %dma_start3A_272 = tpu.memref_slice %arg15[%dma_start3A_270, %dma_start3A_271] : memref<10112x144xf32, #tpu.memory_space<vmem_shared>> -> memref<10112x144xf32, #tpu.memory_space<vmem_shared>>
      %dma_start3A_273 = tpu.memref_slice %arg20[%dma_start3A_262] : memref<2x!tpu.dma_semaphore, #tpu.memory_space<semaphore_mem>> -> memref<1x!tpu.dma_semaphore, #tpu.memory_space<semaphore_mem>>
      %dma_start3A_274 = tpu.memref_squeeze %dma_start3A_273 : memref<1x!tpu.dma_semaphore, #tpu.memory_space<semaphore_mem>> -> memref<!tpu.dma_semaphore, #tpu.memory_space<semaphore_mem>>
      tpu.enqueue_indirect_dma source(%dma_start3A_266 : memref<64x144xf32, #tpu.memory_space<vmem>>) target(%dma_start3A_272 : memref<10112x144xf32, #tpu.memory_space<vmem_shared>>) offsets(%dma_start3A_269 : memref<64xi32, #tpu.memory_space<vmem>>) semaphore(%dma_start3A_274 : memref<!tpu.dma_semaphore, #tpu.memory_space<semaphore_mem>>) {add = true}
      %add3A_275 = arith.constant 2 : i32
      %add3A_276 = arith.addi %add3A_180, %add3A_275 : i32
      %lt3A_277 = arith.constant 162 : i32
      %lt3A_278 = arith.cmpi slt, %add3A_276, %lt3A_277 : i32
      %convert_element_type3A_279 = arith.extui %lt3A_278 : i1 to i32
      %cond3A_280 = arith.constant 0 : i32
      %cond3A_281 = arith.cmpi ne, %convert_element_type3A_279, %cond3A_280 : i32
      scf.if %cond3A_281 {
        %add3A_396 = arith.constant 2 : i32
        %add3A_397 = arith.addi %add3A_180, %add3A_396 : i32
        %add3A_398 = arith.constant 2 : i32
        %add3A_399 = arith.addi %add3A_180, %add3A_398 : i32
        %jit3A_400 = arith.constant 4 : i32
        %eq3A_401 = arith.constant 0 : i32
        %eq3A_402 = arith.cmpi eq, %jit3A_400, %eq3A_401 : i32
        %jit3A_403 = arith.constant 1 : i32
        %select_n3A_404 = arith.select %eq3A_402, %jit3A_403, %jit3A_400 : i32
        %rem3A_405 = arith.remsi %add3A_399, %select_n3A_404 : i32
        %ne3A_406 = arith.constant 0 : i32
        %ne3A_407 = arith.cmpi ne, %rem3A_405, %ne3A_406 : i32
        %lt3A_408 = arith.constant 0 : i32
        %lt3A_409 = arith.cmpi slt, %rem3A_405, %lt3A_408 : i32
        %lt3A_410 = arith.constant 0 : i32
        %lt3A_411 = arith.cmpi slt, %select_n3A_404, %lt3A_410 : i32
        %ne3A_412 = arith.xori %lt3A_409, %lt3A_411 : i1
        %and3A_413 = arith.andi %ne3A_412, %ne3A_407 : i1
        %add3A_414 = arith.addi %rem3A_405, %select_n3A_404 : i32
        %select_n3A_415 = arith.select %and3A_413, %add3A_414, %rem3A_405 : i32
        %mul3A_416 = arith.constant 162 : i32
        %mul3A_417 = arith.muli %add3A, %mul3A_416 : i32
        %add3A_418 = arith.addi %mul3A_417, %add3A_397 : i32
        %mul3A_419 = arith.constant 64 : i32
        %mul3A_420 = arith.muli %add3A_418, %mul3A_419 : i32
        %dma_start3A_421 = arith.constant 0 : i32
        %dma_start3A_422 = arith.constant 0 : i32
        %dma_start3A_423 = arith.constant 0 : i32
        %dma_start3A_424 = tpu.memref_slice %arg9[%dma_start3A_421, %dma_start3A_423] : memref<2x64xi32, #tpu.memory_space<vmem>> -> memref<1x64xi32, #tpu.memory_space<vmem>>
        %dma_start3A_425 = tpu.memref_squeeze %dma_start3A_424 : memref<1x64xi32, #tpu.memory_space<vmem>> -> memref<64xi32, #tpu.memory_space<vmem>>
        %dma_start3A_426 = tpu.memref_slice %arg2[%mul3A_420] : memref<331776xi32, #tpu.memory_space<hbm>> -> memref<64xi32, #tpu.memory_space<hbm>>
        %dma_start3A_427 = tpu.memref_slice %arg16[%dma_start3A_422] : memref<2x!tpu.dma_semaphore, #tpu.memory_space<semaphore_mem>> -> memref<1x!tpu.dma_semaphore, #tpu.memory_space<semaphore_mem>>
        %dma_start3A_428 = tpu.memref_squeeze %dma_start3A_427 : memref<1x!tpu.dma_semaphore, #tpu.memory_space<semaphore_mem>> -> memref<!tpu.dma_semaphore, #tpu.memory_space<semaphore_mem>>
        %dma_start3A_429 = arith.constant 0 : i32
        %dma_start3A_430 = tpu.memref_slice %arg9[%dma_start3A_421, %dma_start3A_429] : memref<2x64xi32, #tpu.memory_space<vmem>> -> memref<1x64xi32, #tpu.memory_space<vmem>>
        %dma_start3A_431 = tpu.memref_squeeze %dma_start3A_430 : memref<1x64xi32, #tpu.memory_space<vmem>> -> memref<64xi32, #tpu.memory_space<vmem>>
        %dma_start3A_432 = tpu.memref_slice %arg2[%mul3A_420] : memref<331776xi32, #tpu.memory_space<hbm>> -> memref<64xi32, #tpu.memory_space<hbm>>
        tpu.enqueue_dma source(%dma_start3A_432 : memref<64xi32, #tpu.memory_space<hbm>>) target(%dma_start3A_431 : memref<64xi32, #tpu.memory_space<vmem>>) target_semaphore(%dma_start3A_428 : memref<!tpu.dma_semaphore, #tpu.memory_space<semaphore_mem>>)
        %dma_start3A_433 = arith.constant 0 : i32
        %dma_start3A_434 = arith.constant 0 : i32
        %dma_start3A_435 = tpu.memref_slice %arg10[%select_n3A_415, %dma_start3A_434] : memref<4x64xi32, #tpu.memory_space<vmem>> -> memref<1x64xi32, #tpu.memory_space<vmem>>
        %dma_start3A_436 = tpu.memref_squeeze %dma_start3A_435 : memref<1x64xi32, #tpu.memory_space<vmem>> -> memref<64xi32, #tpu.memory_space<vmem>>
        %dma_start3A_437 = tpu.memref_slice %arg3[%mul3A_420] : memref<331776xi32, #tpu.memory_space<hbm>> -> memref<64xi32, #tpu.memory_space<hbm>>
        %dma_start3A_438 = tpu.memref_slice %arg16[%dma_start3A_433] : memref<2x!tpu.dma_semaphore, #tpu.memory_space<semaphore_mem>> -> memref<1x!tpu.dma_semaphore, #tpu.memory_space<semaphore_mem>>
        %dma_start3A_439 = tpu.memref_squeeze %dma_start3A_438 : memref<1x!tpu.dma_semaphore, #tpu.memory_space<semaphore_mem>> -> memref<!tpu.dma_semaphore, #tpu.memory_space<semaphore_mem>>
        %dma_start3A_440 = arith.constant 0 : i32
        %dma_start3A_441 = tpu.memref_slice %arg10[%select_n3A_415, %dma_start3A_440] : memref<4x64xi32, #tpu.memory_space<vmem>> -> memref<1x64xi32, #tpu.memory_space<vmem>>
        %dma_start3A_442 = tpu.memref_squeeze %dma_start3A_441 : memref<1x64xi32, #tpu.memory_space<vmem>> -> memref<64xi32, #tpu.memory_space<vmem>>
        %dma_start3A_443 = tpu.memref_slice %arg3[%mul3A_420] : memref<331776xi32, #tpu.memory_space<hbm>> -> memref<64xi32, #tpu.memory_space<hbm>>
        tpu.enqueue_dma source(%dma_start3A_443 : memref<64xi32, #tpu.memory_space<hbm>>) target(%dma_start3A_442 : memref<64xi32, #tpu.memory_space<vmem>>) target_semaphore(%dma_start3A_439 : memref<!tpu.dma_semaphore, #tpu.memory_space<semaphore_mem>>)
      } else {
      }
      %add3A_282 = arith.constant 1 : i32
      %add3A_283 = arith.addi %mul3A_178, %add3A_282 : i32
      %jit3A_284 = arith.constant 4 : i32
      %eq3A_285 = arith.constant 0 : i32
      %eq3A_286 = arith.cmpi eq, %jit3A_284, %eq3A_285 : i32
      %jit3A_287 = arith.constant 1 : i32
      %select_n3A_288 = arith.select %eq3A_286, %jit3A_287, %jit3A_284 : i32
      %rem3A_289 = arith.remsi %add3A_283, %select_n3A_288 : i32
      %ne3A_290 = arith.constant 0 : i32
      %ne3A_291 = arith.cmpi ne, %rem3A_289, %ne3A_290 : i32
      %lt3A_292 = arith.constant 0 : i32
      %lt3A_293 = arith.cmpi slt, %rem3A_289, %lt3A_292 : i32
      %lt3A_294 = arith.constant 0 : i32
      %lt3A_295 = arith.cmpi slt, %select_n3A_288, %lt3A_294 : i32
      %ne3A_296 = arith.xori %lt3A_293, %lt3A_295 : i1
      %and3A_297 = arith.andi %ne3A_296, %ne3A_291 : i1
      %add3A_298 = arith.addi %rem3A_289, %select_n3A_288 : i32
      %select_n3A_299 = arith.select %and3A_297, %add3A_298, %rem3A_289 : i32
      %dma_wait3A_300 = arith.constant 1 : i32
      %dma_wait3A_301 = arith.constant 1 : i32
      %dma_wait3A_302 = arith.constant 1 : i32
      %dma_wait3A_303 = arith.constant 0 : i32
      %dma_wait3A_304 = arith.constant 0 : i32
      %dma_wait3A_305 = tpu.memref_slice %arg11[%dma_wait3A_301, %dma_wait3A_303, %dma_wait3A_304] : memref<2x64x128xf32, #tpu.memory_space<vmem>> -> memref<1x64x128xf32, #tpu.memory_space<vmem>>
      %dma_wait3A_306 = tpu.memref_squeeze %dma_wait3A_305 : memref<1x64x128xf32, #tpu.memory_space<vmem>> -> memref<64x128xf32, #tpu.memory_space<vmem>>
      %dma_wait3A_307 = arith.constant 0 : i32
      %dma_wait3A_308 = tpu.memref_slice %arg9[%dma_wait3A_300, %dma_wait3A_307] : memref<2x64xi32, #tpu.memory_space<vmem>> -> memref<1x64xi32, #tpu.memory_space<vmem>>
      %dma_wait3A_309 = tpu.memref_squeeze %dma_wait3A_308 : memref<1x64xi32, #tpu.memory_space<vmem>> -> memref<64xi32, #tpu.memory_space<vmem>>
      %dma_wait3A_310 = arith.constant 0 : i32
      %dma_wait3A_311 = arith.constant 0 : i32
      %dma_wait3A_312 = tpu.memref_slice %arg4[%dma_wait3A_310, %dma_wait3A_311] : memref<10000x128xf32, #tpu.memory_space<hbm>> -> memref<10000x128xf32, #tpu.memory_space<hbm>>
      %dma_wait3A_313 = tpu.memref_slice %arg17[%dma_wait3A_302] : memref<2x!tpu.dma_semaphore, #tpu.memory_space<semaphore_mem>> -> memref<1x!tpu.dma_semaphore, #tpu.memory_space<semaphore_mem>>
      %dma_wait3A_314 = tpu.memref_squeeze %dma_wait3A_313 : memref<1x!tpu.dma_semaphore, #tpu.memory_space<semaphore_mem>> -> memref<!tpu.dma_semaphore, #tpu.memory_space<semaphore_mem>>
      tpu.wait_indirect_dma semaphore(%dma_wait3A_314 : memref<!tpu.dma_semaphore, #tpu.memory_space<semaphore_mem>>) src(%dma_wait3A_312 : memref<10000x128xf32, #tpu.memory_space<hbm>>) dst(%dma_wait3A_306 : memref<64x128xf32, #tpu.memory_space<vmem>>)
      %dma_wait3A_315 = arith.constant 1 : i32
      %dma_wait3A_316 = arith.constant 1 : i32
      %dma_wait3A_317 = arith.constant 1 : i32
      %dma_wait3A_318 = arith.constant 0 : i32
      %dma_wait3A_319 = arith.constant 0 : i32
      %dma_wait3A_320 = tpu.memref_slice %arg12[%dma_wait3A_316, %dma_wait3A_318, %dma_wait3A_319] : memref<2x64x16xf32, #tpu.memory_space<vmem>> -> memref<1x64x16xf32, #tpu.memory_space<vmem>>
      %dma_wait3A_321 = tpu.memref_squeeze %dma_wait3A_320 : memref<1x64x16xf32, #tpu.memory_space<vmem>> -> memref<64x16xf32, #tpu.memory_space<vmem>>
      %dma_wait3A_322 = arith.constant 0 : i32
      %dma_wait3A_323 = tpu.memref_slice %arg9[%dma_wait3A_315, %dma_wait3A_322] : memref<2x64xi32, #tpu.memory_space<vmem>> -> memref<1x64xi32, #tpu.memory_space<vmem>>
      %dma_wait3A_324 = tpu.memref_squeeze %dma_wait3A_323 : memref<1x64xi32, #tpu.memory_space<vmem>> -> memref<64xi32, #tpu.memory_space<vmem>>
      %dma_wait3A_325 = arith.constant 0 : i32
      %dma_wait3A_326 = arith.constant 0 : i32
      %dma_wait3A_327 = tpu.memref_slice %arg5[%dma_wait3A_325, %dma_wait3A_326] : memref<10000x16xf32, #tpu.memory_space<hbm>> -> memref<10000x16xf32, #tpu.memory_space<hbm>>
      %dma_wait3A_328 = tpu.memref_slice %arg18[%dma_wait3A_317] : memref<2x!tpu.dma_semaphore, #tpu.memory_space<semaphore_mem>> -> memref<1x!tpu.dma_semaphore, #tpu.memory_space<semaphore_mem>>
      %dma_wait3A_329 = tpu.memref_squeeze %dma_wait3A_328 : memref<1x!tpu.dma_semaphore, #tpu.memory_space<semaphore_mem>> -> memref<!tpu.dma_semaphore, #tpu.memory_space<semaphore_mem>>
      tpu.wait_indirect_dma semaphore(%dma_wait3A_329 : memref<!tpu.dma_semaphore, #tpu.memory_space<semaphore_mem>>) src(%dma_wait3A_327 : memref<10000x16xf32, #tpu.memory_space<hbm>>) dst(%dma_wait3A_321 : memref<64x16xf32, #tpu.memory_space<vmem>>)
      %dma_wait3A_330 = arith.constant 1 : i32
      %dma_wait3A_331 = arith.constant 1 : i32
      %dma_wait3A_332 = arith.constant 0 : i32
      %dma_wait3A_333 = arith.constant 0 : i32
      %dma_wait3A_334 = tpu.memref_slice %arg13[%dma_wait3A_330, %dma_wait3A_332, %dma_wait3A_333] : memref<2x64x16xf32, #tpu.memory_space<vmem>> -> memref<1x64x16xf32, #tpu.memory_space<vmem>>
      %dma_wait3A_335 = tpu.memref_squeeze %dma_wait3A_334 : memref<1x64x16xf32, #tpu.memory_space<vmem>> -> memref<64x16xf32, #tpu.memory_space<vmem>>
      %dma_wait3A_336 = arith.constant 0 : i32
      %dma_wait3A_337 = tpu.memref_slice %arg10[%select_n3A_299, %dma_wait3A_336] : memref<4x64xi32, #tpu.memory_space<vmem>> -> memref<1x64xi32, #tpu.memory_space<vmem>>
      %dma_wait3A_338 = tpu.memref_squeeze %dma_wait3A_337 : memref<1x64xi32, #tpu.memory_space<vmem>> -> memref<64xi32, #tpu.memory_space<vmem>>
      %dma_wait3A_339 = arith.constant 0 : i32
      %dma_wait3A_340 = arith.constant 0 : i32
      %dma_wait3A_341 = tpu.memref_slice %arg6[%dma_wait3A_339, %dma_wait3A_340] : memref<10112x16xf32, #tpu.memory_space<hbm>> -> memref<10112x16xf32, #tpu.memory_space<hbm>>
      %dma_wait3A_342 = tpu.memref_slice %arg19[%dma_wait3A_331] : memref<2x!tpu.dma_semaphore, #tpu.memory_space<semaphore_mem>> -> memref<1x!tpu.dma_semaphore, #tpu.memory_space<semaphore_mem>>
      %dma_wait3A_343 = tpu.memref_squeeze %dma_wait3A_342 : memref<1x!tpu.dma_semaphore, #tpu.memory_space<semaphore_mem>> -> memref<!tpu.dma_semaphore, #tpu.memory_space<semaphore_mem>>
      tpu.wait_indirect_dma semaphore(%dma_wait3A_343 : memref<!tpu.dma_semaphore, #tpu.memory_space<semaphore_mem>>) src(%dma_wait3A_341 : memref<10112x16xf32, #tpu.memory_space<hbm>>) dst(%dma_wait3A_335 : memref<64x16xf32, #tpu.memory_space<vmem>>)
      %add3A_344 = arith.constant 1 : i32
      %add3A_345 = arith.addi %add3A_283, %add3A_344 : i32
      %lt3A_346 = arith.constant 162 : i32
      %lt3A_347 = arith.cmpi slt, %add3A_345, %lt3A_346 : i32
      %convert_element_type3A_348 = arith.extui %lt3A_347 : i1 to i32
      %cond3A_349 = arith.constant 0 : i32
      %cond3A_350 = arith.cmpi ne, %convert_element_type3A_348, %cond3A_349 : i32
      scf.if %cond3A_350 {
        %add3A_396 = arith.constant 1 : i32
        %add3A_397 = arith.addi %add3A_283, %add3A_396 : i32
        %jit3A_398 = arith.constant 4 : i32
        %eq3A_399 = arith.constant 0 : i32
        %eq3A_400 = arith.cmpi eq, %jit3A_398, %eq3A_399 : i32
        %jit3A_401 = arith.constant 1 : i32
        %select_n3A_402 = arith.select %eq3A_400, %jit3A_401, %jit3A_398 : i32
        %rem3A_403 = arith.remsi %add3A_397, %select_n3A_402 : i32
        %ne3A_404 = arith.constant 0 : i32
        %ne3A_405 = arith.cmpi ne, %rem3A_403, %ne3A_404 : i32
        %lt3A_406 = arith.constant 0 : i32
        %lt3A_407 = arith.cmpi slt, %rem3A_403, %lt3A_406 : i32
        %lt3A_408 = arith.constant 0 : i32
        %lt3A_409 = arith.cmpi slt, %select_n3A_402, %lt3A_408 : i32
        %ne3A_410 = arith.xori %lt3A_407, %lt3A_409 : i1
        %and3A_411 = arith.andi %ne3A_410, %ne3A_405 : i1
        %add3A_412 = arith.addi %rem3A_403, %select_n3A_402 : i32
        %select_n3A_413 = arith.select %and3A_411, %add3A_412, %rem3A_403 : i32
        %dma_wait3A_414 = arith.constant 0 : i32
        %dma_wait3A_415 = arith.constant 0 : i32
        %dma_wait3A_416 = arith.constant 0 : i32
        %dma_wait3A_417 = tpu.memref_slice %arg9[%dma_wait3A_414, %dma_wait3A_416] : memref<2x64xi32, #tpu.memory_space<vmem>> -> memref<1x64xi32, #tpu.memory_space<vmem>>
        %dma_wait3A_418 = tpu.memref_squeeze %dma_wait3A_417 : memref<1x64xi32, #tpu.memory_space<vmem>> -> memref<64xi32, #tpu.memory_space<vmem>>
        %dma_wait3A_419 = arith.constant 0 : i32
        %dma_wait3A_420 = tpu.memref_slice %arg2[%dma_wait3A_419] : memref<331776xi32, #tpu.memory_space<hbm>> -> memref<64xi32, #tpu.memory_space<hbm>>
        %dma_wait3A_421 = tpu.memref_slice %arg16[%dma_wait3A_415] : memref<2x!tpu.dma_semaphore, #tpu.memory_space<semaphore_mem>> -> memref<1x!tpu.dma_semaphore, #tpu.memory_space<semaphore_mem>>
        %dma_wait3A_422 = tpu.memref_squeeze %dma_wait3A_421 : memref<1x!tpu.dma_semaphore, #tpu.memory_space<semaphore_mem>> -> memref<!tpu.dma_semaphore, #tpu.memory_space<semaphore_mem>>
        %dma_wait3A_423 = arith.constant 0 : i32
        %dma_wait3A_424 = tpu.memref_slice %arg9[%dma_wait3A_414, %dma_wait3A_423] : memref<2x64xi32, #tpu.memory_space<vmem>> -> memref<1x64xi32, #tpu.memory_space<vmem>>
        %dma_wait3A_425 = tpu.memref_squeeze %dma_wait3A_424 : memref<1x64xi32, #tpu.memory_space<vmem>> -> memref<64xi32, #tpu.memory_space<vmem>>
        %dma_wait3A_426 = arith.constant 0 : i32
        %dma_wait3A_427 = tpu.memref_slice %arg2[%dma_wait3A_426] : memref<331776xi32, #tpu.memory_space<hbm>> -> memref<64xi32, #tpu.memory_space<hbm>>
        tpu.wait_dma2 semaphore(%dma_wait3A_422 : memref<!tpu.dma_semaphore, #tpu.memory_space<semaphore_mem>>) src(%dma_wait3A_427 : memref<64xi32, #tpu.memory_space<hbm>>) dst(%dma_wait3A_425 : memref<64xi32, #tpu.memory_space<vmem>>)
        %dma_wait3A_428 = arith.constant 0 : i32
        %dma_wait3A_429 = arith.constant 0 : i32
        %dma_wait3A_430 = tpu.memref_slice %arg10[%select_n3A_413, %dma_wait3A_429] : memref<4x64xi32, #tpu.memory_space<vmem>> -> memref<1x64xi32, #tpu.memory_space<vmem>>
        %dma_wait3A_431 = tpu.memref_squeeze %dma_wait3A_430 : memref<1x64xi32, #tpu.memory_space<vmem>> -> memref<64xi32, #tpu.memory_space<vmem>>
        %dma_wait3A_432 = arith.constant 0 : i32
        %dma_wait3A_433 = tpu.memref_slice %arg3[%dma_wait3A_432] : memref<331776xi32, #tpu.memory_space<hbm>> -> memref<64xi32, #tpu.memory_space<hbm>>
        %dma_wait3A_434 = tpu.memref_slice %arg16[%dma_wait3A_428] : memref<2x!tpu.dma_semaphore, #tpu.memory_space<semaphore_mem>> -> memref<1x!tpu.dma_semaphore, #tpu.memory_space<semaphore_mem>>
        %dma_wait3A_435 = tpu.memref_squeeze %dma_wait3A_434 : memref<1x!tpu.dma_semaphore, #tpu.memory_space<semaphore_mem>> -> memref<!tpu.dma_semaphore, #tpu.memory_space<semaphore_mem>>
        %dma_wait3A_436 = arith.constant 0 : i32
        %dma_wait3A_437 = tpu.memref_slice %arg10[%select_n3A_413, %dma_wait3A_436] : memref<4x64xi32, #tpu.memory_space<vmem>> -> memref<1x64xi32, #tpu.memory_space<vmem>>
        %dma_wait3A_438 = tpu.memref_squeeze %dma_wait3A_437 : memref<1x64xi32, #tpu.memory_space<vmem>> -> memref<64xi32, #tpu.memory_space<vmem>>
        %dma_wait3A_439 = arith.constant 0 : i32
        %dma_wait3A_440 = tpu.memref_slice %arg3[%dma_wait3A_439] : memref<331776xi32, #tpu.memory_space<hbm>> -> memref<64xi32, #tpu.memory_space<hbm>>
        tpu.wait_dma2 semaphore(%dma_wait3A_435 : memref<!tpu.dma_semaphore, #tpu.memory_space<semaphore_mem>>) src(%dma_wait3A_440 : memref<64xi32, #tpu.memory_space<hbm>>) dst(%dma_wait3A_438 : memref<64xi32, #tpu.memory_space<vmem>>)
        %add3A_441 = arith.constant 1 : i32
        %add3A_442 = arith.addi %add3A_283, %add3A_441 : i32
        %jit3A_443 = arith.constant 4 : i32
        %eq3A_444 = arith.constant 0 : i32
        %eq3A_445 = arith.cmpi eq, %jit3A_443, %eq3A_444 : i32
        %jit3A_446 = arith.constant 1 : i32
        %select_n3A_447 = arith.select %eq3A_445, %jit3A_446, %jit3A_443 : i32
        %rem3A_448 = arith.remsi %add3A_442, %select_n3A_447 : i32
        %ne3A_449 = arith.constant 0 : i32
        %ne3A_450 = arith.cmpi ne, %rem3A_448, %ne3A_449 : i32
        %lt3A_451 = arith.constant 0 : i32
        %lt3A_452 = arith.cmpi slt, %rem3A_448, %lt3A_451 : i32
        %lt3A_453 = arith.constant 0 : i32
        %lt3A_454 = arith.cmpi slt, %select_n3A_447, %lt3A_453 : i32
        %ne3A_455 = arith.xori %lt3A_452, %lt3A_454 : i1
        %and3A_456 = arith.andi %ne3A_455, %ne3A_450 : i1
        %add3A_457 = arith.addi %rem3A_448, %select_n3A_447 : i32
        %select_n3A_458 = arith.select %and3A_456, %add3A_457, %rem3A_448 : i32
        %dma_start3A_459 = arith.constant 0 : i32
        %dma_start3A_460 = arith.constant 0 : i32
        %dma_start3A_461 = arith.constant 0 : i32
        %dma_start3A_462 = arith.constant 0 : i32
        %dma_start3A_463 = arith.constant 0 : i32
        %dma_start3A_464 = tpu.memref_slice %arg11[%dma_start3A_460, %dma_start3A_462, %dma_start3A_463] : memref<2x64x128xf32, #tpu.memory_space<vmem>> -> memref<1x64x128xf32, #tpu.memory_space<vmem>>
        %dma_start3A_465 = tpu.memref_squeeze %dma_start3A_464 : memref<1x64x128xf32, #tpu.memory_space<vmem>> -> memref<64x128xf32, #tpu.memory_space<vmem>>
        %dma_start3A_466 = arith.constant 0 : i32
        %dma_start3A_467 = tpu.memref_slice %arg9[%dma_start3A_459, %dma_start3A_466] : memref<2x64xi32, #tpu.memory_space<vmem>> -> memref<1x64xi32, #tpu.memory_space<vmem>>
        %dma_start3A_468 = tpu.memref_squeeze %dma_start3A_467 : memref<1x64xi32, #tpu.memory_space<vmem>> -> memref<64xi32, #tpu.memory_space<vmem>>
        %dma_start3A_469 = arith.constant 0 : i32
        %dma_start3A_470 = arith.constant 0 : i32
        %dma_start3A_471 = tpu.memref_slice %arg4[%dma_start3A_469, %dma_start3A_470] : memref<10000x128xf32, #tpu.memory_space<hbm>> -> memref<10000x128xf32, #tpu.memory_space<hbm>>
        %dma_start3A_472 = tpu.memref_slice %arg17[%dma_start3A_461] : memref<2x!tpu.dma_semaphore, #tpu.memory_space<semaphore_mem>> -> memref<1x!tpu.dma_semaphore, #tpu.memory_space<semaphore_mem>>
        %dma_start3A_473 = tpu.memref_squeeze %dma_start3A_472 : memref<1x!tpu.dma_semaphore, #tpu.memory_space<semaphore_mem>> -> memref<!tpu.dma_semaphore, #tpu.memory_space<semaphore_mem>>
        tpu.enqueue_indirect_dma source(%dma_start3A_471 : memref<10000x128xf32, #tpu.memory_space<hbm>>) target(%dma_start3A_465 : memref<64x128xf32, #tpu.memory_space<vmem>>) offsets(%dma_start3A_468 : memref<64xi32, #tpu.memory_space<vmem>>) semaphore(%dma_start3A_473 : memref<!tpu.dma_semaphore, #tpu.memory_space<semaphore_mem>>)
        %dma_start3A_474 = arith.constant 0 : i32
        %dma_start3A_475 = arith.constant 0 : i32
        %dma_start3A_476 = arith.constant 0 : i32
        %dma_start3A_477 = arith.constant 0 : i32
        %dma_start3A_478 = arith.constant 0 : i32
        %dma_start3A_479 = tpu.memref_slice %arg12[%dma_start3A_475, %dma_start3A_477, %dma_start3A_478] : memref<2x64x16xf32, #tpu.memory_space<vmem>> -> memref<1x64x16xf32, #tpu.memory_space<vmem>>
        %dma_start3A_480 = tpu.memref_squeeze %dma_start3A_479 : memref<1x64x16xf32, #tpu.memory_space<vmem>> -> memref<64x16xf32, #tpu.memory_space<vmem>>
        %dma_start3A_481 = arith.constant 0 : i32
        %dma_start3A_482 = tpu.memref_slice %arg9[%dma_start3A_474, %dma_start3A_481] : memref<2x64xi32, #tpu.memory_space<vmem>> -> memref<1x64xi32, #tpu.memory_space<vmem>>
        %dma_start3A_483 = tpu.memref_squeeze %dma_start3A_482 : memref<1x64xi32, #tpu.memory_space<vmem>> -> memref<64xi32, #tpu.memory_space<vmem>>
        %dma_start3A_484 = arith.constant 0 : i32
        %dma_start3A_485 = arith.constant 0 : i32
        %dma_start3A_486 = tpu.memref_slice %arg5[%dma_start3A_484, %dma_start3A_485] : memref<10000x16xf32, #tpu.memory_space<hbm>> -> memref<10000x16xf32, #tpu.memory_space<hbm>>
        %dma_start3A_487 = tpu.memref_slice %arg18[%dma_start3A_476] : memref<2x!tpu.dma_semaphore, #tpu.memory_space<semaphore_mem>> -> memref<1x!tpu.dma_semaphore, #tpu.memory_space<semaphore_mem>>
        %dma_start3A_488 = tpu.memref_squeeze %dma_start3A_487 : memref<1x!tpu.dma_semaphore, #tpu.memory_space<semaphore_mem>> -> memref<!tpu.dma_semaphore, #tpu.memory_space<semaphore_mem>>
        tpu.enqueue_indirect_dma source(%dma_start3A_486 : memref<10000x16xf32, #tpu.memory_space<hbm>>) target(%dma_start3A_480 : memref<64x16xf32, #tpu.memory_space<vmem>>) offsets(%dma_start3A_483 : memref<64xi32, #tpu.memory_space<vmem>>) semaphore(%dma_start3A_488 : memref<!tpu.dma_semaphore, #tpu.memory_space<semaphore_mem>>)
        %dma_start3A_489 = arith.constant 0 : i32
        %dma_start3A_490 = arith.constant 0 : i32
        %dma_start3A_491 = arith.constant 0 : i32
        %dma_start3A_492 = arith.constant 0 : i32
        %dma_start3A_493 = tpu.memref_slice %arg13[%dma_start3A_489, %dma_start3A_491, %dma_start3A_492] : memref<2x64x16xf32, #tpu.memory_space<vmem>> -> memref<1x64x16xf32, #tpu.memory_space<vmem>>
        %dma_start3A_494 = tpu.memref_squeeze %dma_start3A_493 : memref<1x64x16xf32, #tpu.memory_space<vmem>> -> memref<64x16xf32, #tpu.memory_space<vmem>>
        %dma_start3A_495 = arith.constant 0 : i32
        %dma_start3A_496 = tpu.memref_slice %arg10[%select_n3A_458, %dma_start3A_495] : memref<4x64xi32, #tpu.memory_space<vmem>> -> memref<1x64xi32, #tpu.memory_space<vmem>>
        %dma_start3A_497 = tpu.memref_squeeze %dma_start3A_496 : memref<1x64xi32, #tpu.memory_space<vmem>> -> memref<64xi32, #tpu.memory_space<vmem>>
        %dma_start3A_498 = arith.constant 0 : i32
        %dma_start3A_499 = arith.constant 0 : i32
        %dma_start3A_500 = tpu.memref_slice %arg6[%dma_start3A_498, %dma_start3A_499] : memref<10112x16xf32, #tpu.memory_space<hbm>> -> memref<10112x16xf32, #tpu.memory_space<hbm>>
        %dma_start3A_501 = tpu.memref_slice %arg19[%dma_start3A_490] : memref<2x!tpu.dma_semaphore, #tpu.memory_space<semaphore_mem>> -> memref<1x!tpu.dma_semaphore, #tpu.memory_space<semaphore_mem>>
        %dma_start3A_502 = tpu.memref_squeeze %dma_start3A_501 : memref<1x!tpu.dma_semaphore, #tpu.memory_space<semaphore_mem>> -> memref<!tpu.dma_semaphore, #tpu.memory_space<semaphore_mem>>
        tpu.enqueue_indirect_dma source(%dma_start3A_500 : memref<10112x16xf32, #tpu.memory_space<hbm>>) target(%dma_start3A_494 : memref<64x16xf32, #tpu.memory_space<vmem>>) offsets(%dma_start3A_497 : memref<64xi32, #tpu.memory_space<vmem>>) semaphore(%dma_start3A_502 : memref<!tpu.dma_semaphore, #tpu.memory_space<semaphore_mem>>)
      } else {
      }
      %ge3A_351 = arith.constant 2 : i32
      %ge3A_352 = arith.cmpi sge, %add3A_283, %ge3A_351 : i32
      %convert_element_type3A_353 = arith.extui %ge3A_352 : i1 to i32
      %cond3A_354 = arith.constant 0 : i32
      %cond3A_355 = arith.cmpi ne, %convert_element_type3A_353, %cond3A_354 : i32
      scf.if %cond3A_355 {
        %add3A_396 = arith.constant 2 : i32
        %add3A_397 = arith.addi %add3A_283, %add3A_396 : i32
        %jit3A_398 = arith.constant 4 : i32
        %eq3A_399 = arith.constant 0 : i32
        %eq3A_400 = arith.cmpi eq, %jit3A_398, %eq3A_399 : i32
        %jit3A_401 = arith.constant 1 : i32
        %select_n3A_402 = arith.select %eq3A_400, %jit3A_401, %jit3A_398 : i32
        %rem3A_403 = arith.remsi %add3A_397, %select_n3A_402 : i32
        %ne3A_404 = arith.constant 0 : i32
        %ne3A_405 = arith.cmpi ne, %rem3A_403, %ne3A_404 : i32
        %lt3A_406 = arith.constant 0 : i32
        %lt3A_407 = arith.cmpi slt, %rem3A_403, %lt3A_406 : i32
        %lt3A_408 = arith.constant 0 : i32
        %lt3A_409 = arith.cmpi slt, %select_n3A_402, %lt3A_408 : i32
        %ne3A_410 = arith.xori %lt3A_407, %lt3A_409 : i1
        %and3A_411 = arith.andi %ne3A_410, %ne3A_405 : i1
        %add3A_412 = arith.addi %rem3A_403, %select_n3A_402 : i32
        %select_n3A_413 = arith.select %and3A_411, %add3A_412, %rem3A_403 : i32
        %dma_wait3A_414 = arith.constant 1 : i32
        %dma_wait3A_415 = arith.constant 1 : i32
        %dma_wait3A_416 = arith.constant 0 : i32
        %dma_wait3A_417 = arith.constant 0 : i32
        %dma_wait3A_418 = tpu.memref_slice %arg14[%dma_wait3A_414, %dma_wait3A_416, %dma_wait3A_417] : memref<2x64x144xf32, #tpu.memory_space<vmem>> -> memref<1x64x144xf32, #tpu.memory_space<vmem>>
        %dma_wait3A_419 = tpu.memref_squeeze %dma_wait3A_418 : memref<1x64x144xf32, #tpu.memory_space<vmem>> -> memref<64x144xf32, #tpu.memory_space<vmem>>
        %dma_wait3A_420 = arith.constant 0 : i32
        %dma_wait3A_421 = tpu.memref_slice %arg10[%select_n3A_413, %dma_wait3A_420] : memref<4x64xi32, #tpu.memory_space<vmem>> -> memref<1x64xi32, #tpu.memory_space<vmem>>
        %dma_wait3A_422 = tpu.memref_squeeze %dma_wait3A_421 : memref<1x64xi32, #tpu.memory_space<vmem>> -> memref<64xi32, #tpu.memory_space<vmem>>
        %dma_wait3A_423 = arith.constant 0 : i32
        %dma_wait3A_424 = arith.constant 0 : i32
        %dma_wait3A_425 = tpu.memref_slice %arg15[%dma_wait3A_423, %dma_wait3A_424] : memref<10112x144xf32, #tpu.memory_space<vmem_shared>> -> memref<10112x144xf32, #tpu.memory_space<vmem_shared>>
        %dma_wait3A_426 = tpu.memref_slice %arg20[%dma_wait3A_415] : memref<2x!tpu.dma_semaphore, #tpu.memory_space<semaphore_mem>> -> memref<1x!tpu.dma_semaphore, #tpu.memory_space<semaphore_mem>>
        %dma_wait3A_427 = tpu.memref_squeeze %dma_wait3A_426 : memref<1x!tpu.dma_semaphore, #tpu.memory_space<semaphore_mem>> -> memref<!tpu.dma_semaphore, #tpu.memory_space<semaphore_mem>>
        tpu.wait_indirect_dma semaphore(%dma_wait3A_427 : memref<!tpu.dma_semaphore, #tpu.memory_space<semaphore_mem>>) src(%dma_wait3A_419 : memref<64x144xf32, #tpu.memory_space<vmem>>) dst(%dma_wait3A_425 : memref<10112x144xf32, #tpu.memory_space<vmem_shared>>)
      } else {
      }
      %parallel_loop3A_356 = arith.constant 0 : i32
      %parallel_loop3A_357 = arith.constant 64 : i32
      %parallel_loop3A_358 = arith.constant 1 : i32
      scf.for %parallel_loop3A_396 = %parallel_loop3A_356 to %parallel_loop3A_357 step %parallel_loop3A_358  : i32 {
        %parallel_loop3A_397 = arith.constant 1 : i32
        %parallel_loop3A_398 = arith.index_cast %parallel_loop3A_397 : i32 to index
        %parallel_loop3A_399 = arith.index_cast %parallel_loop3A_396 : i32 to index
        %parallel_loop3A_400 = arith.constant 0 : index
        %parallel_loop3A_401 = tpu.vector_load %arg12[%parallel_loop3A_398, %parallel_loop3A_399, %parallel_loop3A_400] {strides = array<i32>} : memref<2x64x16xf32, #tpu.memory_space<vmem>>, vector<1x1x16xf32>,
        %parallel_loop3A_402 = vector.shape_cast %parallel_loop3A_401 : vector<1x1x16xf32> to vector<16xf32>
        %parallel_loop3A_403 = arith.constant 1 : i32
        %parallel_loop3A_404 = arith.index_cast %parallel_loop3A_403 : i32 to index
        %parallel_loop3A_405 = arith.index_cast %parallel_loop3A_396 : i32 to index
        %parallel_loop3A_406 = arith.constant 0 : index
        %parallel_loop3A_407 = tpu.vector_load %arg13[%parallel_loop3A_404, %parallel_loop3A_405, %parallel_loop3A_406] {strides = array<i32>} : memref<2x64x16xf32, #tpu.memory_space<vmem>>, vector<1x1x16xf32>,
        %parallel_loop3A_408 = vector.shape_cast %parallel_loop3A_407 : vector<1x1x16xf32> to vector<16xf32>
        %parallel_loop3A_409 = arith.addf %parallel_loop3A_402, %parallel_loop3A_408 : vector<16xf32>
        %parallel_loop3A_410 = arith.constant 0.000000e+00 : f32
        %parallel_loop3A_411 = vector.broadcast %parallel_loop3A_410 : f32 to vector<16xf32>
        %parallel_loop3A_412 = arith.cmpf oge, %parallel_loop3A_409, %parallel_loop3A_411 : vector<16xf32>
        %parallel_loop3A_413 = arith.constant 2.000000e-01 : f32
        %parallel_loop3A_414 = vector.broadcast %parallel_loop3A_413 : f32 to vector<16xf32>
        %parallel_loop3A_415 = arith.mulf %parallel_loop3A_414, %parallel_loop3A_409 : vector<16xf32>
        %parallel_loop3A_416 = arith.select %parallel_loop3A_412, %parallel_loop3A_409, %parallel_loop3A_415 : vector<16xi1>, vector<16xf32>
        %parallel_loop3A_417 = arith.constant 8 : i32
        %parallel_loop3A_418 = vector.broadcast %parallel_loop3A_417 : i32 to vector<16xi32>
        %parallel_loop3A_419 = arith.cmpi slt, %iota3A, %parallel_loop3A_418 : vector<16xi32>
        %parallel_loop3A_420 = arith.constant 0.000000e+00 : f32
        %parallel_loop3A_421 = vector.broadcast %parallel_loop3A_420 : f32 to vector<16xf32>
        %parallel_loop3A_422 = arith.select %parallel_loop3A_419, %parallel_loop3A_416, %parallel_loop3A_421 : vector<16xi1>, vector<16xf32>
        %parallel_loop3A_423 = math.exp %parallel_loop3A_422 : vector<16xf32>
        %parallel_loop3A_424 = arith.constant 8 : i32
        %parallel_loop3A_425 = vector.broadcast %parallel_loop3A_424 : i32 to vector<16xi32>
        %parallel_loop3A_426 = arith.cmpi slt, %iota3A, %parallel_loop3A_425 : vector<16xi32>
        %parallel_loop3A_427 = arith.constant 0.000000e+00 : f32
        %parallel_loop3A_428 = vector.broadcast %parallel_loop3A_427 : f32 to vector<16xf32>
        %parallel_loop3A_429 = arith.select %parallel_loop3A_426, %parallel_loop3A_423, %parallel_loop3A_428 : vector<16xi1>, vector<16xf32>
        %parallel_loop3A_430 = arith.constant 1 : i32
        %parallel_loop3A_431 = arith.index_cast %parallel_loop3A_430 : i32 to index
        %parallel_loop3A_432 = arith.index_cast %parallel_loop3A_396 : i32 to index
        %parallel_loop3A_433 = arith.constant 128 : index
        %parallel_loop3A_434 = tpu.vector_load %arg14[%parallel_loop3A_431, %parallel_loop3A_432, %parallel_loop3A_433] {strides = array<i32>} : memref<2x64x144xf32, #tpu.memory_space<vmem>>, vector<1x1x16xf32>,
        %parallel_loop3A_435 = vector.shape_cast %parallel_loop3A_434 : vector<1x1x16xf32> to vector<16xf32>
        %parallel_loop3A_436 = vector.shape_cast %parallel_loop3A_429 : vector<16xf32> to vector<1x1x16xf32>
        tpu.vector_store %arg14[%parallel_loop3A_431, %parallel_loop3A_432, %parallel_loop3A_433], %parallel_loop3A_436 {strides = array<i32>} : memref<2x64x144xf32, #tpu.memory_space<vmem>>, vector<1x1x16xf32>,
        %parallel_loop3A_437 = arith.constant 1 : i32
        %parallel_loop3A_438 = arith.index_cast %parallel_loop3A_437 : i32 to index
        %parallel_loop3A_439 = arith.index_cast %parallel_loop3A_396 : i32 to index
        %parallel_loop3A_440 = arith.constant 0 : index
        %parallel_loop3A_441 = tpu.vector_load %arg11[%parallel_loop3A_438, %parallel_loop3A_439, %parallel_loop3A_440] {strides = array<i32>} : memref<2x64x128xf32, #tpu.memory_space<vmem>>, vector<1x1x16xf32>,
        %parallel_loop3A_442 = vector.shape_cast %parallel_loop3A_441 : vector<1x1x16xf32> to vector<16xf32>
        %parallel_loop3A_443 = arith.constant 1 : i32
        %parallel_loop3A_444 = arith.index_cast %parallel_loop3A_443 : i32 to index
        %parallel_loop3A_445 = arith.index_cast %parallel_loop3A_396 : i32 to index
        %parallel_loop3A_446 = arith.constant 16 : index
        %parallel_loop3A_447 = tpu.vector_load %arg11[%parallel_loop3A_444, %parallel_loop3A_445, %parallel_loop3A_446] {strides = array<i32>} : memref<2x64x128xf32, #tpu.memory_space<vmem>>, vector<1x1x16xf32>,
        %parallel_loop3A_448 = vector.shape_cast %parallel_loop3A_447 : vector<1x1x16xf32> to vector<16xf32>
        %parallel_loop3A_449 = arith.constant 1 : i32
        %parallel_loop3A_450 = arith.index_cast %parallel_loop3A_449 : i32 to index
        %parallel_loop3A_451 = arith.index_cast %parallel_loop3A_396 : i32 to index
        %parallel_loop3A_452 = arith.constant 32 : index
        %parallel_loop3A_453 = tpu.vector_load %arg11[%parallel_loop3A_450, %parallel_loop3A_451, %parallel_loop3A_452] {strides = array<i32>} : memref<2x64x128xf32, #tpu.memory_space<vmem>>, vector<1x1x16xf32>,
        %parallel_loop3A_454 = vector.shape_cast %parallel_loop3A_453 : vector<1x1x16xf32> to vector<16xf32>
        %parallel_loop3A_455 = arith.constant 1 : i32
        %parallel_loop3A_456 = arith.index_cast %parallel_loop3A_455 : i32 to index
        %parallel_loop3A_457 = arith.index_cast %parallel_loop3A_396 : i32 to index
        %parallel_loop3A_458 = arith.constant 48 : index
        %parallel_loop3A_459 = tpu.vector_load %arg11[%parallel_loop3A_456, %parallel_loop3A_457, %parallel_loop3A_458] {strides = array<i32>} : memref<2x64x128xf32, #tpu.memory_space<vmem>>, vector<1x1x16xf32>,
        %parallel_loop3A_460 = vector.shape_cast %parallel_loop3A_459 : vector<1x1x16xf32> to vector<16xf32>
        %parallel_loop3A_461 = arith.constant 1 : i32
        %parallel_loop3A_462 = arith.index_cast %parallel_loop3A_461 : i32 to index
        %parallel_loop3A_463 = arith.index_cast %parallel_loop3A_396 : i32 to index
        %parallel_loop3A_464 = arith.constant 64 : index
        %parallel_loop3A_465 = tpu.vector_load %arg11[%parallel_loop3A_462, %parallel_loop3A_463, %parallel_loop3A_464] {strides = array<i32>} : memref<2x64x128xf32, #tpu.memory_space<vmem>>, vector<1x1x16xf32>,
        %parallel_loop3A_466 = vector.shape_cast %parallel_loop3A_465 : vector<1x1x16xf32> to vector<16xf32>
        %parallel_loop3A_467 = arith.constant 1 : i32
        %parallel_loop3A_468 = arith.index_cast %parallel_loop3A_467 : i32 to index
        %parallel_loop3A_469 = arith.index_cast %parallel_loop3A_396 : i32 to index
        %parallel_loop3A_470 = arith.constant 80 : index
        %parallel_loop3A_471 = tpu.vector_load %arg11[%parallel_loop3A_468, %parallel_loop3A_469, %parallel_loop3A_470] {strides = array<i32>} : memref<2x64x128xf32, #tpu.memory_space<vmem>>, vector<1x1x16xf32>,
        %parallel_loop3A_472 = vector.shape_cast %parallel_loop3A_471 : vector<1x1x16xf32> to vector<16xf32>
        %parallel_loop3A_473 = arith.constant 1 : i32
        %parallel_loop3A_474 = arith.index_cast %parallel_loop3A_473 : i32 to index
        %parallel_loop3A_475 = arith.index_cast %parallel_loop3A_396 : i32 to index
        %parallel_loop3A_476 = arith.constant 96 : index
        %parallel_loop3A_477 = tpu.vector_load %arg11[%parallel_loop3A_474, %parallel_loop3A_475, %parallel_loop3A_476] {strides = array<i32>} : memref<2x64x128xf32, #tpu.memory_space<vmem>>, vector<1x1x16xf32>,
        %parallel_loop3A_478 = vector.shape_cast %parallel_loop3A_477 : vector<1x1x16xf32> to vector<16xf32>
        %parallel_loop3A_479 = arith.constant 1 : i32
        %parallel_loop3A_480 = arith.index_cast %parallel_loop3A_479 : i32 to index
        %parallel_loop3A_481 = arith.index_cast %parallel_loop3A_396 : i32 to index
        %parallel_loop3A_482 = arith.constant 112 : index
        %parallel_loop3A_483 = tpu.vector_load %arg11[%parallel_loop3A_480, %parallel_loop3A_481, %parallel_loop3A_482] {strides = array<i32>} : memref<2x64x128xf32, #tpu.memory_space<vmem>>, vector<1x1x16xf32>,
        %parallel_loop3A_484 = vector.shape_cast %parallel_loop3A_483 : vector<1x1x16xf32> to vector<16xf32>
        %parallel_loop3A_485 = arith.constant 0 : i32
        %parallel_loop3A_486 = vector.broadcast %parallel_loop3A_485 : i32 to vector<16xi32>
        %parallel_loop3A_487 = arith.constant 0 : i32
        %parallel_loop3A_488 = vector.broadcast %parallel_loop3A_487 : i32 to vector<16xi32>
        %parallel_loop3A_489 = arith.cmpi slt, %parallel_loop3A_486, %parallel_loop3A_488 : vector<16xi32>
        %parallel_loop3A_490 = arith.constant 16 : i32
        %parallel_loop3A_491 = vector.broadcast %parallel_loop3A_490 : i32 to vector<16xi32>
        %parallel_loop3A_492 = arith.addi %parallel_loop3A_486, %parallel_loop3A_491 : vector<16xi32>
        %parallel_loop3A_493 = arith.select %parallel_loop3A_489, %parallel_loop3A_492, %parallel_loop3A_486 : vector<16xi1>, vector<16xi32>
        %parallel_loop3A_494 = vector.shape_cast %parallel_loop3A_493 : vector<16xi32> to vector<16x1xi32>
        %parallel_loop3A_495 = vector.shape_cast %parallel_loop3A_494 : vector<16x1xi32> to vector<16xi32>
        %parallel_loop3A_496 = tpu.dynamic_gather %parallel_loop3A_429[%parallel_loop3A_495] in [0] : vector<16xf32>, vector<16xi32> -> vector<16xf32>
        %parallel_loop3A_497 = arith.constant 1 : i32
        %parallel_loop3A_498 = vector.broadcast %parallel_loop3A_497 : i32 to vector<16xi32>
        %parallel_loop3A_499 = arith.constant 0 : i32
        %parallel_loop3A_500 = vector.broadcast %parallel_loop3A_499 : i32 to vector<16xi32>
        %parallel_loop3A_501 = arith.cmpi slt, %parallel_loop3A_498, %parallel_loop3A_500 : vector<16xi32>
        %parallel_loop3A_502 = arith.constant 16 : i32
        %parallel_loop3A_503 = vector.broadcast %parallel_loop3A_502 : i32 to vector<16xi32>
        %parallel_loop3A_504 = arith.addi %parallel_loop3A_498, %parallel_loop3A_503 : vector<16xi32>
        %parallel_loop3A_505 = arith.select %parallel_loop3A_501, %parallel_loop3A_504, %parallel_loop3A_498 : vector<16xi1>, vector<16xi32>
        %parallel_loop3A_506 = vector.shape_cast %parallel_loop3A_505 : vector<16xi32> to vector<16x1xi32>
        %parallel_loop3A_507 = vector.shape_cast %parallel_loop3A_506 : vector<16x1xi32> to vector<16xi32>
        %parallel_loop3A_508 = tpu.dynamic_gather %parallel_loop3A_429[%parallel_loop3A_507] in [0] : vector<16xf32>, vector<16xi32> -> vector<16xf32>
        %parallel_loop3A_509 = arith.constant 2 : i32
        %parallel_loop3A_510 = vector.broadcast %parallel_loop3A_509 : i32 to vector<16xi32>
        %parallel_loop3A_511 = arith.constant 0 : i32
        %parallel_loop3A_512 = vector.broadcast %parallel_loop3A_511 : i32 to vector<16xi32>
        %parallel_loop3A_513 = arith.cmpi slt, %parallel_loop3A_510, %parallel_loop3A_512 : vector<16xi32>
        %parallel_loop3A_514 = arith.constant 16 : i32
        %parallel_loop3A_515 = vector.broadcast %parallel_loop3A_514 : i32 to vector<16xi32>
        %parallel_loop3A_516 = arith.addi %parallel_loop3A_510, %parallel_loop3A_515 : vector<16xi32>
        %parallel_loop3A_517 = arith.select %parallel_loop3A_513, %parallel_loop3A_516, %parallel_loop3A_510 : vector<16xi1>, vector<16xi32>
        %parallel_loop3A_518 = vector.shape_cast %parallel_loop3A_517 : vector<16xi32> to vector<16x1xi32>
        %parallel_loop3A_519 = vector.shape_cast %parallel_loop3A_518 : vector<16x1xi32> to vector<16xi32>
        %parallel_loop3A_520 = tpu.dynamic_gather %parallel_loop3A_429[%parallel_loop3A_519] in [0] : vector<16xf32>, vector<16xi32> -> vector<16xf32>
        %parallel_loop3A_521 = arith.constant 3 : i32
        %parallel_loop3A_522 = vector.broadcast %parallel_loop3A_521 : i32 to vector<16xi32>
        %parallel_loop3A_523 = arith.constant 0 : i32
        %parallel_loop3A_524 = vector.broadcast %parallel_loop3A_523 : i32 to vector<16xi32>
        %parallel_loop3A_525 = arith.cmpi slt, %parallel_loop3A_522, %parallel_loop3A_524 : vector<16xi32>
        %parallel_loop3A_526 = arith.constant 16 : i32
        %parallel_loop3A_527 = vector.broadcast %parallel_loop3A_526 : i32 to vector<16xi32>
        %parallel_loop3A_528 = arith.addi %parallel_loop3A_522, %parallel_loop3A_527 : vector<16xi32>
        %parallel_loop3A_529 = arith.select %parallel_loop3A_525, %parallel_loop3A_528, %parallel_loop3A_522 : vector<16xi1>, vector<16xi32>
        %parallel_loop3A_530 = vector.shape_cast %parallel_loop3A_529 : vector<16xi32> to vector<16x1xi32>
        %parallel_loop3A_531 = vector.shape_cast %parallel_loop3A_530 : vector<16x1xi32> to vector<16xi32>
        %parallel_loop3A_532 = tpu.dynamic_gather %parallel_loop3A_429[%parallel_loop3A_531] in [0] : vector<16xf32>, vector<16xi32> -> vector<16xf32>
        %parallel_loop3A_533 = arith.constant 4 : i32
        %parallel_loop3A_534 = vector.broadcast %parallel_loop3A_533 : i32 to vector<16xi32>
        %parallel_loop3A_535 = arith.constant 0 : i32
        %parallel_loop3A_536 = vector.broadcast %parallel_loop3A_535 : i32 to vector<16xi32>
        %parallel_loop3A_537 = arith.cmpi slt, %parallel_loop3A_534, %parallel_loop3A_536 : vector<16xi32>
        %parallel_loop3A_538 = arith.constant 16 : i32
        %parallel_loop3A_539 = vector.broadcast %parallel_loop3A_538 : i32 to vector<16xi32>
        %parallel_loop3A_540 = arith.addi %parallel_loop3A_534, %parallel_loop3A_539 : vector<16xi32>
        %parallel_loop3A_541 = arith.select %parallel_loop3A_537, %parallel_loop3A_540, %parallel_loop3A_534 : vector<16xi1>, vector<16xi32>
        %parallel_loop3A_542 = vector.shape_cast %parallel_loop3A_541 : vector<16xi32> to vector<16x1xi32>
        %parallel_loop3A_543 = vector.shape_cast %parallel_loop3A_542 : vector<16x1xi32> to vector<16xi32>
        %parallel_loop3A_544 = tpu.dynamic_gather %parallel_loop3A_429[%parallel_loop3A_543] in [0] : vector<16xf32>, vector<16xi32> -> vector<16xf32>
        %parallel_loop3A_545 = arith.constant 5 : i32
        %parallel_loop3A_546 = vector.broadcast %parallel_loop3A_545 : i32 to vector<16xi32>
        %parallel_loop3A_547 = arith.constant 0 : i32
        %parallel_loop3A_548 = vector.broadcast %parallel_loop3A_547 : i32 to vector<16xi32>
        %parallel_loop3A_549 = arith.cmpi slt, %parallel_loop3A_546, %parallel_loop3A_548 : vector<16xi32>
        %parallel_loop3A_550 = arith.constant 16 : i32
        %parallel_loop3A_551 = vector.broadcast %parallel_loop3A_550 : i32 to vector<16xi32>
        %parallel_loop3A_552 = arith.addi %parallel_loop3A_546, %parallel_loop3A_551 : vector<16xi32>
        %parallel_loop3A_553 = arith.select %parallel_loop3A_549, %parallel_loop3A_552, %parallel_loop3A_546 : vector<16xi1>, vector<16xi32>
        %parallel_loop3A_554 = vector.shape_cast %parallel_loop3A_553 : vector<16xi32> to vector<16x1xi32>
        %parallel_loop3A_555 = vector.shape_cast %parallel_loop3A_554 : vector<16x1xi32> to vector<16xi32>
        %parallel_loop3A_556 = tpu.dynamic_gather %parallel_loop3A_429[%parallel_loop3A_555] in [0] : vector<16xf32>, vector<16xi32> -> vector<16xf32>
        %parallel_loop3A_557 = arith.constant 6 : i32
        %parallel_loop3A_558 = vector.broadcast %parallel_loop3A_557 : i32 to vector<16xi32>
        %parallel_loop3A_559 = arith.constant 0 : i32
        %parallel_loop3A_560 = vector.broadcast %parallel_loop3A_559 : i32 to vector<16xi32>
        %parallel_loop3A_561 = arith.cmpi slt, %parallel_loop3A_558, %parallel_loop3A_560 : vector<16xi32>
        %parallel_loop3A_562 = arith.constant 16 : i32
        %parallel_loop3A_563 = vector.broadcast %parallel_loop3A_562 : i32 to vector<16xi32>
        %parallel_loop3A_564 = arith.addi %parallel_loop3A_558, %parallel_loop3A_563 : vector<16xi32>
        %parallel_loop3A_565 = arith.select %parallel_loop3A_561, %parallel_loop3A_564, %parallel_loop3A_558 : vector<16xi1>, vector<16xi32>
        %parallel_loop3A_566 = vector.shape_cast %parallel_loop3A_565 : vector<16xi32> to vector<16x1xi32>
        %parallel_loop3A_567 = vector.shape_cast %parallel_loop3A_566 : vector<16x1xi32> to vector<16xi32>
        %parallel_loop3A_568 = tpu.dynamic_gather %parallel_loop3A_429[%parallel_loop3A_567] in [0] : vector<16xf32>, vector<16xi32> -> vector<16xf32>
        %parallel_loop3A_569 = arith.constant 7 : i32
        %parallel_loop3A_570 = vector.broadcast %parallel_loop3A_569 : i32 to vector<16xi32>
        %parallel_loop3A_571 = arith.constant 0 : i32
        %parallel_loop3A_572 = vector.broadcast %parallel_loop3A_571 : i32 to vector<16xi32>
        %parallel_loop3A_573 = arith.cmpi slt, %parallel_loop3A_570, %parallel_loop3A_572 : vector<16xi32>
        %parallel_loop3A_574 = arith.constant 16 : i32
        %parallel_loop3A_575 = vector.broadcast %parallel_loop3A_574 : i32 to vector<16xi32>
        %parallel_loop3A_576 = arith.addi %parallel_loop3A_570, %parallel_loop3A_575 : vector<16xi32>
        %parallel_loop3A_577 = arith.select %parallel_loop3A_573, %parallel_loop3A_576, %parallel_loop3A_570 : vector<16xi1>, vector<16xi32>
        %parallel_loop3A_578 = vector.shape_cast %parallel_loop3A_577 : vector<16xi32> to vector<16x1xi32>
        %parallel_loop3A_579 = vector.shape_cast %parallel_loop3A_578 : vector<16x1xi32> to vector<16xi32>
        %parallel_loop3A_580 = tpu.dynamic_gather %parallel_loop3A_429[%parallel_loop3A_579] in [0] : vector<16xf32>, vector<16xi32> -> vector<16xf32>
        %parallel_loop3A_581 = arith.mulf %parallel_loop3A_442, %parallel_loop3A_496 : vector<16xf32>
        %parallel_loop3A_582 = arith.constant 1 : i32
        %parallel_loop3A_583 = arith.index_cast %parallel_loop3A_582 : i32 to index
        %parallel_loop3A_584 = arith.index_cast %parallel_loop3A_396 : i32 to index
        %parallel_loop3A_585 = arith.constant 0 : index
        %parallel_loop3A_586 = tpu.vector_load %arg14[%parallel_loop3A_583, %parallel_loop3A_584, %parallel_loop3A_585] {strides = array<i32>} : memref<2x64x144xf32, #tpu.memory_space<vmem>>, vector<1x1x16xf32>,
        %parallel_loop3A_587 = vector.shape_cast %parallel_loop3A_586 : vector<1x1x16xf32> to vector<16xf32>
        %parallel_loop3A_588 = vector.shape_cast %parallel_loop3A_581 : vector<16xf32> to vector<1x1x16xf32>
        tpu.vector_store %arg14[%parallel_loop3A_583, %parallel_loop3A_584, %parallel_loop3A_585], %parallel_loop3A_588 {strides = array<i32>} : memref<2x64x144xf32, #tpu.memory_space<vmem>>, vector<1x1x16xf32>,
        %parallel_loop3A_589 = arith.mulf %parallel_loop3A_448, %parallel_loop3A_508 : vector<16xf32>
        %parallel_loop3A_590 = arith.constant 1 : i32
        %parallel_loop3A_591 = arith.index_cast %parallel_loop3A_590 : i32 to index
        %parallel_loop3A_592 = arith.index_cast %parallel_loop3A_396 : i32 to index
        %parallel_loop3A_593 = arith.constant 16 : index
        %parallel_loop3A_594 = tpu.vector_load %arg14[%parallel_loop3A_591, %parallel_loop3A_592, %parallel_loop3A_593] {strides = array<i32>} : memref<2x64x144xf32, #tpu.memory_space<vmem>>, vector<1x1x16xf32>,
        %parallel_loop3A_595 = vector.shape_cast %parallel_loop3A_594 : vector<1x1x16xf32> to vector<16xf32>
        %parallel_loop3A_596 = vector.shape_cast %parallel_loop3A_589 : vector<16xf32> to vector<1x1x16xf32>
        tpu.vector_store %arg14[%parallel_loop3A_591, %parallel_loop3A_592, %parallel_loop3A_593], %parallel_loop3A_596 {strides = array<i32>} : memref<2x64x144xf32, #tpu.memory_space<vmem>>, vector<1x1x16xf32>,
        %parallel_loop3A_597 = arith.mulf %parallel_loop3A_454, %parallel_loop3A_520 : vector<16xf32>
        %parallel_loop3A_598 = arith.constant 1 : i32
        %parallel_loop3A_599 = arith.index_cast %parallel_loop3A_598 : i32 to index
        %parallel_loop3A_600 = arith.index_cast %parallel_loop3A_396 : i32 to index
        %parallel_loop3A_601 = arith.constant 32 : index
        %parallel_loop3A_602 = tpu.vector_load %arg14[%parallel_loop3A_599, %parallel_loop3A_600, %parallel_loop3A_601] {strides = array<i32>} : memref<2x64x144xf32, #tpu.memory_space<vmem>>, vector<1x1x16xf32>,
        %parallel_loop3A_603 = vector.shape_cast %parallel_loop3A_602 : vector<1x1x16xf32> to vector<16xf32>
        %parallel_loop3A_604 = vector.shape_cast %parallel_loop3A_597 : vector<16xf32> to vector<1x1x16xf32>
        tpu.vector_store %arg14[%parallel_loop3A_599, %parallel_loop3A_600, %parallel_loop3A_601], %parallel_loop3A_604 {strides = array<i32>} : memref<2x64x144xf32, #tpu.memory_space<vmem>>, vector<1x1x16xf32>,
        %parallel_loop3A_605 = arith.mulf %parallel_loop3A_460, %parallel_loop3A_532 : vector<16xf32>
        %parallel_loop3A_606 = arith.constant 1 : i32
        %parallel_loop3A_607 = arith.index_cast %parallel_loop3A_606 : i32 to index
        %parallel_loop3A_608 = arith.index_cast %parallel_loop3A_396 : i32 to index
        %parallel_loop3A_609 = arith.constant 48 : index
        %parallel_loop3A_610 = tpu.vector_load %arg14[%parallel_loop3A_607, %parallel_loop3A_608, %parallel_loop3A_609] {strides = array<i32>} : memref<2x64x144xf32, #tpu.memory_space<vmem>>, vector<1x1x16xf32>,
        %parallel_loop3A_611 = vector.shape_cast %parallel_loop3A_610 : vector<1x1x16xf32> to vector<16xf32>
        %parallel_loop3A_612 = vector.shape_cast %parallel_loop3A_605 : vector<16xf32> to vector<1x1x16xf32>
        tpu.vector_store %arg14[%parallel_loop3A_607, %parallel_loop3A_608, %parallel_loop3A_609], %parallel_loop3A_612 {strides = array<i32>} : memref<2x64x144xf32, #tpu.memory_space<vmem>>, vector<1x1x16xf32>,
        %parallel_loop3A_613 = arith.mulf %parallel_loop3A_466, %parallel_loop3A_544 : vector<16xf32>
        %parallel_loop3A_614 = arith.constant 1 : i32
        %parallel_loop3A_615 = arith.index_cast %parallel_loop3A_614 : i32 to index
        %parallel_loop3A_616 = arith.index_cast %parallel_loop3A_396 : i32 to index
        %parallel_loop3A_617 = arith.constant 64 : index
        %parallel_loop3A_618 = tpu.vector_load %arg14[%parallel_loop3A_615, %parallel_loop3A_616, %parallel_loop3A_617] {strides = array<i32>} : memref<2x64x144xf32, #tpu.memory_space<vmem>>, vector<1x1x16xf32>,
        %parallel_loop3A_619 = vector.shape_cast %parallel_loop3A_618 : vector<1x1x16xf32> to vector<16xf32>
        %parallel_loop3A_620 = vector.shape_cast %parallel_loop3A_613 : vector<16xf32> to vector<1x1x16xf32>
        tpu.vector_store %arg14[%parallel_loop3A_615, %parallel_loop3A_616, %parallel_loop3A_617], %parallel_loop3A_620 {strides = array<i32>} : memref<2x64x144xf32, #tpu.memory_space<vmem>>, vector<1x1x16xf32>,
        %parallel_loop3A_621 = arith.mulf %parallel_loop3A_472, %parallel_loop3A_556 : vector<16xf32>
        %parallel_loop3A_622 = arith.constant 1 : i32
        %parallel_loop3A_623 = arith.index_cast %parallel_loop3A_622 : i32 to index
        %parallel_loop3A_624 = arith.index_cast %parallel_loop3A_396 : i32 to index
        %parallel_loop3A_625 = arith.constant 80 : index
        %parallel_loop3A_626 = tpu.vector_load %arg14[%parallel_loop3A_623, %parallel_loop3A_624, %parallel_loop3A_625] {strides = array<i32>} : memref<2x64x144xf32, #tpu.memory_space<vmem>>, vector<1x1x16xf32>,
        %parallel_loop3A_627 = vector.shape_cast %parallel_loop3A_626 : vector<1x1x16xf32> to vector<16xf32>
        %parallel_loop3A_628 = vector.shape_cast %parallel_loop3A_621 : vector<16xf32> to vector<1x1x16xf32>
        tpu.vector_store %arg14[%parallel_loop3A_623, %parallel_loop3A_624, %parallel_loop3A_625], %parallel_loop3A_628 {strides = array<i32>} : memref<2x64x144xf32, #tpu.memory_space<vmem>>, vector<1x1x16xf32>,
        %parallel_loop3A_629 = arith.mulf %parallel_loop3A_478, %parallel_loop3A_568 : vector<16xf32>
        %parallel_loop3A_630 = arith.constant 1 : i32
        %parallel_loop3A_631 = arith.index_cast %parallel_loop3A_630 : i32 to index
        %parallel_loop3A_632 = arith.index_cast %parallel_loop3A_396 : i32 to index
        %parallel_loop3A_633 = arith.constant 96 : index
        %parallel_loop3A_634 = tpu.vector_load %arg14[%parallel_loop3A_631, %parallel_loop3A_632, %parallel_loop3A_633] {strides = array<i32>} : memref<2x64x144xf32, #tpu.memory_space<vmem>>, vector<1x1x16xf32>,
        %parallel_loop3A_635 = vector.shape_cast %parallel_loop3A_634 : vector<1x1x16xf32> to vector<16xf32>
        %parallel_loop3A_636 = vector.shape_cast %parallel_loop3A_629 : vector<16xf32> to vector<1x1x16xf32>
        tpu.vector_store %arg14[%parallel_loop3A_631, %parallel_loop3A_632, %parallel_loop3A_633], %parallel_loop3A_636 {strides = array<i32>} : memref<2x64x144xf32, #tpu.memory_space<vmem>>, vector<1x1x16xf32>,
        %parallel_loop3A_637 = arith.mulf %parallel_loop3A_484, %parallel_loop3A_580 : vector<16xf32>
        %parallel_loop3A_638 = arith.constant 1 : i32
        %parallel_loop3A_639 = arith.index_cast %parallel_loop3A_638 : i32 to index
        %parallel_loop3A_640 = arith.index_cast %parallel_loop3A_396 : i32 to index
        %parallel_loop3A_641 = arith.constant 112 : index
        %parallel_loop3A_642 = tpu.vector_load %arg14[%parallel_loop3A_639, %parallel_loop3A_640, %parallel_loop3A_641] {strides = array<i32>} : memref<2x64x144xf32, #tpu.memory_space<vmem>>, vector<1x1x16xf32>,
        %parallel_loop3A_643 = vector.shape_cast %parallel_loop3A_642 : vector<1x1x16xf32> to vector<16xf32>
        %parallel_loop3A_644 = vector.shape_cast %parallel_loop3A_637 : vector<16xf32> to vector<1x1x16xf32>
        tpu.vector_store %arg14[%parallel_loop3A_639, %parallel_loop3A_640, %parallel_loop3A_641], %parallel_loop3A_644 {strides = array<i32>} : memref<2x64x144xf32, #tpu.memory_space<vmem>>, vector<1x1x16xf32>,
      } {sc.loop_unroll_factor = 4 : i64, sc.parallel_access}
      %jit3A_359 = arith.constant 4 : i32
      %eq3A_360 = arith.constant 0 : i32
      %eq3A_361 = arith.cmpi eq, %jit3A_359, %eq3A_360 : i32
      %jit3A_362 = arith.constant 1 : i32
      %select_n3A_363 = arith.select %eq3A_361, %jit3A_362, %jit3A_359 : i32
      %rem3A_364 = arith.remsi %add3A_283, %select_n3A_363 : i32
      %ne3A_365 = arith.constant 0 : i32
      %ne3A_366 = arith.cmpi ne, %rem3A_364, %ne3A_365 : i32
      %lt3A_367 = arith.constant 0 : i32
      %lt3A_368 = arith.cmpi slt, %rem3A_364, %lt3A_367 : i32
      %lt3A_369 = arith.constant 0 : i32
      %lt3A_370 = arith.cmpi slt, %select_n3A_363, %lt3A_369 : i32
      %ne3A_371 = arith.xori %lt3A_368, %lt3A_370 : i1
      %and3A_372 = arith.andi %ne3A_371, %ne3A_366 : i1
      %add3A_373 = arith.addi %rem3A_364, %select_n3A_363 : i32
      %select_n3A_374 = arith.select %and3A_372, %add3A_373, %rem3A_364 : i32
      %dma_start3A_375 = arith.constant 1 : i32
      %dma_start3A_376 = arith.constant 1 : i32
      %dma_start3A_377 = arith.constant 0 : i32
      %dma_start3A_378 = arith.constant 0 : i32
      %dma_start3A_379 = tpu.memref_slice %arg14[%dma_start3A_375, %dma_start3A_377, %dma_start3A_378] : memref<2x64x144xf32, #tpu.memory_space<vmem>> -> memref<1x64x144xf32, #tpu.memory_space<vmem>>
      %dma_start3A_380 = tpu.memref_squeeze %dma_start3A_379 : memref<1x64x144xf32, #tpu.memory_space<vmem>> -> memref<64x144xf32, #tpu.memory_space<vmem>>
      %dma_start3A_381 = arith.constant 0 : i32
      %dma_start3A_382 = tpu.memref_slice %arg10[%select_n3A_374, %dma_start3A_381] : memref<4x64xi32, #tpu.memory_space<vmem>> -> memref<1x64xi32, #tpu.memory_space<vmem>>
      %dma_start3A_383 = tpu.memref_squeeze %dma_start3A_382 : memref<1x64xi32, #tpu.memory_space<vmem>> -> memref<64xi32, #tpu.memory_space<vmem>>
      %dma_start3A_384 = arith.constant 0 : i32
      %dma_start3A_385 = arith.constant 0 : i32
      %dma_start3A_386 = tpu.memref_slice %arg15[%dma_start3A_384, %dma_start3A_385] : memref<10112x144xf32, #tpu.memory_space<vmem_shared>> -> memref<10112x144xf32, #tpu.memory_space<vmem_shared>>
      %dma_start3A_387 = tpu.memref_slice %arg20[%dma_start3A_376] : memref<2x!tpu.dma_semaphore, #tpu.memory_space<semaphore_mem>> -> memref<1x!tpu.dma_semaphore, #tpu.memory_space<semaphore_mem>>
      %dma_start3A_388 = tpu.memref_squeeze %dma_start3A_387 : memref<1x!tpu.dma_semaphore, #tpu.memory_space<semaphore_mem>> -> memref<!tpu.dma_semaphore, #tpu.memory_space<semaphore_mem>>
      tpu.enqueue_indirect_dma source(%dma_start3A_380 : memref<64x144xf32, #tpu.memory_space<vmem>>) target(%dma_start3A_386 : memref<10112x144xf32, #tpu.memory_space<vmem_shared>>) offsets(%dma_start3A_383 : memref<64xi32, #tpu.memory_space<vmem>>) semaphore(%dma_start3A_388 : memref<!tpu.dma_semaphore, #tpu.memory_space<semaphore_mem>>) {add = true}
      %add3A_389 = arith.constant 2 : i32
      %add3A_390 = arith.addi %add3A_283, %add3A_389 : i32
      %lt3A_391 = arith.constant 162 : i32
      %lt3A_392 = arith.cmpi slt, %add3A_390, %lt3A_391 : i32
      %convert_element_type3A_393 = arith.extui %lt3A_392 : i1 to i32
      %cond3A_394 = arith.constant 0 : i32
      %cond3A_395 = arith.cmpi ne, %convert_element_type3A_393, %cond3A_394 : i32
      scf.if %cond3A_395 {
        %add3A_396 = arith.constant 2 : i32
        %add3A_397 = arith.addi %add3A_283, %add3A_396 : i32
        %add3A_398 = arith.constant 2 : i32
        %add3A_399 = arith.addi %add3A_283, %add3A_398 : i32
        %jit3A_400 = arith.constant 4 : i32
        %eq3A_401 = arith.constant 0 : i32
        %eq3A_402 = arith.cmpi eq, %jit3A_400, %eq3A_401 : i32
        %jit3A_403 = arith.constant 1 : i32
        %select_n3A_404 = arith.select %eq3A_402, %jit3A_403, %jit3A_400 : i32
        %rem3A_405 = arith.remsi %add3A_399, %select_n3A_404 : i32
        %ne3A_406 = arith.constant 0 : i32
        %ne3A_407 = arith.cmpi ne, %rem3A_405, %ne3A_406 : i32
        %lt3A_408 = arith.constant 0 : i32
        %lt3A_409 = arith.cmpi slt, %rem3A_405, %lt3A_408 : i32
        %lt3A_410 = arith.constant 0 : i32
        %lt3A_411 = arith.cmpi slt, %select_n3A_404, %lt3A_410 : i32
        %ne3A_412 = arith.xori %lt3A_409, %lt3A_411 : i1
        %and3A_413 = arith.andi %ne3A_412, %ne3A_407 : i1
        %add3A_414 = arith.addi %rem3A_405, %select_n3A_404 : i32
        %select_n3A_415 = arith.select %and3A_413, %add3A_414, %rem3A_405 : i32
        %mul3A_416 = arith.constant 162 : i32
        %mul3A_417 = arith.muli %add3A, %mul3A_416 : i32
        %add3A_418 = arith.addi %mul3A_417, %add3A_397 : i32
        %mul3A_419 = arith.constant 64 : i32
        %mul3A_420 = arith.muli %add3A_418, %mul3A_419 : i32
        %dma_start3A_421 = arith.constant 1 : i32
        %dma_start3A_422 = arith.constant 1 : i32
        %dma_start3A_423 = arith.constant 0 : i32
        %dma_start3A_424 = tpu.memref_slice %arg9[%dma_start3A_421, %dma_start3A_423] : memref<2x64xi32, #tpu.memory_space<vmem>> -> memref<1x64xi32, #tpu.memory_space<vmem>>
        %dma_start3A_425 = tpu.memref_squeeze %dma_start3A_424 : memref<1x64xi32, #tpu.memory_space<vmem>> -> memref<64xi32, #tpu.memory_space<vmem>>
        %dma_start3A_426 = tpu.memref_slice %arg2[%mul3A_420] : memref<331776xi32, #tpu.memory_space<hbm>> -> memref<64xi32, #tpu.memory_space<hbm>>
        %dma_start3A_427 = tpu.memref_slice %arg16[%dma_start3A_422] : memref<2x!tpu.dma_semaphore, #tpu.memory_space<semaphore_mem>> -> memref<1x!tpu.dma_semaphore, #tpu.memory_space<semaphore_mem>>
        %dma_start3A_428 = tpu.memref_squeeze %dma_start3A_427 : memref<1x!tpu.dma_semaphore, #tpu.memory_space<semaphore_mem>> -> memref<!tpu.dma_semaphore, #tpu.memory_space<semaphore_mem>>
        %dma_start3A_429 = arith.constant 0 : i32
        %dma_start3A_430 = tpu.memref_slice %arg9[%dma_start3A_421, %dma_start3A_429] : memref<2x64xi32, #tpu.memory_space<vmem>> -> memref<1x64xi32, #tpu.memory_space<vmem>>
        %dma_start3A_431 = tpu.memref_squeeze %dma_start3A_430 : memref<1x64xi32, #tpu.memory_space<vmem>> -> memref<64xi32, #tpu.memory_space<vmem>>
        %dma_start3A_432 = tpu.memref_slice %arg2[%mul3A_420] : memref<331776xi32, #tpu.memory_space<hbm>> -> memref<64xi32, #tpu.memory_space<hbm>>
        tpu.enqueue_dma source(%dma_start3A_432 : memref<64xi32, #tpu.memory_space<hbm>>) target(%dma_start3A_431 : memref<64xi32, #tpu.memory_space<vmem>>) target_semaphore(%dma_start3A_428 : memref<!tpu.dma_semaphore, #tpu.memory_space<semaphore_mem>>)
        %dma_start3A_433 = arith.constant 1 : i32
        %dma_start3A_434 = arith.constant 0 : i32
        %dma_start3A_435 = tpu.memref_slice %arg10[%select_n3A_415, %dma_start3A_434] : memref<4x64xi32, #tpu.memory_space<vmem>> -> memref<1x64xi32, #tpu.memory_space<vmem>>
        %dma_start3A_436 = tpu.memref_squeeze %dma_start3A_435 : memref<1x64xi32, #tpu.memory_space<vmem>> -> memref<64xi32, #tpu.memory_space<vmem>>
        %dma_start3A_437 = tpu.memref_slice %arg3[%mul3A_420] : memref<331776xi32, #tpu.memory_space<hbm>> -> memref<64xi32, #tpu.memory_space<hbm>>
        %dma_start3A_438 = tpu.memref_slice %arg16[%dma_start3A_433] : memref<2x!tpu.dma_semaphore, #tpu.memory_space<semaphore_mem>> -> memref<1x!tpu.dma_semaphore, #tpu.memory_space<semaphore_mem>>
        %dma_start3A_439 = tpu.memref_squeeze %dma_start3A_438 : memref<1x!tpu.dma_semaphore, #tpu.memory_space<semaphore_mem>> -> memref<!tpu.dma_semaphore, #tpu.memory_space<semaphore_mem>>
        %dma_start3A_440 = arith.constant 0 : i32
        %dma_start3A_441 = tpu.memref_slice %arg10[%select_n3A_415, %dma_start3A_440] : memref<4x64xi32, #tpu.memory_space<vmem>> -> memref<1x64xi32, #tpu.memory_space<vmem>>
        %dma_start3A_442 = tpu.memref_squeeze %dma_start3A_441 : memref<1x64xi32, #tpu.memory_space<vmem>> -> memref<64xi32, #tpu.memory_space<vmem>>
        %dma_start3A_443 = tpu.memref_slice %arg3[%mul3A_420] : memref<331776xi32, #tpu.memory_space<hbm>> -> memref<64xi32, #tpu.memory_space<hbm>>
        tpu.enqueue_dma source(%dma_start3A_443 : memref<64xi32, #tpu.memory_space<hbm>>) target(%dma_start3A_442 : memref<64xi32, #tpu.memory_space<vmem>>) target_semaphore(%dma_start3A_439 : memref<!tpu.dma_semaphore, #tpu.memory_space<semaphore_mem>>)
      } else {
      }
    }
    %scan3A_140 = arith.constant 81 : i32
    %dma_wait3A_141 = arith.constant 0 : i32
    %dma_wait3A_142 = arith.constant 0 : i32
    %dma_wait3A_143 = arith.constant 0 : i32
    %dma_wait3A_144 = arith.constant 0 : i32
    %dma_wait3A_145 = arith.constant 0 : i32
    %dma_wait3A_146 = tpu.memref_slice %arg14[%dma_wait3A_141, %dma_wait3A_144, %dma_wait3A_145] : memref<2x64x144xf32, #tpu.memory_space<vmem>> -> memref<1x64x144xf32, #tpu.memory_space<vmem>>
    %dma_wait3A_147 = tpu.memref_squeeze %dma_wait3A_146 : memref<1x64x144xf32, #tpu.memory_space<vmem>> -> memref<64x144xf32, #tpu.memory_space<vmem>>
    %dma_wait3A_148 = arith.constant 0 : i32
    %dma_wait3A_149 = tpu.memref_slice %arg10[%dma_wait3A_142, %dma_wait3A_148] : memref<4x64xi32, #tpu.memory_space<vmem>> -> memref<1x64xi32, #tpu.memory_space<vmem>>
    %dma_wait3A_150 = tpu.memref_squeeze %dma_wait3A_149 : memref<1x64xi32, #tpu.memory_space<vmem>> -> memref<64xi32, #tpu.memory_space<vmem>>
    %dma_wait3A_151 = arith.constant 0 : i32
    %dma_wait3A_152 = arith.constant 0 : i32
    %dma_wait3A_153 = tpu.memref_slice %arg15[%dma_wait3A_151, %dma_wait3A_152] : memref<10112x144xf32, #tpu.memory_space<vmem_shared>> -> memref<10112x144xf32, #tpu.memory_space<vmem_shared>>
    %dma_wait3A_154 = tpu.memref_slice %arg20[%dma_wait3A_143] : memref<2x!tpu.dma_semaphore, #tpu.memory_space<semaphore_mem>> -> memref<1x!tpu.dma_semaphore, #tpu.memory_space<semaphore_mem>>
    %dma_wait3A_155 = tpu.memref_squeeze %dma_wait3A_154 : memref<1x!tpu.dma_semaphore, #tpu.memory_space<semaphore_mem>> -> memref<!tpu.dma_semaphore, #tpu.memory_space<semaphore_mem>>
    tpu.wait_indirect_dma semaphore(%dma_wait3A_155 : memref<!tpu.dma_semaphore, #tpu.memory_space<semaphore_mem>>) src(%dma_wait3A_147 : memref<64x144xf32, #tpu.memory_space<vmem>>) dst(%dma_wait3A_153 : memref<10112x144xf32, #tpu.memory_space<vmem_shared>>)
    %dma_wait3A_156 = arith.constant 1 : i32
    %dma_wait3A_157 = arith.constant 1 : i32
    %dma_wait3A_158 = arith.constant 1 : i32
    %dma_wait3A_159 = arith.constant 0 : i32
    %dma_wait3A_160 = arith.constant 0 : i32
    %dma_wait3A_161 = tpu.memref_slice %arg14[%dma_wait3A_156, %dma_wait3A_159, %dma_wait3A_160] : memref<2x64x144xf32, #tpu.memory_space<vmem>> -> memref<1x64x144xf32, #tpu.memory_space<vmem>>
    %dma_wait3A_162 = tpu.memref_squeeze %dma_wait3A_161 : memref<1x64x144xf32, #tpu.memory_space<vmem>> -> memref<64x144xf32, #tpu.memory_space<vmem>>
    %dma_wait3A_163 = arith.constant 0 : i32
    %dma_wait3A_164 = tpu.memref_slice %arg10[%dma_wait3A_157, %dma_wait3A_163] : memref<4x64xi32, #tpu.memory_space<vmem>> -> memref<1x64xi32, #tpu.memory_space<vmem>>
    %dma_wait3A_165 = tpu.memref_squeeze %dma_wait3A_164 : memref<1x64xi32, #tpu.memory_space<vmem>> -> memref<64xi32, #tpu.memory_space<vmem>>
    %dma_wait3A_166 = arith.constant 0 : i32
    %dma_wait3A_167 = arith.constant 0 : i32
    %dma_wait3A_168 = tpu.memref_slice %arg15[%dma_wait3A_166, %dma_wait3A_167] : memref<10112x144xf32, #tpu.memory_space<vmem_shared>> -> memref<10112x144xf32, #tpu.memory_space<vmem_shared>>
    %dma_wait3A_169 = tpu.memref_slice %arg20[%dma_wait3A_158] : memref<2x!tpu.dma_semaphore, #tpu.memory_space<semaphore_mem>> -> memref<1x!tpu.dma_semaphore, #tpu.memory_space<semaphore_mem>>
    %dma_wait3A_170 = tpu.memref_squeeze %dma_wait3A_169 : memref<1x!tpu.dma_semaphore, #tpu.memory_space<semaphore_mem>> -> memref<!tpu.dma_semaphore, #tpu.memory_space<semaphore_mem>>
    tpu.wait_indirect_dma semaphore(%dma_wait3A_170 : memref<!tpu.dma_semaphore, #tpu.memory_space<semaphore_mem>>) src(%dma_wait3A_162 : memref<64x144xf32, #tpu.memory_space<vmem>>) dst(%dma_wait3A_168 : memref<10112x144xf32, #tpu.memory_space<vmem_shared>>)
    %barrier3A_171 = arith.constant 0 : index
    tpu.barrier barrier_id(%barrier3A_171)
    %mul3A_172 = arith.constant 632 : i32
    %mul3A_173 = arith.muli %arg1, %mul3A_172 : i32
    %mul3A_174 = arith.constant 632 : i32
    %mul3A_175 = arith.muli %arg1, %mul3A_174 : i32
    "tpu.region"() ({
      %run_scoped3A = tpu.sem_alloc : memref<!tpu.dma_semaphore, #tpu.memory_space<semaphore_mem>>
      %dma_start3A_176 = arith.constant 0 : i32
      %dma_start3A_177 = tpu.memref_slice %arg8[%arg0, %mul3A_175, %dma_start3A_176] : memref<2x10112x144xf32, #tpu.memory_space<hbm>> -> memref<1x632x144xf32, #tpu.memory_space<hbm>>
      %dma_start3A_178 = tpu.memref_squeeze %dma_start3A_177 : memref<1x632x144xf32, #tpu.memory_space<hbm>> -> memref<632x144xf32, #tpu.memory_space<hbm>>
      %dma_start3A_179 = arith.constant 0 : i32
      %dma_start3A_180 = tpu.memref_slice %arg15[%mul3A_173, %dma_start3A_179] : memref<10112x144xf32, #tpu.memory_space<vmem_shared>> -> memref<632x144xf32, #tpu.memory_space<vmem_shared>>
      tpu.enqueue_dma source(%dma_start3A_180 : memref<632x144xf32, #tpu.memory_space<vmem_shared>>) target(%dma_start3A_178 : memref<632x144xf32, #tpu.memory_space<hbm>>) target_semaphore(%run_scoped3A : memref<!tpu.dma_semaphore, #tpu.memory_space<semaphore_mem>>)
      %dma_wait3A_181 = arith.constant 0 : i32
      %dma_wait3A_182 = tpu.memref_slice %arg8[%arg0, %mul3A_175, %dma_wait3A_181] : memref<2x10112x144xf32, #tpu.memory_space<hbm>> -> memref<1x632x144xf32, #tpu.memory_space<hbm>>
      %dma_wait3A_183 = tpu.memref_squeeze %dma_wait3A_182 : memref<1x632x144xf32, #tpu.memory_space<hbm>> -> memref<632x144xf32, #tpu.memory_space<hbm>>
      %dma_wait3A_184 = arith.constant 0 : i32
      %dma_wait3A_185 = tpu.memref_slice %arg15[%mul3A_173, %dma_wait3A_184] : memref<10112x144xf32, #tpu.memory_space<vmem_shared>> -> memref<632x144xf32, #tpu.memory_space<vmem_shared>>
      tpu.wait_dma2 semaphore(%run_scoped3A : memref<!tpu.dma_semaphore, #tpu.memory_space<semaphore_mem>>) src(%dma_wait3A_185 : memref<632x144xf32, #tpu.memory_space<vmem_shared>>) dst(%dma_wait3A_183 : memref<632x144xf32, #tpu.memory_space<hbm>>)
      tpu.yield
    }) : () -> ()
    return
  }
}

module attributes {stable_mosaic.version = 14 : i64} {
  func.func @body(%arg0: memref<10000x128xf32, #tpu.memory_space<vmem>>, %arg1: memref<128x128xf32, #tpu.memory_space<vmem>>, %arg2: memref<128x16xf32, #tpu.memory_space<vmem>>, %arg3: memref<128x16xf32, #tpu.memory_space<vmem>>, %arg4: memref<10000x128xf32, #tpu.memory_space<vmem>>, %arg5: memref<10000x16xf32, #tpu.memory_space<vmem>>, %arg6: memref<10000x16xf32, #tpu.memory_space<vmem>>) attributes {dimension_semantics = [], scalar_prefetch = 0 : i64, scratch_operands = 0 : i64, tpu.core_type = #tpu.core_type<tc>} {
    %get3A = arith.constant 0 : index
    %get3A_0 = arith.constant 0 : index
    %get3A_1 = vector.load %arg0[%get3A, %get3A_0] : memref<10000x128xf32, #tpu.memory_space<vmem>>, vector<10000x128xf32>
    %get3A_2 = arith.constant 0 : index
    %get3A_3 = arith.constant 0 : index
    %get3A_4 = vector.load %arg1[%get3A_2, %get3A_3] : memref<128x128xf32, #tpu.memory_space<vmem>>, vector<128x128xf32>
    %dot_general3A = arith.constant dense<0.000000e+00> : vector<10000x128xf32>
    %dot_general3A_5 = tpu.matmul %get3A_1, %get3A_4, %dot_general3A {dimension_numbers = #tpu.dot_dimension_numbers<[1], [0], [0], [1], [0, 0, 1, 1], [], []>, transpose_lhs_hint = false} : vector<10000x128xf32>, vector<128x128xf32>, vector<10000x128xf32> -> vector<10000x128xf32>
    %swap3A = arith.constant 0 : index
    %swap3A_6 = arith.constant 0 : index
    %swap3A_7 = vector.load %arg4[%swap3A, %swap3A_6] : memref<10000x128xf32, #tpu.memory_space<vmem>>, vector<10000x128xf32>
    tpu.vector_store %arg4[%swap3A, %swap3A_6], %dot_general3A_5 {strides = array<i32>} : memref<10000x128xf32, #tpu.memory_space<vmem>>, vector<10000x128xf32>,
    %get3A_8 = arith.constant 0 : index
    %get3A_9 = arith.constant 0 : index
    %get3A_10 = vector.load %arg2[%get3A_8, %get3A_9] : memref<128x16xf32, #tpu.memory_space<vmem>>, vector<128x16xf32>
    %dot_general3A_11 = arith.constant dense<0.000000e+00> : vector<10000x16xf32>
    %dot_general3A_12 = tpu.matmul %dot_general3A_5, %get3A_10, %dot_general3A_11 {dimension_numbers = #tpu.dot_dimension_numbers<[1], [0], [0], [1], [0, 0, 1, 1], [], []>, transpose_lhs_hint = false} : vector<10000x128xf32>, vector<128x16xf32>, vector<10000x16xf32> -> vector<10000x16xf32>
    %swap3A_13 = arith.constant 0 : index
    %swap3A_14 = arith.constant 0 : index
    %swap3A_15 = vector.load %arg5[%swap3A_13, %swap3A_14] : memref<10000x16xf32, #tpu.memory_space<vmem>>, vector<10000x16xf32>
    tpu.vector_store %arg5[%swap3A_13, %swap3A_14], %dot_general3A_12 {strides = array<i32>} : memref<10000x16xf32, #tpu.memory_space<vmem>>, vector<10000x16xf32>,
    %get3A_16 = arith.constant 0 : index
    %get3A_17 = arith.constant 0 : index
    %get3A_18 = vector.load %arg3[%get3A_16, %get3A_17] : memref<128x16xf32, #tpu.memory_space<vmem>>, vector<128x16xf32>
    %dot_general3A_19 = arith.constant dense<0.000000e+00> : vector<10000x16xf32>
    %dot_general3A_20 = tpu.matmul %dot_general3A_5, %get3A_18, %dot_general3A_19 {dimension_numbers = #tpu.dot_dimension_numbers<[1], [0], [0], [1], [0, 0, 1, 1], [], []>, transpose_lhs_hint = false} : vector<10000x128xf32>, vector<128x16xf32>, vector<10000x16xf32> -> vector<10000x16xf32>
    %swap3A_21 = arith.constant 0 : index
    %swap3A_22 = arith.constant 0 : index
    %swap3A_23 = vector.load %arg6[%swap3A_21, %swap3A_22] : memref<10000x16xf32, #tpu.memory_space<vmem>>, vector<10000x16xf32>
    tpu.vector_store %arg6[%swap3A_21, %swap3A_22], %dot_general3A_20 {strides = array<i32>} : memref<10000x16xf32, #tpu.memory_space<vmem>>, vector<10000x16xf32>,
    return
  }
}

module attributes {stable_mosaic.version = 14 : i64} {
  func.func @body(%arg0: memref<2x10112x144xf32, #tpu.memory_space<vmem>>, %arg1: memref<1x128xf32, #tpu.memory_space<vmem>>, %arg2: memref<8x128xf32, #tpu.memory_space<vmem>>, %arg3: memref<128x128xf32, #tpu.memory_space<vmem>>, %arg4: memref<128x16xf32, #tpu.memory_space<vmem>>, %arg5: memref<128x16xf32, #tpu.memory_space<vmem>>, %arg6: memref<10000x128xf32, #tpu.memory_space<vmem>>, %arg7: memref<10000x16xf32, #tpu.memory_space<vmem>>, %arg8: memref<10000x16xf32, #tpu.memory_space<vmem>>) attributes {dimension_semantics = [], scalar_prefetch = 0 : i64, scratch_operands = 0 : i64, tpu.core_type = #tpu.core_type<tc>} {
    %get3A = arith.constant 0 : index
    %get3A_0 = arith.constant 0 : index
    %get3A_1 = arith.constant 0 : index
    %get3A_2 = vector.load %arg0[%get3A, %get3A_0, %get3A_1] : memref<2x10112x144xf32, #tpu.memory_space<vmem>>, vector<1x10000x128xf32>
    %get3A_3 = vector.shape_cast %get3A_2 : vector<1x10000x128xf32> to vector<10000x128xf32>
    %get3A_4 = arith.constant 1 : index
    %get3A_5 = arith.constant 0 : index
    %get3A_6 = arith.constant 0 : index
    %get3A_7 = vector.load %arg0[%get3A_4, %get3A_5, %get3A_6] : memref<2x10112x144xf32, #tpu.memory_space<vmem>>, vector<1x10000x128xf32>
    %get3A_8 = vector.shape_cast %get3A_7 : vector<1x10000x128xf32> to vector<10000x128xf32>
    %add3A = arith.addf %get3A_3, %get3A_8 : vector<10000x128xf32>
    %get3A_9 = arith.constant 0 : index
    %get3A_10 = arith.constant 0 : index
    %get3A_11 = arith.constant 128 : index
    %get3A_12 = vector.load %arg0[%get3A_9, %get3A_10, %get3A_11] : memref<2x10112x144xf32, #tpu.memory_space<vmem>>, vector<1x10000x8xf32>
    %get3A_13 = vector.shape_cast %get3A_12 : vector<1x10000x8xf32> to vector<10000x8xf32>
    %get3A_14 = arith.constant 1 : index
    %get3A_15 = arith.constant 0 : index
    %get3A_16 = arith.constant 128 : index
    %get3A_17 = vector.load %arg0[%get3A_14, %get3A_15, %get3A_16] : memref<2x10112x144xf32, #tpu.memory_space<vmem>>, vector<1x10000x8xf32>
    %get3A_18 = vector.shape_cast %get3A_17 : vector<1x10000x8xf32> to vector<10000x8xf32>
    %add3A_19 = arith.addf %get3A_13, %get3A_18 : vector<10000x8xf32>
    %get3A_20 = arith.constant 0 : index
    %get3A_21 = arith.constant 0 : index
    %get3A_22 = vector.load %arg2[%get3A_20, %get3A_21] : memref<8x128xf32, #tpu.memory_space<vmem>>, vector<8x128xf32>
    %dot_general3A = arith.constant dense<0.000000e+00> : vector<10000x128xf32>
    %dot_general3A_23 = tpu.matmul %add3A_19, %get3A_22, %dot_general3A {dimension_numbers = #tpu.dot_dimension_numbers<[1], [0], [0], [1], [0, 0, 1, 1], [], []>, transpose_lhs_hint = false} : vector<10000x8xf32>, vector<8x128xf32>, vector<10000x128xf32> -> vector<10000x128xf32>
    %add3A_24 = arith.constant 1.000000e-16 : f32
    %add3A_25 = vector.broadcast %add3A_24 : f32 to vector<10000x128xf32>
    %add3A_26 = arith.addf %dot_general3A_23, %add3A_25 : vector<10000x128xf32>
    %div3A = arith.divf %add3A, %add3A_26 : vector<10000x128xf32>
    %get3A_27 = arith.constant 0 : index
    %get3A_28 = arith.constant 0 : index
    %get3A_29 = vector.load %arg1[%get3A_27, %get3A_28] : memref<1x128xf32, #tpu.memory_space<vmem>>, vector<1x128xf32>
    %add3A_30 = vector.broadcast %get3A_29 : vector<1x128xf32> to vector<10000x128xf32>
    %add3A_31 = arith.addf %div3A, %add3A_30 : vector<10000x128xf32>
    %gt3A = arith.constant 0.000000e+00 : f32
    %gt3A_32 = vector.broadcast %gt3A : f32 to vector<10000x128xf32>
    %gt3A_33 = arith.cmpf ogt, %add3A_31, %gt3A_32 : vector<10000x128xf32>
    %min3A = arith.constant 0.000000e+00 : f32
    %min3A_34 = vector.broadcast %min3A : f32 to vector<10000x128xf32>
    %min3A_35 = arith.minimumf %add3A_31, %min3A_34 : vector<10000x128xf32>
    %exp3A = math.exp %min3A_35 : vector<10000x128xf32>
    %sub3A = arith.constant 1.000000e+00 : f32
    %sub3A_36 = vector.broadcast %sub3A : f32 to vector<10000x128xf32>
    %sub3A_37 = arith.subf %exp3A, %sub3A_36 : vector<10000x128xf32>
    %select_n3A = arith.select %gt3A_33, %add3A_31, %sub3A_37 : vector<10000x128xi1>, vector<10000x128xf32>
    %get3A_38 = arith.constant 0 : index
    %get3A_39 = arith.constant 0 : index
    %get3A_40 = vector.load %arg3[%get3A_38, %get3A_39] : memref<128x128xf32, #tpu.memory_space<vmem>>, vector<128x128xf32>
    %dot_general3A_41 = arith.constant dense<0.000000e+00> : vector<10000x128xf32>
    %dot_general3A_42 = tpu.matmul %select_n3A, %get3A_40, %dot_general3A_41 {dimension_numbers = #tpu.dot_dimension_numbers<[1], [0], [0], [1], [0, 0, 1, 1], [], []>, transpose_lhs_hint = false} : vector<10000x128xf32>, vector<128x128xf32>, vector<10000x128xf32> -> vector<10000x128xf32>
    %swap3A = arith.constant 0 : index
    %swap3A_43 = arith.constant 0 : index
    %swap3A_44 = vector.load %arg6[%swap3A, %swap3A_43] : memref<10000x128xf32, #tpu.memory_space<vmem>>, vector<10000x128xf32>
    tpu.vector_store %arg6[%swap3A, %swap3A_43], %dot_general3A_42 {strides = array<i32>} : memref<10000x128xf32, #tpu.memory_space<vmem>>, vector<10000x128xf32>,
    %get3A_45 = arith.constant 0 : index
    %get3A_46 = arith.constant 0 : index
    %get3A_47 = vector.load %arg4[%get3A_45, %get3A_46] : memref<128x16xf32, #tpu.memory_space<vmem>>, vector<128x16xf32>
    %dot_general3A_48 = arith.constant dense<0.000000e+00> : vector<10000x16xf32>
    %dot_general3A_49 = tpu.matmul %dot_general3A_42, %get3A_47, %dot_general3A_48 {dimension_numbers = #tpu.dot_dimension_numbers<[1], [0], [0], [1], [0, 0, 1, 1], [], []>, transpose_lhs_hint = false} : vector<10000x128xf32>, vector<128x16xf32>, vector<10000x16xf32> -> vector<10000x16xf32>
    %swap3A_50 = arith.constant 0 : index
    %swap3A_51 = arith.constant 0 : index
    %swap3A_52 = vector.load %arg7[%swap3A_50, %swap3A_51] : memref<10000x16xf32, #tpu.memory_space<vmem>>, vector<10000x16xf32>
    tpu.vector_store %arg7[%swap3A_50, %swap3A_51], %dot_general3A_49 {strides = array<i32>} : memref<10000x16xf32, #tpu.memory_space<vmem>>, vector<10000x16xf32>,
    %get3A_53 = arith.constant 0 : index
    %get3A_54 = arith.constant 0 : index
    %get3A_55 = vector.load %arg5[%get3A_53, %get3A_54] : memref<128x16xf32, #tpu.memory_space<vmem>>, vector<128x16xf32>
    %dot_general3A_56 = arith.constant dense<0.000000e+00> : vector<10000x16xf32>
    %dot_general3A_57 = tpu.matmul %dot_general3A_42, %get3A_55, %dot_general3A_56 {dimension_numbers = #tpu.dot_dimension_numbers<[1], [0], [0], [1], [0, 0, 1, 1], [], []>, transpose_lhs_hint = false} : vector<10000x128xf32>, vector<128x16xf32>, vector<10000x16xf32> -> vector<10000x16xf32>
    %swap3A_58 = arith.constant 0 : index
    %swap3A_59 = arith.constant 0 : index
    %swap3A_60 = vector.load %arg8[%swap3A_58, %swap3A_59] : memref<10000x16xf32, #tpu.memory_space<vmem>>, vector<10000x16xf32>
    tpu.vector_store %arg8[%swap3A_58, %swap3A_59], %dot_general3A_57 {strides = array<i32>} : memref<10000x16xf32, #tpu.memory_space<vmem>>, vector<10000x16xf32>,
    return
  }
}

module attributes {stable_mosaic.version = 14 : i64} {
  func.func @body(%arg0: memref<2x10112x144xf32, #tpu.memory_space<vmem>>, %arg1: memref<1x128xf32, #tpu.memory_space<vmem>>, %arg2: memref<8x128xf32, #tpu.memory_space<vmem>>, %arg3: memref<10000x1xi32, #tpu.memory_space<vmem>>, %arg4: memref<128x16xf32, #tpu.memory_space<vmem>>, %arg5: memref<1x16xf32, #tpu.memory_space<vmem>>, %arg6: memref<16x10xf32, #tpu.memory_space<vmem>>, %arg7: memref<1x10xf32, #tpu.memory_space<vmem>>, %arg8: memref<64x10xf32, #tpu.memory_space<vmem>>, %arg9: memref<64x10xf32, #tpu.memory_space<vmem>>) attributes {dimension_semantics = [], scalar_prefetch = 0 : i64, scratch_operands = 0 : i64, tpu.core_type = #tpu.core_type<tc>} {
    %get3A = arith.constant 0 : index
    %get3A_0 = arith.constant 0 : index
    %get3A_1 = arith.constant 0 : index
    %get3A_2 = vector.load %arg0[%get3A, %get3A_0, %get3A_1] : memref<2x10112x144xf32, #tpu.memory_space<vmem>>, vector<1x10000x128xf32>
    %get3A_3 = vector.shape_cast %get3A_2 : vector<1x10000x128xf32> to vector<10000x128xf32>
    %get3A_4 = arith.constant 1 : index
    %get3A_5 = arith.constant 0 : index
    %get3A_6 = arith.constant 0 : index
    %get3A_7 = vector.load %arg0[%get3A_4, %get3A_5, %get3A_6] : memref<2x10112x144xf32, #tpu.memory_space<vmem>>, vector<1x10000x128xf32>
    %get3A_8 = vector.shape_cast %get3A_7 : vector<1x10000x128xf32> to vector<10000x128xf32>
    %add3A = arith.addf %get3A_3, %get3A_8 : vector<10000x128xf32>
    %get3A_9 = arith.constant 0 : index
    %get3A_10 = arith.constant 0 : index
    %get3A_11 = arith.constant 128 : index
    %get3A_12 = vector.load %arg0[%get3A_9, %get3A_10, %get3A_11] : memref<2x10112x144xf32, #tpu.memory_space<vmem>>, vector<1x10000x8xf32>
    %get3A_13 = vector.shape_cast %get3A_12 : vector<1x10000x8xf32> to vector<10000x8xf32>
    %get3A_14 = arith.constant 1 : index
    %get3A_15 = arith.constant 0 : index
    %get3A_16 = arith.constant 128 : index
    %get3A_17 = vector.load %arg0[%get3A_14, %get3A_15, %get3A_16] : memref<2x10112x144xf32, #tpu.memory_space<vmem>>, vector<1x10000x8xf32>
    %get3A_18 = vector.shape_cast %get3A_17 : vector<1x10000x8xf32> to vector<10000x8xf32>
    %add3A_19 = arith.addf %get3A_13, %get3A_18 : vector<10000x8xf32>
    %get3A_20 = arith.constant 0 : index
    %get3A_21 = arith.constant 0 : index
    %get3A_22 = vector.load %arg2[%get3A_20, %get3A_21] : memref<8x128xf32, #tpu.memory_space<vmem>>, vector<8x128xf32>
    %dot_general3A = arith.constant dense<0.000000e+00> : vector<10000x128xf32>
    %dot_general3A_23 = tpu.matmul %add3A_19, %get3A_22, %dot_general3A {dimension_numbers = #tpu.dot_dimension_numbers<[1], [0], [0], [1], [0, 0, 1, 1], [], []>, transpose_lhs_hint = false} : vector<10000x8xf32>, vector<8x128xf32>, vector<10000x128xf32> -> vector<10000x128xf32>
    %add3A_24 = arith.constant 1.000000e-16 : f32
    %add3A_25 = vector.broadcast %add3A_24 : f32 to vector<10000x128xf32>
    %add3A_26 = arith.addf %dot_general3A_23, %add3A_25 : vector<10000x128xf32>
    %div3A = arith.divf %add3A, %add3A_26 : vector<10000x128xf32>
    %get3A_27 = arith.constant 0 : index
    %get3A_28 = arith.constant 0 : index
    %get3A_29 = vector.load %arg1[%get3A_27, %get3A_28] : memref<1x128xf32, #tpu.memory_space<vmem>>, vector<1x128xf32>
    %add3A_30 = vector.broadcast %get3A_29 : vector<1x128xf32> to vector<10000x128xf32>
    %add3A_31 = arith.addf %div3A, %add3A_30 : vector<10000x128xf32>
    %gt3A = arith.constant 0.000000e+00 : f32
    %gt3A_32 = vector.broadcast %gt3A : f32 to vector<10000x128xf32>
    %gt3A_33 = arith.cmpf ogt, %add3A_31, %gt3A_32 : vector<10000x128xf32>
    %min3A = arith.constant 0.000000e+00 : f32
    %min3A_34 = vector.broadcast %min3A : f32 to vector<10000x128xf32>
    %min3A_35 = arith.minimumf %add3A_31, %min3A_34 : vector<10000x128xf32>
    %exp3A = math.exp %min3A_35 : vector<10000x128xf32>
    %sub3A = arith.constant 1.000000e+00 : f32
    %sub3A_36 = vector.broadcast %sub3A : f32 to vector<10000x128xf32>
    %sub3A_37 = arith.subf %exp3A, %sub3A_36 : vector<10000x128xf32>
    %select_n3A = arith.select %gt3A_33, %add3A_31, %sub3A_37 : vector<10000x128xi1>, vector<10000x128xf32>
    %iota3A = tpu.iota {dimensions = array<i32: 1>} : vector<10000x64xi32>
    %get3A_38 = arith.constant 0 : index
    %get3A_39 = arith.constant 0 : index
    %get3A_40 = vector.load %arg3[%get3A_38, %get3A_39] : memref<10000x1xi32, #tpu.memory_space<vmem>>, vector<10000x1xi32>
    %eq3A = vector.broadcast %get3A_40 : vector<10000x1xi32> to vector<10000x64xi32>
    %eq3A_41 = arith.cmpi eq, %iota3A, %eq3A : vector<10000x64xi32>
    %convert_element_type3A = arith.extui %eq3A_41 : vector<10000x64xi1> to vector<10000x64xi32>
    %convert_element_type3A_42 = arith.sitofp %convert_element_type3A : vector<10000x64xi32> to vector<10000x64xf32>
    %dot_general3A_43 = arith.constant dense<0.000000e+00> : vector<64x128xf32>
    %dot_general3A_44 = tpu.matmul %convert_element_type3A_42, %select_n3A, %dot_general3A_43 {dimension_numbers = #tpu.dot_dimension_numbers<[0], [0], [1], [1], [0, 1, 1, 1], [], []>, transpose_lhs_hint = false} : vector<10000x64xf32>, vector<10000x128xf32>, vector<64x128xf32> -> vector<64x128xf32>
    %broadcast_in_dim3A = arith.constant 1.000000e+00 : f32
    %broadcast_in_dim3A_45 = vector.broadcast %broadcast_in_dim3A : f32 to vector<10000x1xf32>
    %dot_general3A_46 = arith.constant dense<0.000000e+00> : vector<64x1xf32>
    %dot_general3A_47 = tpu.matmul %convert_element_type3A_42, %broadcast_in_dim3A_45, %dot_general3A_46 {dimension_numbers = #tpu.dot_dimension_numbers<[0], [0], [1], [1], [0, 1, 1, 1], [], []>, transpose_lhs_hint = false} : vector<10000x64xf32>, vector<10000x1xf32>, vector<64x1xf32> -> vector<64x1xf32>
    %max3A = arith.constant 1.000000e+00 : f32
    %max3A_48 = vector.broadcast %max3A : f32 to vector<64x1xf32>
    %max3A_49 = arith.maximumf %dot_general3A_47, %max3A_48 : vector<64x1xf32>
    %div3A_50 = vector.broadcast %max3A_49 : vector<64x1xf32> to vector<64x128xf32>
    %div3A_51 = arith.divf %dot_general3A_44, %div3A_50 : vector<64x128xf32>
    %get3A_52 = arith.constant 0 : index
    %get3A_53 = arith.constant 0 : index
    %get3A_54 = vector.load %arg4[%get3A_52, %get3A_53] : memref<128x16xf32, #tpu.memory_space<vmem>>, vector<128x16xf32>
    %dot_general3A_55 = arith.constant dense<0.000000e+00> : vector<64x16xf32>
    %dot_general3A_56 = tpu.matmul %div3A_51, %get3A_54, %dot_general3A_55 {dimension_numbers = #tpu.dot_dimension_numbers<[1], [0], [0], [1], [0, 0, 1, 1], [], []>, transpose_lhs_hint = false} : vector<64x128xf32>, vector<128x16xf32>, vector<64x16xf32> -> vector<64x16xf32>
    %get3A_57 = arith.constant 0 : index
    %get3A_58 = arith.constant 0 : index
    %get3A_59 = vector.load %arg5[%get3A_57, %get3A_58] : memref<1x16xf32, #tpu.memory_space<vmem>>, vector<1x16xf32>
    %add3A_60 = vector.broadcast %get3A_59 : vector<1x16xf32> to vector<64x16xf32>
    %add3A_61 = arith.addf %dot_general3A_56, %add3A_60 : vector<64x16xf32>
    %gt3A_62 = arith.constant 0.000000e+00 : f32
    %gt3A_63 = vector.broadcast %gt3A_62 : f32 to vector<64x16xf32>
    %gt3A_64 = arith.cmpf ogt, %add3A_61, %gt3A_63 : vector<64x16xf32>
    %min3A_65 = arith.constant 0.000000e+00 : f32
    %min3A_66 = vector.broadcast %min3A_65 : f32 to vector<64x16xf32>
    %min3A_67 = arith.minimumf %add3A_61, %min3A_66 : vector<64x16xf32>
    %exp3A_68 = math.exp %min3A_67 : vector<64x16xf32>
    %sub3A_69 = arith.constant 1.000000e+00 : f32
    %sub3A_70 = vector.broadcast %sub3A_69 : f32 to vector<64x16xf32>
    %sub3A_71 = arith.subf %exp3A_68, %sub3A_70 : vector<64x16xf32>
    %select_n3A_72 = arith.select %gt3A_64, %add3A_61, %sub3A_71 : vector<64x16xi1>, vector<64x16xf32>
    %get3A_73 = arith.constant 0 : index
    %get3A_74 = arith.constant 0 : index
    %get3A_75 = vector.load %arg6[%get3A_73, %get3A_74] : memref<16x10xf32, #tpu.memory_space<vmem>>, vector<16x10xf32>
    %dot_general3A_76 = arith.constant dense<0.000000e+00> : vector<64x10xf32>
    %dot_general3A_77 = tpu.matmul %select_n3A_72, %get3A_75, %dot_general3A_76 {dimension_numbers = #tpu.dot_dimension_numbers<[1], [0], [0], [1], [0, 0, 1, 1], [], []>, transpose_lhs_hint = false} : vector<64x16xf32>, vector<16x10xf32>, vector<64x10xf32> -> vector<64x10xf32>
    %get3A_78 = arith.constant 0 : index
    %get3A_79 = arith.constant 0 : index
    %get3A_80 = vector.load %arg7[%get3A_78, %get3A_79] : memref<1x10xf32, #tpu.memory_space<vmem>>, vector<1x10xf32>
    %add3A_81 = vector.broadcast %get3A_80 : vector<1x10xf32> to vector<64x10xf32>
    %add3A_82 = arith.addf %dot_general3A_77, %add3A_81 : vector<64x10xf32>
    %reduce_max3A = arith.constant dense<0xFF800000> : vector<64xf32>
    %reduce_max3A_83 = vector.multi_reduction <maximumf>, %add3A_82, %reduce_max3A [1] : vector<64x10xf32> to vector<64xf32>
    %broadcast_in_dim3A_84 = vector.shape_cast %reduce_max3A_83 : vector<64xf32> to vector<64x1xf32>
    %sub3A_85 = vector.broadcast %broadcast_in_dim3A_84 : vector<64x1xf32> to vector<64x10xf32>
    %sub3A_86 = arith.subf %add3A_82, %sub3A_85 : vector<64x10xf32>
    %exp3A_87 = math.exp %sub3A_86 : vector<64x10xf32>
    %reduce_sum3A = arith.constant dense<0.000000e+00> : vector<64xf32>
    %reduce_sum3A_88 = vector.multi_reduction <add>, %exp3A_87, %reduce_sum3A [1] : vector<64x10xf32> to vector<64xf32>
    %broadcast_in_dim3A_89 = vector.shape_cast %reduce_sum3A_88 : vector<64xf32> to vector<64x1xf32>
    %log3A = math.log %broadcast_in_dim3A_89 : vector<64x1xf32>
    %sub3A_90 = vector.broadcast %log3A : vector<64x1xf32> to vector<64x10xf32>
    %sub3A_91 = arith.subf %sub3A_86, %sub3A_90 : vector<64x10xf32>
    %swap3A = arith.constant 0 : index
    %swap3A_92 = arith.constant 0 : index
    %swap3A_93 = vector.load %arg8[%swap3A, %swap3A_92] : memref<64x10xf32, #tpu.memory_space<vmem>>, vector<64x10xf32>
    tpu.vector_store %arg8[%swap3A, %swap3A_92], %sub3A_91 {strides = array<i32>} : memref<64x10xf32, #tpu.memory_space<vmem>>, vector<64x10xf32>,
    %swap3A_94 = arith.constant 0 : index
    %swap3A_95 = arith.constant 0 : index
    %swap3A_96 = vector.load %arg9[%swap3A_94, %swap3A_95] : memref<64x10xf32, #tpu.memory_space<vmem>>, vector<64x10xf32>
    tpu.vector_store %arg9[%swap3A_94, %swap3A_95], %add3A_82 {strides = array<i32>} : memref<64x10xf32, #tpu.memory_space<vmem>>, vector<64x10xf32>,
    return
  }
}

</mosaic_0001>

<sc_bundles>
// kernel: kernel.10.cloned.1.call-start
scs
__scs_entry_jumppad:
0x0: {  	(pc) =	sbr.rel $0x88, $3  }
0x1: {  	(tag) =	ssettag $0x0;
	lr =	simm.s32 $0x1  }
0x2: {  	[smem:$0x3F92] =	sst lr;
	_ =	strace $0xD0000000  }
0x3: {  	_ = 	snop  }
0x4: {  	_ = 	snop  }
0x5: {  	_ = 	snop  }
0x6: {  	_ = 	snop  }
0x7: {  	_ = 	snop  }
__scs_overlays_trampoline_lowered:
0x8: {  	[smem:$0x3FA1] =	sst s0  }
0x9: {  	[smem:$0x3FA2] =	sst s1  }
0xa: {  	[smem:$0x3FA3] =	sst s2  }
0xb: {  	[smem:$0x3FA4] =	sst s3  }
0xc: {  	[smem:$0x3FA5] =	sst s4  }
0xd: {  	[smem:$0x3FA6] =	sst s5  }
0xe: {  	[smem:$0x3FA7] =	sst s6  }
0xf: {  	[smem:$0x3FA8] =	sst s7  }
0x10: {  	[smem:$0x3FA9] =	sst s8  }
0x11: {  	[smem:$0x3FAA] =	sst s9;
	s0 =	simm.s32 @!p0 $0x0  }
0x12: {  	s1 =	sld [smem:$0x3F90];
	s0 =	simm.s32 @p0 $0x1  }
0x13: {  	[smem:$0x3FAB] =	sst s0;
	s0 =	simm.s32 @!p1 $0x0  }
0x14: {  	s2 =	sld [smem:$0x3F8F];
	s0 =	simm.s32 @p1 $0x1  }
0x15: {  	[smem:$0x3FAC] =	sst s0;
	s0 =	simm.s32 @!p2 $0x0  }
0x16: {  	s3 =	sld [smem:$0x3FDB];
	s0 =	simm.s32 @p2 $0x1  }
0x17: {  	s4 =	simm.s32 $0x1BF5;
	[smem:$0x3FAE] =	sst s0  }
0x18: {  	s0 =	sld [smem:$0x3F91];
	_ =	swait.ge [sflag:s4], $0x0  }
0x19: {  	s7 =	sld [smem:$0x3F92]  }
0x1a: {  	s8 =	sadd.s32 $0xFFFFE003, lr  }
0x1b: {  	s9 =	sadd.s32 $0xFFFFFEF7, lr;
	s5 =	simm.s32 $0xFFFFFFFF;
	p2 =	slt.u32 s8, $0xFFFFF086  }
0x1c: {  	p1 =	slt.u32 s9, $0xF7A;
	s5 =	simm.s32 @!p2 $0x0  }
0x1d: {  	s5 =	simm.s32 @p1 $0x1;
	p0 =	seq.s32 s7, s2  }
0x1e: {  	s7 =	smul.u32 @!p0 $0xF7A, s2;
	p2 =	seq.s32 @!p0 s5, $0x0  }
0x1f: {  	s9 =	smul.u32 $0xF7A, s1;
	s8 =	simm.s32 @!p0 $0x1BF5;
	p2 =	por !p2, p0  }
0x20: {  	[sflag:s8] =	ssyncset.s32 @!p0 $0xFFFFF086;
	s6 =	sadd.s32 @!p0 s3, s7;
	s7 =	simm.s32 @!p0 $0x108  }
0x21: {  	s3 =	sadd.s32 s3, s9;
	s6 =	sadd.s32 @!p0 $0x88, s6;
	s7 =	simm.s32 @p2 $0x1082  }
0x22: {  	[simem:s7], [sflag:s8] =	dma.local @!p0 [hbm:s6], $0xF7A  }
0x23: {  	s9 =	sor.u32 $0xD0000000, s2;
	s6 =	simm.s32 $0x108;
	_ =	swait.ge @!p0 [sflag:s8], $0x0  }
0x24: {  	s3 =	sadd.s32 $0x88, s3;
	s6 =	simm.s32 @!p1 $0x1082;
	[sflag:s4] =	ssyncset.s32 $0xFFFFF086  }
0x25: {  	[simem:s6], [sflag:s4] =	dma.local [hbm:s3], $0xF7A  }
0x26: {  	[smem:$0x3F92] =	sst s1;
	(tag) =	ssettag s2;
	_ =	strace s9  }
0x27: {  	s1 =	sld [smem:$0x3FA2]  }
0x28: {  	s2 =	sld [smem:$0x3FA3]  }
0x29: {  	s4 =	sld [smem:$0x3FA5]  }
0x2a: {  	p0 =	seq.s32 s5, $0x0;
	s5 =	sld [smem:$0x3FA6]  }
0x2b: {  	s6 =	sld [smem:$0x3FA7]  }
0x2c: {  	s7 =	sld [smem:$0x3FA8]  }
0x2d: {  	s3 =	simm.s32 $0x108;
	s8 =	sld [smem:$0x3FA9]  }
0x2e: {  	s3 =	simm.s32 @!p0 $0x1082;
	s9 =	sld [smem:$0x3FAA]  }
0x2f: {  	lr =	sadd.s32 s0, s3;
	s0 =	sld [smem:$0x3FA1]  }
0x30: {  	s3 =	sld [smem:$0x3FA4]  }
0x31: {  	[smem:$0x3FAD] =	sst s10  }
0x32: {  	s10 =	sld [smem:$0x3FAB];
	_ =	sdelay $0x3  }
0x33: {  	p0 =	seq.s32 s10, $0x1;
	s10 =	sld [smem:$0x3FAD];
	_ =	sdelay $0x3  }
0x34: {  	[smem:$0x3FAD] =	sst s10  }
0x35: {  	s10 =	sld [smem:$0x3FAC];
	_ =	sdelay $0x3  }
0x36: {  	p1 =	seq.s32 s10, $0x1;
	s10 =	sld [smem:$0x3FAD];
	_ =	sdelay $0x3  }
0x37: {  	[smem:$0x3FAD] =	sst s10  }
0x38: {  	s10 =	sld [smem:$0x3FAE]  }
0x39: {  	_ = 	snop;
	(pc) =	sbr.ind lr, $3  }
0x3a: {  	_ = 	snop  }
0x3b: {  	_ = 	snop  }
0x3c: {  	p2 =	seq.s32 s10, $0x1;
	s10 =	sld [smem:$0x3FAD]  }
0x3d: {  	_ =	shalt  }
0x3e: {  	_ =	shalt  }
0x3f: {  	_ =	shalt  }
0x40: {  	_ =	shalt  }
0x41: {  	_ =	shalt  }
0x42: {  	_ =	shalt  }
0x43: {  	_ =	shalt  }
0x44: {  	_ =	shalt  }
0x45: {  	_ =	shalt  }
0x46: {  	_ =	shalt  }
0x47: {  	_ =	shalt  }
0x48: {  	_ =	shalt  }
0x49: {  	_ =	shalt  }
0x4a: {  	_ =	shalt  }
0x4b: {  	_ =	shalt  }
0x4c: {  	_ =	shalt  }
0x4d: {  	_ =	shalt  }
0x4e: {  	_ =	shalt  }
0x4f: {  	_ =	shalt  }
0x50: {  	_ =	shalt  }
0x51: {  	_ =	shalt  }
0x52: {  	_ =	shalt  }
0x53: {  	_ =	shalt  }
0x54: {  	_ =	shalt  }
0x55: {  	_ =	shalt  }
0x56: {  	_ =	shalt  }
0x57: {  	_ =	shalt  }
0x58: {  	_ =	shalt  }
0x59: {  	_ =	shalt  }
0x5a: {  	_ =	shalt  }
0x5b: {  	_ =	shalt  }
0x5c: {  	_ =	shalt  }
0x5d: {  	_ =	shalt  }
0x5e: {  	_ =	shalt  }
0x5f: {  	_ =	shalt  }
0x60: {  	_ =	shalt  }
0x61: {  	_ =	shalt  }
0x62: {  	_ =	shalt  }
0x63: {  	_ =	shalt  }
0x64: {  	_ =	shalt  }
0x65: {  	_ =	shalt  }
0x66: {  	_ =	shalt  }
0x67: {  	_ =	shalt  }
0x68: {  	_ =	shalt  }
0x69: {  	_ =	shalt  }
0x6a: {  	_ =	shalt  }
0x6b: {  	_ =	shalt  }
0x6c: {  	_ =	shalt  }
0x6d: {  	_ =	shalt  }
0x6e: {  	_ =	shalt  }
0x6f: {  	_ =	shalt  }
0x70: {  	_ =	shalt  }
0x71: {  	_ =	shalt  }
0x72: {  	_ =	shalt  }
0x73: {  	_ =	shalt  }
0x74: {  	_ =	shalt  }
0x75: {  	_ =	shalt  }
0x76: {  	_ =	shalt  }
0x77: {  	_ =	shalt  }
0x78: {  	_ =	shalt  }
0x79: {  	_ =	shalt  }
0x7a: {  	_ =	shalt  }
0x7b: {  	_ =	shalt  }
0x7c: {  	_ =	shalt  }
0x7d: {  	_ =	shalt  }
0x7e: {  	_ =	shalt  }
0x7f: {  	_ =	shalt  }
0x80: {  	_ =	shalt  }
0x81: {  	_ =	shalt  }
0x82: {  	_ =	shalt  }
0x83: {  	_ =	shalt  }
0x84: {  	_ =	shalt  }
0x85: {  	_ =	shalt  }
0x86: {  	_ =	shalt  }
0x87: {  	_ =	shalt  }
.Lfunc_end0:
.L_simem_size_0:
called_computation.1_lowered:
.L_overlay_start_0:
0x88: {  	s2 =	sld [smem:$0x3FD9]  }
0x89: {  	s3 =	sld [smem:$0x3FFE];
	_ =	sdelay $0x1  }
0x8a: {  	s1 =	srdreg.scid  }
0x8b: {  	s0 =	sand.u32 $0x1, s1  }
0x8c: {  	s16 =	sshll.u32 s0, $0xA;
	s2 =	sadd.s32 s3, s2  }
0x8d: {  	s2 =	sadd.s32 s2, s16  }
0x8e: {  	[smem:$0x3FB9] =	sst s2  }
0x8f: {  	_ = 	snop  }
0x90: {  	(tm) =	ssettm $0x1  }
0x91: {  	s17 =	sld [smem:$0x3FFB];
	_ =	sdelay $0x3  }
0x92: {  	_ =	strace s17  }
0x93: {  	s2 =	sld [smem:$0x3FFC];
	_ =	sdelay $0x3  }
0x94: {  	_ =	strace s2  }
0x95: {  	s2 =	sld [smem:$0x3FFD];
	_ =	sdelay $0x3  }
0x96: {  	_ =	strace s2  }
0x97: {  	_ =	strace $0x8FFFFFFF  }
0x98: {  	s18 =	sld [smem:$0x3FDB];
	_ =	sdelay $0x1  }
0x99: {  	s19 =	simm.s32 $_scs_section_size  }
0x9a: {  	s4 =	simm.s32 $_size__tile_overlayer_lowered;
	s5 =	simm.s32 $_tile_overlayer_lowered  }
0x9b: {  	s22 =	simm.s32 $0x1BFF;
	s21 =	sshll.u32 s5, $0x1;
	s2 =	sadd.s32 s19, s18  }
0x9c: {  	s6 =	simm.s32 $0x0;
	s20 =	sshll.u32 s4, $0x1;
	s4 =	sadd.s32 s21, s2  }
0x9d: {  	[timem:s6], [sflag:s22] =	dma.local [hbm:s4], s20  }
0x9e: {  	_ =	swait.ge [sflag:s22], s20  }
0x9f: {  	s3 =	ssub.s32 $0x0, s20;
	[sflag:s22] =	ssyncset.done $0x0  }
0xa0: {  	[sflag:s22] =	ssyncadd.s32 s3;
	_ =	sdelay $0x1  }
0xa1: {  	s23 =	simm.s32 $0x1B8B  }
0xa2: {  	_ =	swait.ge [sflag:s23], $0x1  }
0xa3: {  	[sflag:s23] =	ssyncset.done $0x0  }
0xa4: {  	s25 =	simm.s32 $0x1B8E;
	s24 =	sld [smem:$0x3FFE];
	[sflag:s23] =	ssyncadd.s32 $0xFFFFFFFF  }
0xa5: {  	s26 =	simm.s32 $execute0_lowered;
	[smem:$0x3FD2] =	sst s25  }
0xa6: {  	s4 =	sshll.u32 s26, $0x1;
	_ =	strace $0x80000049;
	[dreg:$0x1] =	wrdreg $0xFFFFFFFF  }
0xa7: {  	s28 =	simm.s32 $_size_execute0_lowered;
	s2 =	sadd.s32 s2, s4;
	[dreg:$0x0] =	wrdreg $0x0  }
0xa8: {  	s4 =	sshll.u32 s28, $0x1;
	[dreg:$0x2] =	wrdreg s2  }
0xa9: {  	[dreg:$0x3] =	wrdreg s4  }
0xaa: {  	[dreg:$0x4] =	wrdreg $0xC0  }
0xab: {  	_ =	task [dreg:s6], $0x5FFFF  }
0xac: {  	[dreg:$0x1] =	wrdreg $0xFFFFFFFF  }
0xad: {  	[dreg:$0x0] =	wrdreg $0x60  }
0xae: {  	[dreg:$0x2] =	wrdreg s24  }
0xaf: {  	[dreg:$0x3] =	wrdreg $0x99800  }
0xb0: {  	[dreg:$0x4] =	wrdreg $0x9  }
0xb1: {  	_ =	task.clear_ibuf [dreg:s6], $0x5FFFF;
	_ =	strace $0x90000049  }
0xb2: {  	s29 =	simm.s32 $0x9;
	_ =	strace $0x8000004B  }
0xb3: {  	_ =	swait.ge [sflag:s29], $0x1  }
0xb4: {  	[sflag:s29] =	ssyncadd.s32 $0xFFFFFFFF  }
0xb5: {  	_ =	strace $0x9000004B  }
0xb6: {  	_ =	sfence  }
0xb7: {  	s30 =	sld [smem:$0x0];
	_ =	sdelay $0x2  }
0xb8: {  	s31 =	sshll.u32 s1, $0xD;
	s1 =	sshrl.u32 s1, $0x2  }
0xb9: {  	s3 =	sand.u32 $0x4000, s31;
	s1 =	sadd.s32 s1, s30  }
0xba: {  	s0 =	sor.u32 s3, s0;
	s1 =	sshll.u32 s1, $0x11  }
0xbb: {  	s0 =	sor.u32 s1, s0  }
0xbc: {  	s0 =	sadd.s32 $0x8F2B, s0  }
0xbd: {  	[sflag:s0] =	ssyncadd.remote.s32 $0x1  }
0xbe: {  	_ =	sfence.sel $0xFFFF  }
0xbf: {  	[dreg:$0x0] =	wrdreg $0xFFFFFFFF;
	(pc) =	sbr.abs _section_cstart, $3  }
0xc0: {  	[dreg:$0x1] =	wrdreg $0xFFFFFFFF  }
0xc1: {  	_ =	task.clear_ibuf [dreg:s6], $0x2FFFF;
	_ =	strace $0x9FFFFFFF  }
0xc2: {  	(tm) =	ssettm $0x7FFFFFFF  }
0xc3: {  	_ =	shalt  }
tec
execute0_lowered:
.L_overlay_start_1:
0x0: {  	(tag) =	ssettag $0x1  }
0x1: {  	s0 =	rddreg [dreg:$0x0]  }
0x2: {  	s2 =	rddreg [dreg:$0x1];
	s3 =	simm.s32 $0x0;
	s15 =	stileid.u32  }
0x3: {  	s6 =	srdreg.scid;
	s28 =	simm.s32 $0x3;
	s29 =	simm.s32 $0x5  }
0x4: {  	s30 =	simm.s32 $0x7;
	s31 =	simm.s32 $0x2;
	s17 =	simm.s32 $0x0  }
0x5: {  	[smem:$0x7FF] =	sst s3;
	s1 =	smul.u32 $0x16380, s15;
	s4 =	sadd.s32 $0x3C800, s0  }
0x6: {  	s5 =	sadd.s32 $0x32600, s0;
	s9 =	sand.u32 $0x1, s6;
	s6 =	sadd.s32 $0x1400, s0  }
0x7: {  	s7 =	sadd.s32 $0x2D600, s0;
	s8 =	sadd.s32 $0x28600, s0;
	s13 =	sshll.u32 s15, $0x1  }
0x8: {  	s21 =	sshll.u32 s15, $0x6;
	s15 =	simm.s32 $0x7580;
	_ =	strace $0x8000004A  }
0x9: {  	s11 =	smul.u32 $0x163800, s9;
	s12 =	ssub.s32 $0x2, s9;
	s9 =	sor.u32 s9, s13  }
0xa: {  	s16 =	sor.u32 $0x1C0B, s21;
	s21 =	simm.s32 $0x1;
	s20 =	smul.u32 $0x510, s9  }
0xb: {  	s10 =	sshrl.u32 s1, $0x3;
	s14 =	sshrl.u32 s12, $0x1;
	s13 =	smul.u32 $0xA2, s9  }
0xc: {  	s9 =	simm.s32 $0x4;
	[dreg:$0x4] =	wrdreg s16;
	s10 =	sadd.s32 s10, s0  }
0xd: {  	s11 =	sadd.s32 s1, s11;
	s19 =	ssub.s32 s12, s14;
	s1 =	sadd.s32 s1, s2  }
0xe: {  	s14 =	simm.s32 $0xA;
	s11 =	sshrl.u32 s11, $0x3;
	s10 =	sadd.s32 $0x46A00, s10  }
0xf: {  	s22 =	sadd.s32 s4, s20;
	s23 =	sor.u32 $0x8, s20;
	[dreg:$0x3] =	wrdreg s10  }
0x10: {  	s12 =	sadd.s32 s5, s20;
	s26 =	smax.u32 s19, $0x1;
	[dreg:$0x5] =	wrdreg s22  }
0x11: {  	s1 =	sshrl.u32 s1, $0x3;
	s20 =	simm.s32 $0x5180;
	[dreg:$0x6] =	wrdreg s12  }
.Ltmp0:
0x12: {  	s0 =	sadd.s32 s11, s0;
	[dreg:$0xa] =	wrdreg s26;
	(pc) =	sbr.rel .LBB2_1-.Ltmp0, $4  }
0x13: {  	s24 =	sadd.s32 s4, s23;
	s25 =	sadd.s32 s5, s23;
	[dreg:$0xb] =	wrdreg s1  }
0x14: {  	vm0 =	vmmov $0xff;
	v0 =	vimm.s32 $0x0;
	v1 =	vimm.s32 $0x1;
	s10 =	simm.s32 $0xB;
	s22 =	simm.s32 $0x40;
	[dreg:$0x7] =	wrdreg s24  }
0x15: {  	v2 =	vimm.s32 $0x2;
	v3 =	vimm.s32 $0x3;
	v4 =	vimm.s32 $0x4;
	s26 =	simm.s32 $0x4D80;
	[dreg:$0x8] =	wrdreg s25;
	s0 =	sadd.s32 $0x73200, s0  }
0x16: {  	v5 =	vimm.s32 $0x5;
	v6 =	vimm.s32 $0x6;
	v7 =	vimm.s32 $0x7;
	s11 =	simm.s32 $0x6;
	s12 =	simm.s32 $0x8;
	[dreg:$0x9] =	wrdreg s0  }
.LBB2_12:
0x17: {  	s0 =	simm.s32 $0x9  }
0x18: {  	_ =	swait.ge [sflag:s0], $0x2400  }
0x19: {  	[sflag:s0] =	ssyncset.done $0x0  }
0x1a: {  	[sflag:s0] =	ssyncadd.s32 $0xFFFFDC00  }
0x1b: {  	_ =	swait.ge [sflag:s14], $0x2400  }
0x1c: {  	[sflag:s14] =	ssyncset.done $0x0  }
0x1d: {  	[sflag:s14] =	ssyncadd.s32 $0xFFFFDC00  }
0x1e: {  	[bflag:$0x0] =	sbarrier.arrive $0xFFFF  }
0x1f: {  	s16 =	rddreg [dreg:$0x4]  }
0x20: {  	s24 =	rddreg [dreg:$0x9]  }
0x21: {  	s10 =	simm.s32 $0xB;
	s1 =	rddreg [dreg:$0xb]  }
0x22: {  	[hbm:s24], [sflag:s16] =	dma.local [spmem:s1], $0x2C70  }
0x23: {  	_ =	swait.ge [sflag:s10], $0x2C70  }
0x24: {  	s17 =	rddreg [dreg:$0xc]  }
0x25: {  	s25 =	rddreg [dreg:$0xa];
	s17 =	sadd.s32 $0x1, s17  }
0x26: {  	p0 =	sne.s32 s17, s25  }
.Ltmp1:
0x27: {  	_ = 	snop;
	(pc) =	sbr.rel @!p0 .LBB2_13-.Ltmp1, $3  }
0x28: {  	_ =	sdelay $0x1  }
0x29: {  	[sflag:s10] =	ssyncset.done $0x0  }
0x2a: {  	[sflag:s10] =	ssyncadd.s32 $0xFFFFD390  }
.LBB2_1:
0x2b: {  	[dreg:$0xc] =	wrdreg s17  }
0x2c: {  	s0 =	rddreg [dreg:$0x3]  }
0x2d: {  	[spmem:s1], [sflag:s16] =	dma.local [hbm:s0], $0x2C70  }
0x2e: {  	_ =	swait.ge [sflag:s10], $0x2C70  }
0x2f: {  	[sflag:s10] =	ssyncset.done $0x0  }
0x30: {  	s1 =	rddreg [dreg:$0x5];
	[sflag:s10] =	ssyncadd.s32 $0xFFFFD390  }
0x31: {  	[tilespmem:s3], [sflag:$0x1] =	stream.linear.gather [hbm4b:s1+s3], $0x40, $0x38;
	[tilespmem:$0x1FD00] =	vst v63  }
0x32: {  	s16 =	simm.s32 $0x80;
	s10 =	rddreg [dreg:$0x6]  }
0x33: {  	[tilespmem:s16], [sflag:$0x1] =	stream.linear.gather [hbm4b:s10+s3], $0x40, $0x38;
	[tilespmem:$0x1FD00] =	vst v63  }
0x34: {  	_ =	swait.ge [sflag:s21], $0x40  }
0x35: {  	[sflag:s21] =	ssyncset.done $0x0  }
0x36: {  	[sflag:s21] =	ssyncadd.s32 $0xFFFFFFC0  }
0x37: {  	_ =	swait.ge [sflag:s21], $0x40  }
0x38: {  	[sflag:s21] =	ssyncset.done $0x0  }
0x39: {  	s17 =	simm.s32 $0x180;
	[sflag:s21] =	ssyncadd.s32 $0xFFFFFFC0  }
0x3a: {  	[tilespmem:s17], [sflag:$0x3] =	stream.indirect.gather [hbm4b:s6+s22], $0x80, s3, s22, $0xb8;
	[tilespmem:$0x1FD00] =	vst v63  }
0x3b: {  	s18 =	simm.s32 $0x4180  }
0x3c: {  	[tilespmem:s18], [sflag:$0x5] =	stream.indirect.gather [hbm4b:s7+s22], $0x10, s3, s22, $0xb8;
	[tilespmem:$0x1FD00] =	vst v63  }
0x3d: {  	s19 =	simm.s32 $0x4980  }
0x3e: {  	[tilespmem:s19], [sflag:$0x7] =	stream.indirect.gather [hbm4b:s8+s22], $0x10, s16, s22, $0xb8;
	[tilespmem:$0x1FD00] =	vst v63  }
0x3f: {  	s23 =	rddreg [dreg:$0x7]  }
0x40: {  	[tilespmem:s22], [sflag:$0x2] =	stream.linear.gather [hbm4b:s23+s3], $0x40, $0x38;
	[tilespmem:$0x1FD00] =	vst v63  }
0x41: {  	s25 =	simm.s32 $0xC0;
	s24 =	rddreg [dreg:$0x8]  }
0x42: {  	[tilespmem:s25], [sflag:$0x2] =	stream.linear.gather [hbm4b:s24+s3], $0x40, $0x38;
	[tilespmem:$0x1FD00] =	vst v63  }
0x43: {  	s16 =	simm.s32 $0x0;
	[bflag:$0x0] =	sbarrier.arrive $0xFFFF  }
.LBB2_2:
0x44: {  	_ =	swait.ge [sflag:s28], $0x2000  }
0x45: {  	[sflag:s28] =	ssyncset.done $0x0  }
0x46: {  	[sflag:s28] =	ssyncadd.s32 $0xFFFFE000  }
0x47: {  	_ =	swait.ge [sflag:s29], $0x400  }
0x48: {  	[sflag:s29] =	ssyncset.done $0x0  }
0x49: {  	[sflag:s29] =	ssyncadd.s32 $0xFFFFFC00  }
0x4a: {  	_ =	swait.ge [sflag:s30], $0x400  }
0x4b: {  	[sflag:s30] =	ssyncset.done $0x0  }
0x4c: {  	[sflag:s30] =	ssyncadd.s32 $0xFFFFFC00  }
0x4d: {  	_ =	swait.ge [sflag:s31], $0x40  }
0x4e: {  	[sflag:s31] =	ssyncset.done $0x0  }
0x4f: {  	[sflag:s31] =	ssyncadd.s32 $0xFFFFFFC0  }
0x50: {  	_ =	swait.ge [sflag:s31], $0x40  }
0x51: {  	[sflag:s31] =	ssyncset.done $0x0  }
0x52: {  	s0 =	sshll.u32 s16, $0x7;
	s1 =	simm.s32 $0x2180;
	[sflag:s31] =	ssyncadd.s32 $0xFFFFFFC0  }
0x53: {  	[tilespmem:s1], [sflag:$0x4] =	stream.indirect.gather [hbm4b:s6+s22], $0x80, s22, s22, $0xb8;
	[tilespmem:$0x1FD00] =	vst v63  }
0x54: {  	s23 =	simm.s32 $0x4580;
	p1 =	seq.s32 s16, $0x0;
	s25 =	sand.u32 $0x80, s0  }
0x55: {  	[tilespmem:s23], [sflag:$0x6] =	stream.indirect.gather [hbm4b:s7+s22], $0x10, s22, s22, $0xb8;
	[tilespmem:$0x1FD00] =	vst v63  }
0x56: {  	s0 =	simm.s32 @!p1 $0x9;
	s10 =	sadd.s32 $0xC0, s25  }
0x57: {  	[tilespmem:s26], [sflag:$0x8] =	stream.indirect.gather [hbm4b:s8+s22], $0x10, s10, s22, $0xb8;
	[tilespmem:$0x1FD00] =	vst v63  }
0x58: {  	_ =	swait.ge @!p1 [sflag:s0], $0x2400  }
0x59: {  	[sflag:s0] =	ssyncset.done @!p1 $0x0  }
0x5a: {  	s24 =	simm.s32 $0x41A0;
	[sflag:s0] =	ssyncadd.s32 @!p1 $0xFFFFDC00  }
0x5b: {  	s17 =	simm.s32 $0x49A0;
	v8 =	vld [tilespmem:s24+$0x10]  }
0x5c: {  	v9 =	vld [tilespmem:s17+$0x10]  }
0x5d: {  	v10 =	vld [tilespmem:s17+$0xFFFFFFE0]  }
0x5e: {  	v11 =	vld [tilespmem:s24+$0xFFFFFFF0]  }
0x5f: {  	v12 =	vld [tilespmem:s17+$0xFFFFFFF0]  }
0x60: {  	v13 =	vld [tilespmem:s17+$0x0]  }
0x61: {  	v15 =	vld [tilespmem:s24+$0xFFFFFFE0];
	v8 =	vadd.f32 v9, v8  }
0x62: {  	v9 =	vld [tilespmem:s24+$0x0]  }
0x63: {  	v14 =	vmul.f32 $2.000000030e-01, v8  }
0x64: {  	v11 =	vadd.f32 v12, v11;
	vm1 =	vge.f32 v8, $0.0e+00  }
0x65: {  	v8 =	vsel vm1, v8, v14  }
0x66: {  	v10 =	vadd.f32 v10, v15;
	v12 =	vmul.f32 $2.000000030e-01, v11;
	v8 =	vnsel vm0, $0x0, v8  }
0x67: {  	vm1 =	vge.f32 v11, $0.0e+00;
	v9 =	vadd.f32 v13, v9;
	v8 =	vmul.f32 $1.442695020e+00, v8  }
0x68: {  	v11 =	vsel vm1, v11, v12;
	v12 =	vmul.f32 $2.000000030e-01, v10  }
0x69: {  	(erf) = vpow2.f32 v8;
	v8 =	vmul.f32 $2.000000030e-01, v9  }
0x6a: {  	vm2 =	vge.f32 v10, $0.0e+00;
	v11 =	vnsel vm0, $0x0, v11;
	vm1 =	vge.f32 v9, $0.0e+00  }
0x6b: {  	v8 =	vsel vm1, v9, v8;
	v9 =	vsel vm2, v10, v12;
	v10 =	vmul.f32 $1.442695020e+00, v11;
	_ =	sdelay $0x1  }
0x6c: {  	v8 =	vnsel vm0, $0x0, v8;
	(erf) = vpow2.f32 v10  }
0x6d: {  	v8 =	vmul.f32 $1.442695020e+00, v8;
	_ =	sdelay $0x1  }
0x6e: {  	s17 =	simm.s32 $0x49E0  }
0x6f: {  	v55 =	vld [tilespmem:s17+$0x10];
	v9 =	vnsel vm0, $0x0, v9  }
0x70: {  	v58 =	vld [tilespmem:s17+$0xFFFFFFE0];
	v9 =	vmul.f32 $1.442695020e+00, v9;
	(erf) = vpow2.f32 v8;
	v8 =	vpop (erf)  }
0x71: {  	v60 =	vld [tilespmem:s17+$0xFFFFFFF0];
	v8 =	vnsel vm0, $0x0, v8  }
0x72: {  	v63 =	vld [tilespmem:s17+$0x0];
	s24 =	simm.s32 $0x41E0;
	(erf) = vpow2.f32 v9;
	v13 =	vperm.xlane v8, v0  }
0x73: {  	s19 =	simm.s32 $0x52A0;
	v52 =	vld [tilespmem:s24+$0x10];
	v14 =	vperm.xlane v8, v1;
	v16 =	vperm.xlane v8, v2  }
0x74: {  	s18 =	simm.s32 $0x280;
	v59 =	vld [tilespmem:s24+$0xFFFFFFF0];
	[tilespmem:s19+$0x110] =	vst v8;
	v17 =	vperm.xlane v8, v3;
	v19 =	vperm.xlane v8, v4;
	v10 =	vpop (erf)  }
0x75: {  	v20 =	vperm.xlane v8, v5;
	v23 =	vperm.xlane v8, v6;
	v9 =	vld [tilespmem:s18+$0xF0];
	v21 =	vnsel vm0, $0x0, v10  }
0x76: {  	v61 =	vld [tilespmem:s24+$0x0];
	v8 =	vperm.xlane v8, v7;
	v24 =	vperm.xlane v21, v0  }
0x77: {  	v12 =	vld [tilespmem:s18+$0x80];
	v26 =	vperm.xlane v21, v1;
	v29 =	vperm.xlane v21, v2  }
0x78: {  	v15 =	vld [tilespmem:s18+$0x90];
	v43 =	vperm.xlane v21, v3;
	v44 =	vperm.xlane v21, v4  }
0x79: {  	v18 =	vld [tilespmem:s18+$0xA0];
	v10 =	vpop (erf);
	v47 =	vperm.xlane v21, v5;
	v48 =	vperm.xlane v21, v6  }
0x7a: {  	v22 =	vld [tilespmem:s18+$0xB0];
	v50 =	vperm.xlane v21, v7;
	v46 =	vnsel vm0, $0x0, v10;
	v31 =	vmul.f32 v8, v9  }
0x7b: {  	v25 =	vld [tilespmem:s18+$0xC0];
	v51 =	vperm.xlane v46, v0;
	v53 =	vperm.xlane v46, v1  }
0x7c: {  	v62 =	vadd.f32 v55, v52;
	v27 =	vld [tilespmem:s18+$0xD0];
	v11 =	vpop (erf);
	v54 =	vperm.xlane v46, v2;
	v56 =	vperm.xlane v46, v3  }
0x7d: {  	v30 =	vld [tilespmem:s18+$0xE0];
	[tilespmem:s19+$0xFFFFFFF0] =	vst v21;
	v11 =	vnsel vm0, $0x0, v11;
	v10 =	vperm.xlane v46, v4;
	v8 =	vperm.xlane v46, v6  }
0x7e: {  	v9 =	vperm.xlane v46, v7;
	v21 =	vmul.f32 v16, v18;
	v18 =	vld [tilespmem:s18+$0xFFFFFF90];
	[tilespmem:s19+$0xFFFFFF60] =	vst v11  }
0x7f: {  	v13 =	vmul.f32 v13, v12;
	v12 =	vmul.f32 $2.000000030e-01, v62;
	v33 =	vld [tilespmem:s18+$0xFFFFFF00]  }
0x80: {  	v14 =	vmul.f32 v14, v15;
	v28 =	vperm.xlane v11, v0;
	v36 =	vld [tilespmem:s18+$0xFFFFFF10]  }
0x81: {  	vm1 =	vge.f32 v62, $0.0e+00;
	v32 =	vperm.xlane v11, v1;
	v34 =	vperm.xlane v11, v2;
	v39 =	vld [tilespmem:s18+$0xFFFFFF20]  }
0x82: {  	v16 =	vadd.f32 v60, v59;
	v35 =	vperm.xlane v11, v3;
	v37 =	vperm.xlane v11, v4;
	v57 =	vld [tilespmem:s18+$0xFFFFFF60]  }
0x83: {  	v38 =	vperm.xlane v11, v5;
	v40 =	vperm.xlane v11, v6;
	v42 =	vld [tilespmem:s18+$0xFFFFFF30];
	v12 =	vsel vm1, v62, v12  }
0x84: {  	v41 =	vperm.xlane v11, v7;
	v11 =	vperm.xlane v46, v5;
	v45 =	vld [tilespmem:s18+$0xFFFFFF40];
	v12 =	vnsel vm0, $0x0, v12  }
0x85: {  	[tilespmem:s19+$0x80] =	vst v46;
	v46 =	vmul.f32 v19, v25;
	v49 =	vld [tilespmem:s18+$0xFFFFFF50];
	v25 =	vmul.f32 $1.442695020e+00, v12  }
0x86: {  	v15 =	vld [tilespmem:s18+$0xFFFFFF70];
	v19 =	vmul.f32 $2.000000030e-01, v16;
	v12 =	vmul.f32 v23, v30  }
0x87: {  	[tilespmem:s19+$0x100] =	vst v31;
	vm1 =	vge.f32 v16, $0.0e+00;
	(erf) = vpow2.f32 v25;
	v40 =	vmul.f32 v40, v57;
	v57 =	vld [tilespmem:s24+$0xFFFFFFE0]  }
0x88: {  	v31 =	vld [tilespmem:s18+$0xFFFFFFD0];
	[tilespmem:s19+$0x90] =	vst v13;
	v16 =	vsel vm1, v16, v19;
	v33 =	vmul.f32 v28, v33;
	v32 =	vmul.f32 v32, v36  }
0x89: {  	[tilespmem:s19+$0xA0] =	vst v14;
	v30 =	vld [tilespmem:s18+$0xFFFFFFC0];
	v16 =	vnsel vm0, $0x0, v16;
	v34 =	vmul.f32 v34, v39;
	v37 =	vmul.f32 v37, v45  }
0x8a: {  	v28 =	vmul.f32 v17, v22;
	v17 =	vld [tilespmem:s18+$0xFFFFFF80];
	v45 =	vmul.f32 v20, v27;
	v20 =	vadd.f32 v63, v61;
	[tilespmem:s19+$0xFFFFFEE0] =	vst v33  }
0x8b: {  	v16 =	vmul.f32 $1.442695020e+00, v16;
	v35 =	vmul.f32 v35, v42;
	v22 =	vld [tilespmem:s18+$0xFFFFFFA0];
	[tilespmem:s19+$0xFFFFFEF0] =	vst v32  }
0x8c: {  	v27 =	vld [tilespmem:s18+$0xFFFFFFB0];
	[tilespmem:s19+$0xFFFFFF00] =	vst v34;
	v19 =	vmul.f32 $2.000000030e-01, v20;
	v23 =	vadd.f32 v58, v57  }
0x8d: {  	v15 =	vmul.f32 v41, v15;
	(erf) = vpow2.f32 v16;
	v16 =	vld [tilespmem:s18+$0x10];
	[tilespmem:s19+$0xFFFFFF10] =	vst v35;
	vm1 =	vge.f32 v20, $0.0e+00  }
0x8e: {  	v38 =	vmul.f32 v38, v49;
	[tilespmem:s19+$0xFFFFFF20] =	vst v37;
	v32 =	vld [tilespmem:s18+$0x40];
	v19 =	vsel vm1, v20, v19;
	v25 =	vmul.f32 $2.000000030e-01, v23  }
0x8f: {  	[tilespmem:s19+$0xFFFFFF50] =	vst v15;
	v20 =	vld [tilespmem:s18+$0xFFFFFFE0];
	v19 =	vnsel vm0, $0x0, v19;
	v15 =	vmul.f32 v24, v17;
	vm2 =	vge.f32 v23, $0.0e+00  }
0x90: {  	v13 =	vmul.f32 v26, v18;
	[tilespmem:s19+$0xFFFFFF30] =	vst v38;
	v17 =	vld [tilespmem:s18+$0x0];
	v19 =	vmul.f32 $1.442695020e+00, v19;
	v23 =	vsel vm2, v23, v25  }
0x91: {  	v14 =	vmul.f32 v44, v30;
	v18 =	vmul.f32 v29, v22;
	v25 =	vld [tilespmem:s18+$0xFFFFFFF0];
	[tilespmem:s19+$0xFFFFFF70] =	vst v15;
	v23 =	vnsel vm0, $0x0, v23  }
0x92: {  	v37 =	vld [tilespmem:s18+$0x50];
	(erf) = vpow2.f32 v19;
	v22 =	vpop (erf);
	[tilespmem:s19+$0xFFFFFF80] =	vst v13;
	v23 =	vmul.f32 $1.442695020e+00, v23  }
0x93: {  	s23 =	simm.s32 $0x54E0;
	v19 =	vld [tilespmem:s18+$0x30];
	v13 =	vmul.f32 v43, v27;
	[tilespmem:s19+$0xFFFFFF90] =	vst v18;
	v18 =	vmul.f32 v47, v31;
	v29 =	vnsel vm0, $0x0, v22  }
0x94: {  	s24 =	simm.s32 $0x480;
	v15 =	vld [tilespmem:s18+$0x20];
	v20 =	vmul.f32 v48, v20;
	[tilespmem:s23+$0x110] =	vst v29;
	(erf) = vpow2.f32 v23  }
0x95: {  	[tilespmem:s19+$0xFFFFFF40] =	vst v40;
	v31 =	vmul.f32 v53, v16;
	v27 =	vmul.f32 v51, v17;
	v61 =	vld [tilespmem:s24+$0xF0]  }
0x96: {  	[tilespmem:s19+$0xC0] =	vst v28;
	v30 =	vperm.xlane v29, v0;
	v22 =	vperm.xlane v29, v1;
	v41 =	vld [tilespmem:s24+$0x80]  }
0x97: {  	[tilespmem:s19+$0xFFFFFFB0] =	vst v14;
	v17 =	vperm.xlane v29, v2;
	v14 =	vperm.xlane v29, v4;
	v16 =	vpop (erf);
	v42 =	vld [tilespmem:s24+$0x90]  }
0x98: {  	[tilespmem:s19+$0xFFFFFFA0] =	vst v13;
	v13 =	vperm.xlane v29, v5;
	v62 =	vnsel vm0, $0x0, v16;
	v16 =	vperm.xlane v29, v6;
	v26 =	vld [tilespmem:s24+$0xA0]  }
0x99: {  	[tilespmem:s19+$0xFFFFFFD0] =	vst v20;
	v34 =	vld [tilespmem:s24+$0xB0];
	v20 =	vperm.xlane v62, v0;
	v60 =	vmul.f32 v54, v15  }
0x9a: {  	[tilespmem:s19+$0xFFFFFFC0] =	vst v18;
	v23 =	vld [tilespmem:s18+$0x70];
	v15 =	vperm.xlane v29, v3;
	v29 =	vperm.xlane v29, v7  }
0x9b: {  	v33 =	vperm.xlane v62, v3;
	v24 =	vmul.f32 v50, v25;
	v25 =	vld [tilespmem:s18+$0x60];
	[tilespmem:s19+$0x0] =	vst v27  }
0x9c: {  	v35 =	vld [tilespmem:s24+$0xC0];
	v39 =	vperm.xlane v62, v4;
	[tilespmem:s19+$0x10] =	vst v31;
	v29 =	vmul.f32 v29, v61;
	v18 =	vpop (erf)  }
0x9d: {  	v38 =	vld [tilespmem:s24+$0xD0];
	v36 =	vperm.xlane v62, v6;
	v31 =	vperm.xlane v62, v5;
	[tilespmem:s19+$0xFFFFFFE0] =	vst v24;
	v43 =	vnsel vm0, $0x0, v18;
	v18 =	vpop (erf)  }
0x9e: {  	v40 =	vld [tilespmem:s24+$0xE0];
	v27 =	vperm.xlane v62, v7;
	v24 =	vmul.f32 v56, v19;
	[tilespmem:s23+$0x100] =	vst v29;
	v63 =	vnsel vm0, $0x0, v18  }
0x9f: {  	v19 =	vperm.xlane v62, v1;
	v29 =	vperm.xlane v43, v0;
	[tilespmem:s23+$0xFFFFFF60] =	vst v63  }
0xa0: {  	[tilespmem:s19+$0x30] =	vst v24;
	v24 =	vperm.xlane v43, v1;
	v28 =	vperm.xlane v43, v2;
	v56 =	vld [tilespmem:s24+$0xFFFFFF00]  }
0xa1: {  	[tilespmem:s19+$0xB0] =	vst v21;
	v21 =	vperm.xlane v43, v3;
	v48 =	vperm.xlane v43, v4;
	v57 =	vld [tilespmem:s24+$0xFFFFFF10]  }
0xa2: {  	[tilespmem:s19+$0xD0] =	vst v46;
	v46 =	vperm.xlane v43, v5;
	v18 =	vperm.xlane v62, v2;
	v58 =	vld [tilespmem:s24+$0xFFFFFF20]  }
0xa3: {  	[tilespmem:s19+$0xE0] =	vst v45;
	v50 =	vperm.xlane v63, v0;
	v54 =	vperm.xlane v63, v1;
	v59 =	vld [tilespmem:s24+$0xFFFFFF30]  }
0xa4: {  	[tilespmem:s19+$0x20] =	vst v60;
	v49 =	vperm.xlane v63, v2;
	v53 =	vperm.xlane v63, v3;
	v60 =	vld [tilespmem:s24+$0xFFFFFF40]  }
0xa5: {  	s25 =	sadd.s32 $0x80, s25;
	[tilespmem:s23+$0xFFFFFFF0] =	vst v62;
	v51 =	vperm.xlane v63, v4;
	v55 =	vperm.xlane v63, v5;
	v61 =	vld [tilespmem:s24+$0xFFFFFF50]  }
0xa6: {  	s1 =	simm.s32 $0x4220;
	s0 =	simm.s32 $0x4;
	s18 =	sshll.u32 s16, $0x1;
	[tilespmem:s23+$0x80] =	vst v43;
	v52 =	vperm.xlane v63, v6;
	v44 =	vperm.xlane v63, v7;
	v62 =	vld [tilespmem:s24+$0xFFFFFF60]  }
.LBB2_3:
0xa7: {  	v45 =	vld [tilespmem:s1+$0x10];
	v47 =	vperm.xlane v43, v6;
	v43 =	vperm.xlane v43, v7;
	s17 =	sadd.s32 $0x40, s17;
	[tilespmem:s19+$0xF0] =	vst v12  }
0xa8: {  	s0 =	sadd.s32 $0x4, s0;
	v50 =	vmul.f32 v50, v56;
	v54 =	vmul.f32 v54, v57;
	v12 =	vld [tilespmem:s17+$0x10]  }
0xa9: {  	v49 =	vmul.f32 v49, v58;
	p0 =	slt.u32 s0, $0x3C;
	v53 =	vmul.f32 v53, v59;
	v56 =	vld [tilespmem:s17+$0xFFFFFFE0]  }
0xaa: {  	v51 =	vmul.f32 v51, v60;
	v57 =	vld [tilespmem:s1+$0xFFFFFFF0];
	v55 =	vmul.f32 v55, v61  }
0xab: {  	v32 =	vmul.f32 v10, v32;
	v10 =	vmov v48;
	v58 =	vld [tilespmem:s17+$0xFFFFFFF0];
	v52 =	vmul.f32 v52, v62  }
0xac: {  	v37 =	vmul.f32 v11, v37;
	v25 =	vmul.f32 v8, v25;
	v11 =	vmovc v46;
	v8 =	vmov v47;
	v59 =	vld [tilespmem:s1+$0x0]  }
0xad: {  	v30 =	vmul.f32 v30, v41;
	v23 =	vmul.f32 v9, v23;
	v60 =	vld [tilespmem:s17+$0x0];
	v12 =	vadd.f32 v12, v45;
	[tilespmem:s19+$0x40] =	vst v32  }
0xae: {  	v22 =	vmul.f32 v22, v42;
	v9 =	vmov v43;
	v45 =	vmul.f32 v17, v26;
	v32 =	vld [tilespmem:s1+$0xFFFFFFE0];
	[tilespmem:s19+$0x50] =	vst v37  }
0xaf: {  	v46 =	vmul.f32 v15, v34;
	v17 =	vmul.f32 $2.000000030e-01, v12;
	v26 =	vld [tilespmem:s24+$0xFFFFFF70];
	[tilespmem:s23+$0xFFFFFEE0] =	vst v50  }
0xb0: {  	v48 =	vmul.f32 v14, v35;
	vm1 =	vge.f32 v12, $0.0e+00;
	v15 =	vadd.f32 v58, v57;
	[tilespmem:s23+$0xFFFFFEF0] =	vst v54;
	v34 =	vld [tilespmem:s24+$0xFFFFFF80]  }
0xb1: {  	v47 =	vmul.f32 v13, v38;
	v14 =	vsel vm1, v12, v17;
	[tilespmem:s23+$0xFFFFFF00] =	vst v49;
	v17 =	vld [tilespmem:s24+$0xFFFFFF90];
	v12 =	vmul.f32 v16, v40  }
0xb2: {  	v13 =	vmul.f32 $2.000000030e-01, v15;
	v16 =	vadd.f32 v60, v59;
	v14 =	vnsel vm0, $0x0, v14;
	[tilespmem:s23+$0xFFFFFF10] =	vst v53;
	v35 =	vld [tilespmem:s24+$0xFFFFFFA0]  }
0xb3: {  	vm1 =	vge.f32 v15, $0.0e+00;
	v32 =	vadd.f32 v56, v32;
	v14 =	vmul.f32 $1.442695020e+00, v14;
	[tilespmem:s23+$0xFFFFFF20] =	vst v51;
	v37 =	vld [tilespmem:s24+$0xFFFFFFB0]  }
0xb4: {  	v13 =	vsel vm1, v15, v13;
	vm1 =	vge.f32 v16, $0.0e+00;
	v15 =	vmul.f32 $2.000000030e-01, v16;
	[tilespmem:s23+$0xFFFFFF30] =	vst v55;
	v38 =	vld [tilespmem:s24+$0xFFFFFFC0]  }
0xb5: {  	vm2 =	vge.f32 v32, $0.0e+00;
	v40 =	vmul.f32 $2.000000030e-01, v32;
	(erf) = vpow2.f32 v14;
	[tilespmem:s23+$0xFFFFFF40] =	vst v52;
	v14 =	vld [tilespmem:s24+$0xFFFFFFD0]  }
0xb6: {  	v13 =	vnsel vm0, $0x0, v13;
	v15 =	vsel vm1, v16, v15;
	v16 =	vmul.f32 v44, v26;
	v26 =	vld [tilespmem:s24+$0xFFFFFFE0];
	[tilespmem:s19+$0x60] =	vst v25  }
0xb7: {  	v13 =	vmul.f32 $1.442695020e+00, v13;
	v25 =	vsel vm2, v32, v40;
	v15 =	vnsel vm0, $0x0, v15;
	v40 =	vld [tilespmem:s24+$0xFFFFFFF0];
	[tilespmem:s19+$0x70] =	vst v23;
	s19 =	smov.u32 s23  }
0xb8: {  	v23 =	vnsel vm0, $0x0, v25;
	v15 =	vmul.f32 $1.442695020e+00, v15;
	[tilespmem:s23+$0xFFFFFF50] =	vst v16;
	v16 =	vmul.f32 v20, v34;
	v20 =	vld [tilespmem:s24+$0x0]  }
0xb9: {  	v23 =	vmul.f32 $1.442695020e+00, v23;
	(erf) = vpow2.f32 v13;
	v13 =	vld [tilespmem:s24+$0x10];
	[tilespmem:s23+$0x90] =	vst v30  }
0xba: {  	(erf) = vpow2.f32 v15;
	[tilespmem:s23+$0xFFFFFF70] =	vst v16;
	v15 =	vmul.f32 v19, v17;
	v16 =	vld [tilespmem:s24+$0x20]  }
0xbb: {  	(erf) = vpow2.f32 v23;
	v23 =	vmul.f32 v18, v35;
	v18 =	vld [tilespmem:s24+$0x30];
	[tilespmem:s23+$0xA0] =	vst v22  }
0xbc: {  	v19 =	vmul.f32 v39, v38;
	[tilespmem:s23+$0xFFFFFF80] =	vst v15;
	v15 =	vmul.f32 v33, v37;
	v32 =	vld [tilespmem:s24+$0x40]  }
0xbd: {  	v14 =	vmul.f32 v31, v14;
	v26 =	vmul.f32 v36, v26;
	[tilespmem:s23+$0xFFFFFF90] =	vst v23;
	v37 =	vld [tilespmem:s24+$0x50]  }
0xbe: {  	v27 =	vmul.f32 v27, v40;
	v29 =	vmul.f32 v29, v20;
	v17 =	vpop (erf);
	[tilespmem:s23+$0xFFFFFFA0] =	vst v15;
	v25 =	vld [tilespmem:s24+$0x60]  }
0xbf: {  	v24 =	vmul.f32 v24, v13;
	s23 =	sadd.s32 $0x240, s23;
	v31 =	vnsel vm0, $0x0, v17;
	[tilespmem:s19+$0xFFFFFFB0] =	vst v19;
	v23 =	vld [tilespmem:s24+$0x70];
	v28 =	vmul.f32 v28, v16  }
0xc0: {  	s24 =	sadd.s32 $0x200, s24;
	[tilespmem:s23+$0x110] =	vst v31;
	v30 =	vperm.xlane v31, v0;
	v22 =	vperm.xlane v31, v1  }
0xc1: {  	v17 =	vperm.xlane v31, v2;
	v15 =	vperm.xlane v31, v3;
	v33 =	vld [tilespmem:s24+$0xF0];
	[tilespmem:s19+$0xFFFFFFC0] =	vst v14  }
0xc2: {  	v13 =	vperm.xlane v31, v5;
	v14 =	vperm.xlane v31, v4;
	v41 =	vld [tilespmem:s24+$0x80];
	v16 =	vpop (erf);
	[tilespmem:s19+$0xFFFFFFD0] =	vst v26  }
0xc3: {  	v21 =	vmul.f32 v21, v18;
	v60 =	vnsel vm0, $0x0, v16;
	v42 =	vld [tilespmem:s24+$0x90];
	v16 =	vperm.xlane v31, v6;
	v19 =	vpop (erf);
	[tilespmem:s19+$0xFFFFFFE0] =	vst v27  }
0xc4: {  	v27 =	vperm.xlane v31, v7;
	[tilespmem:s23+$0xFFFFFFF0] =	vst v60;
	v20 =	vperm.xlane v60, v0;
	v43 =	vnsel vm0, $0x0, v19;
	v26 =	vld [tilespmem:s24+$0xA0];
	v18 =	vpop (erf)  }
0xc5: {  	v19 =	vperm.xlane v60, v1;
	v31 =	vnsel vm0, $0x0, v18;
	v18 =	vperm.xlane v60, v2;
	[tilespmem:s23+$0x80] =	vst v43;
	v34 =	vld [tilespmem:s24+$0xB0]  }
0xc6: {  	[tilespmem:s23+$0xFFFFFF60] =	vst v31;
	v50 =	vperm.xlane v31, v0;
	v35 =	vld [tilespmem:s24+$0xC0];
	v27 =	vmul.f32 v27, v33  }
0xc7: {  	v54 =	vperm.xlane v31, v1;
	v49 =	vperm.xlane v31, v2;
	v38 =	vld [tilespmem:s24+$0xD0];
	[tilespmem:s19+$0x0] =	vst v29  }
0xc8: {  	v53 =	vperm.xlane v31, v3;
	v51 =	vperm.xlane v31, v4;
	v40 =	vld [tilespmem:s24+$0xE0];
	[tilespmem:s23+$0x100] =	vst v27  }
0xc9: {  	v55 =	vperm.xlane v31, v5;
	v52 =	vperm.xlane v31, v6;
	v56 =	vld [tilespmem:s24+$0xFFFFFF00];
	[tilespmem:s19+$0x10] =	vst v24  }
0xca: {  	v44 =	vperm.xlane v31, v7;
	v33 =	vperm.xlane v60, v3;
	v57 =	vld [tilespmem:s24+$0xFFFFFF10];
	[tilespmem:s19+$0x20] =	vst v28  }
.Ltmp2:
0xcb: {  	v39 =	vperm.xlane v60, v4;
	v31 =	vperm.xlane v60, v5;
	v58 =	vld [tilespmem:s24+$0xFFFFFF20];
	[tilespmem:s19+$0x30] =	vst v21;
	(pc) =	sbr.rel @p0 .LBB2_3-.Ltmp2, $4  }
0xcc: {  	v36 =	vperm.xlane v60, v6;
	v27 =	vperm.xlane v60, v7;
	v59 =	vld [tilespmem:s24+$0xFFFFFF30];
	[tilespmem:s19+$0xB0] =	vst v45  }
0xcd: {  	v29 =	vperm.xlane v43, v0;
	v24 =	vperm.xlane v43, v1;
	v60 =	vld [tilespmem:s24+$0xFFFFFF40];
	[tilespmem:s19+$0xC0] =	vst v46  }
0xce: {  	v28 =	vperm.xlane v43, v2;
	v21 =	vperm.xlane v43, v3;
	v61 =	vld [tilespmem:s24+$0xFFFFFF50];
	[tilespmem:s19+$0xD0] =	vst v48  }
0xcf: {  	s1 =	sadd.s32 $0x40, s1;
	v46 =	vperm.xlane v43, v5;
	v48 =	vperm.xlane v43, v4;
	v62 =	vld [tilespmem:s24+$0xFFFFFF60];
	[tilespmem:s19+$0xE0] =	vst v47  }
0xd0: {  	v10 =	vmul.f32 v10, v32  }
0xd1: {  	[tilespmem:s19+$0xF0] =	vst v12;
	v11 =	vmul.f32 v11, v37  }
0xd2: {  	v45 =	vmul.f32 v50, v56;
	[tilespmem:s19+$0x40] =	vst v10  }
0xd3: {  	v47 =	vmul.f32 v54, v57;
	[tilespmem:s19+$0x50] =	vst v11  }
0xd4: {  	v50 =	vld [tilespmem:s24+$0xFFFFFF70];
	v54 =	vmul.f32 v49, v58;
	[tilespmem:s23+$0xFFFFFEE0] =	vst v45  }
0xd5: {  	v8 =	vmul.f32 v8, v25;
	[tilespmem:s23+$0xFFFFFEF0] =	vst v47  }
0xd6: {  	v9 =	vmul.f32 v9, v23;
	[tilespmem:s23+$0xFFFFFF00] =	vst v54  }
0xd7: {  	v15 =	vmul.f32 v15, v34;
	[tilespmem:s19+$0x60] =	vst v8  }
0xd8: {  	v56 =	vmul.f32 v53, v59;
	[tilespmem:s19+$0x70] =	vst v9  }
0xd9: {  	v57 =	vmul.f32 v51, v60;
	[tilespmem:s23+$0xC0] =	vst v15  }
0xda: {  	v63 =	vld [tilespmem:s24+$0xFFFFFFC0];
	v8 =	vmul.f32 v30, v41;
	[tilespmem:s23+$0xFFFFFF10] =	vst v56  }
0xdb: {  	v32 =	vld [tilespmem:s24+$0xFFFFFFD0];
	v47 =	vmul.f32 v22, v42;
	[tilespmem:s23+$0xFFFFFF20] =	vst v57  }
0xdc: {  	v49 =	vld [tilespmem:s24+$0xFFFFFFF0];
	v58 =	vmul.f32 v55, v61;
	[tilespmem:s23+$0x90] =	vst v8  }
0xdd: {  	v59 =	vld [tilespmem:s24+$0xFFFFFF80];
	v60 =	vmul.f32 v52, v62;
	[tilespmem:s23+$0xA0] =	vst v47  }
0xde: {  	v45 =	vld [tilespmem:s24+$0xFFFFFF90];
	[tilespmem:s23+$0xFFFFFF30] =	vst v58;
	v11 =	vmul.f32 v44, v50  }
0xdf: {  	v41 =	vld [tilespmem:s24+$0xFFFFFFE0];
	v12 =	vmul.f32 v39, v63;
	[tilespmem:s23+$0xFFFFFF40] =	vst v60  }
0xe0: {  	v61 =	vld [tilespmem:s24+$0xFFFFFFA0];
	v54 =	vmul.f32 v31, v32;
	[tilespmem:s23+$0xFFFFFF50] =	vst v11  }
0xe1: {  	v62 =	vld [tilespmem:s24+$0xFFFFFFB0];
	v22 =	vmul.f32 v27, v49;
	[tilespmem:s23+$0xFFFFFFB0] =	vst v12  }
0xe2: {  	v58 =	vmul.f32 v17, v26;
	[tilespmem:s23+$0xFFFFFFC0] =	vst v54  }
0xe3: {  	v44 =	vmul.f32 v20, v59;
	[tilespmem:s23+$0xFFFFFFE0] =	vst v22  }
0xe4: {  	v59 =	vmul.f32 v14, v35;
	[tilespmem:s23+$0xB0] =	vst v58  }
0xe5: {  	v60 =	vmul.f32 v13, v38;
	[tilespmem:s23+$0xFFFFFF70] =	vst v44  }
0xe6: {  	v51 =	vld [tilespmem:s24+$0x10];
	v8 =	vmul.f32 v19, v45;
	[tilespmem:s23+$0xD0] =	vst v59  }
0xe7: {  	v52 =	vld [tilespmem:s24+$0x20];
	v9 =	vmul.f32 v36, v41;
	[tilespmem:s23+$0xE0] =	vst v60  }
0xe8: {  	v55 =	vld [tilespmem:s24+$0x50];
	v10 =	vmul.f32 v18, v61;
	[tilespmem:s23+$0xFFFFFF80] =	vst v8  }
0xe9: {  	v50 =	vld [tilespmem:s24+$0x0];
	v8 =	vmul.f32 v33, v62;
	[tilespmem:s23+$0xFFFFFFD0] =	vst v9  }
0xea: {  	v53 =	vld [tilespmem:s24+$0x30];
	v61 =	vmul.f32 v16, v40;
	[tilespmem:s23+$0xFFFFFF90] =	vst v10  }
0xeb: {  	v18 =	vmul.f32 v24, v51;
	[tilespmem:s23+$0xFFFFFFA0] =	vst v8;
	v8 =	vld [tilespmem:s24+$0x40]  }
0xec: {  	v56 =	vld [tilespmem:s24+$0x60];
	v19 =	vmul.f32 v28, v52;
	[tilespmem:s23+$0xF0] =	vst v61  }
0xed: {  	v57 =	vld [tilespmem:s24+$0x70];
	v12 =	vmul.f32 v46, v55;
	[tilespmem:s23+$0x10] =	vst v18  }
0xee: {  	v11 =	vmul.f32 v29, v50;
	[tilespmem:s23+$0x20] =	vst v19  }
0xef: {  	v62 =	vperm.xlane v43, v6;
	v10 =	vmul.f32 v21, v53;
	[tilespmem:s23+$0x50] =	vst v12  }
0xf0: {  	p0 =	seq.s32 s16, $0x50;
	v63 =	vperm.xlane v43, v7;
	[tilespmem:s23+$0x0] =	vst v11;
	v8 =	vmul.f32 v48, v8  }
.Ltmp3:
0xf1: {  	[tilespmem:s23+$0x30] =	vst v10;
	v10 =	vmul.f32 v62, v56;
	(pc) =	sbr.rel @!p0 .LBB2_5-.Ltmp3, $4  }
0xf2: {  	[tilespmem:s23+$0x40] =	vst v8;
	v8 =	vmul.f32 v63, v57  }
0xf3: {  	[tilespmem:s23+$0x60] =	vst v10  }
0xf4: {  	[tilespmem:s23+$0x70] =	vst v8  }
0xf5: {  	[spmem:s2] =	stream.indirect.scatter.add.f32 [tilespmem:s20], [sflag:$0x9], $0x90, s25, s22, $0xb8;
	[tilespmem:$0x1FD00] =	vst v63  }
0xf6: {  	_ =	swait.ge [sflag:s9], $0x2000  }
0xf7: {  	[sflag:s9] =	ssyncset.done $0x0  }
0xf8: {  	[sflag:s9] =	ssyncadd.s32 $0xFFFFE000  }
0xf9: {  	_ =	swait.ge [sflag:s11], $0x400  }
.Ltmp4:
0xfa: {  	[sflag:s11] =	ssyncset.done $0x0;
	(pc) =	sbr.rel .LBB2_7-.Ltmp4, $4  }
0xfb: {  	[sflag:s11] =	ssyncadd.s32 $0xFFFFFC00  }
0xfc: {  	_ =	swait.ge [sflag:s12], $0x400  }
0xfd: {  	[sflag:s12] =	ssyncset.done $0x0  }
0xfe: {  	[sflag:s12] =	ssyncadd.s32 $0xFFFFFC00  }
.LBB2_5:
0xff: {  	s0 =	sadd.s32 $0x2, s18  }
0x100: {  	s1 =	sadd.s32 s13, s0  }
0x101: {  	s1 =	sshll.u32 s1, $0x3  }
0x102: {  	s0 =	sshll.u32 s0, $0x6;
	s1 =	sand.u32 $0x1FFFFFF0, s1  }
0x103: {  	s0 =	sand.u32 $0x80, s0;
	s17 =	sadd.s32 s4, s1  }
0x104: {  	[tilespmem:s3], [sflag:$0x1] =	stream.linear.gather [hbm4b:s17+s3], $0x40, $0x38;
	[tilespmem:$0x1FD00] =	vst v63  }
0x105: {  	s0 =	sadd.s32 $0x80, s0;
	s1 =	sadd.s32 s5, s1  }
0x106: {  	[tilespmem:s0], [sflag:$0x1] =	stream.linear.gather [hbm4b:s1+s3], $0x40, $0x38;
	[tilespmem:$0x1FD00] =	vst v63  }
0x107: {  	_ =	swait.ge [sflag:s9], $0x2000  }
0x108: {  	[sflag:s9] =	ssyncset.done $0x0  }
0x109: {  	[sflag:s9] =	ssyncadd.s32 $0xFFFFE000  }
0x10a: {  	_ =	swait.ge [sflag:s11], $0x400  }
0x10b: {  	[sflag:s11] =	ssyncset.done $0x0  }
0x10c: {  	[sflag:s11] =	ssyncadd.s32 $0xFFFFFC00  }
0x10d: {  	_ =	swait.ge [sflag:s12], $0x400  }
0x10e: {  	[sflag:s12] =	ssyncset.done $0x0  }
0x10f: {  	[sflag:s12] =	ssyncadd.s32 $0xFFFFFC00  }
0x110: {  	_ =	swait.ge [sflag:s21], $0x40  }
0x111: {  	[sflag:s21] =	ssyncset.done $0x0  }
0x112: {  	[sflag:s21] =	ssyncadd.s32 $0xFFFFFFC0  }
0x113: {  	_ =	swait.ge [sflag:s21], $0x40  }
0x114: {  	[sflag:s21] =	ssyncset.done $0x0  }
0x115: {  	s23 =	simm.s32 $0x180;
	[sflag:s21] =	ssyncadd.s32 $0xFFFFFFC0  }
0x116: {  	[tilespmem:s23], [sflag:$0x3] =	stream.indirect.gather [hbm4b:s6+s22], $0x80, s3, s22, $0xb8;
	[tilespmem:$0x1FD00] =	vst v63  }
.Ltmp5:
0x117: {  	_ = 	snop;
	(pc) =	sbr.rel @p1 .LBB2_8-.Ltmp5, $4  }
0x118: {  	s24 =	simm.s32 $0x4180  }
0x119: {  	[tilespmem:s24], [sflag:$0x5] =	stream.indirect.gather [hbm4b:s7+s22], $0x10, s3, s22, $0xb8;
	[tilespmem:$0x1FD00] =	vst v63  }
0x11a: {  	s25 =	simm.s32 $0x4980  }
0x11b: {  	[tilespmem:s25], [sflag:$0x7] =	stream.indirect.gather [hbm4b:s8+s22], $0x10, s0, s22, $0xb8;
	[tilespmem:$0x1FD00] =	vst v63  }
.LBB2_7:
0x11c: {  	_ =	swait.ge [sflag:s14], $0x2400  }
0x11d: {  	[sflag:s14] =	ssyncset.done $0x0  }
0x11e: {  	[sflag:s14] =	ssyncadd.s32 $0xFFFFDC00  }
.LBB2_8:
0x11f: {  	s0 =	simm.s32 $0x45B0  }
0x120: {  	s1 =	simm.s32 $0x4DB0;
	v8 =	vld [tilespmem:s0+$0x0]  }
0x121: {  	v9 =	vld [tilespmem:s1+$0x0]  }
0x122: {  	v10 =	vld [tilespmem:s1+$0xFFFFFFD0]  }
0x123: {  	v11 =	vld [tilespmem:s0+$0xFFFFFFE0]  }
0x124: {  	v12 =	vld [tilespmem:s1+$0xFFFFFFE0]  }
0x125: {  	v13 =	vld [tilespmem:s1+$0xFFFFFFF0]  }
0x126: {  	v15 =	vld [tilespmem:s0+$0xFFFFFFD0];
	v8 =	vadd.f32 v9, v8  }
0x127: {  	v9 =	vld [tilespmem:s0+$0xFFFFFFF0]  }
0x128: {  	v14 =	vmul.f32 $2.000000030e-01, v8  }
0x129: {  	v11 =	vadd.f32 v12, v11;
	vm1 =	vge.f32 v8, $0.0e+00  }
0x12a: {  	v8 =	vsel vm1, v8, v14  }
0x12b: {  	v10 =	vadd.f32 v10, v15;
	v12 =	vmul.f32 $2.000000030e-01, v11;
	v8 =	vnsel vm0, $0x0, v8  }
0x12c: {  	vm1 =	vge.f32 v11, $0.0e+00;
	v9 =	vadd.f32 v13, v9;
	v8 =	vmul.f32 $1.442695020e+00, v8  }
0x12d: {  	v11 =	vsel vm1, v11, v12;
	v12 =	vmul.f32 $2.000000030e-01, v10  }
0x12e: {  	(erf) = vpow2.f32 v8;
	v8 =	vmul.f32 $2.000000030e-01, v9  }
0x12f: {  	vm2 =	vge.f32 v10, $0.0e+00;
	v11 =	vnsel vm0, $0x0, v11;
	vm1 =	vge.f32 v9, $0.0e+00  }
0x130: {  	v8 =	vsel vm1, v9, v8;
	v9 =	vsel vm2, v10, v12;
	v10 =	vmul.f32 $1.442695020e+00, v11;
	_ =	sdelay $0x1  }
0x131: {  	v8 =	vnsel vm0, $0x0, v8;
	(erf) = vpow2.f32 v10  }
0x132: {  	v8 =	vmul.f32 $1.442695020e+00, v8;
	_ =	sdelay $0x1  }
0x133: {  	s25 =	simm.s32 $0x45F0;
	v9 =	vnsel vm0, $0x0, v9  }
0x134: {  	s17 =	simm.s32 $0x4DF0;
	v52 =	vld [tilespmem:s25+$0x0];
	v9 =	vmul.f32 $1.442695020e+00, v9;
	(erf) = vpow2.f32 v8  }
0x135: {  	v55 =	vld [tilespmem:s17+$0x0];
	v8 =	vpop (erf)  }
0x136: {  	v58 =	vld [tilespmem:s17+$0xFFFFFFD0];
	(erf) = vpow2.f32 v9;
	v8 =	vnsel vm0, $0x0, v8  }
0x137: {  	v59 =	vld [tilespmem:s25+$0xFFFFFFE0];
	v13 =	vperm.xlane v8, v0;
	v14 =	vperm.xlane v8, v1  }
0x138: {  	s19 =	simm.s32 $0x77B0;
	v60 =	vld [tilespmem:s17+$0xFFFFFFE0];
	v16 =	vperm.xlane v8, v2;
	v17 =	vperm.xlane v8, v3  }
0x139: {  	s24 =	simm.s32 $0x2370;
	v61 =	vld [tilespmem:s25+$0xFFFFFFF0];
	[tilespmem:s19+$0x0] =	vst v8;
	v19 =	vperm.xlane v8, v4;
	v20 =	vperm.xlane v8, v5;
	v10 =	vpop (erf)  }
0x13a: {  	v23 =	vperm.xlane v8, v6;
	v8 =	vperm.xlane v8, v7;
	v9 =	vld [tilespmem:s24+$0x0];
	v21 =	vnsel vm0, $0x0, v10  }
0x13b: {  	v63 =	vld [tilespmem:s17+$0xFFFFFFF0];
	v24 =	vperm.xlane v21, v0;
	v26 =	vperm.xlane v21, v1  }
0x13c: {  	v12 =	vld [tilespmem:s24+$0xFFFFFF90];
	v29 =	vperm.xlane v21, v2;
	v43 =	vperm.xlane v21, v3  }
0x13d: {  	v15 =	vld [tilespmem:s24+$0xFFFFFFA0];
	v10 =	vpop (erf);
	v44 =	vperm.xlane v21, v4;
	v47 =	vperm.xlane v21, v5  }
0x13e: {  	v18 =	vld [tilespmem:s24+$0xFFFFFFB0];
	v48 =	vperm.xlane v21, v6;
	v50 =	vperm.xlane v21, v7;
	v46 =	vnsel vm0, $0x0, v10  }
0x13f: {  	v22 =	vld [tilespmem:s24+$0xFFFFFFC0];
	v31 =	vmul.f32 v8, v9;
	v51 =	vperm.xlane v46, v0  }
0x140: {  	v25 =	vld [tilespmem:s24+$0xFFFFFFD0];
	v53 =	vperm.xlane v46, v1;
	v54 =	vperm.xlane v46, v2  }
0x141: {  	v62 =	vadd.f32 v55, v52;
	v27 =	vld [tilespmem:s24+$0xFFFFFFE0];
	v11 =	vpop (erf);
	v56 =	vperm.xlane v46, v3;
	v10 =	vperm.xlane v46, v4  }
0x142: {  	v30 =	vld [tilespmem:s24+$0xFFFFFFF0];
	[tilespmem:s19+$0xFFFFFEE0] =	vst v21;
	v11 =	vnsel vm0, $0x0, v11;
	v8 =	vperm.xlane v46, v6;
	v9 =	vperm.xlane v46, v7  }
0x143: {  	v13 =	vmul.f32 v13, v12;
	v21 =	vmul.f32 v16, v18;
	v18 =	vld [tilespmem:s24+$0xFFFFFEA0];
	[tilespmem:s19+$0xFFFFFE50] =	vst v11  }
0x144: {  	v12 =	vmul.f32 $2.000000030e-01, v62;
	v14 =	vmul.f32 v14, v15;
	v33 =	vld [tilespmem:s24+$0xFFFFFE10]  }
0x145: {  	v28 =	vperm.xlane v11, v0;
	v32 =	vperm.xlane v11, v1;
	v36 =	vld [tilespmem:s24+$0xFFFFFE20]  }
0x146: {  	vm1 =	vge.f32 v62, $0.0e+00;
	v34 =	vperm.xlane v11, v2;
	v35 =	vperm.xlane v11, v3;
	v57 =	vld [tilespmem:s24+$0xFFFFFE70]  }
0x147: {  	v16 =	vadd.f32 v60, v59;
	v37 =	vperm.xlane v11, v4;
	v38 =	vperm.xlane v11, v5;
	v39 =	vld [tilespmem:s24+$0xFFFFFE30]  }
0x148: {  	v40 =	vperm.xlane v11, v6;
	v41 =	vperm.xlane v11, v7;
	v42 =	vld [tilespmem:s24+$0xFFFFFE40];
	v12 =	vsel vm1, v62, v12  }
0x149: {  	[tilespmem:s19+$0xFFFFFF70] =	vst v46;
	v11 =	vperm.xlane v46, v5;
	v46 =	vmul.f32 v19, v25;
	v45 =	vld [tilespmem:s24+$0xFFFFFE50];
	v12 =	vnsel vm0, $0x0, v12  }
0x14a: {  	v49 =	vld [tilespmem:s24+$0xFFFFFE60];
	v19 =	vmul.f32 $2.000000030e-01, v16;
	v25 =	vmul.f32 $1.442695020e+00, v12  }
0x14b: {  	[tilespmem:s19+$0xFFFFFFF0] =	vst v31;
	v12 =	vmul.f32 v23, v30;
	v40 =	vmul.f32 v40, v57;
	v57 =	vld [tilespmem:s25+$0xFFFFFFD0]  }
0x14c: {  	v15 =	vld [tilespmem:s24+$0xFFFFFE80];
	vm1 =	vge.f32 v16, $0.0e+00;
	[tilespmem:s19+$0xFFFFFF80] =	vst v13;
	(erf) = vpow2.f32 v25;
	v33 =	vmul.f32 v28, v33  }
0x14d: {  	v31 =	vld [tilespmem:s24+$0xFFFFFEE0];
	[tilespmem:s19+$0xFFFFFF90] =	vst v14;
	v16 =	vsel vm1, v16, v19;
	v32 =	vmul.f32 v32, v36;
	v34 =	vmul.f32 v34, v39  }
0x14e: {  	v30 =	vld [tilespmem:s24+$0xFFFFFED0];
	v37 =	vmul.f32 v37, v45;
	v45 =	vmul.f32 v20, v27;
	v20 =	vadd.f32 v63, v61;
	[tilespmem:s19+$0xFFFFFDD0] =	vst v33  }
0x14f: {  	v16 =	vnsel vm0, $0x0, v16;
	v35 =	vmul.f32 v35, v42;
	v28 =	vmul.f32 v17, v22;
	v17 =	vld [tilespmem:s24+$0xFFFFFE90];
	[tilespmem:s19+$0xFFFFFDE0] =	vst v32  }
0x150: {  	v16 =	vmul.f32 $1.442695020e+00, v16;
	v22 =	vld [tilespmem:s24+$0xFFFFFEB0];
	[tilespmem:s19+$0xFFFFFDF0] =	vst v34;
	v19 =	vmul.f32 $2.000000030e-01, v20;
	v23 =	vadd.f32 v58, v57  }
0x151: {  	v38 =	vmul.f32 v38, v49;
	v27 =	vld [tilespmem:s24+$0xFFFFFEC0];
	v15 =	vmul.f32 v41, v15;
	[tilespmem:s19+$0xFFFFFE00] =	vst v35;
	vm1 =	vge.f32 v20, $0.0e+00  }
0x152: {  	(erf) = vpow2.f32 v16;
	v16 =	vld [tilespmem:s24+$0xFFFFFF20];
	[tilespmem:s19+$0xFFFFFE10] =	vst v37;
	v19 =	vsel vm1, v20, v19;
	v25 =	vmul.f32 $2.000000030e-01, v23  }
0x153: {  	v13 =	vmul.f32 v26, v18;
	[tilespmem:s19+$0xFFFFFE20] =	vst v38;
	v20 =	vld [tilespmem:s24+$0xFFFFFEF0];
	v19 =	vnsel vm0, $0x0, v19;
	vm2 =	vge.f32 v23, $0.0e+00  }
0x154: {  	[tilespmem:s19+$0xFFFFFE40] =	vst v15;
	v15 =	vmul.f32 v24, v17;
	v17 =	vld [tilespmem:s24+$0xFFFFFF10];
	v19 =	vmul.f32 $1.442695020e+00, v19;
	v23 =	vsel vm2, v23, v25  }
0x155: {  	[tilespmem:s19+$0xFFFFFE30] =	vst v40;
	v14 =	vmul.f32 v44, v30;
	v32 =	vld [tilespmem:s24+$0xFFFFFF50];
	v18 =	vmul.f32 v29, v22;
	v23 =	vnsel vm0, $0x0, v23  }
0x156: {  	(erf) = vpow2.f32 v19;
	v25 =	vld [tilespmem:s24+$0xFFFFFF00];
	[tilespmem:s19+$0xFFFFFE70] =	vst v13;
	v23 =	vmul.f32 $1.442695020e+00, v23  }
0x157: {  	v37 =	vld [tilespmem:s24+$0xFFFFFF60];
	v13 =	vmul.f32 v43, v27;
	[tilespmem:s19+$0xFFFFFE80] =	vst v18;
	v18 =	vmul.f32 v47, v31  }
0x158: {  	[tilespmem:s19+$0xFFFFFFB0] =	vst v28;
	v19 =	vld [tilespmem:s24+$0xFFFFFF40];
	v22 =	vpop (erf);
	v20 =	vmul.f32 v48, v20;
	(erf) = vpow2.f32 v23  }
0x159: {  	[tilespmem:s19+$0xFFFFFE60] =	vst v15;
	v15 =	vld [tilespmem:s24+$0xFFFFFF30];
	v29 =	vnsel vm0, $0x0, v22;
	v31 =	vmul.f32 v53, v16;
	v27 =	vmul.f32 v51, v17  }
0x15a: {  	s23 =	simm.s32 $0x79F0;
	[tilespmem:s19+$0xFFFFFEA0] =	vst v14;
	v30 =	vperm.xlane v29, v0;
	v22 =	vperm.xlane v29, v1;
	v23 =	vld [tilespmem:s24+$0xFFFFFF80]  }
0x15b: {  	[tilespmem:s23+$0x0] =	vst v29;
	v17 =	vperm.xlane v29, v2;
	v16 =	vpop (erf);
	v24 =	vmul.f32 v50, v25;
	v25 =	vld [tilespmem:s24+$0xFFFFFF70];
	s24 =	simm.s32 $0x2570  }
0x15c: {  	v14 =	vperm.xlane v29, v4;
	[tilespmem:s19+$0xFFFFFE90] =	vst v13;
	v13 =	vperm.xlane v29, v5;
	v62 =	vnsel vm0, $0x0, v16;
	v61 =	vld [tilespmem:s24+$0x0]  }
0x15d: {  	[tilespmem:s19+$0xFFFFFEC0] =	vst v20;
	v16 =	vperm.xlane v29, v6;
	v20 =	vperm.xlane v62, v0;
	v41 =	vld [tilespmem:s24+$0xFFFFFF90]  }
0x15e: {  	[tilespmem:s19+$0xFFFFFEB0] =	vst v18;
	v33 =	vperm.xlane v62, v3;
	v39 =	vperm.xlane v62, v4;
	v42 =	vld [tilespmem:s24+$0xFFFFFFA0]  }
0x15f: {  	v36 =	vperm.xlane v62, v6;
	v60 =	vmul.f32 v54, v15;
	[tilespmem:s19+$0xFFFFFEF0] =	vst v27;
	v26 =	vld [tilespmem:s24+$0xFFFFFFB0]  }
0x160: {  	v15 =	vperm.xlane v29, v3;
	v34 =	vld [tilespmem:s24+$0xFFFFFFC0];
	[tilespmem:s19+$0xFFFFFED0] =	vst v24;
	v24 =	vmul.f32 v56, v19;
	v18 =	vpop (erf)  }
0x161: {  	v29 =	vperm.xlane v29, v7;
	[tilespmem:s19+$0xFFFFFF00] =	vst v31;
	v31 =	vperm.xlane v62, v5;
	v35 =	vld [tilespmem:s24+$0xFFFFFFD0];
	v43 =	vnsel vm0, $0x0, v18;
	v18 =	vpop (erf)  }
0x162: {  	v27 =	vperm.xlane v62, v7;
	v38 =	vld [tilespmem:s24+$0xFFFFFFE0];
	v19 =	vperm.xlane v62, v1;
	[tilespmem:s19+$0xFFFFFF20] =	vst v24;
	v63 =	vnsel vm0, $0x0, v18  }
0x163: {  	v40 =	vld [tilespmem:s24+$0xFFFFFFF0];
	v24 =	vperm.xlane v43, v1;
	v28 =	vperm.xlane v43, v2;
	[tilespmem:s23+$0xFFFFFE50] =	vst v63  }
0x164: {  	[tilespmem:s19+$0xFFFFFFA0] =	vst v21;
	v21 =	vperm.xlane v43, v3;
	v29 =	vmul.f32 v29, v61;
	v56 =	vld [tilespmem:s24+$0xFFFFFE10]  }
0x165: {  	[tilespmem:s19+$0xFFFFFFC0] =	vst v46;
	v48 =	vperm.xlane v43, v4;
	v46 =	vperm.xlane v43, v5;
	v57 =	vld [tilespmem:s24+$0xFFFFFE20]  }
0x166: {  	[tilespmem:s23+$0xFFFFFFF0] =	vst v29;
	v29 =	vperm.xlane v43, v0;
	v18 =	vperm.xlane v62, v2;
	v58 =	vld [tilespmem:s24+$0xFFFFFE30]  }
0x167: {  	[tilespmem:s19+$0xFFFFFFD0] =	vst v45;
	v50 =	vperm.xlane v63, v0;
	v54 =	vperm.xlane v63, v1;
	v59 =	vld [tilespmem:s24+$0xFFFFFE40]  }
0x168: {  	[tilespmem:s19+$0xFFFFFF10] =	vst v60;
	v49 =	vperm.xlane v63, v2;
	v53 =	vperm.xlane v63, v3;
	v60 =	vld [tilespmem:s24+$0xFFFFFE50]  }
0x169: {  	[tilespmem:s23+$0xFFFFFEE0] =	vst v62;
	v51 =	vperm.xlane v63, v4;
	v55 =	vperm.xlane v63, v5;
	v61 =	vld [tilespmem:s24+$0xFFFFFE60]  }
0x16a: {  	s1 =	simm.s32 $0x4630;
	s0 =	simm.s32 $0x4;
	[tilespmem:s23+$0xFFFFFF70] =	vst v43;
	v52 =	vperm.xlane v63, v6;
	v44 =	vperm.xlane v63, v7;
	v62 =	vld [tilespmem:s24+$0xFFFFFE70]  }
.LBB2_9:
0x16b: {  	v45 =	vld [tilespmem:s1+$0x0];
	v47 =	vperm.xlane v43, v6;
	v43 =	vperm.xlane v43, v7;
	s17 =	sadd.s32 $0x40, s17;
	[tilespmem:s19+$0xFFFFFFE0] =	vst v12  }
0x16c: {  	s0 =	sadd.s32 $0x4, s0;
	v50 =	vmul.f32 v50, v56;
	v54 =	vmul.f32 v54, v57;
	v12 =	vld [tilespmem:s17+$0x0]  }
0x16d: {  	v49 =	vmul.f32 v49, v58;
	p1 =	slt.u32 s0, $0x3C;
	v53 =	vmul.f32 v53, v59;
	v56 =	vld [tilespmem:s17+$0xFFFFFFD0]  }
0x16e: {  	v51 =	vmul.f32 v51, v60;
	v57 =	vld [tilespmem:s1+$0xFFFFFFE0];
	v55 =	vmul.f32 v55, v61  }
0x16f: {  	v32 =	vmul.f32 v10, v32;
	v10 =	vmov v48;
	v58 =	vld [tilespmem:s17+$0xFFFFFFE0];
	v52 =	vmul.f32 v52, v62  }
0x170: {  	v37 =	vmul.f32 v11, v37;
	v25 =	vmul.f32 v8, v25;
	v11 =	vmovc v46;
	v8 =	vmov v47;
	v59 =	vld [tilespmem:s1+$0xFFFFFFF0]  }
0x171: {  	v30 =	vmul.f32 v30, v41;
	v23 =	vmul.f32 v9, v23;
	v60 =	vld [tilespmem:s17+$0xFFFFFFF0];
	v12 =	vadd.f32 v12, v45;
	[tilespmem:s19+$0xFFFFFF30] =	vst v32  }
0x172: {  	v22 =	vmul.f32 v22, v42;
	v9 =	vmov v43;
	v45 =	vmul.f32 v17, v26;
	v32 =	vld [tilespmem:s1+$0xFFFFFFD0];
	[tilespmem:s19+$0xFFFFFF40] =	vst v37  }
0x173: {  	v46 =	vmul.f32 v15, v34;
	v17 =	vmul.f32 $2.000000030e-01, v12;
	v26 =	vld [tilespmem:s24+$0xFFFFFE80];
	[tilespmem:s23+$0xFFFFFDD0] =	vst v50  }
0x174: {  	v48 =	vmul.f32 v14, v35;
	vm1 =	vge.f32 v12, $0.0e+00;
	v15 =	vadd.f32 v58, v57;
	[tilespmem:s23+$0xFFFFFDE0] =	vst v54;
	v34 =	vld [tilespmem:s24+$0xFFFFFE90]  }
0x175: {  	v47 =	vmul.f32 v13, v38;
	v14 =	vsel vm1, v12, v17;
	[tilespmem:s23+$0xFFFFFDF0] =	vst v49;
	v17 =	vld [tilespmem:s24+$0xFFFFFEA0];
	v12 =	vmul.f32 v16, v40  }
0x176: {  	v13 =	vmul.f32 $2.000000030e-01, v15;
	v16 =	vadd.f32 v60, v59;
	v14 =	vnsel vm0, $0x0, v14;
	[tilespmem:s23+$0xFFFFFE00] =	vst v53;
	v35 =	vld [tilespmem:s24+$0xFFFFFEB0]  }
0x177: {  	vm1 =	vge.f32 v15, $0.0e+00;
	v32 =	vadd.f32 v56, v32;
	v14 =	vmul.f32 $1.442695020e+00, v14;
	[tilespmem:s23+$0xFFFFFE10] =	vst v51;
	v37 =	vld [tilespmem:s24+$0xFFFFFEC0]  }
0x178: {  	v13 =	vsel vm1, v15, v13;
	vm1 =	vge.f32 v16, $0.0e+00;
	v15 =	vmul.f32 $2.000000030e-01, v16;
	[tilespmem:s23+$0xFFFFFE20] =	vst v55;
	v38 =	vld [tilespmem:s24+$0xFFFFFED0]  }
0x179: {  	vm2 =	vge.f32 v32, $0.0e+00;
	v40 =	vmul.f32 $2.000000030e-01, v32;
	(erf) = vpow2.f32 v14;
	[tilespmem:s23+$0xFFFFFE30] =	vst v52;
	v14 =	vld [tilespmem:s24+$0xFFFFFEE0]  }
0x17a: {  	v13 =	vnsel vm0, $0x0, v13;
	v15 =	vsel vm1, v16, v15;
	v16 =	vmul.f32 v44, v26;
	v26 =	vld [tilespmem:s24+$0xFFFFFEF0];
	[tilespmem:s19+$0xFFFFFF50] =	vst v25  }
0x17b: {  	v13 =	vmul.f32 $1.442695020e+00, v13;
	v25 =	vsel vm2, v32, v40;
	v15 =	vnsel vm0, $0x0, v15;
	v40 =	vld [tilespmem:s24+$0xFFFFFF00];
	[tilespmem:s19+$0xFFFFFF60] =	vst v23;
	s19 =	smov.u32 s23  }
0x17c: {  	v23 =	vnsel vm0, $0x0, v25;
	v15 =	vmul.f32 $1.442695020e+00, v15;
	[tilespmem:s23+$0xFFFFFE40] =	vst v16;
	v16 =	vmul.f32 v20, v34;
	v20 =	vld [tilespmem:s24+$0xFFFFFF10]  }
0x17d: {  	v23 =	vmul.f32 $1.442695020e+00, v23;
	(erf) = vpow2.f32 v13;
	v13 =	vld [tilespmem:s24+$0xFFFFFF20];
	[tilespmem:s23+$0xFFFFFF80] =	vst v30  }
0x17e: {  	(erf) = vpow2.f32 v15;
	[tilespmem:s23+$0xFFFFFE60] =	vst v16;
	v15 =	vmul.f32 v19, v17;
	v16 =	vld [tilespmem:s24+$0xFFFFFF30]  }
0x17f: {  	(erf) = vpow2.f32 v23;
	v23 =	vmul.f32 v18, v35;
	v18 =	vld [tilespmem:s24+$0xFFFFFF40];
	[tilespmem:s23+$0xFFFFFF90] =	vst v22  }
0x180: {  	v19 =	vmul.f32 v39, v38;
	[tilespmem:s23+$0xFFFFFE70] =	vst v15;
	v15 =	vmul.f32 v33, v37;
	v32 =	vld [tilespmem:s24+$0xFFFFFF50]  }
0x181: {  	v14 =	vmul.f32 v31, v14;
	v26 =	vmul.f32 v36, v26;
	[tilespmem:s23+$0xFFFFFE80] =	vst v23;
	v37 =	vld [tilespmem:s24+$0xFFFFFF60]  }
0x182: {  	v27 =	vmul.f32 v27, v40;
	v29 =	vmul.f32 v29, v20;
	v17 =	vpop (erf);
	[tilespmem:s23+$0xFFFFFE90] =	vst v15;
	v25 =	vld [tilespmem:s24+$0xFFFFFF70]  }
0x183: {  	v24 =	vmul.f32 v24, v13;
	s23 =	sadd.s32 $0x240, s23;
	v31 =	vnsel vm0, $0x0, v17;
	[tilespmem:s19+$0xFFFFFEA0] =	vst v19;
	v23 =	vld [tilespmem:s24+$0xFFFFFF80];
	v28 =	vmul.f32 v28, v16  }
0x184: {  	s24 =	sadd.s32 $0x200, s24;
	[tilespmem:s23+$0x0] =	vst v31;
	v30 =	vperm.xlane v31, v0;
	v22 =	vperm.xlane v31, v1  }
0x185: {  	v17 =	vperm.xlane v31, v2;
	v15 =	vperm.xlane v31, v3;
	v33 =	vld [tilespmem:s24+$0x0];
	[tilespmem:s19+$0xFFFFFEB0] =	vst v14  }
0x186: {  	v13 =	vperm.xlane v31, v5;
	v14 =	vperm.xlane v31, v4;
	v41 =	vld [tilespmem:s24+$0xFFFFFF90];
	v16 =	vpop (erf);
	[tilespmem:s19+$0xFFFFFEC0] =	vst v26  }
0x187: {  	v21 =	vmul.f32 v21, v18;
	v60 =	vnsel vm0, $0x0, v16;
	v42 =	vld [tilespmem:s24+$0xFFFFFFA0];
	v16 =	vperm.xlane v31, v6;
	v19 =	vpop (erf);
	[tilespmem:s19+$0xFFFFFED0] =	vst v27  }
0x188: {  	v27 =	vperm.xlane v31, v7;
	[tilespmem:s23+$0xFFFFFEE0] =	vst v60;
	v20 =	vperm.xlane v60, v0;
	v43 =	vnsel vm0, $0x0, v19;
	v26 =	vld [tilespmem:s24+$0xFFFFFFB0];
	v18 =	vpop (erf)  }
0x189: {  	v19 =	vperm.xlane v60, v1;
	v31 =	vnsel vm0, $0x0, v18;
	v18 =	vperm.xlane v60, v2;
	[tilespmem:s23+$0xFFFFFF70] =	vst v43;
	v34 =	vld [tilespmem:s24+$0xFFFFFFC0]  }
0x18a: {  	[tilespmem:s23+$0xFFFFFE50] =	vst v31;
	v50 =	vperm.xlane v31, v0;
	v35 =	vld [tilespmem:s24+$0xFFFFFFD0];
	v27 =	vmul.f32 v27, v33  }
0x18b: {  	v54 =	vperm.xlane v31, v1;
	v49 =	vperm.xlane v31, v2;
	v38 =	vld [tilespmem:s24+$0xFFFFFFE0];
	[tilespmem:s19+$0xFFFFFEF0] =	vst v29  }
0x18c: {  	v53 =	vperm.xlane v31, v3;
	v51 =	vperm.xlane v31, v4;
	v40 =	vld [tilespmem:s24+$0xFFFFFFF0];
	[tilespmem:s23+$0xFFFFFFF0] =	vst v27  }
0x18d: {  	v55 =	vperm.xlane v31, v5;
	v52 =	vperm.xlane v31, v6;
	v56 =	vld [tilespmem:s24+$0xFFFFFE10];
	[tilespmem:s19+$0xFFFFFF00] =	vst v24  }
0x18e: {  	v44 =	vperm.xlane v31, v7;
	v33 =	vperm.xlane v60, v3;
	v57 =	vld [tilespmem:s24+$0xFFFFFE20];
	[tilespmem:s19+$0xFFFFFF10] =	vst v28  }
.Ltmp6:
0x18f: {  	v39 =	vperm.xlane v60, v4;
	v31 =	vperm.xlane v60, v5;
	v58 =	vld [tilespmem:s24+$0xFFFFFE30];
	[tilespmem:s19+$0xFFFFFF20] =	vst v21;
	(pc) =	sbr.rel @p1 .LBB2_9-.Ltmp6, $4  }
0x190: {  	v36 =	vperm.xlane v60, v6;
	v27 =	vperm.xlane v60, v7;
	v59 =	vld [tilespmem:s24+$0xFFFFFE40];
	[tilespmem:s19+$0xFFFFFFA0] =	vst v45  }
0x191: {  	v29 =	vperm.xlane v43, v0;
	v24 =	vperm.xlane v43, v1;
	v60 =	vld [tilespmem:s24+$0xFFFFFE50];
	[tilespmem:s19+$0xFFFFFFB0] =	vst v46  }
0x192: {  	v28 =	vperm.xlane v43, v2;
	v21 =	vperm.xlane v43, v3;
	v61 =	vld [tilespmem:s24+$0xFFFFFE60];
	[tilespmem:s19+$0xFFFFFFC0] =	vst v48  }
0x193: {  	s1 =	sadd.s32 $0x40, s1;
	v46 =	vperm.xlane v43, v5;
	v48 =	vperm.xlane v43, v4;
	v62 =	vld [tilespmem:s24+$0xFFFFFE70];
	[tilespmem:s19+$0xFFFFFFD0] =	vst v47  }
0x194: {  	v10 =	vmul.f32 v10, v32  }
0x195: {  	[tilespmem:s19+$0xFFFFFFE0] =	vst v12;
	v11 =	vmul.f32 v11, v37  }
0x196: {  	v45 =	vmul.f32 v50, v56;
	[tilespmem:s19+$0xFFFFFF30] =	vst v10  }
0x197: {  	v47 =	vmul.f32 v54, v57;
	[tilespmem:s19+$0xFFFFFF40] =	vst v11  }
0x198: {  	v50 =	vld [tilespmem:s24+$0xFFFFFE80];
	v54 =	vmul.f32 v49, v58;
	[tilespmem:s23+$0xFFFFFDD0] =	vst v45  }
0x199: {  	v8 =	vmul.f32 v8, v25;
	[tilespmem:s23+$0xFFFFFDE0] =	vst v47  }
0x19a: {  	v9 =	vmul.f32 v9, v23;
	[tilespmem:s23+$0xFFFFFDF0] =	vst v54  }
0x19b: {  	v15 =	vmul.f32 v15, v34;
	[tilespmem:s19+$0xFFFFFF50] =	vst v8  }
0x19c: {  	v56 =	vmul.f32 v53, v59;
	[tilespmem:s19+$0xFFFFFF60] =	vst v9  }
0x19d: {  	v57 =	vmul.f32 v51, v60;
	[tilespmem:s23+$0xFFFFFFB0] =	vst v15  }
0x19e: {  	v63 =	vld [tilespmem:s24+$0xFFFFFED0];
	v8 =	vmul.f32 v30, v41;
	[tilespmem:s23+$0xFFFFFE00] =	vst v56  }
0x19f: {  	v32 =	vld [tilespmem:s24+$0xFFFFFEE0];
	v47 =	vmul.f32 v22, v42;
	[tilespmem:s23+$0xFFFFFE10] =	vst v57  }
0x1a0: {  	v49 =	vld [tilespmem:s24+$0xFFFFFF00];
	v58 =	vmul.f32 v55, v61;
	[tilespmem:s23+$0xFFFFFF80] =	vst v8  }
0x1a1: {  	v59 =	vld [tilespmem:s24+$0xFFFFFE90];
	v60 =	vmul.f32 v52, v62;
	[tilespmem:s23+$0xFFFFFF90] =	vst v47  }
0x1a2: {  	v45 =	vld [tilespmem:s24+$0xFFFFFEA0];
	[tilespmem:s23+$0xFFFFFE20] =	vst v58;
	v11 =	vmul.f32 v44, v50  }
0x1a3: {  	v41 =	vld [tilespmem:s24+$0xFFFFFEF0];
	v12 =	vmul.f32 v39, v63;
	[tilespmem:s23+$0xFFFFFE30] =	vst v60  }
0x1a4: {  	v61 =	vld [tilespmem:s24+$0xFFFFFEB0];
	v54 =	vmul.f32 v31, v32;
	[tilespmem:s23+$0xFFFFFE40] =	vst v11  }
0x1a5: {  	v62 =	vld [tilespmem:s24+$0xFFFFFEC0];
	v22 =	vmul.f32 v27, v49;
	[tilespmem:s23+$0xFFFFFEA0] =	vst v12  }
0x1a6: {  	v58 =	vmul.f32 v17, v26;
	[tilespmem:s23+$0xFFFFFEB0] =	vst v54  }
0x1a7: {  	v44 =	vmul.f32 v20, v59;
	[tilespmem:s23+$0xFFFFFED0] =	vst v22  }
0x1a8: {  	v59 =	vmul.f32 v14, v35;
	[tilespmem:s23+$0xFFFFFFA0] =	vst v58  }
0x1a9: {  	v60 =	vmul.f32 v13, v38;
	[tilespmem:s23+$0xFFFFFE60] =	vst v44  }
0x1aa: {  	v51 =	vld [tilespmem:s24+$0xFFFFFF20];
	v8 =	vmul.f32 v19, v45;
	[tilespmem:s23+$0xFFFFFFC0] =	vst v59  }
0x1ab: {  	v52 =	vld [tilespmem:s24+$0xFFFFFF30];
	v9 =	vmul.f32 v36, v41;
	[tilespmem:s23+$0xFFFFFFD0] =	vst v60  }
0x1ac: {  	v55 =	vld [tilespmem:s24+$0xFFFFFF60];
	v10 =	vmul.f32 v18, v61;
	[tilespmem:s23+$0xFFFFFE70] =	vst v8  }
0x1ad: {  	v50 =	vld [tilespmem:s24+$0xFFFFFF10];
	v8 =	vmul.f32 v33, v62;
	[tilespmem:s23+$0xFFFFFEC0] =	vst v9  }
0x1ae: {  	v53 =	vld [tilespmem:s24+$0xFFFFFF40];
	v61 =	vmul.f32 v16, v40;
	[tilespmem:s23+$0xFFFFFE80] =	vst v10  }
0x1af: {  	v18 =	vmul.f32 v24, v51;
	[tilespmem:s23+$0xFFFFFE90] =	vst v8;
	v8 =	vld [tilespmem:s24+$0xFFFFFF50]  }
0x1b0: {  	v56 =	vld [tilespmem:s24+$0xFFFFFF70];
	v19 =	vmul.f32 v28, v52;
	[tilespmem:s23+$0xFFFFFFE0] =	vst v61  }
0x1b1: {  	v57 =	vld [tilespmem:s24+$0xFFFFFF80];
	v12 =	vmul.f32 v46, v55;
	[tilespmem:s23+$0xFFFFFF00] =	vst v18  }
0x1b2: {  	v11 =	vmul.f32 v29, v50;
	[tilespmem:s23+$0xFFFFFF10] =	vst v19  }
0x1b3: {  	v62 =	vperm.xlane v43, v6;
	v10 =	vmul.f32 v21, v53;
	[tilespmem:s23+$0xFFFFFF40] =	vst v12  }
0x1b4: {  	v63 =	vperm.xlane v43, v7;
	[tilespmem:s23+$0xFFFFFEF0] =	vst v11;
	v8 =	vmul.f32 v48, v8  }
.Ltmp7:
0x1b5: {  	[tilespmem:s23+$0xFFFFFF20] =	vst v10;
	v10 =	vmul.f32 v62, v56;
	(pc) =	sbr.rel @p0 .LBB2_12-.Ltmp7, $4  }
0x1b6: {  	[tilespmem:s23+$0xFFFFFF30] =	vst v8;
	v8 =	vmul.f32 v63, v57  }
0x1b7: {  	[tilespmem:s23+$0xFFFFFF50] =	vst v10  }
0x1b8: {  	[tilespmem:s23+$0xFFFFFF60] =	vst v8  }
0x1b9: {  	[spmem:s2] =	stream.indirect.scatter.add.f32 [tilespmem:s15], [sflag:$0xA], $0x90, s10, s22, $0xb8;
	[tilespmem:$0x1FD00] =	vst v63  }
0x1ba: {  	s0 =	sadd.s32 $0x3, s18  }
0x1bb: {  	s1 =	sadd.s32 s13, s0  }
0x1bc: {  	s1 =	sshll.u32 s1, $0x3  }
.Ltmp8:
0x1bd: {  	s0 =	sshll.u32 s0, $0x6;
	s1 =	sand.u32 $0x1FFFFFF8, s1;
	(pc) =	sbr.rel .LBB2_2-.Ltmp8, $4  }
0x1be: {  	s0 =	sand.u32 $0xC0, s0;
	s10 =	sadd.s32 s4, s1  }
0x1bf: {  	[tilespmem:s22], [sflag:$0x2] =	stream.linear.gather [hbm4b:s10+s3], $0x40, $0x38;
	[tilespmem:$0x1FD00] =	vst v63  }
0x1c0: {  	s16 =	sadd.s32 $0x1, s16;
	s0 =	sadd.s32 $0x80, s0;
	s1 =	sadd.s32 s5, s1  }
0x1c1: {  	[tilespmem:s0], [sflag:$0x2] =	stream.linear.gather [hbm4b:s1+s3], $0x40, $0x38;
	[tilespmem:$0x1FD00] =	vst v63  }
.LBB2_13:
0x1c2: {  	_ =	sfence.sel $0x180000  }
0x1c3: {  	[bflag:$0x0] =	sbarrier.arrive $0xFFFF  }
0x1c4: {  	_ =	strace $0x9000004A  }
0x1c5: {  	s0 =	stileid.u32;
	[bflag:$0x2] =	sbarrier.arrive $0xFFFF  }
0x1c6: {  	p0 =	sne.s32 s0, $0x0;
	s0 =	rddreg [dreg:$0x2]  }
0x1c7: {  	s0 =	sadd.s32 @!p0 $0x100000, s0  }
0x1c8: {  	[sflag:s0] =	ssyncadd.tile.s32 @!p0 $0x1;
	_ =	shalt  }
.Lfunc_end2:
_tile_overlayer_lowered:
.L_overlay_start_2:
0x1c9: {  	(tag) =	ssettag $0x2  }
0x1ca: {  	s0 =	rddreg [dreg:$0x0];
	s2 =	stileid.u32  }
0x1cb: {  	s1 =	rddreg [dreg:$0x1];
	p0 =	sne.s32 s2, $0x0  }
0x1cc: {  	s3 =	rddreg [dreg:$0x2];
	[bflag:$0x3] =	sbarrier.arrive $0xFFFF;
	s2 =	simm.s32 @!p0 $0x1C0B  }
0x1cd: {  	[timem:s3], [sflag:s2] =	dma.local @!p0 [hbm:s0], s1  }
0x1ce: {  	s0 =	simm.s32 @!p0 $0xB  }
0x1cf: {  	_ =	swait.ge @!p0 [sflag:s0], s1  }
0x1d0: {  	s1 =	ssub.s32 @!p0 $0x0, s1;
	[sflag:s0] =	ssyncset.done @!p0 $0x0  }
0x1d1: {  	[sflag:s0] =	ssyncadd.s32 @!p0 s1  }
0x1d2: {  	[bflag:$0x3] =	sbarrier.arrive $0xFFFF  }
0x1d3: {  	_ =	shalt  }

// kernel: kernel.7.cloned.1.call-start
scs
__scs_entry_jumppad:
0x0: {  	(pc) =	sbr.rel $0x88, $3  }
0x1: {  	(tag) =	ssettag $0x0;
	lr =	simm.s32 $0x1  }
0x2: {  	[smem:$0x3F92] =	sst lr;
	_ =	strace $0xD0000000  }
0x3: {  	_ = 	snop  }
0x4: {  	_ = 	snop  }
0x5: {  	_ = 	snop  }
0x6: {  	_ = 	snop  }
0x7: {  	_ = 	snop  }
__scs_overlays_trampoline_lowered:
0x8: {  	[smem:$0x3FA1] =	sst s0  }
0x9: {  	[smem:$0x3FA2] =	sst s1  }
0xa: {  	[smem:$0x3FA3] =	sst s2  }
0xb: {  	[smem:$0x3FA4] =	sst s3  }
0xc: {  	[smem:$0x3FA5] =	sst s4  }
0xd: {  	[smem:$0x3FA6] =	sst s5  }
0xe: {  	[smem:$0x3FA7] =	sst s6  }
0xf: {  	[smem:$0x3FA8] =	sst s7  }
0x10: {  	[smem:$0x3FA9] =	sst s8  }
0x11: {  	[smem:$0x3FAA] =	sst s9;
	s0 =	simm.s32 @!p0 $0x0  }
0x12: {  	s1 =	sld [smem:$0x3F90];
	s0 =	simm.s32 @p0 $0x1  }
0x13: {  	[smem:$0x3FAB] =	sst s0;
	s0 =	simm.s32 @!p1 $0x0  }
0x14: {  	s2 =	sld [smem:$0x3F8F];
	s0 =	simm.s32 @p1 $0x1  }
0x15: {  	[smem:$0x3FAC] =	sst s0;
	s0 =	simm.s32 @!p2 $0x0  }
0x16: {  	s3 =	sld [smem:$0x3FDB];
	s0 =	simm.s32 @p2 $0x1  }
0x17: {  	s4 =	simm.s32 $0x1BF5;
	[smem:$0x3FAE] =	sst s0  }
0x18: {  	s0 =	sld [smem:$0x3F91];
	_ =	swait.ge [sflag:s4], $0x0  }
0x19: {  	s7 =	sld [smem:$0x3F92]  }
0x1a: {  	s8 =	sadd.s32 $0xFFFFE003, lr  }
0x1b: {  	s9 =	sadd.s32 $0xFFFFFEF7, lr;
	s5 =	simm.s32 $0xFFFFFFFF;
	p2 =	slt.u32 s8, $0xFFFFF086  }
0x1c: {  	p1 =	slt.u32 s9, $0xF7A;
	s5 =	simm.s32 @!p2 $0x0  }
0x1d: {  	s5 =	simm.s32 @p1 $0x1;
	p0 =	seq.s32 s7, s2  }
0x1e: {  	s7 =	smul.u32 @!p0 $0xF7A, s2;
	p2 =	seq.s32 @!p0 s5, $0x0  }
0x1f: {  	s9 =	smul.u32 $0xF7A, s1;
	s8 =	simm.s32 @!p0 $0x1BF5;
	p2 =	por !p2, p0  }
0x20: {  	[sflag:s8] =	ssyncset.s32 @!p0 $0xFFFFF086;
	s6 =	sadd.s32 @!p0 s3, s7;
	s7 =	simm.s32 @!p0 $0x108  }
0x21: {  	s3 =	sadd.s32 s3, s9;
	s6 =	sadd.s32 @!p0 $0x88, s6;
	s7 =	simm.s32 @p2 $0x1082  }
0x22: {  	[simem:s7], [sflag:s8] =	dma.local @!p0 [hbm:s6], $0xF7A  }
0x23: {  	s9 =	sor.u32 $0xD0000000, s2;
	s6 =	simm.s32 $0x108;
	_ =	swait.ge @!p0 [sflag:s8], $0x0  }
0x24: {  	s3 =	sadd.s32 $0x88, s3;
	s6 =	simm.s32 @!p1 $0x1082;
	[sflag:s4] =	ssyncset.s32 $0xFFFFF086  }
0x25: {  	[simem:s6], [sflag:s4] =	dma.local [hbm:s3], $0xF7A  }
0x26: {  	[smem:$0x3F92] =	sst s1;
	(tag) =	ssettag s2;
	_ =	strace s9  }
0x27: {  	s1 =	sld [smem:$0x3FA2]  }
0x28: {  	s2 =	sld [smem:$0x3FA3]  }
0x29: {  	s4 =	sld [smem:$0x3FA5]  }
0x2a: {  	p0 =	seq.s32 s5, $0x0;
	s5 =	sld [smem:$0x3FA6]  }
0x2b: {  	s6 =	sld [smem:$0x3FA7]  }
0x2c: {  	s7 =	sld [smem:$0x3FA8]  }
0x2d: {  	s3 =	simm.s32 $0x108;
	s8 =	sld [smem:$0x3FA9]  }
0x2e: {  	s3 =	simm.s32 @!p0 $0x1082;
	s9 =	sld [smem:$0x3FAA]  }
0x2f: {  	lr =	sadd.s32 s0, s3;
	s0 =	sld [smem:$0x3FA1]  }
0x30: {  	s3 =	sld [smem:$0x3FA4]  }
0x31: {  	[smem:$0x3FAD] =	sst s10  }
0x32: {  	s10 =	sld [smem:$0x3FAB];
	_ =	sdelay $0x3  }
0x33: {  	p0 =	seq.s32 s10, $0x1;
	s10 =	sld [smem:$0x3FAD];
	_ =	sdelay $0x3  }
0x34: {  	[smem:$0x3FAD] =	sst s10  }
0x35: {  	s10 =	sld [smem:$0x3FAC];
	_ =	sdelay $0x3  }
0x36: {  	p1 =	seq.s32 s10, $0x1;
	s10 =	sld [smem:$0x3FAD];
	_ =	sdelay $0x3  }
0x37: {  	[smem:$0x3FAD] =	sst s10  }
0x38: {  	s10 =	sld [smem:$0x3FAE]  }
0x39: {  	_ = 	snop;
	(pc) =	sbr.ind lr, $3  }
0x3a: {  	_ = 	snop  }
0x3b: {  	_ = 	snop  }
0x3c: {  	p2 =	seq.s32 s10, $0x1;
	s10 =	sld [smem:$0x3FAD]  }
0x3d: {  	_ =	shalt  }
0x3e: {  	_ =	shalt  }
0x3f: {  	_ =	shalt  }
0x40: {  	_ =	shalt  }
0x41: {  	_ =	shalt  }
0x42: {  	_ =	shalt  }
0x43: {  	_ =	shalt  }
0x44: {  	_ =	shalt  }
0x45: {  	_ =	shalt  }
0x46: {  	_ =	shalt  }
0x47: {  	_ =	shalt  }
0x48: {  	_ =	shalt  }
0x49: {  	_ =	shalt  }
0x4a: {  	_ =	shalt  }
0x4b: {  	_ =	shalt  }
0x4c: {  	_ =	shalt  }
0x4d: {  	_ =	shalt  }
0x4e: {  	_ =	shalt  }
0x4f: {  	_ =	shalt  }
0x50: {  	_ =	shalt  }
0x51: {  	_ =	shalt  }
0x52: {  	_ =	shalt  }
0x53: {  	_ =	shalt  }
0x54: {  	_ =	shalt  }
0x55: {  	_ =	shalt  }
0x56: {  	_ =	shalt  }
0x57: {  	_ =	shalt  }
0x58: {  	_ =	shalt  }
0x59: {  	_ =	shalt  }
0x5a: {  	_ =	shalt  }
0x5b: {  	_ =	shalt  }
0x5c: {  	_ =	shalt  }
0x5d: {  	_ =	shalt  }
0x5e: {  	_ =	shalt  }
0x5f: {  	_ =	shalt  }
0x60: {  	_ =	shalt  }
0x61: {  	_ =	shalt  }
0x62: {  	_ =	shalt  }
0x63: {  	_ =	shalt  }
0x64: {  	_ =	shalt  }
0x65: {  	_ =	shalt  }
0x66: {  	_ =	shalt  }
0x67: {  	_ =	shalt  }
0x68: {  	_ =	shalt  }
0x69: {  	_ =	shalt  }
0x6a: {  	_ =	shalt  }
0x6b: {  	_ =	shalt  }
0x6c: {  	_ =	shalt  }
0x6d: {  	_ =	shalt  }
0x6e: {  	_ =	shalt  }
0x6f: {  	_ =	shalt  }
0x70: {  	_ =	shalt  }
0x71: {  	_ =	shalt  }
0x72: {  	_ =	shalt  }
0x73: {  	_ =	shalt  }
0x74: {  	_ =	shalt  }
0x75: {  	_ =	shalt  }
0x76: {  	_ =	shalt  }
0x77: {  	_ =	shalt  }
0x78: {  	_ =	shalt  }
0x79: {  	_ =	shalt  }
0x7a: {  	_ =	shalt  }
0x7b: {  	_ =	shalt  }
0x7c: {  	_ =	shalt  }
0x7d: {  	_ =	shalt  }
0x7e: {  	_ =	shalt  }
0x7f: {  	_ =	shalt  }
0x80: {  	_ =	shalt  }
0x81: {  	_ =	shalt  }
0x82: {  	_ =	shalt  }
0x83: {  	_ =	shalt  }
0x84: {  	_ =	shalt  }
0x85: {  	_ =	shalt  }
0x86: {  	_ =	shalt  }
0x87: {  	_ =	shalt  }
.Lfunc_end0:
.L_simem_size_0:
called_computation_lowered:
.L_overlay_start_0:
0x88: {  	s2 =	sld [smem:$0x3FD9]  }
0x89: {  	s3 =	sld [smem:$0x3FFE];
	_ =	sdelay $0x1  }
0x8a: {  	s1 =	srdreg.scid  }
0x8b: {  	s0 =	sand.u32 $0x1, s1  }
0x8c: {  	s16 =	sshll.u32 s0, $0xA;
	s2 =	sadd.s32 s3, s2  }
0x8d: {  	s2 =	sadd.s32 s2, s16  }
0x8e: {  	[smem:$0x3FB9] =	sst s2  }
0x8f: {  	_ = 	snop  }
0x90: {  	(tm) =	ssettm $0x1  }
0x91: {  	s17 =	sld [smem:$0x3FFB];
	_ =	sdelay $0x3  }
0x92: {  	_ =	strace s17  }
0x93: {  	s2 =	sld [smem:$0x3FFC];
	_ =	sdelay $0x3  }
0x94: {  	_ =	strace s2  }
0x95: {  	s2 =	sld [smem:$0x3FFD];
	_ =	sdelay $0x3  }
0x96: {  	_ =	strace s2  }
0x97: {  	_ =	strace $0x8FFFFFFF  }
0x98: {  	s18 =	sld [smem:$0x3FDB];
	_ =	sdelay $0x1  }
0x99: {  	s19 =	simm.s32 $_scs_section_size  }
0x9a: {  	s4 =	simm.s32 $_size__tile_overlayer_lowered;
	s5 =	simm.s32 $_tile_overlayer_lowered  }
0x9b: {  	s22 =	simm.s32 $0x1BFF;
	s21 =	sshll.u32 s5, $0x1;
	s2 =	sadd.s32 s19, s18  }
0x9c: {  	s6 =	simm.s32 $0x0;
	s20 =	sshll.u32 s4, $0x1;
	s4 =	sadd.s32 s21, s2  }
0x9d: {  	[timem:s6], [sflag:s22] =	dma.local [hbm:s4], s20  }
0x9e: {  	_ =	swait.ge [sflag:s22], s20  }
0x9f: {  	s3 =	ssub.s32 $0x0, s20;
	[sflag:s22] =	ssyncset.done $0x0  }
0xa0: {  	[sflag:s22] =	ssyncadd.s32 s3;
	_ =	sdelay $0x1  }
0xa1: {  	s23 =	simm.s32 $0x1B8B  }
0xa2: {  	_ =	swait.ge [sflag:s23], $0x1  }
0xa3: {  	[sflag:s23] =	ssyncset.done $0x0  }
0xa4: {  	s25 =	simm.s32 $0x1B8E;
	s24 =	sld [smem:$0x3FFE];
	[sflag:s23] =	ssyncadd.s32 $0xFFFFFFFF  }
0xa5: {  	s26 =	simm.s32 $execute0_lowered;
	[smem:$0x3FD2] =	sst s25  }
0xa6: {  	s4 =	sshll.u32 s26, $0x1;
	_ =	strace $0x80000046;
	[dreg:$0x1] =	wrdreg $0xFFFFFFFF  }
0xa7: {  	s28 =	simm.s32 $_size_execute0_lowered;
	s2 =	sadd.s32 s2, s4;
	[dreg:$0x0] =	wrdreg $0x0  }
0xa8: {  	s4 =	sshll.u32 s28, $0x1;
	[dreg:$0x2] =	wrdreg s2  }
0xa9: {  	[dreg:$0x3] =	wrdreg s4  }
0xaa: {  	[dreg:$0x4] =	wrdreg $0xC0  }
0xab: {  	_ =	task [dreg:s6], $0x5FFFF  }
0xac: {  	[dreg:$0x1] =	wrdreg $0xFFFFFFFF  }
0xad: {  	[dreg:$0x0] =	wrdreg $0x60  }
0xae: {  	[dreg:$0x2] =	wrdreg s24  }
0xaf: {  	[dreg:$0x3] =	wrdreg $0x99800  }
0xb0: {  	[dreg:$0x4] =	wrdreg $0x9  }
0xb1: {  	_ =	task.clear_ibuf [dreg:s6], $0x5FFFF;
	_ =	strace $0x90000046  }
0xb2: {  	s29 =	simm.s32 $0x9;
	_ =	strace $0x80000048  }
0xb3: {  	_ =	swait.ge [sflag:s29], $0x1  }
0xb4: {  	[sflag:s29] =	ssyncadd.s32 $0xFFFFFFFF  }
0xb5: {  	_ =	strace $0x90000048  }
0xb6: {  	_ =	sfence  }
0xb7: {  	s30 =	sld [smem:$0x0];
	_ =	sdelay $0x2  }
0xb8: {  	s31 =	sshll.u32 s1, $0xD;
	s1 =	sshrl.u32 s1, $0x2  }
0xb9: {  	s3 =	sand.u32 $0x4000, s31;
	s1 =	sadd.s32 s1, s30  }
0xba: {  	s0 =	sor.u32 s3, s0;
	s1 =	sshll.u32 s1, $0x11  }
0xbb: {  	s0 =	sor.u32 s1, s0  }
0xbc: {  	s0 =	sadd.s32 $0x8F2B, s0  }
0xbd: {  	[sflag:s0] =	ssyncadd.remote.s32 $0x1  }
0xbe: {  	_ =	sfence.sel $0xFFFF  }
0xbf: {  	[dreg:$0x0] =	wrdreg $0xFFFFFFFF;
	(pc) =	sbr.abs _section_cstart, $3  }
0xc0: {  	[dreg:$0x1] =	wrdreg $0xFFFFFFFF  }
0xc1: {  	_ =	task.clear_ibuf [dreg:s6], $0x2FFFF;
	_ =	strace $0x9FFFFFFF  }
0xc2: {  	(tm) =	ssettm $0x7FFFFFFF  }
0xc3: {  	_ =	shalt  }
tec
execute0_lowered:
.L_overlay_start_1:
0x0: {  	(tag) =	ssettag $0x1  }
0x1: {  	s0 =	rddreg [dreg:$0x0]  }
0x2: {  	s2 =	rddreg [dreg:$0x1];
	s3 =	simm.s32 $0x0;
	s15 =	stileid.u32  }
0x3: {  	s6 =	srdreg.scid;
	s28 =	simm.s32 $0x3;
	s29 =	simm.s32 $0x5  }
0x4: {  	s30 =	simm.s32 $0x7;
	s31 =	simm.s32 $0x2;
	s17 =	simm.s32 $0x0  }
0x5: {  	[smem:$0x7FF] =	sst s3;
	s1 =	smul.u32 $0x16380, s15;
	s4 =	sadd.s32 $0x3C800, s0  }
0x6: {  	s5 =	sadd.s32 $0x32600, s0;
	s9 =	sand.u32 $0x1, s6;
	s6 =	sadd.s32 $0x1400, s0  }
0x7: {  	s7 =	sadd.s32 $0x2D600, s0;
	s8 =	sadd.s32 $0x28600, s0;
	s13 =	sshll.u32 s15, $0x1  }
0x8: {  	s21 =	sshll.u32 s15, $0x6;
	s15 =	simm.s32 $0x7580;
	_ =	strace $0x80000047  }
0x9: {  	s11 =	smul.u32 $0x163800, s9;
	s12 =	ssub.s32 $0x2, s9;
	s9 =	sor.u32 s9, s13  }
0xa: {  	s16 =	sor.u32 $0x1C0B, s21;
	s21 =	simm.s32 $0x1;
	s20 =	smul.u32 $0x510, s9  }
0xb: {  	s10 =	sshrl.u32 s1, $0x3;
	s14 =	sshrl.u32 s12, $0x1;
	s13 =	smul.u32 $0xA2, s9  }
0xc: {  	s9 =	simm.s32 $0x4;
	[dreg:$0x4] =	wrdreg s16;
	s10 =	sadd.s32 s10, s0  }
0xd: {  	s11 =	sadd.s32 s1, s11;
	s19 =	ssub.s32 s12, s14;
	s1 =	sadd.s32 s1, s2  }
0xe: {  	s14 =	simm.s32 $0xA;
	s11 =	sshrl.u32 s11, $0x3;
	s10 =	sadd.s32 $0x46A00, s10  }
0xf: {  	s22 =	sadd.s32 s4, s20;
	s23 =	sor.u32 $0x8, s20;
	[dreg:$0x3] =	wrdreg s10  }
0x10: {  	s12 =	sadd.s32 s5, s20;
	s26 =	smax.u32 s19, $0x1;
	[dreg:$0x5] =	wrdreg s22  }
0x11: {  	s1 =	sshrl.u32 s1, $0x3;
	s20 =	simm.s32 $0x5180;
	[dreg:$0x6] =	wrdreg s12  }
.Ltmp0:
0x12: {  	s0 =	sadd.s32 s11, s0;
	[dreg:$0xa] =	wrdreg s26;
	(pc) =	sbr.rel .LBB2_1-.Ltmp0, $4  }
0x13: {  	s24 =	sadd.s32 s4, s23;
	s25 =	sadd.s32 s5, s23;
	[dreg:$0xb] =	wrdreg s1  }
0x14: {  	vm0 =	vmmov $0xff;
	v0 =	vimm.s32 $0x0;
	v1 =	vimm.s32 $0x1;
	s10 =	simm.s32 $0xB;
	s22 =	simm.s32 $0x40;
	[dreg:$0x7] =	wrdreg s24  }
0x15: {  	v2 =	vimm.s32 $0x2;
	v3 =	vimm.s32 $0x3;
	v4 =	vimm.s32 $0x4;
	s26 =	simm.s32 $0x4D80;
	[dreg:$0x8] =	wrdreg s25;
	s0 =	sadd.s32 $0x73200, s0  }
0x16: {  	v5 =	vimm.s32 $0x5;
	v6 =	vimm.s32 $0x6;
	v7 =	vimm.s32 $0x7;
	s11 =	simm.s32 $0x6;
	s12 =	simm.s32 $0x8;
	[dreg:$0x9] =	wrdreg s0  }
.LBB2_12:
0x17: {  	s0 =	simm.s32 $0x9  }
0x18: {  	_ =	swait.ge [sflag:s0], $0x2400  }
0x19: {  	[sflag:s0] =	ssyncset.done $0x0  }
0x1a: {  	[sflag:s0] =	ssyncadd.s32 $0xFFFFDC00  }
0x1b: {  	_ =	swait.ge [sflag:s14], $0x2400  }
0x1c: {  	[sflag:s14] =	ssyncset.done $0x0  }
0x1d: {  	[sflag:s14] =	ssyncadd.s32 $0xFFFFDC00  }
0x1e: {  	[bflag:$0x0] =	sbarrier.arrive $0xFFFF  }
0x1f: {  	s16 =	rddreg [dreg:$0x4]  }
0x20: {  	s24 =	rddreg [dreg:$0x9]  }
0x21: {  	s10 =	simm.s32 $0xB;
	s1 =	rddreg [dreg:$0xb]  }
0x22: {  	[hbm:s24], [sflag:s16] =	dma.local [spmem:s1], $0x2C70  }
0x23: {  	_ =	swait.ge [sflag:s10], $0x2C70  }
0x24: {  	s17 =	rddreg [dreg:$0xc]  }
0x25: {  	s25 =	rddreg [dreg:$0xa];
	s17 =	sadd.s32 $0x1, s17  }
0x26: {  	p0 =	sne.s32 s17, s25  }
.Ltmp1:
0x27: {  	_ = 	snop;
	(pc) =	sbr.rel @!p0 .LBB2_13-.Ltmp1, $3  }
0x28: {  	_ =	sdelay $0x1  }
0x29: {  	[sflag:s10] =	ssyncset.done $0x0  }
0x2a: {  	[sflag:s10] =	ssyncadd.s32 $0xFFFFD390  }
.LBB2_1:
0x2b: {  	[dreg:$0xc] =	wrdreg s17  }
0x2c: {  	s0 =	rddreg [dreg:$0x3]  }
0x2d: {  	[spmem:s1], [sflag:s16] =	dma.local [hbm:s0], $0x2C70  }
0x2e: {  	_ =	swait.ge [sflag:s10], $0x2C70  }
0x2f: {  	[sflag:s10] =	ssyncset.done $0x0  }
0x30: {  	s1 =	rddreg [dreg:$0x5];
	[sflag:s10] =	ssyncadd.s32 $0xFFFFD390  }
0x31: {  	[tilespmem:s3], [sflag:$0x1] =	stream.linear.gather [hbm4b:s1+s3], $0x40, $0x38;
	[tilespmem:$0x1FD00] =	vst v63  }
0x32: {  	s16 =	simm.s32 $0x80;
	s10 =	rddreg [dreg:$0x6]  }
0x33: {  	[tilespmem:s16], [sflag:$0x1] =	stream.linear.gather [hbm4b:s10+s3], $0x40, $0x38;
	[tilespmem:$0x1FD00] =	vst v63  }
0x34: {  	_ =	swait.ge [sflag:s21], $0x40  }
0x35: {  	[sflag:s21] =	ssyncset.done $0x0  }
0x36: {  	[sflag:s21] =	ssyncadd.s32 $0xFFFFFFC0  }
0x37: {  	_ =	swait.ge [sflag:s21], $0x40  }
0x38: {  	[sflag:s21] =	ssyncset.done $0x0  }
0x39: {  	s17 =	simm.s32 $0x180;
	[sflag:s21] =	ssyncadd.s32 $0xFFFFFFC0  }
0x3a: {  	[tilespmem:s17], [sflag:$0x3] =	stream.indirect.gather [hbm4b:s6+s22], $0x80, s3, s22, $0xb8;
	[tilespmem:$0x1FD00] =	vst v63  }
0x3b: {  	s18 =	simm.s32 $0x4180  }
0x3c: {  	[tilespmem:s18], [sflag:$0x5] =	stream.indirect.gather [hbm4b:s7+s22], $0x10, s3, s22, $0xb8;
	[tilespmem:$0x1FD00] =	vst v63  }
0x3d: {  	s19 =	simm.s32 $0x4980  }
0x3e: {  	[tilespmem:s19], [sflag:$0x7] =	stream.indirect.gather [hbm4b:s8+s22], $0x10, s16, s22, $0xb8;
	[tilespmem:$0x1FD00] =	vst v63  }
0x3f: {  	s23 =	rddreg [dreg:$0x7]  }
0x40: {  	[tilespmem:s22], [sflag:$0x2] =	stream.linear.gather [hbm4b:s23+s3], $0x40, $0x38;
	[tilespmem:$0x1FD00] =	vst v63  }
0x41: {  	s25 =	simm.s32 $0xC0;
	s24 =	rddreg [dreg:$0x8]  }
0x42: {  	[tilespmem:s25], [sflag:$0x2] =	stream.linear.gather [hbm4b:s24+s3], $0x40, $0x38;
	[tilespmem:$0x1FD00] =	vst v63  }
0x43: {  	s16 =	simm.s32 $0x0;
	[bflag:$0x0] =	sbarrier.arrive $0xFFFF  }
.LBB2_2:
0x44: {  	_ =	swait.ge [sflag:s28], $0x2000  }
0x45: {  	[sflag:s28] =	ssyncset.done $0x0  }
0x46: {  	[sflag:s28] =	ssyncadd.s32 $0xFFFFE000  }
0x47: {  	_ =	swait.ge [sflag:s29], $0x400  }
0x48: {  	[sflag:s29] =	ssyncset.done $0x0  }
0x49: {  	[sflag:s29] =	ssyncadd.s32 $0xFFFFFC00  }
0x4a: {  	_ =	swait.ge [sflag:s30], $0x400  }
0x4b: {  	[sflag:s30] =	ssyncset.done $0x0  }
0x4c: {  	[sflag:s30] =	ssyncadd.s32 $0xFFFFFC00  }
0x4d: {  	_ =	swait.ge [sflag:s31], $0x40  }
0x4e: {  	[sflag:s31] =	ssyncset.done $0x0  }
0x4f: {  	[sflag:s31] =	ssyncadd.s32 $0xFFFFFFC0  }
0x50: {  	_ =	swait.ge [sflag:s31], $0x40  }
0x51: {  	[sflag:s31] =	ssyncset.done $0x0  }
0x52: {  	s0 =	sshll.u32 s16, $0x7;
	s1 =	simm.s32 $0x2180;
	[sflag:s31] =	ssyncadd.s32 $0xFFFFFFC0  }
0x53: {  	[tilespmem:s1], [sflag:$0x4] =	stream.indirect.gather [hbm4b:s6+s22], $0x80, s22, s22, $0xb8;
	[tilespmem:$0x1FD00] =	vst v63  }
0x54: {  	s23 =	simm.s32 $0x4580;
	p1 =	seq.s32 s16, $0x0;
	s25 =	sand.u32 $0x80, s0  }
0x55: {  	[tilespmem:s23], [sflag:$0x6] =	stream.indirect.gather [hbm4b:s7+s22], $0x10, s22, s22, $0xb8;
	[tilespmem:$0x1FD00] =	vst v63  }
0x56: {  	s0 =	simm.s32 @!p1 $0x9;
	s10 =	sadd.s32 $0xC0, s25  }
0x57: {  	[tilespmem:s26], [sflag:$0x8] =	stream.indirect.gather [hbm4b:s8+s22], $0x10, s10, s22, $0xb8;
	[tilespmem:$0x1FD00] =	vst v63  }
0x58: {  	_ =	swait.ge @!p1 [sflag:s0], $0x2400  }
0x59: {  	[sflag:s0] =	ssyncset.done @!p1 $0x0  }
0x5a: {  	s24 =	simm.s32 $0x41A0;
	[sflag:s0] =	ssyncadd.s32 @!p1 $0xFFFFDC00  }
0x5b: {  	s17 =	simm.s32 $0x49A0;
	v8 =	vld [tilespmem:s24+$0x10]  }
0x5c: {  	v9 =	vld [tilespmem:s17+$0x10]  }
0x5d: {  	v10 =	vld [tilespmem:s17+$0xFFFFFFE0]  }
0x5e: {  	v11 =	vld [tilespmem:s24+$0xFFFFFFF0]  }
0x5f: {  	v12 =	vld [tilespmem:s17+$0xFFFFFFF0]  }
0x60: {  	v13 =	vld [tilespmem:s17+$0x0]  }
0x61: {  	v15 =	vld [tilespmem:s24+$0xFFFFFFE0];
	v8 =	vadd.f32 v9, v8  }
0x62: {  	v9 =	vld [tilespmem:s24+$0x0]  }
0x63: {  	v14 =	vmul.f32 $2.000000030e-01, v8  }
0x64: {  	v11 =	vadd.f32 v12, v11;
	vm1 =	vge.f32 v8, $0.0e+00  }
0x65: {  	v8 =	vsel vm1, v8, v14  }
0x66: {  	v10 =	vadd.f32 v10, v15;
	v12 =	vmul.f32 $2.000000030e-01, v11;
	v8 =	vnsel vm0, $0x0, v8  }
0x67: {  	vm1 =	vge.f32 v11, $0.0e+00;
	v9 =	vadd.f32 v13, v9;
	v8 =	vmul.f32 $1.442695020e+00, v8  }
0x68: {  	v11 =	vsel vm1, v11, v12;
	v12 =	vmul.f32 $2.000000030e-01, v10  }
0x69: {  	(erf) = vpow2.f32 v8;
	v8 =	vmul.f32 $2.000000030e-01, v9  }
0x6a: {  	vm2 =	vge.f32 v10, $0.0e+00;
	v11 =	vnsel vm0, $0x0, v11;
	vm1 =	vge.f32 v9, $0.0e+00  }
0x6b: {  	v8 =	vsel vm1, v9, v8;
	v9 =	vsel vm2, v10, v12;
	v10 =	vmul.f32 $1.442695020e+00, v11;
	_ =	sdelay $0x1  }
0x6c: {  	v8 =	vnsel vm0, $0x0, v8;
	(erf) = vpow2.f32 v10  }
0x6d: {  	v8 =	vmul.f32 $1.442695020e+00, v8;
	_ =	sdelay $0x1  }
0x6e: {  	s17 =	simm.s32 $0x49E0  }
0x6f: {  	v55 =	vld [tilespmem:s17+$0x10];
	v9 =	vnsel vm0, $0x0, v9  }
0x70: {  	v58 =	vld [tilespmem:s17+$0xFFFFFFE0];
	v9 =	vmul.f32 $1.442695020e+00, v9;
	(erf) = vpow2.f32 v8;
	v8 =	vpop (erf)  }
0x71: {  	v60 =	vld [tilespmem:s17+$0xFFFFFFF0];
	v8 =	vnsel vm0, $0x0, v8  }
0x72: {  	v63 =	vld [tilespmem:s17+$0x0];
	s24 =	simm.s32 $0x41E0;
	(erf) = vpow2.f32 v9;
	v13 =	vperm.xlane v8, v0  }
0x73: {  	s19 =	simm.s32 $0x52A0;
	v52 =	vld [tilespmem:s24+$0x10];
	v14 =	vperm.xlane v8, v1;
	v16 =	vperm.xlane v8, v2  }
0x74: {  	s18 =	simm.s32 $0x280;
	v59 =	vld [tilespmem:s24+$0xFFFFFFF0];
	[tilespmem:s19+$0x110] =	vst v8;
	v17 =	vperm.xlane v8, v3;
	v19 =	vperm.xlane v8, v4;
	v10 =	vpop (erf)  }
0x75: {  	v20 =	vperm.xlane v8, v5;
	v23 =	vperm.xlane v8, v6;
	v9 =	vld [tilespmem:s18+$0xF0];
	v21 =	vnsel vm0, $0x0, v10  }
0x76: {  	v61 =	vld [tilespmem:s24+$0x0];
	v8 =	vperm.xlane v8, v7;
	v24 =	vperm.xlane v21, v0  }
0x77: {  	v12 =	vld [tilespmem:s18+$0x80];
	v26 =	vperm.xlane v21, v1;
	v29 =	vperm.xlane v21, v2  }
0x78: {  	v15 =	vld [tilespmem:s18+$0x90];
	v43 =	vperm.xlane v21, v3;
	v44 =	vperm.xlane v21, v4  }
0x79: {  	v18 =	vld [tilespmem:s18+$0xA0];
	v10 =	vpop (erf);
	v47 =	vperm.xlane v21, v5;
	v48 =	vperm.xlane v21, v6  }
0x7a: {  	v22 =	vld [tilespmem:s18+$0xB0];
	v50 =	vperm.xlane v21, v7;
	v46 =	vnsel vm0, $0x0, v10;
	v31 =	vmul.f32 v8, v9  }
0x7b: {  	v25 =	vld [tilespmem:s18+$0xC0];
	v51 =	vperm.xlane v46, v0;
	v53 =	vperm.xlane v46, v1  }
0x7c: {  	v62 =	vadd.f32 v55, v52;
	v27 =	vld [tilespmem:s18+$0xD0];
	v11 =	vpop (erf);
	v54 =	vperm.xlane v46, v2;
	v56 =	vperm.xlane v46, v3  }
0x7d: {  	v30 =	vld [tilespmem:s18+$0xE0];
	[tilespmem:s19+$0xFFFFFFF0] =	vst v21;
	v11 =	vnsel vm0, $0x0, v11;
	v10 =	vperm.xlane v46, v4;
	v8 =	vperm.xlane v46, v6  }
0x7e: {  	v9 =	vperm.xlane v46, v7;
	v21 =	vmul.f32 v16, v18;
	v18 =	vld [tilespmem:s18+$0xFFFFFF90];
	[tilespmem:s19+$0xFFFFFF60] =	vst v11  }
0x7f: {  	v13 =	vmul.f32 v13, v12;
	v12 =	vmul.f32 $2.000000030e-01, v62;
	v33 =	vld [tilespmem:s18+$0xFFFFFF00]  }
0x80: {  	v14 =	vmul.f32 v14, v15;
	v28 =	vperm.xlane v11, v0;
	v36 =	vld [tilespmem:s18+$0xFFFFFF10]  }
0x81: {  	vm1 =	vge.f32 v62, $0.0e+00;
	v32 =	vperm.xlane v11, v1;
	v34 =	vperm.xlane v11, v2;
	v39 =	vld [tilespmem:s18+$0xFFFFFF20]  }
0x82: {  	v16 =	vadd.f32 v60, v59;
	v35 =	vperm.xlane v11, v3;
	v37 =	vperm.xlane v11, v4;
	v57 =	vld [tilespmem:s18+$0xFFFFFF60]  }
0x83: {  	v38 =	vperm.xlane v11, v5;
	v40 =	vperm.xlane v11, v6;
	v42 =	vld [tilespmem:s18+$0xFFFFFF30];
	v12 =	vsel vm1, v62, v12  }
0x84: {  	v41 =	vperm.xlane v11, v7;
	v11 =	vperm.xlane v46, v5;
	v45 =	vld [tilespmem:s18+$0xFFFFFF40];
	v12 =	vnsel vm0, $0x0, v12  }
0x85: {  	[tilespmem:s19+$0x80] =	vst v46;
	v46 =	vmul.f32 v19, v25;
	v49 =	vld [tilespmem:s18+$0xFFFFFF50];
	v25 =	vmul.f32 $1.442695020e+00, v12  }
0x86: {  	v15 =	vld [tilespmem:s18+$0xFFFFFF70];
	v19 =	vmul.f32 $2.000000030e-01, v16;
	v12 =	vmul.f32 v23, v30  }
0x87: {  	[tilespmem:s19+$0x100] =	vst v31;
	vm1 =	vge.f32 v16, $0.0e+00;
	(erf) = vpow2.f32 v25;
	v40 =	vmul.f32 v40, v57;
	v57 =	vld [tilespmem:s24+$0xFFFFFFE0]  }
0x88: {  	v31 =	vld [tilespmem:s18+$0xFFFFFFD0];
	[tilespmem:s19+$0x90] =	vst v13;
	v16 =	vsel vm1, v16, v19;
	v33 =	vmul.f32 v28, v33;
	v32 =	vmul.f32 v32, v36  }
0x89: {  	[tilespmem:s19+$0xA0] =	vst v14;
	v30 =	vld [tilespmem:s18+$0xFFFFFFC0];
	v16 =	vnsel vm0, $0x0, v16;
	v34 =	vmul.f32 v34, v39;
	v37 =	vmul.f32 v37, v45  }
0x8a: {  	v28 =	vmul.f32 v17, v22;
	v17 =	vld [tilespmem:s18+$0xFFFFFF80];
	v45 =	vmul.f32 v20, v27;
	v20 =	vadd.f32 v63, v61;
	[tilespmem:s19+$0xFFFFFEE0] =	vst v33  }
0x8b: {  	v16 =	vmul.f32 $1.442695020e+00, v16;
	v35 =	vmul.f32 v35, v42;
	v22 =	vld [tilespmem:s18+$0xFFFFFFA0];
	[tilespmem:s19+$0xFFFFFEF0] =	vst v32  }
0x8c: {  	v27 =	vld [tilespmem:s18+$0xFFFFFFB0];
	[tilespmem:s19+$0xFFFFFF00] =	vst v34;
	v19 =	vmul.f32 $2.000000030e-01, v20;
	v23 =	vadd.f32 v58, v57  }
0x8d: {  	v15 =	vmul.f32 v41, v15;
	(erf) = vpow2.f32 v16;
	v16 =	vld [tilespmem:s18+$0x10];
	[tilespmem:s19+$0xFFFFFF10] =	vst v35;
	vm1 =	vge.f32 v20, $0.0e+00  }
0x8e: {  	v38 =	vmul.f32 v38, v49;
	[tilespmem:s19+$0xFFFFFF20] =	vst v37;
	v32 =	vld [tilespmem:s18+$0x40];
	v19 =	vsel vm1, v20, v19;
	v25 =	vmul.f32 $2.000000030e-01, v23  }
0x8f: {  	[tilespmem:s19+$0xFFFFFF50] =	vst v15;
	v20 =	vld [tilespmem:s18+$0xFFFFFFE0];
	v19 =	vnsel vm0, $0x0, v19;
	v15 =	vmul.f32 v24, v17;
	vm2 =	vge.f32 v23, $0.0e+00  }
0x90: {  	v13 =	vmul.f32 v26, v18;
	[tilespmem:s19+$0xFFFFFF30] =	vst v38;
	v17 =	vld [tilespmem:s18+$0x0];
	v19 =	vmul.f32 $1.442695020e+00, v19;
	v23 =	vsel vm2, v23, v25  }
0x91: {  	v14 =	vmul.f32 v44, v30;
	v18 =	vmul.f32 v29, v22;
	v25 =	vld [tilespmem:s18+$0xFFFFFFF0];
	[tilespmem:s19+$0xFFFFFF70] =	vst v15;
	v23 =	vnsel vm0, $0x0, v23  }
0x92: {  	v37 =	vld [tilespmem:s18+$0x50];
	(erf) = vpow2.f32 v19;
	v22 =	vpop (erf);
	[tilespmem:s19+$0xFFFFFF80] =	vst v13;
	v23 =	vmul.f32 $1.442695020e+00, v23  }
0x93: {  	s23 =	simm.s32 $0x54E0;
	v19 =	vld [tilespmem:s18+$0x30];
	v13 =	vmul.f32 v43, v27;
	[tilespmem:s19+$0xFFFFFF90] =	vst v18;
	v18 =	vmul.f32 v47, v31;
	v29 =	vnsel vm0, $0x0, v22  }
0x94: {  	s24 =	simm.s32 $0x480;
	v15 =	vld [tilespmem:s18+$0x20];
	v20 =	vmul.f32 v48, v20;
	[tilespmem:s23+$0x110] =	vst v29;
	(erf) = vpow2.f32 v23  }
0x95: {  	[tilespmem:s19+$0xFFFFFF40] =	vst v40;
	v31 =	vmul.f32 v53, v16;
	v27 =	vmul.f32 v51, v17;
	v61 =	vld [tilespmem:s24+$0xF0]  }
0x96: {  	[tilespmem:s19+$0xC0] =	vst v28;
	v30 =	vperm.xlane v29, v0;
	v22 =	vperm.xlane v29, v1;
	v41 =	vld [tilespmem:s24+$0x80]  }
0x97: {  	[tilespmem:s19+$0xFFFFFFB0] =	vst v14;
	v17 =	vperm.xlane v29, v2;
	v14 =	vperm.xlane v29, v4;
	v16 =	vpop (erf);
	v42 =	vld [tilespmem:s24+$0x90]  }
0x98: {  	[tilespmem:s19+$0xFFFFFFA0] =	vst v13;
	v13 =	vperm.xlane v29, v5;
	v62 =	vnsel vm0, $0x0, v16;
	v16 =	vperm.xlane v29, v6;
	v26 =	vld [tilespmem:s24+$0xA0]  }
0x99: {  	[tilespmem:s19+$0xFFFFFFD0] =	vst v20;
	v34 =	vld [tilespmem:s24+$0xB0];
	v20 =	vperm.xlane v62, v0;
	v60 =	vmul.f32 v54, v15  }
0x9a: {  	[tilespmem:s19+$0xFFFFFFC0] =	vst v18;
	v23 =	vld [tilespmem:s18+$0x70];
	v15 =	vperm.xlane v29, v3;
	v29 =	vperm.xlane v29, v7  }
0x9b: {  	v33 =	vperm.xlane v62, v3;
	v24 =	vmul.f32 v50, v25;
	v25 =	vld [tilespmem:s18+$0x60];
	[tilespmem:s19+$0x0] =	vst v27  }
0x9c: {  	v35 =	vld [tilespmem:s24+$0xC0];
	v39 =	vperm.xlane v62, v4;
	[tilespmem:s19+$0x10] =	vst v31;
	v29 =	vmul.f32 v29, v61;
	v18 =	vpop (erf)  }
0x9d: {  	v38 =	vld [tilespmem:s24+$0xD0];
	v36 =	vperm.xlane v62, v6;
	v31 =	vperm.xlane v62, v5;
	[tilespmem:s19+$0xFFFFFFE0] =	vst v24;
	v43 =	vnsel vm0, $0x0, v18;
	v18 =	vpop (erf)  }
0x9e: {  	v40 =	vld [tilespmem:s24+$0xE0];
	v27 =	vperm.xlane v62, v7;
	v24 =	vmul.f32 v56, v19;
	[tilespmem:s23+$0x100] =	vst v29;
	v63 =	vnsel vm0, $0x0, v18  }
0x9f: {  	v19 =	vperm.xlane v62, v1;
	v29 =	vperm.xlane v43, v0;
	[tilespmem:s23+$0xFFFFFF60] =	vst v63  }
0xa0: {  	[tilespmem:s19+$0x30] =	vst v24;
	v24 =	vperm.xlane v43, v1;
	v28 =	vperm.xlane v43, v2;
	v56 =	vld [tilespmem:s24+$0xFFFFFF00]  }
0xa1: {  	[tilespmem:s19+$0xB0] =	vst v21;
	v21 =	vperm.xlane v43, v3;
	v48 =	vperm.xlane v43, v4;
	v57 =	vld [tilespmem:s24+$0xFFFFFF10]  }
0xa2: {  	[tilespmem:s19+$0xD0] =	vst v46;
	v46 =	vperm.xlane v43, v5;
	v18 =	vperm.xlane v62, v2;
	v58 =	vld [tilespmem:s24+$0xFFFFFF20]  }
0xa3: {  	[tilespmem:s19+$0xE0] =	vst v45;
	v50 =	vperm.xlane v63, v0;
	v54 =	vperm.xlane v63, v1;
	v59 =	vld [tilespmem:s24+$0xFFFFFF30]  }
0xa4: {  	[tilespmem:s19+$0x20] =	vst v60;
	v49 =	vperm.xlane v63, v2;
	v53 =	vperm.xlane v63, v3;
	v60 =	vld [tilespmem:s24+$0xFFFFFF40]  }
0xa5: {  	s25 =	sadd.s32 $0x80, s25;
	[tilespmem:s23+$0xFFFFFFF0] =	vst v62;
	v51 =	vperm.xlane v63, v4;
	v55 =	vperm.xlane v63, v5;
	v61 =	vld [tilespmem:s24+$0xFFFFFF50]  }
0xa6: {  	s1 =	simm.s32 $0x4220;
	s0 =	simm.s32 $0x4;
	s18 =	sshll.u32 s16, $0x1;
	[tilespmem:s23+$0x80] =	vst v43;
	v52 =	vperm.xlane v63, v6;
	v44 =	vperm.xlane v63, v7;
	v62 =	vld [tilespmem:s24+$0xFFFFFF60]  }
.LBB2_3:
0xa7: {  	v45 =	vld [tilespmem:s1+$0x10];
	v47 =	vperm.xlane v43, v6;
	v43 =	vperm.xlane v43, v7;
	s17 =	sadd.s32 $0x40, s17;
	[tilespmem:s19+$0xF0] =	vst v12  }
0xa8: {  	s0 =	sadd.s32 $0x4, s0;
	v50 =	vmul.f32 v50, v56;
	v54 =	vmul.f32 v54, v57;
	v12 =	vld [tilespmem:s17+$0x10]  }
0xa9: {  	v49 =	vmul.f32 v49, v58;
	p0 =	slt.u32 s0, $0x3C;
	v53 =	vmul.f32 v53, v59;
	v56 =	vld [tilespmem:s17+$0xFFFFFFE0]  }
0xaa: {  	v51 =	vmul.f32 v51, v60;
	v57 =	vld [tilespmem:s1+$0xFFFFFFF0];
	v55 =	vmul.f32 v55, v61  }
0xab: {  	v32 =	vmul.f32 v10, v32;
	v10 =	vmov v48;
	v58 =	vld [tilespmem:s17+$0xFFFFFFF0];
	v52 =	vmul.f32 v52, v62  }
0xac: {  	v37 =	vmul.f32 v11, v37;
	v25 =	vmul.f32 v8, v25;
	v11 =	vmovc v46;
	v8 =	vmov v47;
	v59 =	vld [tilespmem:s1+$0x0]  }
0xad: {  	v30 =	vmul.f32 v30, v41;
	v23 =	vmul.f32 v9, v23;
	v60 =	vld [tilespmem:s17+$0x0];
	v12 =	vadd.f32 v12, v45;
	[tilespmem:s19+$0x40] =	vst v32  }
0xae: {  	v22 =	vmul.f32 v22, v42;
	v9 =	vmov v43;
	v45 =	vmul.f32 v17, v26;
	v32 =	vld [tilespmem:s1+$0xFFFFFFE0];
	[tilespmem:s19+$0x50] =	vst v37  }
0xaf: {  	v46 =	vmul.f32 v15, v34;
	v17 =	vmul.f32 $2.000000030e-01, v12;
	v26 =	vld [tilespmem:s24+$0xFFFFFF70];
	[tilespmem:s23+$0xFFFFFEE0] =	vst v50  }
0xb0: {  	v48 =	vmul.f32 v14, v35;
	vm1 =	vge.f32 v12, $0.0e+00;
	v15 =	vadd.f32 v58, v57;
	[tilespmem:s23+$0xFFFFFEF0] =	vst v54;
	v34 =	vld [tilespmem:s24+$0xFFFFFF80]  }
0xb1: {  	v47 =	vmul.f32 v13, v38;
	v14 =	vsel vm1, v12, v17;
	[tilespmem:s23+$0xFFFFFF00] =	vst v49;
	v17 =	vld [tilespmem:s24+$0xFFFFFF90];
	v12 =	vmul.f32 v16, v40  }
0xb2: {  	v13 =	vmul.f32 $2.000000030e-01, v15;
	v16 =	vadd.f32 v60, v59;
	v14 =	vnsel vm0, $0x0, v14;
	[tilespmem:s23+$0xFFFFFF10] =	vst v53;
	v35 =	vld [tilespmem:s24+$0xFFFFFFA0]  }
0xb3: {  	vm1 =	vge.f32 v15, $0.0e+00;
	v32 =	vadd.f32 v56, v32;
	v14 =	vmul.f32 $1.442695020e+00, v14;
	[tilespmem:s23+$0xFFFFFF20] =	vst v51;
	v37 =	vld [tilespmem:s24+$0xFFFFFFB0]  }
0xb4: {  	v13 =	vsel vm1, v15, v13;
	vm1 =	vge.f32 v16, $0.0e+00;
	v15 =	vmul.f32 $2.000000030e-01, v16;
	[tilespmem:s23+$0xFFFFFF30] =	vst v55;
	v38 =	vld [tilespmem:s24+$0xFFFFFFC0]  }
0xb5: {  	vm2 =	vge.f32 v32, $0.0e+00;
	v40 =	vmul.f32 $2.000000030e-01, v32;
	(erf) = vpow2.f32 v14;
	[tilespmem:s23+$0xFFFFFF40] =	vst v52;
	v14 =	vld [tilespmem:s24+$0xFFFFFFD0]  }
0xb6: {  	v13 =	vnsel vm0, $0x0, v13;
	v15 =	vsel vm1, v16, v15;
	v16 =	vmul.f32 v44, v26;
	v26 =	vld [tilespmem:s24+$0xFFFFFFE0];
	[tilespmem:s19+$0x60] =	vst v25  }
0xb7: {  	v13 =	vmul.f32 $1.442695020e+00, v13;
	v25 =	vsel vm2, v32, v40;
	v15 =	vnsel vm0, $0x0, v15;
	v40 =	vld [tilespmem:s24+$0xFFFFFFF0];
	[tilespmem:s19+$0x70] =	vst v23;
	s19 =	smov.u32 s23  }
0xb8: {  	v23 =	vnsel vm0, $0x0, v25;
	v15 =	vmul.f32 $1.442695020e+00, v15;
	[tilespmem:s23+$0xFFFFFF50] =	vst v16;
	v16 =	vmul.f32 v20, v34;
	v20 =	vld [tilespmem:s24+$0x0]  }
0xb9: {  	v23 =	vmul.f32 $1.442695020e+00, v23;
	(erf) = vpow2.f32 v13;
	v13 =	vld [tilespmem:s24+$0x10];
	[tilespmem:s23+$0x90] =	vst v30  }
0xba: {  	(erf) = vpow2.f32 v15;
	[tilespmem:s23+$0xFFFFFF70] =	vst v16;
	v15 =	vmul.f32 v19, v17;
	v16 =	vld [tilespmem:s24+$0x20]  }
0xbb: {  	(erf) = vpow2.f32 v23;
	v23 =	vmul.f32 v18, v35;
	v18 =	vld [tilespmem:s24+$0x30];
	[tilespmem:s23+$0xA0] =	vst v22  }
0xbc: {  	v19 =	vmul.f32 v39, v38;
	[tilespmem:s23+$0xFFFFFF80] =	vst v15;
	v15 =	vmul.f32 v33, v37;
	v32 =	vld [tilespmem:s24+$0x40]  }
0xbd: {  	v14 =	vmul.f32 v31, v14;
	v26 =	vmul.f32 v36, v26;
	[tilespmem:s23+$0xFFFFFF90] =	vst v23;
	v37 =	vld [tilespmem:s24+$0x50]  }
0xbe: {  	v27 =	vmul.f32 v27, v40;
	v29 =	vmul.f32 v29, v20;
	v17 =	vpop (erf);
	[tilespmem:s23+$0xFFFFFFA0] =	vst v15;
	v25 =	vld [tilespmem:s24+$0x60]  }
0xbf: {  	v24 =	vmul.f32 v24, v13;
	s23 =	sadd.s32 $0x240, s23;
	v31 =	vnsel vm0, $0x0, v17;
	[tilespmem:s19+$0xFFFFFFB0] =	vst v19;
	v23 =	vld [tilespmem:s24+$0x70];
	v28 =	vmul.f32 v28, v16  }
0xc0: {  	s24 =	sadd.s32 $0x200, s24;
	[tilespmem:s23+$0x110] =	vst v31;
	v30 =	vperm.xlane v31, v0;
	v22 =	vperm.xlane v31, v1  }
0xc1: {  	v17 =	vperm.xlane v31, v2;
	v15 =	vperm.xlane v31, v3;
	v33 =	vld [tilespmem:s24+$0xF0];
	[tilespmem:s19+$0xFFFFFFC0] =	vst v14  }
0xc2: {  	v13 =	vperm.xlane v31, v5;
	v14 =	vperm.xlane v31, v4;
	v41 =	vld [tilespmem:s24+$0x80];
	v16 =	vpop (erf);
	[tilespmem:s19+$0xFFFFFFD0] =	vst v26  }
0xc3: {  	v21 =	vmul.f32 v21, v18;
	v60 =	vnsel vm0, $0x0, v16;
	v42 =	vld [tilespmem:s24+$0x90];
	v16 =	vperm.xlane v31, v6;
	v19 =	vpop (erf);
	[tilespmem:s19+$0xFFFFFFE0] =	vst v27  }
0xc4: {  	v27 =	vperm.xlane v31, v7;
	[tilespmem:s23+$0xFFFFFFF0] =	vst v60;
	v20 =	vperm.xlane v60, v0;
	v43 =	vnsel vm0, $0x0, v19;
	v26 =	vld [tilespmem:s24+$0xA0];
	v18 =	vpop (erf)  }
0xc5: {  	v19 =	vperm.xlane v60, v1;
	v31 =	vnsel vm0, $0x0, v18;
	v18 =	vperm.xlane v60, v2;
	[tilespmem:s23+$0x80] =	vst v43;
	v34 =	vld [tilespmem:s24+$0xB0]  }
0xc6: {  	[tilespmem:s23+$0xFFFFFF60] =	vst v31;
	v50 =	vperm.xlane v31, v0;
	v35 =	vld [tilespmem:s24+$0xC0];
	v27 =	vmul.f32 v27, v33  }
0xc7: {  	v54 =	vperm.xlane v31, v1;
	v49 =	vperm.xlane v31, v2;
	v38 =	vld [tilespmem:s24+$0xD0];
	[tilespmem:s19+$0x0] =	vst v29  }
0xc8: {  	v53 =	vperm.xlane v31, v3;
	v51 =	vperm.xlane v31, v4;
	v40 =	vld [tilespmem:s24+$0xE0];
	[tilespmem:s23+$0x100] =	vst v27  }
0xc9: {  	v55 =	vperm.xlane v31, v5;
	v52 =	vperm.xlane v31, v6;
	v56 =	vld [tilespmem:s24+$0xFFFFFF00];
	[tilespmem:s19+$0x10] =	vst v24  }
0xca: {  	v44 =	vperm.xlane v31, v7;
	v33 =	vperm.xlane v60, v3;
	v57 =	vld [tilespmem:s24+$0xFFFFFF10];
	[tilespmem:s19+$0x20] =	vst v28  }
.Ltmp2:
0xcb: {  	v39 =	vperm.xlane v60, v4;
	v31 =	vperm.xlane v60, v5;
	v58 =	vld [tilespmem:s24+$0xFFFFFF20];
	[tilespmem:s19+$0x30] =	vst v21;
	(pc) =	sbr.rel @p0 .LBB2_3-.Ltmp2, $4  }
0xcc: {  	v36 =	vperm.xlane v60, v6;
	v27 =	vperm.xlane v60, v7;
	v59 =	vld [tilespmem:s24+$0xFFFFFF30];
	[tilespmem:s19+$0xB0] =	vst v45  }
0xcd: {  	v29 =	vperm.xlane v43, v0;
	v24 =	vperm.xlane v43, v1;
	v60 =	vld [tilespmem:s24+$0xFFFFFF40];
	[tilespmem:s19+$0xC0] =	vst v46  }
0xce: {  	v28 =	vperm.xlane v43, v2;
	v21 =	vperm.xlane v43, v3;
	v61 =	vld [tilespmem:s24+$0xFFFFFF50];
	[tilespmem:s19+$0xD0] =	vst v48  }
0xcf: {  	s1 =	sadd.s32 $0x40, s1;
	v46 =	vperm.xlane v43, v5;
	v48 =	vperm.xlane v43, v4;
	v62 =	vld [tilespmem:s24+$0xFFFFFF60];
	[tilespmem:s19+$0xE0] =	vst v47  }
0xd0: {  	v10 =	vmul.f32 v10, v32  }
0xd1: {  	[tilespmem:s19+$0xF0] =	vst v12;
	v11 =	vmul.f32 v11, v37  }
0xd2: {  	v45 =	vmul.f32 v50, v56;
	[tilespmem:s19+$0x40] =	vst v10  }
0xd3: {  	v47 =	vmul.f32 v54, v57;
	[tilespmem:s19+$0x50] =	vst v11  }
0xd4: {  	v50 =	vld [tilespmem:s24+$0xFFFFFF70];
	v54 =	vmul.f32 v49, v58;
	[tilespmem:s23+$0xFFFFFEE0] =	vst v45  }
0xd5: {  	v8 =	vmul.f32 v8, v25;
	[tilespmem:s23+$0xFFFFFEF0] =	vst v47  }
0xd6: {  	v9 =	vmul.f32 v9, v23;
	[tilespmem:s23+$0xFFFFFF00] =	vst v54  }
0xd7: {  	v15 =	vmul.f32 v15, v34;
	[tilespmem:s19+$0x60] =	vst v8  }
0xd8: {  	v56 =	vmul.f32 v53, v59;
	[tilespmem:s19+$0x70] =	vst v9  }
0xd9: {  	v57 =	vmul.f32 v51, v60;
	[tilespmem:s23+$0xC0] =	vst v15  }
0xda: {  	v63 =	vld [tilespmem:s24+$0xFFFFFFC0];
	v8 =	vmul.f32 v30, v41;
	[tilespmem:s23+$0xFFFFFF10] =	vst v56  }
0xdb: {  	v32 =	vld [tilespmem:s24+$0xFFFFFFD0];
	v47 =	vmul.f32 v22, v42;
	[tilespmem:s23+$0xFFFFFF20] =	vst v57  }
0xdc: {  	v49 =	vld [tilespmem:s24+$0xFFFFFFF0];
	v58 =	vmul.f32 v55, v61;
	[tilespmem:s23+$0x90] =	vst v8  }
0xdd: {  	v59 =	vld [tilespmem:s24+$0xFFFFFF80];
	v60 =	vmul.f32 v52, v62;
	[tilespmem:s23+$0xA0] =	vst v47  }
0xde: {  	v45 =	vld [tilespmem:s24+$0xFFFFFF90];
	[tilespmem:s23+$0xFFFFFF30] =	vst v58;
	v11 =	vmul.f32 v44, v50  }
0xdf: {  	v41 =	vld [tilespmem:s24+$0xFFFFFFE0];
	v12 =	vmul.f32 v39, v63;
	[tilespmem:s23+$0xFFFFFF40] =	vst v60  }
0xe0: {  	v61 =	vld [tilespmem:s24+$0xFFFFFFA0];
	v54 =	vmul.f32 v31, v32;
	[tilespmem:s23+$0xFFFFFF50] =	vst v11  }
0xe1: {  	v62 =	vld [tilespmem:s24+$0xFFFFFFB0];
	v22 =	vmul.f32 v27, v49;
	[tilespmem:s23+$0xFFFFFFB0] =	vst v12  }
0xe2: {  	v58 =	vmul.f32 v17, v26;
	[tilespmem:s23+$0xFFFFFFC0] =	vst v54  }
0xe3: {  	v44 =	vmul.f32 v20, v59;
	[tilespmem:s23+$0xFFFFFFE0] =	vst v22  }
0xe4: {  	v59 =	vmul.f32 v14, v35;
	[tilespmem:s23+$0xB0] =	vst v58  }
0xe5: {  	v60 =	vmul.f32 v13, v38;
	[tilespmem:s23+$0xFFFFFF70] =	vst v44  }
0xe6: {  	v51 =	vld [tilespmem:s24+$0x10];
	v8 =	vmul.f32 v19, v45;
	[tilespmem:s23+$0xD0] =	vst v59  }
0xe7: {  	v52 =	vld [tilespmem:s24+$0x20];
	v9 =	vmul.f32 v36, v41;
	[tilespmem:s23+$0xE0] =	vst v60  }
0xe8: {  	v55 =	vld [tilespmem:s24+$0x50];
	v10 =	vmul.f32 v18, v61;
	[tilespmem:s23+$0xFFFFFF80] =	vst v8  }
0xe9: {  	v50 =	vld [tilespmem:s24+$0x0];
	v8 =	vmul.f32 v33, v62;
	[tilespmem:s23+$0xFFFFFFD0] =	vst v9  }
0xea: {  	v53 =	vld [tilespmem:s24+$0x30];
	v61 =	vmul.f32 v16, v40;
	[tilespmem:s23+$0xFFFFFF90] =	vst v10  }
0xeb: {  	v18 =	vmul.f32 v24, v51;
	[tilespmem:s23+$0xFFFFFFA0] =	vst v8;
	v8 =	vld [tilespmem:s24+$0x40]  }
0xec: {  	v56 =	vld [tilespmem:s24+$0x60];
	v19 =	vmul.f32 v28, v52;
	[tilespmem:s23+$0xF0] =	vst v61  }
0xed: {  	v57 =	vld [tilespmem:s24+$0x70];
	v12 =	vmul.f32 v46, v55;
	[tilespmem:s23+$0x10] =	vst v18  }
0xee: {  	v11 =	vmul.f32 v29, v50;
	[tilespmem:s23+$0x20] =	vst v19  }
0xef: {  	v62 =	vperm.xlane v43, v6;
	v10 =	vmul.f32 v21, v53;
	[tilespmem:s23+$0x50] =	vst v12  }
0xf0: {  	p0 =	seq.s32 s16, $0x50;
	v63 =	vperm.xlane v43, v7;
	[tilespmem:s23+$0x0] =	vst v11;
	v8 =	vmul.f32 v48, v8  }
.Ltmp3:
0xf1: {  	[tilespmem:s23+$0x30] =	vst v10;
	v10 =	vmul.f32 v62, v56;
	(pc) =	sbr.rel @!p0 .LBB2_5-.Ltmp3, $4  }
0xf2: {  	[tilespmem:s23+$0x40] =	vst v8;
	v8 =	vmul.f32 v63, v57  }
0xf3: {  	[tilespmem:s23+$0x60] =	vst v10  }
0xf4: {  	[tilespmem:s23+$0x70] =	vst v8  }
0xf5: {  	[spmem:s2] =	stream.indirect.scatter.add.f32 [tilespmem:s20], [sflag:$0x9], $0x90, s25, s22, $0xb8;
	[tilespmem:$0x1FD00] =	vst v63  }
0xf6: {  	_ =	swait.ge [sflag:s9], $0x2000  }
0xf7: {  	[sflag:s9] =	ssyncset.done $0x0  }
0xf8: {  	[sflag:s9] =	ssyncadd.s32 $0xFFFFE000  }
0xf9: {  	_ =	swait.ge [sflag:s11], $0x400  }
.Ltmp4:
0xfa: {  	[sflag:s11] =	ssyncset.done $0x0;
	(pc) =	sbr.rel .LBB2_7-.Ltmp4, $4  }
0xfb: {  	[sflag:s11] =	ssyncadd.s32 $0xFFFFFC00  }
0xfc: {  	_ =	swait.ge [sflag:s12], $0x400  }
0xfd: {  	[sflag:s12] =	ssyncset.done $0x0  }
0xfe: {  	[sflag:s12] =	ssyncadd.s32 $0xFFFFFC00  }
.LBB2_5:
0xff: {  	s0 =	sadd.s32 $0x2, s18  }
0x100: {  	s1 =	sadd.s32 s13, s0  }
0x101: {  	s1 =	sshll.u32 s1, $0x3  }
0x102: {  	s0 =	sshll.u32 s0, $0x6;
	s1 =	sand.u32 $0x1FFFFFF0, s1  }
0x103: {  	s0 =	sand.u32 $0x80, s0;
	s17 =	sadd.s32 s4, s1  }
0x104: {  	[tilespmem:s3], [sflag:$0x1] =	stream.linear.gather [hbm4b:s17+s3], $0x40, $0x38;
	[tilespmem:$0x1FD00] =	vst v63  }
0x105: {  	s0 =	sadd.s32 $0x80, s0;
	s1 =	sadd.s32 s5, s1  }
0x106: {  	[tilespmem:s0], [sflag:$0x1] =	stream.linear.gather [hbm4b:s1+s3], $0x40, $0x38;
	[tilespmem:$0x1FD00] =	vst v63  }
0x107: {  	_ =	swait.ge [sflag:s9], $0x2000  }
0x108: {  	[sflag:s9] =	ssyncset.done $0x0  }
0x109: {  	[sflag:s9] =	ssyncadd.s32 $0xFFFFE000  }
0x10a: {  	_ =	swait.ge [sflag:s11], $0x400  }
0x10b: {  	[sflag:s11] =	ssyncset.done $0x0  }
0x10c: {  	[sflag:s11] =	ssyncadd.s32 $0xFFFFFC00  }
0x10d: {  	_ =	swait.ge [sflag:s12], $0x400  }
0x10e: {  	[sflag:s12] =	ssyncset.done $0x0  }
0x10f: {  	[sflag:s12] =	ssyncadd.s32 $0xFFFFFC00  }
0x110: {  	_ =	swait.ge [sflag:s21], $0x40  }
0x111: {  	[sflag:s21] =	ssyncset.done $0x0  }
0x112: {  	[sflag:s21] =	ssyncadd.s32 $0xFFFFFFC0  }
0x113: {  	_ =	swait.ge [sflag:s21], $0x40  }
0x114: {  	[sflag:s21] =	ssyncset.done $0x0  }
0x115: {  	s23 =	simm.s32 $0x180;
	[sflag:s21] =	ssyncadd.s32 $0xFFFFFFC0  }
0x116: {  	[tilespmem:s23], [sflag:$0x3] =	stream.indirect.gather [hbm4b:s6+s22], $0x80, s3, s22, $0xb8;
	[tilespmem:$0x1FD00] =	vst v63  }
.Ltmp5:
0x117: {  	_ = 	snop;
	(pc) =	sbr.rel @p1 .LBB2_8-.Ltmp5, $4  }
0x118: {  	s24 =	simm.s32 $0x4180  }
0x119: {  	[tilespmem:s24], [sflag:$0x5] =	stream.indirect.gather [hbm4b:s7+s22], $0x10, s3, s22, $0xb8;
	[tilespmem:$0x1FD00] =	vst v63  }
0x11a: {  	s25 =	simm.s32 $0x4980  }
0x11b: {  	[tilespmem:s25], [sflag:$0x7] =	stream.indirect.gather [hbm4b:s8+s22], $0x10, s0, s22, $0xb8;
	[tilespmem:$0x1FD00] =	vst v63  }
.LBB2_7:
0x11c: {  	_ =	swait.ge [sflag:s14], $0x2400  }
0x11d: {  	[sflag:s14] =	ssyncset.done $0x0  }
0x11e: {  	[sflag:s14] =	ssyncadd.s32 $0xFFFFDC00  }
.LBB2_8:
0x11f: {  	s0 =	simm.s32 $0x45B0  }
0x120: {  	s1 =	simm.s32 $0x4DB0;
	v8 =	vld [tilespmem:s0+$0x0]  }
0x121: {  	v9 =	vld [tilespmem:s1+$0x0]  }
0x122: {  	v10 =	vld [tilespmem:s1+$0xFFFFFFD0]  }
0x123: {  	v11 =	vld [tilespmem:s0+$0xFFFFFFE0]  }
0x124: {  	v12 =	vld [tilespmem:s1+$0xFFFFFFE0]  }
0x125: {  	v13 =	vld [tilespmem:s1+$0xFFFFFFF0]  }
0x126: {  	v15 =	vld [tilespmem:s0+$0xFFFFFFD0];
	v8 =	vadd.f32 v9, v8  }
0x127: {  	v9 =	vld [tilespmem:s0+$0xFFFFFFF0]  }
0x128: {  	v14 =	vmul.f32 $2.000000030e-01, v8  }
0x129: {  	v11 =	vadd.f32 v12, v11;
	vm1 =	vge.f32 v8, $0.0e+00  }
0x12a: {  	v8 =	vsel vm1, v8, v14  }
0x12b: {  	v10 =	vadd.f32 v10, v15;
	v12 =	vmul.f32 $2.000000030e-01, v11;
	v8 =	vnsel vm0, $0x0, v8  }
0x12c: {  	vm1 =	vge.f32 v11, $0.0e+00;
	v9 =	vadd.f32 v13, v9;
	v8 =	vmul.f32 $1.442695020e+00, v8  }
0x12d: {  	v11 =	vsel vm1, v11, v12;
	v12 =	vmul.f32 $2.000000030e-01, v10  }
0x12e: {  	(erf) = vpow2.f32 v8;
	v8 =	vmul.f32 $2.000000030e-01, v9  }
0x12f: {  	vm2 =	vge.f32 v10, $0.0e+00;
	v11 =	vnsel vm0, $0x0, v11;
	vm1 =	vge.f32 v9, $0.0e+00  }
0x130: {  	v8 =	vsel vm1, v9, v8;
	v9 =	vsel vm2, v10, v12;
	v10 =	vmul.f32 $1.442695020e+00, v11;
	_ =	sdelay $0x1  }
0x131: {  	v8 =	vnsel vm0, $0x0, v8;
	(erf) = vpow2.f32 v10  }
0x132: {  	v8 =	vmul.f32 $1.442695020e+00, v8;
	_ =	sdelay $0x1  }
0x133: {  	s25 =	simm.s32 $0x45F0;
	v9 =	vnsel vm0, $0x0, v9  }
0x134: {  	s17 =	simm.s32 $0x4DF0;
	v52 =	vld [tilespmem:s25+$0x0];
	v9 =	vmul.f32 $1.442695020e+00, v9;
	(erf) = vpow2.f32 v8  }
0x135: {  	v55 =	vld [tilespmem:s17+$0x0];
	v8 =	vpop (erf)  }
0x136: {  	v58 =	vld [tilespmem:s17+$0xFFFFFFD0];
	(erf) = vpow2.f32 v9;
	v8 =	vnsel vm0, $0x0, v8  }
0x137: {  	v59 =	vld [tilespmem:s25+$0xFFFFFFE0];
	v13 =	vperm.xlane v8, v0;
	v14 =	vperm.xlane v8, v1  }
0x138: {  	s19 =	simm.s32 $0x77B0;
	v60 =	vld [tilespmem:s17+$0xFFFFFFE0];
	v16 =	vperm.xlane v8, v2;
	v17 =	vperm.xlane v8, v3  }
0x139: {  	s24 =	simm.s32 $0x2370;
	v61 =	vld [tilespmem:s25+$0xFFFFFFF0];
	[tilespmem:s19+$0x0] =	vst v8;
	v19 =	vperm.xlane v8, v4;
	v20 =	vperm.xlane v8, v5;
	v10 =	vpop (erf)  }
0x13a: {  	v23 =	vperm.xlane v8, v6;
	v8 =	vperm.xlane v8, v7;
	v9 =	vld [tilespmem:s24+$0x0];
	v21 =	vnsel vm0, $0x0, v10  }
0x13b: {  	v63 =	vld [tilespmem:s17+$0xFFFFFFF0];
	v24 =	vperm.xlane v21, v0;
	v26 =	vperm.xlane v21, v1  }
0x13c: {  	v12 =	vld [tilespmem:s24+$0xFFFFFF90];
	v29 =	vperm.xlane v21, v2;
	v43 =	vperm.xlane v21, v3  }
0x13d: {  	v15 =	vld [tilespmem:s24+$0xFFFFFFA0];
	v10 =	vpop (erf);
	v44 =	vperm.xlane v21, v4;
	v47 =	vperm.xlane v21, v5  }
0x13e: {  	v18 =	vld [tilespmem:s24+$0xFFFFFFB0];
	v48 =	vperm.xlane v21, v6;
	v50 =	vperm.xlane v21, v7;
	v46 =	vnsel vm0, $0x0, v10  }
0x13f: {  	v22 =	vld [tilespmem:s24+$0xFFFFFFC0];
	v31 =	vmul.f32 v8, v9;
	v51 =	vperm.xlane v46, v0  }
0x140: {  	v25 =	vld [tilespmem:s24+$0xFFFFFFD0];
	v53 =	vperm.xlane v46, v1;
	v54 =	vperm.xlane v46, v2  }
0x141: {  	v62 =	vadd.f32 v55, v52;
	v27 =	vld [tilespmem:s24+$0xFFFFFFE0];
	v11 =	vpop (erf);
	v56 =	vperm.xlane v46, v3;
	v10 =	vperm.xlane v46, v4  }
0x142: {  	v30 =	vld [tilespmem:s24+$0xFFFFFFF0];
	[tilespmem:s19+$0xFFFFFEE0] =	vst v21;
	v11 =	vnsel vm0, $0x0, v11;
	v8 =	vperm.xlane v46, v6;
	v9 =	vperm.xlane v46, v7  }
0x143: {  	v13 =	vmul.f32 v13, v12;
	v21 =	vmul.f32 v16, v18;
	v18 =	vld [tilespmem:s24+$0xFFFFFEA0];
	[tilespmem:s19+$0xFFFFFE50] =	vst v11  }
0x144: {  	v12 =	vmul.f32 $2.000000030e-01, v62;
	v14 =	vmul.f32 v14, v15;
	v33 =	vld [tilespmem:s24+$0xFFFFFE10]  }
0x145: {  	v28 =	vperm.xlane v11, v0;
	v32 =	vperm.xlane v11, v1;
	v36 =	vld [tilespmem:s24+$0xFFFFFE20]  }
0x146: {  	vm1 =	vge.f32 v62, $0.0e+00;
	v34 =	vperm.xlane v11, v2;
	v35 =	vperm.xlane v11, v3;
	v57 =	vld [tilespmem:s24+$0xFFFFFE70]  }
0x147: {  	v16 =	vadd.f32 v60, v59;
	v37 =	vperm.xlane v11, v4;
	v38 =	vperm.xlane v11, v5;
	v39 =	vld [tilespmem:s24+$0xFFFFFE30]  }
0x148: {  	v40 =	vperm.xlane v11, v6;
	v41 =	vperm.xlane v11, v7;
	v42 =	vld [tilespmem:s24+$0xFFFFFE40];
	v12 =	vsel vm1, v62, v12  }
0x149: {  	[tilespmem:s19+$0xFFFFFF70] =	vst v46;
	v11 =	vperm.xlane v46, v5;
	v46 =	vmul.f32 v19, v25;
	v45 =	vld [tilespmem:s24+$0xFFFFFE50];
	v12 =	vnsel vm0, $0x0, v12  }
0x14a: {  	v49 =	vld [tilespmem:s24+$0xFFFFFE60];
	v19 =	vmul.f32 $2.000000030e-01, v16;
	v25 =	vmul.f32 $1.442695020e+00, v12  }
0x14b: {  	[tilespmem:s19+$0xFFFFFFF0] =	vst v31;
	v12 =	vmul.f32 v23, v30;
	v40 =	vmul.f32 v40, v57;
	v57 =	vld [tilespmem:s25+$0xFFFFFFD0]  }
0x14c: {  	v15 =	vld [tilespmem:s24+$0xFFFFFE80];
	vm1 =	vge.f32 v16, $0.0e+00;
	[tilespmem:s19+$0xFFFFFF80] =	vst v13;
	(erf) = vpow2.f32 v25;
	v33 =	vmul.f32 v28, v33  }
0x14d: {  	v31 =	vld [tilespmem:s24+$0xFFFFFEE0];
	[tilespmem:s19+$0xFFFFFF90] =	vst v14;
	v16 =	vsel vm1, v16, v19;
	v32 =	vmul.f32 v32, v36;
	v34 =	vmul.f32 v34, v39  }
0x14e: {  	v30 =	vld [tilespmem:s24+$0xFFFFFED0];
	v37 =	vmul.f32 v37, v45;
	v45 =	vmul.f32 v20, v27;
	v20 =	vadd.f32 v63, v61;
	[tilespmem:s19+$0xFFFFFDD0] =	vst v33  }
0x14f: {  	v16 =	vnsel vm0, $0x0, v16;
	v35 =	vmul.f32 v35, v42;
	v28 =	vmul.f32 v17, v22;
	v17 =	vld [tilespmem:s24+$0xFFFFFE90];
	[tilespmem:s19+$0xFFFFFDE0] =	vst v32  }
0x150: {  	v16 =	vmul.f32 $1.442695020e+00, v16;
	v22 =	vld [tilespmem:s24+$0xFFFFFEB0];
	[tilespmem:s19+$0xFFFFFDF0] =	vst v34;
	v19 =	vmul.f32 $2.000000030e-01, v20;
	v23 =	vadd.f32 v58, v57  }
0x151: {  	v38 =	vmul.f32 v38, v49;
	v27 =	vld [tilespmem:s24+$0xFFFFFEC0];
	v15 =	vmul.f32 v41, v15;
	[tilespmem:s19+$0xFFFFFE00] =	vst v35;
	vm1 =	vge.f32 v20, $0.0e+00  }
0x152: {  	(erf) = vpow2.f32 v16;
	v16 =	vld [tilespmem:s24+$0xFFFFFF20];
	[tilespmem:s19+$0xFFFFFE10] =	vst v37;
	v19 =	vsel vm1, v20, v19;
	v25 =	vmul.f32 $2.000000030e-01, v23  }
0x153: {  	v13 =	vmul.f32 v26, v18;
	[tilespmem:s19+$0xFFFFFE20] =	vst v38;
	v20 =	vld [tilespmem:s24+$0xFFFFFEF0];
	v19 =	vnsel vm0, $0x0, v19;
	vm2 =	vge.f32 v23, $0.0e+00  }
0x154: {  	[tilespmem:s19+$0xFFFFFE40] =	vst v15;
	v15 =	vmul.f32 v24, v17;
	v17 =	vld [tilespmem:s24+$0xFFFFFF10];
	v19 =	vmul.f32 $1.442695020e+00, v19;
	v23 =	vsel vm2, v23, v25  }
0x155: {  	[tilespmem:s19+$0xFFFFFE30] =	vst v40;
	v14 =	vmul.f32 v44, v30;
	v32 =	vld [tilespmem:s24+$0xFFFFFF50];
	v18 =	vmul.f32 v29, v22;
	v23 =	vnsel vm0, $0x0, v23  }
0x156: {  	(erf) = vpow2.f32 v19;
	v25 =	vld [tilespmem:s24+$0xFFFFFF00];
	[tilespmem:s19+$0xFFFFFE70] =	vst v13;
	v23 =	vmul.f32 $1.442695020e+00, v23  }
0x157: {  	v37 =	vld [tilespmem:s24+$0xFFFFFF60];
	v13 =	vmul.f32 v43, v27;
	[tilespmem:s19+$0xFFFFFE80] =	vst v18;
	v18 =	vmul.f32 v47, v31  }
0x158: {  	[tilespmem:s19+$0xFFFFFFB0] =	vst v28;
	v19 =	vld [tilespmem:s24+$0xFFFFFF40];
	v22 =	vpop (erf);
	v20 =	vmul.f32 v48, v20;
	(erf) = vpow2.f32 v23  }
0x159: {  	[tilespmem:s19+$0xFFFFFE60] =	vst v15;
	v15 =	vld [tilespmem:s24+$0xFFFFFF30];
	v29 =	vnsel vm0, $0x0, v22;
	v31 =	vmul.f32 v53, v16;
	v27 =	vmul.f32 v51, v17  }
0x15a: {  	s23 =	simm.s32 $0x79F0;
	[tilespmem:s19+$0xFFFFFEA0] =	vst v14;
	v30 =	vperm.xlane v29, v0;
	v22 =	vperm.xlane v29, v1;
	v23 =	vld [tilespmem:s24+$0xFFFFFF80]  }
0x15b: {  	[tilespmem:s23+$0x0] =	vst v29;
	v17 =	vperm.xlane v29, v2;
	v16 =	vpop (erf);
	v24 =	vmul.f32 v50, v25;
	v25 =	vld [tilespmem:s24+$0xFFFFFF70];
	s24 =	simm.s32 $0x2570  }
0x15c: {  	v14 =	vperm.xlane v29, v4;
	[tilespmem:s19+$0xFFFFFE90] =	vst v13;
	v13 =	vperm.xlane v29, v5;
	v62 =	vnsel vm0, $0x0, v16;
	v61 =	vld [tilespmem:s24+$0x0]  }
0x15d: {  	[tilespmem:s19+$0xFFFFFEC0] =	vst v20;
	v16 =	vperm.xlane v29, v6;
	v20 =	vperm.xlane v62, v0;
	v41 =	vld [tilespmem:s24+$0xFFFFFF90]  }
0x15e: {  	[tilespmem:s19+$0xFFFFFEB0] =	vst v18;
	v33 =	vperm.xlane v62, v3;
	v39 =	vperm.xlane v62, v4;
	v42 =	vld [tilespmem:s24+$0xFFFFFFA0]  }
0x15f: {  	v36 =	vperm.xlane v62, v6;
	v60 =	vmul.f32 v54, v15;
	[tilespmem:s19+$0xFFFFFEF0] =	vst v27;
	v26 =	vld [tilespmem:s24+$0xFFFFFFB0]  }
0x160: {  	v15 =	vperm.xlane v29, v3;
	v34 =	vld [tilespmem:s24+$0xFFFFFFC0];
	[tilespmem:s19+$0xFFFFFED0] =	vst v24;
	v24 =	vmul.f32 v56, v19;
	v18 =	vpop (erf)  }
0x161: {  	v29 =	vperm.xlane v29, v7;
	[tilespmem:s19+$0xFFFFFF00] =	vst v31;
	v31 =	vperm.xlane v62, v5;
	v35 =	vld [tilespmem:s24+$0xFFFFFFD0];
	v43 =	vnsel vm0, $0x0, v18;
	v18 =	vpop (erf)  }
0x162: {  	v27 =	vperm.xlane v62, v7;
	v38 =	vld [tilespmem:s24+$0xFFFFFFE0];
	v19 =	vperm.xlane v62, v1;
	[tilespmem:s19+$0xFFFFFF20] =	vst v24;
	v63 =	vnsel vm0, $0x0, v18  }
0x163: {  	v40 =	vld [tilespmem:s24+$0xFFFFFFF0];
	v24 =	vperm.xlane v43, v1;
	v28 =	vperm.xlane v43, v2;
	[tilespmem:s23+$0xFFFFFE50] =	vst v63  }
0x164: {  	[tilespmem:s19+$0xFFFFFFA0] =	vst v21;
	v21 =	vperm.xlane v43, v3;
	v29 =	vmul.f32 v29, v61;
	v56 =	vld [tilespmem:s24+$0xFFFFFE10]  }
0x165: {  	[tilespmem:s19+$0xFFFFFFC0] =	vst v46;
	v48 =	vperm.xlane v43, v4;
	v46 =	vperm.xlane v43, v5;
	v57 =	vld [tilespmem:s24+$0xFFFFFE20]  }
0x166: {  	[tilespmem:s23+$0xFFFFFFF0] =	vst v29;
	v29 =	vperm.xlane v43, v0;
	v18 =	vperm.xlane v62, v2;
	v58 =	vld [tilespmem:s24+$0xFFFFFE30]  }
0x167: {  	[tilespmem:s19+$0xFFFFFFD0] =	vst v45;
	v50 =	vperm.xlane v63, v0;
	v54 =	vperm.xlane v63, v1;
	v59 =	vld [tilespmem:s24+$0xFFFFFE40]  }
0x168: {  	[tilespmem:s19+$0xFFFFFF10] =	vst v60;
	v49 =	vperm.xlane v63, v2;
	v53 =	vperm.xlane v63, v3;
	v60 =	vld [tilespmem:s24+$0xFFFFFE50]  }
0x169: {  	[tilespmem:s23+$0xFFFFFEE0] =	vst v62;
	v51 =	vperm.xlane v63, v4;
	v55 =	vperm.xlane v63, v5;
	v61 =	vld [tilespmem:s24+$0xFFFFFE60]  }
0x16a: {  	s1 =	simm.s32 $0x4630;
	s0 =	simm.s32 $0x4;
	[tilespmem:s23+$0xFFFFFF70] =	vst v43;
	v52 =	vperm.xlane v63, v6;
	v44 =	vperm.xlane v63, v7;
	v62 =	vld [tilespmem:s24+$0xFFFFFE70]  }
.LBB2_9:
0x16b: {  	v45 =	vld [tilespmem:s1+$0x0];
	v47 =	vperm.xlane v43, v6;
	v43 =	vperm.xlane v43, v7;
	s17 =	sadd.s32 $0x40, s17;
	[tilespmem:s19+$0xFFFFFFE0] =	vst v12  }
0x16c: {  	s0 =	sadd.s32 $0x4, s0;
	v50 =	vmul.f32 v50, v56;
	v54 =	vmul.f32 v54, v57;
	v12 =	vld [tilespmem:s17+$0x0]  }
0x16d: {  	v49 =	vmul.f32 v49, v58;
	p1 =	slt.u32 s0, $0x3C;
	v53 =	vmul.f32 v53, v59;
	v56 =	vld [tilespmem:s17+$0xFFFFFFD0]  }
0x16e: {  	v51 =	vmul.f32 v51, v60;
	v57 =	vld [tilespmem:s1+$0xFFFFFFE0];
	v55 =	vmul.f32 v55, v61  }
0x16f: {  	v32 =	vmul.f32 v10, v32;
	v10 =	vmov v48;
	v58 =	vld [tilespmem:s17+$0xFFFFFFE0];
	v52 =	vmul.f32 v52, v62  }
0x170: {  	v37 =	vmul.f32 v11, v37;
	v25 =	vmul.f32 v8, v25;
	v11 =	vmovc v46;
	v8 =	vmov v47;
	v59 =	vld [tilespmem:s1+$0xFFFFFFF0]  }
0x171: {  	v30 =	vmul.f32 v30, v41;
	v23 =	vmul.f32 v9, v23;
	v60 =	vld [tilespmem:s17+$0xFFFFFFF0];
	v12 =	vadd.f32 v12, v45;
	[tilespmem:s19+$0xFFFFFF30] =	vst v32  }
0x172: {  	v22 =	vmul.f32 v22, v42;
	v9 =	vmov v43;
	v45 =	vmul.f32 v17, v26;
	v32 =	vld [tilespmem:s1+$0xFFFFFFD0];
	[tilespmem:s19+$0xFFFFFF40] =	vst v37  }
0x173: {  	v46 =	vmul.f32 v15, v34;
	v17 =	vmul.f32 $2.000000030e-01, v12;
	v26 =	vld [tilespmem:s24+$0xFFFFFE80];
	[tilespmem:s23+$0xFFFFFDD0] =	vst v50  }
0x174: {  	v48 =	vmul.f32 v14, v35;
	vm1 =	vge.f32 v12, $0.0e+00;
	v15 =	vadd.f32 v58, v57;
	[tilespmem:s23+$0xFFFFFDE0] =	vst v54;
	v34 =	vld [tilespmem:s24+$0xFFFFFE90]  }
0x175: {  	v47 =	vmul.f32 v13, v38;
	v14 =	vsel vm1, v12, v17;
	[tilespmem:s23+$0xFFFFFDF0] =	vst v49;
	v17 =	vld [tilespmem:s24+$0xFFFFFEA0];
	v12 =	vmul.f32 v16, v40  }
0x176: {  	v13 =	vmul.f32 $2.000000030e-01, v15;
	v16 =	vadd.f32 v60, v59;
	v14 =	vnsel vm0, $0x0, v14;
	[tilespmem:s23+$0xFFFFFE00] =	vst v53;
	v35 =	vld [tilespmem:s24+$0xFFFFFEB0]  }
0x177: {  	vm1 =	vge.f32 v15, $0.0e+00;
	v32 =	vadd.f32 v56, v32;
	v14 =	vmul.f32 $1.442695020e+00, v14;
	[tilespmem:s23+$0xFFFFFE10] =	vst v51;
	v37 =	vld [tilespmem:s24+$0xFFFFFEC0]  }
0x178: {  	v13 =	vsel vm1, v15, v13;
	vm1 =	vge.f32 v16, $0.0e+00;
	v15 =	vmul.f32 $2.000000030e-01, v16;
	[tilespmem:s23+$0xFFFFFE20] =	vst v55;
	v38 =	vld [tilespmem:s24+$0xFFFFFED0]  }
0x179: {  	vm2 =	vge.f32 v32, $0.0e+00;
	v40 =	vmul.f32 $2.000000030e-01, v32;
	(erf) = vpow2.f32 v14;
	[tilespmem:s23+$0xFFFFFE30] =	vst v52;
	v14 =	vld [tilespmem:s24+$0xFFFFFEE0]  }
0x17a: {  	v13 =	vnsel vm0, $0x0, v13;
	v15 =	vsel vm1, v16, v15;
	v16 =	vmul.f32 v44, v26;
	v26 =	vld [tilespmem:s24+$0xFFFFFEF0];
	[tilespmem:s19+$0xFFFFFF50] =	vst v25  }
0x17b: {  	v13 =	vmul.f32 $1.442695020e+00, v13;
	v25 =	vsel vm2, v32, v40;
	v15 =	vnsel vm0, $0x0, v15;
	v40 =	vld [tilespmem:s24+$0xFFFFFF00];
	[tilespmem:s19+$0xFFFFFF60] =	vst v23;
	s19 =	smov.u32 s23  }
0x17c: {  	v23 =	vnsel vm0, $0x0, v25;
	v15 =	vmul.f32 $1.442695020e+00, v15;
	[tilespmem:s23+$0xFFFFFE40] =	vst v16;
	v16 =	vmul.f32 v20, v34;
	v20 =	vld [tilespmem:s24+$0xFFFFFF10]  }
0x17d: {  	v23 =	vmul.f32 $1.442695020e+00, v23;
	(erf) = vpow2.f32 v13;
	v13 =	vld [tilespmem:s24+$0xFFFFFF20];
	[tilespmem:s23+$0xFFFFFF80] =	vst v30  }
0x17e: {  	(erf) = vpow2.f32 v15;
	[tilespmem:s23+$0xFFFFFE60] =	vst v16;
	v15 =	vmul.f32 v19, v17;
	v16 =	vld [tilespmem:s24+$0xFFFFFF30]  }
0x17f: {  	(erf) = vpow2.f32 v23;
	v23 =	vmul.f32 v18, v35;
	v18 =	vld [tilespmem:s24+$0xFFFFFF40];
	[tilespmem:s23+$0xFFFFFF90] =	vst v22  }
0x180: {  	v19 =	vmul.f32 v39, v38;
	[tilespmem:s23+$0xFFFFFE70] =	vst v15;
	v15 =	vmul.f32 v33, v37;
	v32 =	vld [tilespmem:s24+$0xFFFFFF50]  }
0x181: {  	v14 =	vmul.f32 v31, v14;
	v26 =	vmul.f32 v36, v26;
	[tilespmem:s23+$0xFFFFFE80] =	vst v23;
	v37 =	vld [tilespmem:s24+$0xFFFFFF60]  }
0x182: {  	v27 =	vmul.f32 v27, v40;
	v29 =	vmul.f32 v29, v20;
	v17 =	vpop (erf);
	[tilespmem:s23+$0xFFFFFE90] =	vst v15;
	v25 =	vld [tilespmem:s24+$0xFFFFFF70]  }
0x183: {  	v24 =	vmul.f32 v24, v13;
	s23 =	sadd.s32 $0x240, s23;
	v31 =	vnsel vm0, $0x0, v17;
	[tilespmem:s19+$0xFFFFFEA0] =	vst v19;
	v23 =	vld [tilespmem:s24+$0xFFFFFF80];
	v28 =	vmul.f32 v28, v16  }
0x184: {  	s24 =	sadd.s32 $0x200, s24;
	[tilespmem:s23+$0x0] =	vst v31;
	v30 =	vperm.xlane v31, v0;
	v22 =	vperm.xlane v31, v1  }
0x185: {  	v17 =	vperm.xlane v31, v2;
	v15 =	vperm.xlane v31, v3;
	v33 =	vld [tilespmem:s24+$0x0];
	[tilespmem:s19+$0xFFFFFEB0] =	vst v14  }
0x186: {  	v13 =	vperm.xlane v31, v5;
	v14 =	vperm.xlane v31, v4;
	v41 =	vld [tilespmem:s24+$0xFFFFFF90];
	v16 =	vpop (erf);
	[tilespmem:s19+$0xFFFFFEC0] =	vst v26  }
0x187: {  	v21 =	vmul.f32 v21, v18;
	v60 =	vnsel vm0, $0x0, v16;
	v42 =	vld [tilespmem:s24+$0xFFFFFFA0];
	v16 =	vperm.xlane v31, v6;
	v19 =	vpop (erf);
	[tilespmem:s19+$0xFFFFFED0] =	vst v27  }
0x188: {  	v27 =	vperm.xlane v31, v7;
	[tilespmem:s23+$0xFFFFFEE0] =	vst v60;
	v20 =	vperm.xlane v60, v0;
	v43 =	vnsel vm0, $0x0, v19;
	v26 =	vld [tilespmem:s24+$0xFFFFFFB0];
	v18 =	vpop (erf)  }
0x189: {  	v19 =	vperm.xlane v60, v1;
	v31 =	vnsel vm0, $0x0, v18;
	v18 =	vperm.xlane v60, v2;
	[tilespmem:s23+$0xFFFFFF70] =	vst v43;
	v34 =	vld [tilespmem:s24+$0xFFFFFFC0]  }
0x18a: {  	[tilespmem:s23+$0xFFFFFE50] =	vst v31;
	v50 =	vperm.xlane v31, v0;
	v35 =	vld [tilespmem:s24+$0xFFFFFFD0];
	v27 =	vmul.f32 v27, v33  }
0x18b: {  	v54 =	vperm.xlane v31, v1;
	v49 =	vperm.xlane v31, v2;
	v38 =	vld [tilespmem:s24+$0xFFFFFFE0];
	[tilespmem:s19+$0xFFFFFEF0] =	vst v29  }
0x18c: {  	v53 =	vperm.xlane v31, v3;
	v51 =	vperm.xlane v31, v4;
	v40 =	vld [tilespmem:s24+$0xFFFFFFF0];
	[tilespmem:s23+$0xFFFFFFF0] =	vst v27  }
0x18d: {  	v55 =	vperm.xlane v31, v5;
	v52 =	vperm.xlane v31, v6;
	v56 =	vld [tilespmem:s24+$0xFFFFFE10];
	[tilespmem:s19+$0xFFFFFF00] =	vst v24  }
0x18e: {  	v44 =	vperm.xlane v31, v7;
	v33 =	vperm.xlane v60, v3;
	v57 =	vld [tilespmem:s24+$0xFFFFFE20];
	[tilespmem:s19+$0xFFFFFF10] =	vst v28  }
.Ltmp6:
0x18f: {  	v39 =	vperm.xlane v60, v4;
	v31 =	vperm.xlane v60, v5;
	v58 =	vld [tilespmem:s24+$0xFFFFFE30];
	[tilespmem:s19+$0xFFFFFF20] =	vst v21;
	(pc) =	sbr.rel @p1 .LBB2_9-.Ltmp6, $4  }
0x190: {  	v36 =	vperm.xlane v60, v6;
	v27 =	vperm.xlane v60, v7;
	v59 =	vld [tilespmem:s24+$0xFFFFFE40];
	[tilespmem:s19+$0xFFFFFFA0] =	vst v45  }
0x191: {  	v29 =	vperm.xlane v43, v0;
	v24 =	vperm.xlane v43, v1;
	v60 =	vld [tilespmem:s24+$0xFFFFFE50];
	[tilespmem:s19+$0xFFFFFFB0] =	vst v46  }
0x192: {  	v28 =	vperm.xlane v43, v2;
	v21 =	vperm.xlane v43, v3;
	v61 =	vld [tilespmem:s24+$0xFFFFFE60];
	[tilespmem:s19+$0xFFFFFFC0] =	vst v48  }
0x193: {  	s1 =	sadd.s32 $0x40, s1;
	v46 =	vperm.xlane v43, v5;
	v48 =	vperm.xlane v43, v4;
	v62 =	vld [tilespmem:s24+$0xFFFFFE70];
	[tilespmem:s19+$0xFFFFFFD0] =	vst v47  }
0x194: {  	v10 =	vmul.f32 v10, v32  }
0x195: {  	[tilespmem:s19+$0xFFFFFFE0] =	vst v12;
	v11 =	vmul.f32 v11, v37  }
0x196: {  	v45 =	vmul.f32 v50, v56;
	[tilespmem:s19+$0xFFFFFF30] =	vst v10  }
0x197: {  	v47 =	vmul.f32 v54, v57;
	[tilespmem:s19+$0xFFFFFF40] =	vst v11  }
0x198: {  	v50 =	vld [tilespmem:s24+$0xFFFFFE80];
	v54 =	vmul.f32 v49, v58;
	[tilespmem:s23+$0xFFFFFDD0] =	vst v45  }
0x199: {  	v8 =	vmul.f32 v8, v25;
	[tilespmem:s23+$0xFFFFFDE0] =	vst v47  }
0x19a: {  	v9 =	vmul.f32 v9, v23;
	[tilespmem:s23+$0xFFFFFDF0] =	vst v54  }
0x19b: {  	v15 =	vmul.f32 v15, v34;
	[tilespmem:s19+$0xFFFFFF50] =	vst v8  }
0x19c: {  	v56 =	vmul.f32 v53, v59;
	[tilespmem:s19+$0xFFFFFF60] =	vst v9  }
0x19d: {  	v57 =	vmul.f32 v51, v60;
	[tilespmem:s23+$0xFFFFFFB0] =	vst v15  }
0x19e: {  	v63 =	vld [tilespmem:s24+$0xFFFFFED0];
	v8 =	vmul.f32 v30, v41;
	[tilespmem:s23+$0xFFFFFE00] =	vst v56  }
0x19f: {  	v32 =	vld [tilespmem:s24+$0xFFFFFEE0];
	v47 =	vmul.f32 v22, v42;
	[tilespmem:s23+$0xFFFFFE10] =	vst v57  }
0x1a0: {  	v49 =	vld [tilespmem:s24+$0xFFFFFF00];
	v58 =	vmul.f32 v55, v61;
	[tilespmem:s23+$0xFFFFFF80] =	vst v8  }
0x1a1: {  	v59 =	vld [tilespmem:s24+$0xFFFFFE90];
	v60 =	vmul.f32 v52, v62;
	[tilespmem:s23+$0xFFFFFF90] =	vst v47  }
0x1a2: {  	v45 =	vld [tilespmem:s24+$0xFFFFFEA0];
	[tilespmem:s23+$0xFFFFFE20] =	vst v58;
	v11 =	vmul.f32 v44, v50  }
0x1a3: {  	v41 =	vld [tilespmem:s24+$0xFFFFFEF0];
	v12 =	vmul.f32 v39, v63;
	[tilespmem:s23+$0xFFFFFE30] =	vst v60  }
0x1a4: {  	v61 =	vld [tilespmem:s24+$0xFFFFFEB0];
	v54 =	vmul.f32 v31, v32;
	[tilespmem:s23+$0xFFFFFE40] =	vst v11  }
0x1a5: {  	v62 =	vld [tilespmem:s24+$0xFFFFFEC0];
	v22 =	vmul.f32 v27, v49;
	[tilespmem:s23+$0xFFFFFEA0] =	vst v12  }
0x1a6: {  	v58 =	vmul.f32 v17, v26;
	[tilespmem:s23+$0xFFFFFEB0] =	vst v54  }
0x1a7: {  	v44 =	vmul.f32 v20, v59;
	[tilespmem:s23+$0xFFFFFED0] =	vst v22  }
0x1a8: {  	v59 =	vmul.f32 v14, v35;
	[tilespmem:s23+$0xFFFFFFA0] =	vst v58  }
0x1a9: {  	v60 =	vmul.f32 v13, v38;
	[tilespmem:s23+$0xFFFFFE60] =	vst v44  }
0x1aa: {  	v51 =	vld [tilespmem:s24+$0xFFFFFF20];
	v8 =	vmul.f32 v19, v45;
	[tilespmem:s23+$0xFFFFFFC0] =	vst v59  }
0x1ab: {  	v52 =	vld [tilespmem:s24+$0xFFFFFF30];
	v9 =	vmul.f32 v36, v41;
	[tilespmem:s23+$0xFFFFFFD0] =	vst v60  }
0x1ac: {  	v55 =	vld [tilespmem:s24+$0xFFFFFF60];
	v10 =	vmul.f32 v18, v61;
	[tilespmem:s23+$0xFFFFFE70] =	vst v8  }
0x1ad: {  	v50 =	vld [tilespmem:s24+$0xFFFFFF10];
	v8 =	vmul.f32 v33, v62;
	[tilespmem:s23+$0xFFFFFEC0] =	vst v9  }
0x1ae: {  	v53 =	vld [tilespmem:s24+$0xFFFFFF40];
	v61 =	vmul.f32 v16, v40;
	[tilespmem:s23+$0xFFFFFE80] =	vst v10  }
0x1af: {  	v18 =	vmul.f32 v24, v51;
	[tilespmem:s23+$0xFFFFFE90] =	vst v8;
	v8 =	vld [tilespmem:s24+$0xFFFFFF50]  }
0x1b0: {  	v56 =	vld [tilespmem:s24+$0xFFFFFF70];
	v19 =	vmul.f32 v28, v52;
	[tilespmem:s23+$0xFFFFFFE0] =	vst v61  }
0x1b1: {  	v57 =	vld [tilespmem:s24+$0xFFFFFF80];
	v12 =	vmul.f32 v46, v55;
	[tilespmem:s23+$0xFFFFFF00] =	vst v18  }
0x1b2: {  	v11 =	vmul.f32 v29, v50;
	[tilespmem:s23+$0xFFFFFF10] =	vst v19  }
0x1b3: {  	v62 =	vperm.xlane v43, v6;
	v10 =	vmul.f32 v21, v53;
	[tilespmem:s23+$0xFFFFFF40] =	vst v12  }
0x1b4: {  	v63 =	vperm.xlane v43, v7;
	[tilespmem:s23+$0xFFFFFEF0] =	vst v11;
	v8 =	vmul.f32 v48, v8  }
.Ltmp7:
0x1b5: {  	[tilespmem:s23+$0xFFFFFF20] =	vst v10;
	v10 =	vmul.f32 v62, v56;
	(pc) =	sbr.rel @p0 .LBB2_12-.Ltmp7, $4  }
0x1b6: {  	[tilespmem:s23+$0xFFFFFF30] =	vst v8;
	v8 =	vmul.f32 v63, v57  }
0x1b7: {  	[tilespmem:s23+$0xFFFFFF50] =	vst v10  }
0x1b8: {  	[tilespmem:s23+$0xFFFFFF60] =	vst v8  }
0x1b9: {  	[spmem:s2] =	stream.indirect.scatter.add.f32 [tilespmem:s15], [sflag:$0xA], $0x90, s10, s22, $0xb8;
	[tilespmem:$0x1FD00] =	vst v63  }
0x1ba: {  	s0 =	sadd.s32 $0x3, s18  }
0x1bb: {  	s1 =	sadd.s32 s13, s0  }
0x1bc: {  	s1 =	sshll.u32 s1, $0x3  }
.Ltmp8:
0x1bd: {  	s0 =	sshll.u32 s0, $0x6;
	s1 =	sand.u32 $0x1FFFFFF8, s1;
	(pc) =	sbr.rel .LBB2_2-.Ltmp8, $4  }
0x1be: {  	s0 =	sand.u32 $0xC0, s0;
	s10 =	sadd.s32 s4, s1  }
0x1bf: {  	[tilespmem:s22], [sflag:$0x2] =	stream.linear.gather [hbm4b:s10+s3], $0x40, $0x38;
	[tilespmem:$0x1FD00] =	vst v63  }
0x1c0: {  	s16 =	sadd.s32 $0x1, s16;
	s0 =	sadd.s32 $0x80, s0;
	s1 =	sadd.s32 s5, s1  }
0x1c1: {  	[tilespmem:s0], [sflag:$0x2] =	stream.linear.gather [hbm4b:s1+s3], $0x40, $0x38;
	[tilespmem:$0x1FD00] =	vst v63  }
.LBB2_13:
0x1c2: {  	_ =	sfence.sel $0x180000  }
0x1c3: {  	[bflag:$0x0] =	sbarrier.arrive $0xFFFF  }
0x1c4: {  	_ =	strace $0x90000047  }
0x1c5: {  	s0 =	stileid.u32;
	[bflag:$0x2] =	sbarrier.arrive $0xFFFF  }
0x1c6: {  	p0 =	sne.s32 s0, $0x0;
	s0 =	rddreg [dreg:$0x2]  }
0x1c7: {  	s0 =	sadd.s32 @!p0 $0x100000, s0  }
0x1c8: {  	[sflag:s0] =	ssyncadd.tile.s32 @!p0 $0x1;
	_ =	shalt  }
.Lfunc_end2:
_tile_overlayer_lowered:
.L_overlay_start_2:
0x1c9: {  	(tag) =	ssettag $0x2  }
0x1ca: {  	s0 =	rddreg [dreg:$0x0];
	s2 =	stileid.u32  }
0x1cb: {  	s1 =	rddreg [dreg:$0x1];
	p0 =	sne.s32 s2, $0x0  }
0x1cc: {  	s3 =	rddreg [dreg:$0x2];
	[bflag:$0x3] =	sbarrier.arrive $0xFFFF;
	s2 =	simm.s32 @!p0 $0x1C0B  }
0x1cd: {  	[timem:s3], [sflag:s2] =	dma.local @!p0 [hbm:s0], s1  }
0x1ce: {  	s0 =	simm.s32 @!p0 $0xB  }
0x1cf: {  	_ =	swait.ge @!p0 [sflag:s0], s1  }
0x1d0: {  	s1 =	ssub.s32 @!p0 $0x0, s1;
	[sflag:s0] =	ssyncset.done @!p0 $0x0  }
0x1d1: {  	[sflag:s0] =	ssyncadd.s32 @!p0 s1  }
0x1d2: {  	[bflag:$0x3] =	sbarrier.arrive $0xFFFF  }
0x1d3: {  	_ =	shalt  }

</sc_bundles>
